<compile_context>
chip_gen: v7x
topology: tpu7x:2x2x1
jax: 0.10.2.dev20260603
libtpu: 0.0.44.dev20260713+nightly
codegen_flags: <defaults>
</compile_context>

<pallas_src>
import functools

import jax
import jax.numpy as jnp
from jax import lax
from jax.experimental import pallas as pl
from jax.experimental.pallas import tpu as pltpu
from jax.experimental.pallas import tpu_sc as plsc

N = 10000
E = 320000
D = 128
DE = 16
NPAD = 10240
NC, NS = 2, 16
NW = NC * NS
EPR = E // NW
C = 80
EPW = 10000
PADE = EPW - EPR
NCH = EPW // C
HN = NPAD // 2
ACCH = 6144
RPT = ACCH // NS
ZR = RPT // 4

_mesh = plsc.VectorSubcoreMesh(core_axis_name="c", subcore_axis_name="s")


@functools.partial(
    pl.kernel,
    out_type=(
        jax.ShapeDtypeStruct((NC, 2, ACCH, DE), jnp.float32),
        jax.ShapeDtypeStruct((NC, 2, ACCH, DE), jnp.float32),
    ),
    mesh=_mesh,
    scratch_types=[
        pltpu.VMEM((C,), jnp.int32),
        pltpu.VMEM((C,), jnp.int32),
        pltpu.VMEM((C,), jnp.int32),
        pltpu.VMEM((C,), jnp.int32),
        pltpu.VMEM((C, DE), jnp.float32),
        pltpu.VMEM((C, DE), jnp.float32),
        pltpu.VMEM((C, DE), jnp.float32),
        pltpu.VMEM((RPT, DE), jnp.float32),
        pltpu.VMEM_SHARED((ACCH, DE), jnp.float32),
        pltpu.VMEM_SHARED((ACCH, DE), jnp.float32),
        pltpu.SemaphoreType.DMA,
        pltpu.SemaphoreType.DMA,
        pltpu.SemaphoreType.DMA,
        pltpu.SemaphoreType.DMA,
        pltpu.SemaphoreType.DMA,
        pltpu.SemaphoreType.DMA,
    ],
)
def _edge_agg_deg(rowp, colp, attr, e0, z16, agg_out, deg_out,
                  ridx0, ridx1, cidx0, cidx1, abuf0, abuf1, e0_v, z_v,
                  agg_s, deg_s, sa0, sa1, ssa0, ssa1, ssd0, ssd1):
    c = lax.axis_index("c")
    s = lax.axis_index("s")
    wid = c * NS + s
    ridx = (ridx0, ridx1)
    cidx = (cidx0, cidx1)
    abuf = (abuf0, abuf1)
    sa = (sa0, sa1)
    ssa = (ssa0, ssa1)
    ssd = (ssd0, ssd1)
    pltpu.sync_copy(e0, e0_v)
    pltpu.sync_copy(z16, z_v)

    for p in range(2):
        pltpu.sync_copy(z_v, agg_s.at[pl.ds(s * RPT, RPT)])
        pltpu.sync_copy(z_v, deg_s.at[pl.ds(s * RPT, RPT)])
        plsc.subcore_barrier()

        def body(j, carry):
            pltpu.sync_copy(rowp.at[p, wid, j], ridx0)
            pltpu.sync_copy(colp.at[p, wid, j], cidx0)
            pltpu.sync_copy(attr.at[pl.ds(wid * EPW + j * C, C)], abuf0)
            pltpu.sync_copy(abuf0, agg_s.at[ridx0], add=True)
            pltpu.sync_copy(e0_v, deg_s.at[cidx0], add=True)
            return carry

        lax.fori_loop(0, NCH, body, 0)
        plsc.subcore_barrier()
        pltpu.sync_copy(agg_s.at[pl.ds(s * RPT, RPT)],
                        agg_out.at[c, p, pl.ds(s * RPT, RPT)])
        pltpu.sync_copy(deg_s.at[pl.ds(s * RPT, RPT)],
                        deg_out.at[c, p, pl.ds(s * RPT, RPT)])


@functools.partial(
    pl.kernel,
    out_type=jax.ShapeDtypeStruct((NC, 2, ACCH, D), jnp.float32),
    mesh=_mesh,
    scratch_types=[
        pltpu.VMEM((C,), jnp.int32),
        pltpu.VMEM((C,), jnp.int32),
        pltpu.VMEM((C,), jnp.int32),
        pltpu.VMEM((C,), jnp.int32),
        pltpu.VMEM((C, D), jnp.float32),
        pltpu.VMEM((C, D), jnp.float32),
        pltpu.VMEM((ZR, D), jnp.float32),
        pltpu.VMEM_SHARED((ACCH, D), jnp.float32),
        pltpu.SemaphoreType.DMA,
        pltpu.SemaphoreType.DMA,
        pltpu.SemaphoreType.DMA,
        pltpu.SemaphoreType.DMA,
    ],
)
def _spmm(hs, row3, colp, z128, out, ridx0, ridx1, cidx0, cidx1,
          gbuf0, gbuf1, zbuf, acc_s, sg0, sg1, ss0, ss1):
    c = lax.axis_index("c")
    s = lax.axis_index("s")
    wid = c * NS + s
    ridx = (ridx0, ridx1)
    cidx = (cidx0, cidx1)
    gbuf = (gbuf0, gbuf1)
    sg = (sg0, sg1)
    ss = (ss0, ss1)
    pltpu.sync_copy(z128, zbuf)
    for p in range(2):
        for k in range(4):
            pltpu.sync_copy(zbuf, acc_s.at[pl.ds(s * RPT + k * ZR, ZR)])
        plsc.subcore_barrier()

        for b in range(2):
            pltpu.sync_copy(row3.at[wid, b], ridx[b])
            pltpu.sync_copy(colp.at[p, wid, b], cidx[b])
            pltpu.async_copy(hs.at[ridx[b]], gbuf[b], sg[b])

        def slot(b, jj):
            pltpu.make_async_copy(hs.at[ridx[b]], gbuf[b], sg[b]).wait()
            pltpu.async_copy(gbuf[b], acc_s.at[cidx[b]], ss[b], add=True)

            @pl.when(jj + 2 < NCH)
            def _():
                pltpu.make_async_copy(gbuf[b], acc_s.at[cidx[b]],
                                      ss[b]).wait()
                pltpu.sync_copy(row3.at[wid, jj + 2], ridx[b])
                pltpu.sync_copy(colp.at[p, wid, jj + 2], cidx[b])
                pltpu.async_copy(hs.at[ridx[b]], gbuf[b], sg[b])

        def body(i, carry):
            slot(0, 2 * i)

            @pl.when(2 * i + 1 < NCH)
            def _():
                slot(1, 2 * i + 1)

            return carry

        lax.fori_loop(0, (NCH + 1) // 2, body, 0)
        for b in range(2):
            pltpu.make_async_copy(gbuf[b], acc_s.at[cidx[b]], ss[b]).wait()
        plsc.subcore_barrier()
        pltpu.sync_copy(acc_s.at[pl.ds(s * RPT, RPT)],
                        out.at[c, p, pl.ds(s * RPT, RPT)])


_BLK = 1024
_GRID = NPAD // _BLK
_HB = HN // _BLK


def _dense1_body(x_ref, aggp_ref, degp_ref, w1x_ref, w1a_ref,
                 hs_ref, dinv_ref, agg_ref):
    agg = aggp_ref[0, 0] + aggp_ref[1, 0]
    deg = degp_ref[0, 0, :, 0:1] + degp_ref[1, 0, :, 0:1] + 1.0
    dinv = lax.rsqrt(deg)
    hl = (jnp.dot(x_ref[...], w1x_ref[...], preferred_element_type=jnp.float32)
          + jnp.dot(agg, w1a_ref[...], preferred_element_type=jnp.float32))
    hs_ref[...] = dinv * hl
    dinv_ref[...] = dinv
    agg_ref[...] = agg


def _dense2_body(accp_ref, hs1_ref, dinv_ref, agg_ref, w2x_ref, w2a_ref,
                 b1_ref, hs2_ref):
    dinv = dinv_ref[...]
    pre = accp_ref[0, 0] + accp_ref[1, 0] + hs1_ref[...]
    h1 = jnp.maximum(dinv * pre + b1_ref[...], 0.0)
    h2l = (jnp.dot(h1, w2x_ref[...], preferred_element_type=jnp.float32)
           + jnp.dot(agg_ref[...], w2a_ref[...],
                     preferred_element_type=jnp.float32))
    hs2_ref[...] = dinv * h2l


def _finish_body(accp_ref, hs2_ref, dinv_ref, b2_ref, out_ref):
    pre = accp_ref[0, 0] + accp_ref[1, 0] + hs2_ref[...]
    out_ref[...] = dinv_ref[...] * pre + b2_ref[...]


def _rows(i):
    return (i, 0)


def _full(i):
    return (0, 0)


def _acc_map(i):
    return (0, i // _HB, i % _HB, 0)


_spec_nd = pl.BlockSpec((_BLK, D), _rows)
_spec_nde = pl.BlockSpec((_BLK, DE), _rows)
_spec_n1 = pl.BlockSpec((_BLK, 1), _rows)
_spec_aggp = pl.BlockSpec((NC, 1, _BLK, DE), _acc_map)
_spec_accp = pl.BlockSpec((NC, 1, _BLK, D), _acc_map)
_spec_wx = pl.BlockSpec((D, D), _full)
_spec_wa = pl.BlockSpec((DE, D), _full)
_spec_b = pl.BlockSpec((1, D), _full)

_dense1 = pl.pallas_call(
    _dense1_body,
    grid=(_GRID,),
    in_specs=[_spec_nd, _spec_aggp, _spec_aggp, _spec_wx, _spec_wa],
    out_specs=[_spec_nd, _spec_n1, _spec_nde],
    out_shape=[
        jax.ShapeDtypeStruct((NPAD, D), jnp.float32),
        jax.ShapeDtypeStruct((NPAD, 1), jnp.float32),
        jax.ShapeDtypeStruct((NPAD, DE), jnp.float32),
    ],
)

_dense2 = pl.pallas_call(
    _dense2_body,
    grid=(_GRID,),
    in_specs=[_spec_accp, _spec_nd, _spec_n1, _spec_nde, _spec_wx,
              _spec_wa, _spec_b],
    out_specs=_spec_nd,
    out_shape=jax.ShapeDtypeStruct((NPAD, D), jnp.float32),
)

_finish = pl.pallas_call(
    _finish_body,
    grid=(_GRID,),
    in_specs=[_spec_accp, _spec_nd, _spec_n1, _spec_b],
    out_specs=_spec_nd,
    out_shape=jax.ShapeDtypeStruct((NPAD, D), jnp.float32),
)


def _pad_edges(a, pad_vals):
    if PADE == 0:
        return a.reshape(NW, EPW)
    return jnp.concatenate(
        [a.reshape(NW, EPR),
         jnp.broadcast_to(pad_vals[None, :], (NW, PADE))], axis=1)


def kernel(x, edge_index, edge_attr, W1, b1, W2, b2):
    row = edge_index[0]
    col = edge_index[1]
    dummy = HN + (jnp.arange(E, dtype=jnp.int32) % 128)
    pad_dummy = HN + (jnp.arange(PADE, dtype=jnp.int32) % 128)
    pad_src = (jnp.arange(PADE, dtype=jnp.int32) * 37) % N
    rowp = jnp.stack([
        _pad_edges(jnp.where(row < HN, row, dummy), pad_dummy),
        _pad_edges(jnp.where(row >= HN, row - HN, dummy), pad_dummy),
    ]).reshape(2, NW, NCH, C)
    colp = jnp.stack([
        _pad_edges(jnp.where(col < HN, col, dummy), pad_dummy),
        _pad_edges(jnp.where(col >= HN, col - HN, dummy), pad_dummy),
    ]).reshape(2, NW, NCH, C)
    row3 = _pad_edges(row, pad_src).reshape(NW, NCH, C)
    if PADE == 0:
        attr_pad = edge_attr
    else:
        attr_pad = jnp.concatenate(
            [edge_attr.reshape(NW, EPR, DE),
             jnp.zeros((NW, PADE, DE), jnp.float32)],
            axis=1).reshape(NW * EPW, DE)
    x_pad = jnp.pad(x, ((0, NPAD - N), (0, 0)))
    e0 = jnp.concatenate(
        [jnp.ones((C, 1), jnp.float32), jnp.zeros((C, DE - 1), jnp.float32)],
        axis=1)
    z16 = jnp.zeros((RPT, DE), jnp.float32)
    z128 = jnp.zeros((ZR, D), jnp.float32)
    W1x, W1a = W1[:D], W1[D:]
    W2x, W2a = W2[:D], W2[D:]

    agg_p, deg_p = _edge_agg_deg(rowp, colp, attr_pad, e0, z16)
    hs1, dinv, agg = _dense1(x_pad, agg_p, deg_p, W1x, W1a)
    acc1 = _spmm(hs1, row3, colp, z128)
    hs2 = _dense2(acc1, hs1, dinv, agg, W2x, W2a, b1.reshape(1, D))
    acc2 = _spmm(hs2, row3, colp, z128)
    out = _finish(acc2, hs2, dinv, b2.reshape(1, D))
    return out[:N]

# --- scband reference (transcript-rebuilt; emitter-appended) ---
"""Pipeline reference for scband-gnnwith-edge-features-11991548690480 (READ-ONLY COPY).

The authoritative reference and input builder live on the scoring server;
editing this copy changes nothing except your own understanding.
"""

import jax, jax.numpy as jnp
import numpy as np

N = 10000
E = 320000
D_FEAT = 128
D_EDGE = 16
HID = 128
OUT = 128


def setup_inputs(seed: int = 0) -> dict:
    key = jax.random.key(seed)
    ks = jax.random.split(key, 8)
    x = jax.random.normal(ks[0], (N, D_FEAT), dtype=jnp.float32)
    edge_index = jax.random.randint(ks[1], (2, E), 0, N, dtype=jnp.int32)
    edge_attr = jax.random.normal(ks[2], (E, D_EDGE), dtype=jnp.float32)
    fan1 = D_FEAT + D_EDGE
    W1 = jax.random.normal(ks[3], (fan1, HID), dtype=jnp.float32) * (1.0 / np.sqrt(fan1))
    b1 = jnp.zeros((HID,), dtype=jnp.float32)
    fan2 = HID + D_EDGE
    W2 = jax.random.normal(ks[4], (fan2, OUT), dtype=jnp.float32) * (1.0 / np.sqrt(fan2))
    b2 = jnp.zeros((OUT,), dtype=jnp.float32)
    return {"x": x, "edge_index": edge_index, "edge_attr": edge_attr,
            "W1": W1, "b1": b1, "W2": W2, "b2": b2}


def _gcn_conv(h, edge_index, W, b):
    # PyG GCNConv: linear -> add self-loops -> sym-normalized scatter-add -> bias
    h_lin = h @ W
    row = edge_index[0]
    col = edge_index[1]
    si = jnp.arange(N, dtype=edge_index.dtype)
    row2 = jnp.concatenate([row, si], axis=0)
    col2 = jnp.concatenate([col, si], axis=0)
    ones = jnp.ones(row2.shape[0], dtype=jnp.float32)
    deg = jax.ops.segment_sum(ones, col2, num_segments=N)
    deg_inv_sqrt = jnp.where(deg > 0, deg ** -0.5, 0.0)
    norm = deg_inv_sqrt[row2] * deg_inv_sqrt[col2]
    msgs = norm[:, None] * h_lin[row2]
    out = jax.ops.segment_sum(msgs, col2, num_segments=N)
    return out + b


def reference(x, edge_index, edge_attr, W1, b1, W2, b2):
    row = edge_index[0]
    # agg_edge_features = zeros(N, d_edge).index_add_(0, row, edge_attr)
    agg = jax.ops.segment_sum(edge_attr, row, num_segments=N)
    h = jnp.concatenate([x, agg], axis=-1)
    h = _gcn_conv(h, edge_index, W1, b1)
    h = jax.nn.relu(h)
    h = jnp.concatenate([h, agg], axis=-1)
    out = _gcn_conv(h, edge_index, W2, b2)
    return out

if __name__ == "__main__":
    import jax
    _d = setup_inputs()
    print(jax.jit(kernel)(*tuple(_d.values())))

</pallas_src>

<mosaic_0001>
#map = affine_map<(d0, d1) -> (0, 0, 0, 0)>
#map1 = affine_map<(d0, d1) -> (0, 0)>
module attributes {stable_mosaic.version = 14 : i64} {
  func.func @_edge_agg_deg(%arg0: i32, %arg1: i32, %arg2: memref<2x32x125x80xi32, #tpu.memory_space<hbm>>, %arg3: memref<2x32x125x80xi32, #tpu.memory_space<hbm>>, %arg4: memref<320000x16xf32, #tpu.memory_space<hbm>>, %arg5: memref<80x16xf32, #tpu.memory_space<hbm>>, %arg6: memref<384x16xf32, #tpu.memory_space<hbm>>, %arg7: memref<2x2x6144x16xf32, #tpu.memory_space<hbm>>, %arg8: memref<2x2x6144x16xf32, #tpu.memory_space<hbm>>, %arg9: memref<80xi32, #tpu.memory_space<vmem>>, %arg10: memref<80xi32, #tpu.memory_space<vmem>>, %arg11: memref<80xi32, #tpu.memory_space<vmem>>, %arg12: memref<80xi32, #tpu.memory_space<vmem>>, %arg13: memref<80x16xf32, #tpu.memory_space<vmem>>, %arg14: memref<80x16xf32, #tpu.memory_space<vmem>>, %arg15: memref<80x16xf32, #tpu.memory_space<vmem>>, %arg16: memref<384x16xf32, #tpu.memory_space<vmem>>, %arg17: memref<6144x16xf32, #tpu.memory_space<vmem_shared>>, %arg18: memref<6144x16xf32, #tpu.memory_space<vmem_shared>>, %arg19: memref<!tpu.dma_semaphore, #tpu.memory_space<semaphore_mem>>, %arg20: memref<!tpu.dma_semaphore, #tpu.memory_space<semaphore_mem>>, %arg21: memref<!tpu.dma_semaphore, #tpu.memory_space<semaphore_mem>>, %arg22: memref<!tpu.dma_semaphore, #tpu.memory_space<semaphore_mem>>, %arg23: memref<!tpu.dma_semaphore, #tpu.memory_space<semaphore_mem>>, %arg24: memref<!tpu.dma_semaphore, #tpu.memory_space<semaphore_mem>>) attributes {dimension_semantics = [#tpu.dimension_semantics<core_parallel>, #tpu.dimension_semantics<subcore_parallel>], iteration_bounds = array<i64: 2, 16>, scalar_prefetch = 0 : i64, scratch_operands = 16 : i64, tpu.core_type = #tpu.core_type<sc_vector_subcore>, window_params = [{transform_indices = #map}, {transform_indices = #map}, {transform_indices = #map1}, {transform_indices = #map1}, {transform_indices = #map1}, {transform_indices = #map}, {transform_indices = #map}]} {
    %mul3A = arith.constant 16 : i32
    %mul3A_0 = arith.muli %arg0, %mul3A : i32
    %add3A = arith.addi %mul3A_0, %arg1 : i32
    "tpu.region"() ({
      %run_scoped3A_42 = tpu.sem_alloc : memref<!tpu.dma_semaphore, #tpu.memory_space<semaphore_mem>>
      tpu.enqueue_dma source(%arg5 : memref<80x16xf32, #tpu.memory_space<hbm>>) target(%arg15 : memref<80x16xf32, #tpu.memory_space<vmem>>) target_semaphore(%run_scoped3A_42 : memref<!tpu.dma_semaphore, #tpu.memory_space<semaphore_mem>>)
      tpu.wait_dma2 semaphore(%run_scoped3A_42 : memref<!tpu.dma_semaphore, #tpu.memory_space<semaphore_mem>>) src(%arg5 : memref<80x16xf32, #tpu.memory_space<hbm>>) dst(%arg15 : memref<80x16xf32, #tpu.memory_space<vmem>>)
      tpu.yield
    }) : () -> ()
    "tpu.region"() ({
      %run_scoped3A_42 = tpu.sem_alloc : memref<!tpu.dma_semaphore, #tpu.memory_space<semaphore_mem>>
      tpu.enqueue_dma source(%arg6 : memref<384x16xf32, #tpu.memory_space<hbm>>) target(%arg16 : memref<384x16xf32, #tpu.memory_space<vmem>>) target_semaphore(%run_scoped3A_42 : memref<!tpu.dma_semaphore, #tpu.memory_space<semaphore_mem>>)
      tpu.wait_dma2 semaphore(%run_scoped3A_42 : memref<!tpu.dma_semaphore, #tpu.memory_space<semaphore_mem>>) src(%arg6 : memref<384x16xf32, #tpu.memory_space<hbm>>) dst(%arg16 : memref<384x16xf32, #tpu.memory_space<vmem>>)
      tpu.yield
    }) : () -> ()
    %mul3A_1 = arith.constant 384 : i32
    %mul3A_2 = arith.muli %arg1, %mul3A_1 : i32
    "tpu.region"() ({
      %run_scoped3A_42 = tpu.sem_alloc : memref<!tpu.dma_semaphore, #tpu.memory_space<semaphore_mem>>
      %dma_start3A = arith.constant 0 : i32
      %dma_start3A_43 = tpu.memref_slice %arg17[%mul3A_2, %dma_start3A] : memref<6144x16xf32, #tpu.memory_space<vmem_shared>> -> memref<384x16xf32, #tpu.memory_space<vmem_shared>>
      %dma_start3A_44 = arith.constant 0 : i32
      %dma_start3A_45 = tpu.memref_slice %arg17[%mul3A_2, %dma_start3A_44] : memref<6144x16xf32, #tpu.memory_space<vmem_shared>> -> memref<384x16xf32, #tpu.memory_space<vmem_shared>>
      tpu.enqueue_dma source(%arg16 : memref<384x16xf32, #tpu.memory_space<vmem>>) target(%dma_start3A_45 : memref<384x16xf32, #tpu.memory_space<vmem_shared>>) target_semaphore(%run_scoped3A_42 : memref<!tpu.dma_semaphore, #tpu.memory_space<semaphore_mem>>)
      %dma_wait3A = arith.constant 0 : i32
      %dma_wait3A_46 = tpu.memref_slice %arg17[%mul3A_2, %dma_wait3A] : memref<6144x16xf32, #tpu.memory_space<vmem_shared>> -> memref<384x16xf32, #tpu.memory_space<vmem_shared>>
      %dma_wait3A_47 = arith.constant 0 : i32
      %dma_wait3A_48 = tpu.memref_slice %arg17[%mul3A_2, %dma_wait3A_47] : memref<6144x16xf32, #tpu.memory_space<vmem_shared>> -> memref<384x16xf32, #tpu.memory_space<vmem_shared>>
      tpu.wait_dma2 semaphore(%run_scoped3A_42 : memref<!tpu.dma_semaphore, #tpu.memory_space<semaphore_mem>>) src(%arg16 : memref<384x16xf32, #tpu.memory_space<vmem>>) dst(%dma_wait3A_48 : memref<384x16xf32, #tpu.memory_space<vmem_shared>>)
      tpu.yield
    }) : () -> ()
    %mul3A_3 = arith.constant 384 : i32
    %mul3A_4 = arith.muli %arg1, %mul3A_3 : i32
    "tpu.region"() ({
      %run_scoped3A_42 = tpu.sem_alloc : memref<!tpu.dma_semaphore, #tpu.memory_space<semaphore_mem>>
      %dma_start3A = arith.constant 0 : i32
      %dma_start3A_43 = tpu.memref_slice %arg18[%mul3A_4, %dma_start3A] : memref<6144x16xf32, #tpu.memory_space<vmem_shared>> -> memref<384x16xf32, #tpu.memory_space<vmem_shared>>
      %dma_start3A_44 = arith.constant 0 : i32
      %dma_start3A_45 = tpu.memref_slice %arg18[%mul3A_4, %dma_start3A_44] : memref<6144x16xf32, #tpu.memory_space<vmem_shared>> -> memref<384x16xf32, #tpu.memory_space<vmem_shared>>
      tpu.enqueue_dma source(%arg16 : memref<384x16xf32, #tpu.memory_space<vmem>>) target(%dma_start3A_45 : memref<384x16xf32, #tpu.memory_space<vmem_shared>>) target_semaphore(%run_scoped3A_42 : memref<!tpu.dma_semaphore, #tpu.memory_space<semaphore_mem>>)
      %dma_wait3A = arith.constant 0 : i32
      %dma_wait3A_46 = tpu.memref_slice %arg18[%mul3A_4, %dma_wait3A] : memref<6144x16xf32, #tpu.memory_space<vmem_shared>> -> memref<384x16xf32, #tpu.memory_space<vmem_shared>>
      %dma_wait3A_47 = arith.constant 0 : i32
      %dma_wait3A_48 = tpu.memref_slice %arg18[%mul3A_4, %dma_wait3A_47] : memref<6144x16xf32, #tpu.memory_space<vmem_shared>> -> memref<384x16xf32, #tpu.memory_space<vmem_shared>>
      tpu.wait_dma2 semaphore(%run_scoped3A_42 : memref<!tpu.dma_semaphore, #tpu.memory_space<semaphore_mem>>) src(%arg16 : memref<384x16xf32, #tpu.memory_space<vmem>>) dst(%dma_wait3A_48 : memref<384x16xf32, #tpu.memory_space<vmem_shared>>)
      tpu.yield
    }) : () -> ()
    %barrier3A = arith.constant 0 : index
    tpu.barrier barrier_id(%barrier3A)
    %scan3A = arith.constant 0 : i32
    %scan3A_5 = arith.constant 0 : i32
    %scan3A_6 = arith.constant 125 : i32
    %scan3A_7 = arith.addi %scan3A_5, %scan3A_6 : i32
    %scan3A_8 = arith.constant 1 : i32
    scf.for %scan3A_42 = %scan3A_5 to %scan3A_7 step %scan3A_8  : i32 {
      %run_scoped3A_43 = arith.constant 0 : i32
      "tpu.region"() ({
        %run_scoped3A_50 = tpu.sem_alloc : memref<!tpu.dma_semaphore, #tpu.memory_space<semaphore_mem>>
        %dma_start3A = arith.constant 0 : i32
        %dma_start3A_51 = tpu.memref_slice %arg2[%run_scoped3A_43, %add3A, %scan3A_42, %dma_start3A] : memref<2x32x125x80xi32, #tpu.memory_space<hbm>> -> memref<1x1x1x80xi32, #tpu.memory_space<hbm>>
        %dma_start3A_52 = tpu.memref_squeeze %dma_start3A_51 : memref<1x1x1x80xi32, #tpu.memory_space<hbm>> -> memref<80xi32, #tpu.memory_space<hbm>>
        %dma_start3A_53 = arith.constant 0 : i32
        %dma_start3A_54 = tpu.memref_slice %arg2[%run_scoped3A_43, %add3A, %scan3A_42, %dma_start3A_53] : memref<2x32x125x80xi32, #tpu.memory_space<hbm>> -> memref<1x1x1x80xi32, #tpu.memory_space<hbm>>
        %dma_start3A_55 = tpu.memref_squeeze %dma_start3A_54 : memref<1x1x1x80xi32, #tpu.memory_space<hbm>> -> memref<80xi32, #tpu.memory_space<hbm>>
        tpu.enqueue_dma source(%dma_start3A_55 : memref<80xi32, #tpu.memory_space<hbm>>) target(%arg9 : memref<80xi32, #tpu.memory_space<vmem>>) target_semaphore(%run_scoped3A_50 : memref<!tpu.dma_semaphore, #tpu.memory_space<semaphore_mem>>)
        %dma_wait3A = arith.constant 0 : i32
        %dma_wait3A_56 = tpu.memref_slice %arg2[%run_scoped3A_43, %add3A, %scan3A_42, %dma_wait3A] : memref<2x32x125x80xi32, #tpu.memory_space<hbm>> -> memref<1x1x1x80xi32, #tpu.memory_space<hbm>>
        %dma_wait3A_57 = tpu.memref_squeeze %dma_wait3A_56 : memref<1x1x1x80xi32, #tpu.memory_space<hbm>> -> memref<80xi32, #tpu.memory_space<hbm>>
        %dma_wait3A_58 = arith.constant 0 : i32
        %dma_wait3A_59 = tpu.memref_slice %arg2[%run_scoped3A_43, %add3A, %scan3A_42, %dma_wait3A_58] : memref<2x32x125x80xi32, #tpu.memory_space<hbm>> -> memref<1x1x1x80xi32, #tpu.memory_space<hbm>>
        %dma_wait3A_60 = tpu.memref_squeeze %dma_wait3A_59 : memref<1x1x1x80xi32, #tpu.memory_space<hbm>> -> memref<80xi32, #tpu.memory_space<hbm>>
        tpu.wait_dma2 semaphore(%run_scoped3A_50 : memref<!tpu.dma_semaphore, #tpu.memory_space<semaphore_mem>>) src(%dma_wait3A_60 : memref<80xi32, #tpu.memory_space<hbm>>) dst(%arg9 : memref<80xi32, #tpu.memory_space<vmem>>)
        tpu.yield
      }) : () -> ()
      %run_scoped3A_44 = arith.constant 0 : i32
      "tpu.region"() ({
        %run_scoped3A_50 = tpu.sem_alloc : memref<!tpu.dma_semaphore, #tpu.memory_space<semaphore_mem>>
        %dma_start3A = arith.constant 0 : i32
        %dma_start3A_51 = tpu.memref_slice %arg3[%run_scoped3A_44, %add3A, %scan3A_42, %dma_start3A] : memref<2x32x125x80xi32, #tpu.memory_space<hbm>> -> memref<1x1x1x80xi32, #tpu.memory_space<hbm>>
        %dma_start3A_52 = tpu.memref_squeeze %dma_start3A_51 : memref<1x1x1x80xi32, #tpu.memory_space<hbm>> -> memref<80xi32, #tpu.memory_space<hbm>>
        %dma_start3A_53 = arith.constant 0 : i32
        %dma_start3A_54 = tpu.memref_slice %arg3[%run_scoped3A_44, %add3A, %scan3A_42, %dma_start3A_53] : memref<2x32x125x80xi32, #tpu.memory_space<hbm>> -> memref<1x1x1x80xi32, #tpu.memory_space<hbm>>
        %dma_start3A_55 = tpu.memref_squeeze %dma_start3A_54 : memref<1x1x1x80xi32, #tpu.memory_space<hbm>> -> memref<80xi32, #tpu.memory_space<hbm>>
        tpu.enqueue_dma source(%dma_start3A_55 : memref<80xi32, #tpu.memory_space<hbm>>) target(%arg11 : memref<80xi32, #tpu.memory_space<vmem>>) target_semaphore(%run_scoped3A_50 : memref<!tpu.dma_semaphore, #tpu.memory_space<semaphore_mem>>)
        %dma_wait3A = arith.constant 0 : i32
        %dma_wait3A_56 = tpu.memref_slice %arg3[%run_scoped3A_44, %add3A, %scan3A_42, %dma_wait3A] : memref<2x32x125x80xi32, #tpu.memory_space<hbm>> -> memref<1x1x1x80xi32, #tpu.memory_space<hbm>>
        %dma_wait3A_57 = tpu.memref_squeeze %dma_wait3A_56 : memref<1x1x1x80xi32, #tpu.memory_space<hbm>> -> memref<80xi32, #tpu.memory_space<hbm>>
        %dma_wait3A_58 = arith.constant 0 : i32
        %dma_wait3A_59 = tpu.memref_slice %arg3[%run_scoped3A_44, %add3A, %scan3A_42, %dma_wait3A_58] : memref<2x32x125x80xi32, #tpu.memory_space<hbm>> -> memref<1x1x1x80xi32, #tpu.memory_space<hbm>>
        %dma_wait3A_60 = tpu.memref_squeeze %dma_wait3A_59 : memref<1x1x1x80xi32, #tpu.memory_space<hbm>> -> memref<80xi32, #tpu.memory_space<hbm>>
        tpu.wait_dma2 semaphore(%run_scoped3A_50 : memref<!tpu.dma_semaphore, #tpu.memory_space<semaphore_mem>>) src(%dma_wait3A_60 : memref<80xi32, #tpu.memory_space<hbm>>) dst(%arg11 : memref<80xi32, #tpu.memory_space<vmem>>)
        tpu.yield
      }) : () -> ()
      %mul3A_45 = arith.constant 10000 : i32
      %mul3A_46 = arith.muli %add3A, %mul3A_45 : i32
      %mul3A_47 = arith.constant 80 : i32
      %mul3A_48 = arith.muli %scan3A_42, %mul3A_47 : i32
      %add3A_49 = arith.addi %mul3A_46, %mul3A_48 : i32
      "tpu.region"() ({
        %run_scoped3A_50 = tpu.sem_alloc : memref<!tpu.dma_semaphore, #tpu.memory_space<semaphore_mem>>
        %dma_start3A = arith.constant 0 : i32
        %dma_start3A_51 = tpu.memref_slice %arg4[%add3A_49, %dma_start3A] : memref<320000x16xf32, #tpu.memory_space<hbm>> -> memref<80x16xf32, #tpu.memory_space<hbm>>
        %dma_start3A_52 = arith.constant 0 : i32
        %dma_start3A_53 = tpu.memref_slice %arg4[%add3A_49, %dma_start3A_52] : memref<320000x16xf32, #tpu.memory_space<hbm>> -> memref<80x16xf32, #tpu.memory_space<hbm>>
        tpu.enqueue_dma source(%dma_start3A_53 : memref<80x16xf32, #tpu.memory_space<hbm>>) target(%arg13 : memref<80x16xf32, #tpu.memory_space<vmem>>) target_semaphore(%run_scoped3A_50 : memref<!tpu.dma_semaphore, #tpu.memory_space<semaphore_mem>>)
        %dma_wait3A = arith.constant 0 : i32
        %dma_wait3A_54 = tpu.memref_slice %arg4[%add3A_49, %dma_wait3A] : memref<320000x16xf32, #tpu.memory_space<hbm>> -> memref<80x16xf32, #tpu.memory_space<hbm>>
        %dma_wait3A_55 = arith.constant 0 : i32
        %dma_wait3A_56 = tpu.memref_slice %arg4[%add3A_49, %dma_wait3A_55] : memref<320000x16xf32, #tpu.memory_space<hbm>> -> memref<80x16xf32, #tpu.memory_space<hbm>>
        tpu.wait_dma2 semaphore(%run_scoped3A_50 : memref<!tpu.dma_semaphore, #tpu.memory_space<semaphore_mem>>) src(%dma_wait3A_56 : memref<80x16xf32, #tpu.memory_space<hbm>>) dst(%arg13 : memref<80x16xf32, #tpu.memory_space<vmem>>)
        tpu.yield
      }) : () -> ()
      "tpu.region"() ({
        %run_scoped3A_50 = tpu.sem_alloc : memref<!tpu.dma_semaphore, #tpu.memory_space<semaphore_mem>>
        %dma_start3A = arith.constant 0 : i32
        %dma_start3A_51 = arith.constant 0 : i32
        %dma_start3A_52 = tpu.memref_slice %arg17[%dma_start3A, %dma_start3A_51] : memref<6144x16xf32, #tpu.memory_space<vmem_shared>> -> memref<6144x16xf32, #tpu.memory_space<vmem_shared>>
        tpu.enqueue_indirect_dma source(%arg13 : memref<80x16xf32, #tpu.memory_space<vmem>>) target(%dma_start3A_52 : memref<6144x16xf32, #tpu.memory_space<vmem_shared>>) offsets(%arg9 : memref<80xi32, #tpu.memory_space<vmem>>) semaphore(%run_scoped3A_50 : memref<!tpu.dma_semaphore, #tpu.memory_space<semaphore_mem>>) {add = true}
        %dma_wait3A = arith.constant 0 : i32
        %dma_wait3A_53 = arith.constant 0 : i32
        %dma_wait3A_54 = tpu.memref_slice %arg17[%dma_wait3A, %dma_wait3A_53] : memref<6144x16xf32, #tpu.memory_space<vmem_shared>> -> memref<6144x16xf32, #tpu.memory_space<vmem_shared>>
        tpu.wait_indirect_dma semaphore(%run_scoped3A_50 : memref<!tpu.dma_semaphore, #tpu.memory_space<semaphore_mem>>) src(%arg13 : memref<80x16xf32, #tpu.memory_space<vmem>>) dst(%dma_wait3A_54 : memref<6144x16xf32, #tpu.memory_space<vmem_shared>>)
        tpu.yield
      }) : () -> ()
      "tpu.region"() ({
        %run_scoped3A_50 = tpu.sem_alloc : memref<!tpu.dma_semaphore, #tpu.memory_space<semaphore_mem>>
        %dma_start3A = arith.constant 0 : i32
        %dma_start3A_51 = arith.constant 0 : i32
        %dma_start3A_52 = tpu.memref_slice %arg18[%dma_start3A, %dma_start3A_51] : memref<6144x16xf32, #tpu.memory_space<vmem_shared>> -> memref<6144x16xf32, #tpu.memory_space<vmem_shared>>
        tpu.enqueue_indirect_dma source(%arg15 : memref<80x16xf32, #tpu.memory_space<vmem>>) target(%dma_start3A_52 : memref<6144x16xf32, #tpu.memory_space<vmem_shared>>) offsets(%arg11 : memref<80xi32, #tpu.memory_space<vmem>>) semaphore(%run_scoped3A_50 : memref<!tpu.dma_semaphore, #tpu.memory_space<semaphore_mem>>) {add = true}
        %dma_wait3A = arith.constant 0 : i32
        %dma_wait3A_53 = arith.constant 0 : i32
        %dma_wait3A_54 = tpu.memref_slice %arg18[%dma_wait3A, %dma_wait3A_53] : memref<6144x16xf32, #tpu.memory_space<vmem_shared>> -> memref<6144x16xf32, #tpu.memory_space<vmem_shared>>
        tpu.wait_indirect_dma semaphore(%run_scoped3A_50 : memref<!tpu.dma_semaphore, #tpu.memory_space<semaphore_mem>>) src(%arg15 : memref<80x16xf32, #tpu.memory_space<vmem>>) dst(%dma_wait3A_54 : memref<6144x16xf32, #tpu.memory_space<vmem_shared>>)
        tpu.yield
      }) : () -> ()
    }
    %scan3A_9 = arith.constant 125 : i32
    %barrier3A_10 = arith.constant 0 : index
    tpu.barrier barrier_id(%barrier3A_10)
    %mul3A_11 = arith.constant 384 : i32
    %mul3A_12 = arith.muli %arg1, %mul3A_11 : i32
    %mul3A_13 = arith.constant 384 : i32
    %mul3A_14 = arith.muli %arg1, %mul3A_13 : i32
    %run_scoped3A = arith.constant 0 : i32
    "tpu.region"() ({
      %run_scoped3A_42 = tpu.sem_alloc : memref<!tpu.dma_semaphore, #tpu.memory_space<semaphore_mem>>
      %dma_start3A = arith.constant 0 : i32
      %dma_start3A_43 = tpu.memref_slice %arg7[%arg0, %run_scoped3A, %mul3A_14, %dma_start3A] : memref<2x2x6144x16xf32, #tpu.memory_space<hbm>> -> memref<1x1x384x16xf32, #tpu.memory_space<hbm>>
      %dma_start3A_44 = tpu.memref_squeeze %dma_start3A_43 : memref<1x1x384x16xf32, #tpu.memory_space<hbm>> -> memref<384x16xf32, #tpu.memory_space<hbm>>
      %dma_start3A_45 = arith.constant 0 : i32
      %dma_start3A_46 = tpu.memref_slice %arg17[%mul3A_12, %dma_start3A_45] : memref<6144x16xf32, #tpu.memory_space<vmem_shared>> -> memref<384x16xf32, #tpu.memory_space<vmem_shared>>
      tpu.enqueue_dma source(%dma_start3A_46 : memref<384x16xf32, #tpu.memory_space<vmem_shared>>) target(%dma_start3A_44 : memref<384x16xf32, #tpu.memory_space<hbm>>) target_semaphore(%run_scoped3A_42 : memref<!tpu.dma_semaphore, #tpu.memory_space<semaphore_mem>>)
      %dma_wait3A = arith.constant 0 : i32
      %dma_wait3A_47 = tpu.memref_slice %arg7[%arg0, %run_scoped3A, %mul3A_14, %dma_wait3A] : memref<2x2x6144x16xf32, #tpu.memory_space<hbm>> -> memref<1x1x384x16xf32, #tpu.memory_space<hbm>>
      %dma_wait3A_48 = tpu.memref_squeeze %dma_wait3A_47 : memref<1x1x384x16xf32, #tpu.memory_space<hbm>> -> memref<384x16xf32, #tpu.memory_space<hbm>>
      %dma_wait3A_49 = arith.constant 0 : i32
      %dma_wait3A_50 = tpu.memref_slice %arg17[%mul3A_12, %dma_wait3A_49] : memref<6144x16xf32, #tpu.memory_space<vmem_shared>> -> memref<384x16xf32, #tpu.memory_space<vmem_shared>>
      tpu.wait_dma2 semaphore(%run_scoped3A_42 : memref<!tpu.dma_semaphore, #tpu.memory_space<semaphore_mem>>) src(%dma_wait3A_50 : memref<384x16xf32, #tpu.memory_space<vmem_shared>>) dst(%dma_wait3A_48 : memref<384x16xf32, #tpu.memory_space<hbm>>)
      tpu.yield
    }) : () -> ()
    %mul3A_15 = arith.constant 384 : i32
    %mul3A_16 = arith.muli %arg1, %mul3A_15 : i32
    %mul3A_17 = arith.constant 384 : i32
    %mul3A_18 = arith.muli %arg1, %mul3A_17 : i32
    %run_scoped3A_19 = arith.constant 0 : i32
    "tpu.region"() ({
      %run_scoped3A_42 = tpu.sem_alloc : memref<!tpu.dma_semaphore, #tpu.memory_space<semaphore_mem>>
      %dma_start3A = arith.constant 0 : i32
      %dma_start3A_43 = tpu.memref_slice %arg8[%arg0, %run_scoped3A_19, %mul3A_18, %dma_start3A] : memref<2x2x6144x16xf32, #tpu.memory_space<hbm>> -> memref<1x1x384x16xf32, #tpu.memory_space<hbm>>
      %dma_start3A_44 = tpu.memref_squeeze %dma_start3A_43 : memref<1x1x384x16xf32, #tpu.memory_space<hbm>> -> memref<384x16xf32, #tpu.memory_space<hbm>>
      %dma_start3A_45 = arith.constant 0 : i32
      %dma_start3A_46 = tpu.memref_slice %arg18[%mul3A_16, %dma_start3A_45] : memref<6144x16xf32, #tpu.memory_space<vmem_shared>> -> memref<384x16xf32, #tpu.memory_space<vmem_shared>>
      tpu.enqueue_dma source(%dma_start3A_46 : memref<384x16xf32, #tpu.memory_space<vmem_shared>>) target(%dma_start3A_44 : memref<384x16xf32, #tpu.memory_space<hbm>>) target_semaphore(%run_scoped3A_42 : memref<!tpu.dma_semaphore, #tpu.memory_space<semaphore_mem>>)
      %dma_wait3A = arith.constant 0 : i32
      %dma_wait3A_47 = tpu.memref_slice %arg8[%arg0, %run_scoped3A_19, %mul3A_18, %dma_wait3A] : memref<2x2x6144x16xf32, #tpu.memory_space<hbm>> -> memref<1x1x384x16xf32, #tpu.memory_space<hbm>>
      %dma_wait3A_48 = tpu.memref_squeeze %dma_wait3A_47 : memref<1x1x384x16xf32, #tpu.memory_space<hbm>> -> memref<384x16xf32, #tpu.memory_space<hbm>>
      %dma_wait3A_49 = arith.constant 0 : i32
      %dma_wait3A_50 = tpu.memref_slice %arg18[%mul3A_16, %dma_wait3A_49] : memref<6144x16xf32, #tpu.memory_space<vmem_shared>> -> memref<384x16xf32, #tpu.memory_space<vmem_shared>>
      tpu.wait_dma2 semaphore(%run_scoped3A_42 : memref<!tpu.dma_semaphore, #tpu.memory_space<semaphore_mem>>) src(%dma_wait3A_50 : memref<384x16xf32, #tpu.memory_space<vmem_shared>>) dst(%dma_wait3A_48 : memref<384x16xf32, #tpu.memory_space<hbm>>)
      tpu.yield
    }) : () -> ()
    %mul3A_20 = arith.constant 384 : i32
    %mul3A_21 = arith.muli %arg1, %mul3A_20 : i32
    "tpu.region"() ({
      %run_scoped3A_42 = tpu.sem_alloc : memref<!tpu.dma_semaphore, #tpu.memory_space<semaphore_mem>>
      %dma_start3A = arith.constant 0 : i32
      %dma_start3A_43 = tpu.memref_slice %arg17[%mul3A_21, %dma_start3A] : memref<6144x16xf32, #tpu.memory_space<vmem_shared>> -> memref<384x16xf32, #tpu.memory_space<vmem_shared>>
      %dma_start3A_44 = arith.constant 0 : i32
      %dma_start3A_45 = tpu.memref_slice %arg17[%mul3A_21, %dma_start3A_44] : memref<6144x16xf32, #tpu.memory_space<vmem_shared>> -> memref<384x16xf32, #tpu.memory_space<vmem_shared>>
      tpu.enqueue_dma source(%arg16 : memref<384x16xf32, #tpu.memory_space<vmem>>) target(%dma_start3A_45 : memref<384x16xf32, #tpu.memory_space<vmem_shared>>) target_semaphore(%run_scoped3A_42 : memref<!tpu.dma_semaphore, #tpu.memory_space<semaphore_mem>>)
      %dma_wait3A = arith.constant 0 : i32
      %dma_wait3A_46 = tpu.memref_slice %arg17[%mul3A_21, %dma_wait3A] : memref<6144x16xf32, #tpu.memory_space<vmem_shared>> -> memref<384x16xf32, #tpu.memory_space<vmem_shared>>
      %dma_wait3A_47 = arith.constant 0 : i32
      %dma_wait3A_48 = tpu.memref_slice %arg17[%mul3A_21, %dma_wait3A_47] : memref<6144x16xf32, #tpu.memory_space<vmem_shared>> -> memref<384x16xf32, #tpu.memory_space<vmem_shared>>
      tpu.wait_dma2 semaphore(%run_scoped3A_42 : memref<!tpu.dma_semaphore, #tpu.memory_space<semaphore_mem>>) src(%arg16 : memref<384x16xf32, #tpu.memory_space<vmem>>) dst(%dma_wait3A_48 : memref<384x16xf32, #tpu.memory_space<vmem_shared>>)
      tpu.yield
    }) : () -> ()
    %mul3A_22 = arith.constant 384 : i32
    %mul3A_23 = arith.muli %arg1, %mul3A_22 : i32
    "tpu.region"() ({
      %run_scoped3A_42 = tpu.sem_alloc : memref<!tpu.dma_semaphore, #tpu.memory_space<semaphore_mem>>
      %dma_start3A = arith.constant 0 : i32
      %dma_start3A_43 = tpu.memref_slice %arg18[%mul3A_23, %dma_start3A] : memref<6144x16xf32, #tpu.memory_space<vmem_shared>> -> memref<384x16xf32, #tpu.memory_space<vmem_shared>>
      %dma_start3A_44 = arith.constant 0 : i32
      %dma_start3A_45 = tpu.memref_slice %arg18[%mul3A_23, %dma_start3A_44] : memref<6144x16xf32, #tpu.memory_space<vmem_shared>> -> memref<384x16xf32, #tpu.memory_space<vmem_shared>>
      tpu.enqueue_dma source(%arg16 : memref<384x16xf32, #tpu.memory_space<vmem>>) target(%dma_start3A_45 : memref<384x16xf32, #tpu.memory_space<vmem_shared>>) target_semaphore(%run_scoped3A_42 : memref<!tpu.dma_semaphore, #tpu.memory_space<semaphore_mem>>)
      %dma_wait3A = arith.constant 0 : i32
      %dma_wait3A_46 = tpu.memref_slice %arg18[%mul3A_23, %dma_wait3A] : memref<6144x16xf32, #tpu.memory_space<vmem_shared>> -> memref<384x16xf32, #tpu.memory_space<vmem_shared>>
      %dma_wait3A_47 = arith.constant 0 : i32
      %dma_wait3A_48 = tpu.memref_slice %arg18[%mul3A_23, %dma_wait3A_47] : memref<6144x16xf32, #tpu.memory_space<vmem_shared>> -> memref<384x16xf32, #tpu.memory_space<vmem_shared>>
      tpu.wait_dma2 semaphore(%run_scoped3A_42 : memref<!tpu.dma_semaphore, #tpu.memory_space<semaphore_mem>>) src(%arg16 : memref<384x16xf32, #tpu.memory_space<vmem>>) dst(%dma_wait3A_48 : memref<384x16xf32, #tpu.memory_space<vmem_shared>>)
      tpu.yield
    }) : () -> ()
    %barrier3A_24 = arith.constant 0 : index
    tpu.barrier barrier_id(%barrier3A_24)
    %scan3A_25 = arith.constant 0 : i32
    %scan3A_26 = arith.constant 0 : i32
    %scan3A_27 = arith.constant 125 : i32
    %scan3A_28 = arith.addi %scan3A_26, %scan3A_27 : i32
    %scan3A_29 = arith.constant 1 : i32
    scf.for %scan3A_42 = %scan3A_26 to %scan3A_28 step %scan3A_29  : i32 {
      %run_scoped3A_43 = arith.constant 1 : i32
      "tpu.region"() ({
        %run_scoped3A_50 = tpu.sem_alloc : memref<!tpu.dma_semaphore, #tpu.memory_space<semaphore_mem>>
        %dma_start3A = arith.constant 0 : i32
        %dma_start3A_51 = tpu.memref_slice %arg2[%run_scoped3A_43, %add3A, %scan3A_42, %dma_start3A] : memref<2x32x125x80xi32, #tpu.memory_space<hbm>> -> memref<1x1x1x80xi32, #tpu.memory_space<hbm>>
        %dma_start3A_52 = tpu.memref_squeeze %dma_start3A_51 : memref<1x1x1x80xi32, #tpu.memory_space<hbm>> -> memref<80xi32, #tpu.memory_space<hbm>>
        %dma_start3A_53 = arith.constant 0 : i32
        %dma_start3A_54 = tpu.memref_slice %arg2[%run_scoped3A_43, %add3A, %scan3A_42, %dma_start3A_53] : memref<2x32x125x80xi32, #tpu.memory_space<hbm>> -> memref<1x1x1x80xi32, #tpu.memory_space<hbm>>
        %dma_start3A_55 = tpu.memref_squeeze %dma_start3A_54 : memref<1x1x1x80xi32, #tpu.memory_space<hbm>> -> memref<80xi32, #tpu.memory_space<hbm>>
        tpu.enqueue_dma source(%dma_start3A_55 : memref<80xi32, #tpu.memory_space<hbm>>) target(%arg9 : memref<80xi32, #tpu.memory_space<vmem>>) target_semaphore(%run_scoped3A_50 : memref<!tpu.dma_semaphore, #tpu.memory_space<semaphore_mem>>)
        %dma_wait3A = arith.constant 0 : i32
        %dma_wait3A_56 = tpu.memref_slice %arg2[%run_scoped3A_43, %add3A, %scan3A_42, %dma_wait3A] : memref<2x32x125x80xi32, #tpu.memory_space<hbm>> -> memref<1x1x1x80xi32, #tpu.memory_space<hbm>>
        %dma_wait3A_57 = tpu.memref_squeeze %dma_wait3A_56 : memref<1x1x1x80xi32, #tpu.memory_space<hbm>> -> memref<80xi32, #tpu.memory_space<hbm>>
        %dma_wait3A_58 = arith.constant 0 : i32
        %dma_wait3A_59 = tpu.memref_slice %arg2[%run_scoped3A_43, %add3A, %scan3A_42, %dma_wait3A_58] : memref<2x32x125x80xi32, #tpu.memory_space<hbm>> -> memref<1x1x1x80xi32, #tpu.memory_space<hbm>>
        %dma_wait3A_60 = tpu.memref_squeeze %dma_wait3A_59 : memref<1x1x1x80xi32, #tpu.memory_space<hbm>> -> memref<80xi32, #tpu.memory_space<hbm>>
        tpu.wait_dma2 semaphore(%run_scoped3A_50 : memref<!tpu.dma_semaphore, #tpu.memory_space<semaphore_mem>>) src(%dma_wait3A_60 : memref<80xi32, #tpu.memory_space<hbm>>) dst(%arg9 : memref<80xi32, #tpu.memory_space<vmem>>)
        tpu.yield
      }) : () -> ()
      %run_scoped3A_44 = arith.constant 1 : i32
      "tpu.region"() ({
        %run_scoped3A_50 = tpu.sem_alloc : memref<!tpu.dma_semaphore, #tpu.memory_space<semaphore_mem>>
        %dma_start3A = arith.constant 0 : i32
        %dma_start3A_51 = tpu.memref_slice %arg3[%run_scoped3A_44, %add3A, %scan3A_42, %dma_start3A] : memref<2x32x125x80xi32, #tpu.memory_space<hbm>> -> memref<1x1x1x80xi32, #tpu.memory_space<hbm>>
        %dma_start3A_52 = tpu.memref_squeeze %dma_start3A_51 : memref<1x1x1x80xi32, #tpu.memory_space<hbm>> -> memref<80xi32, #tpu.memory_space<hbm>>
        %dma_start3A_53 = arith.constant 0 : i32
        %dma_start3A_54 = tpu.memref_slice %arg3[%run_scoped3A_44, %add3A, %scan3A_42, %dma_start3A_53] : memref<2x32x125x80xi32, #tpu.memory_space<hbm>> -> memref<1x1x1x80xi32, #tpu.memory_space<hbm>>
        %dma_start3A_55 = tpu.memref_squeeze %dma_start3A_54 : memref<1x1x1x80xi32, #tpu.memory_space<hbm>> -> memref<80xi32, #tpu.memory_space<hbm>>
        tpu.enqueue_dma source(%dma_start3A_55 : memref<80xi32, #tpu.memory_space<hbm>>) target(%arg11 : memref<80xi32, #tpu.memory_space<vmem>>) target_semaphore(%run_scoped3A_50 : memref<!tpu.dma_semaphore, #tpu.memory_space<semaphore_mem>>)
        %dma_wait3A = arith.constant 0 : i32
        %dma_wait3A_56 = tpu.memref_slice %arg3[%run_scoped3A_44, %add3A, %scan3A_42, %dma_wait3A] : memref<2x32x125x80xi32, #tpu.memory_space<hbm>> -> memref<1x1x1x80xi32, #tpu.memory_space<hbm>>
        %dma_wait3A_57 = tpu.memref_squeeze %dma_wait3A_56 : memref<1x1x1x80xi32, #tpu.memory_space<hbm>> -> memref<80xi32, #tpu.memory_space<hbm>>
        %dma_wait3A_58 = arith.constant 0 : i32
        %dma_wait3A_59 = tpu.memref_slice %arg3[%run_scoped3A_44, %add3A, %scan3A_42, %dma_wait3A_58] : memref<2x32x125x80xi32, #tpu.memory_space<hbm>> -> memref<1x1x1x80xi32, #tpu.memory_space<hbm>>
        %dma_wait3A_60 = tpu.memref_squeeze %dma_wait3A_59 : memref<1x1x1x80xi32, #tpu.memory_space<hbm>> -> memref<80xi32, #tpu.memory_space<hbm>>
        tpu.wait_dma2 semaphore(%run_scoped3A_50 : memref<!tpu.dma_semaphore, #tpu.memory_space<semaphore_mem>>) src(%dma_wait3A_60 : memref<80xi32, #tpu.memory_space<hbm>>) dst(%arg11 : memref<80xi32, #tpu.memory_space<vmem>>)
        tpu.yield
      }) : () -> ()
      %mul3A_45 = arith.constant 10000 : i32
      %mul3A_46 = arith.muli %add3A, %mul3A_45 : i32
      %mul3A_47 = arith.constant 80 : i32
      %mul3A_48 = arith.muli %scan3A_42, %mul3A_47 : i32
      %add3A_49 = arith.addi %mul3A_46, %mul3A_48 : i32
      "tpu.region"() ({
        %run_scoped3A_50 = tpu.sem_alloc : memref<!tpu.dma_semaphore, #tpu.memory_space<semaphore_mem>>
        %dma_start3A = arith.constant 0 : i32
        %dma_start3A_51 = tpu.memref_slice %arg4[%add3A_49, %dma_start3A] : memref<320000x16xf32, #tpu.memory_space<hbm>> -> memref<80x16xf32, #tpu.memory_space<hbm>>
        %dma_start3A_52 = arith.constant 0 : i32
        %dma_start3A_53 = tpu.memref_slice %arg4[%add3A_49, %dma_start3A_52] : memref<320000x16xf32, #tpu.memory_space<hbm>> -> memref<80x16xf32, #tpu.memory_space<hbm>>
        tpu.enqueue_dma source(%dma_start3A_53 : memref<80x16xf32, #tpu.memory_space<hbm>>) target(%arg13 : memref<80x16xf32, #tpu.memory_space<vmem>>) target_semaphore(%run_scoped3A_50 : memref<!tpu.dma_semaphore, #tpu.memory_space<semaphore_mem>>)
        %dma_wait3A = arith.constant 0 : i32
        %dma_wait3A_54 = tpu.memref_slice %arg4[%add3A_49, %dma_wait3A] : memref<320000x16xf32, #tpu.memory_space<hbm>> -> memref<80x16xf32, #tpu.memory_space<hbm>>
        %dma_wait3A_55 = arith.constant 0 : i32
        %dma_wait3A_56 = tpu.memref_slice %arg4[%add3A_49, %dma_wait3A_55] : memref<320000x16xf32, #tpu.memory_space<hbm>> -> memref<80x16xf32, #tpu.memory_space<hbm>>
        tpu.wait_dma2 semaphore(%run_scoped3A_50 : memref<!tpu.dma_semaphore, #tpu.memory_space<semaphore_mem>>) src(%dma_wait3A_56 : memref<80x16xf32, #tpu.memory_space<hbm>>) dst(%arg13 : memref<80x16xf32, #tpu.memory_space<vmem>>)
        tpu.yield
      }) : () -> ()
      "tpu.region"() ({
        %run_scoped3A_50 = tpu.sem_alloc : memref<!tpu.dma_semaphore, #tpu.memory_space<semaphore_mem>>
        %dma_start3A = arith.constant 0 : i32
        %dma_start3A_51 = arith.constant 0 : i32
        %dma_start3A_52 = tpu.memref_slice %arg17[%dma_start3A, %dma_start3A_51] : memref<6144x16xf32, #tpu.memory_space<vmem_shared>> -> memref<6144x16xf32, #tpu.memory_space<vmem_shared>>
        tpu.enqueue_indirect_dma source(%arg13 : memref<80x16xf32, #tpu.memory_space<vmem>>) target(%dma_start3A_52 : memref<6144x16xf32, #tpu.memory_space<vmem_shared>>) offsets(%arg9 : memref<80xi32, #tpu.memory_space<vmem>>) semaphore(%run_scoped3A_50 : memref<!tpu.dma_semaphore, #tpu.memory_space<semaphore_mem>>) {add = true}
        %dma_wait3A = arith.constant 0 : i32
        %dma_wait3A_53 = arith.constant 0 : i32
        %dma_wait3A_54 = tpu.memref_slice %arg17[%dma_wait3A, %dma_wait3A_53] : memref<6144x16xf32, #tpu.memory_space<vmem_shared>> -> memref<6144x16xf32, #tpu.memory_space<vmem_shared>>
        tpu.wait_indirect_dma semaphore(%run_scoped3A_50 : memref<!tpu.dma_semaphore, #tpu.memory_space<semaphore_mem>>) src(%arg13 : memref<80x16xf32, #tpu.memory_space<vmem>>) dst(%dma_wait3A_54 : memref<6144x16xf32, #tpu.memory_space<vmem_shared>>)
        tpu.yield
      }) : () -> ()
      "tpu.region"() ({
        %run_scoped3A_50 = tpu.sem_alloc : memref<!tpu.dma_semaphore, #tpu.memory_space<semaphore_mem>>
        %dma_start3A = arith.constant 0 : i32
        %dma_start3A_51 = arith.constant 0 : i32
        %dma_start3A_52 = tpu.memref_slice %arg18[%dma_start3A, %dma_start3A_51] : memref<6144x16xf32, #tpu.memory_space<vmem_shared>> -> memref<6144x16xf32, #tpu.memory_space<vmem_shared>>
        tpu.enqueue_indirect_dma source(%arg15 : memref<80x16xf32, #tpu.memory_space<vmem>>) target(%dma_start3A_52 : memref<6144x16xf32, #tpu.memory_space<vmem_shared>>) offsets(%arg11 : memref<80xi32, #tpu.memory_space<vmem>>) semaphore(%run_scoped3A_50 : memref<!tpu.dma_semaphore, #tpu.memory_space<semaphore_mem>>) {add = true}
        %dma_wait3A = arith.constant 0 : i32
        %dma_wait3A_53 = arith.constant 0 : i32
        %dma_wait3A_54 = tpu.memref_slice %arg18[%dma_wait3A, %dma_wait3A_53] : memref<6144x16xf32, #tpu.memory_space<vmem_shared>> -> memref<6144x16xf32, #tpu.memory_space<vmem_shared>>
        tpu.wait_indirect_dma semaphore(%run_scoped3A_50 : memref<!tpu.dma_semaphore, #tpu.memory_space<semaphore_mem>>) src(%arg15 : memref<80x16xf32, #tpu.memory_space<vmem>>) dst(%dma_wait3A_54 : memref<6144x16xf32, #tpu.memory_space<vmem_shared>>)
        tpu.yield
      }) : () -> ()
    }
    %scan3A_30 = arith.constant 125 : i32
    %barrier3A_31 = arith.constant 0 : index
    tpu.barrier barrier_id(%barrier3A_31)
    %mul3A_32 = arith.constant 384 : i32
    %mul3A_33 = arith.muli %arg1, %mul3A_32 : i32
    %mul3A_34 = arith.constant 384 : i32
    %mul3A_35 = arith.muli %arg1, %mul3A_34 : i32
    %run_scoped3A_36 = arith.constant 1 : i32
    "tpu.region"() ({
      %run_scoped3A_42 = tpu.sem_alloc : memref<!tpu.dma_semaphore, #tpu.memory_space<semaphore_mem>>
      %dma_start3A = arith.constant 0 : i32
      %dma_start3A_43 = tpu.memref_slice %arg7[%arg0, %run_scoped3A_36, %mul3A_35, %dma_start3A] : memref<2x2x6144x16xf32, #tpu.memory_space<hbm>> -> memref<1x1x384x16xf32, #tpu.memory_space<hbm>>
      %dma_start3A_44 = tpu.memref_squeeze %dma_start3A_43 : memref<1x1x384x16xf32, #tpu.memory_space<hbm>> -> memref<384x16xf32, #tpu.memory_space<hbm>>
      %dma_start3A_45 = arith.constant 0 : i32
      %dma_start3A_46 = tpu.memref_slice %arg17[%mul3A_33, %dma_start3A_45] : memref<6144x16xf32, #tpu.memory_space<vmem_shared>> -> memref<384x16xf32, #tpu.memory_space<vmem_shared>>
      tpu.enqueue_dma source(%dma_start3A_46 : memref<384x16xf32, #tpu.memory_space<vmem_shared>>) target(%dma_start3A_44 : memref<384x16xf32, #tpu.memory_space<hbm>>) target_semaphore(%run_scoped3A_42 : memref<!tpu.dma_semaphore, #tpu.memory_space<semaphore_mem>>)
      %dma_wait3A = arith.constant 0 : i32
      %dma_wait3A_47 = tpu.memref_slice %arg7[%arg0, %run_scoped3A_36, %mul3A_35, %dma_wait3A] : memref<2x2x6144x16xf32, #tpu.memory_space<hbm>> -> memref<1x1x384x16xf32, #tpu.memory_space<hbm>>
      %dma_wait3A_48 = tpu.memref_squeeze %dma_wait3A_47 : memref<1x1x384x16xf32, #tpu.memory_space<hbm>> -> memref<384x16xf32, #tpu.memory_space<hbm>>
      %dma_wait3A_49 = arith.constant 0 : i32
      %dma_wait3A_50 = tpu.memref_slice %arg17[%mul3A_33, %dma_wait3A_49] : memref<6144x16xf32, #tpu.memory_space<vmem_shared>> -> memref<384x16xf32, #tpu.memory_space<vmem_shared>>
      tpu.wait_dma2 semaphore(%run_scoped3A_42 : memref<!tpu.dma_semaphore, #tpu.memory_space<semaphore_mem>>) src(%dma_wait3A_50 : memref<384x16xf32, #tpu.memory_space<vmem_shared>>) dst(%dma_wait3A_48 : memref<384x16xf32, #tpu.memory_space<hbm>>)
      tpu.yield
    }) : () -> ()
    %mul3A_37 = arith.constant 384 : i32
    %mul3A_38 = arith.muli %arg1, %mul3A_37 : i32
    %mul3A_39 = arith.constant 384 : i32
    %mul3A_40 = arith.muli %arg1, %mul3A_39 : i32
    %run_scoped3A_41 = arith.constant 1 : i32
    "tpu.region"() ({
      %run_scoped3A_42 = tpu.sem_alloc : memref<!tpu.dma_semaphore, #tpu.memory_space<semaphore_mem>>
      %dma_start3A = arith.constant 0 : i32
      %dma_start3A_43 = tpu.memref_slice %arg8[%arg0, %run_scoped3A_41, %mul3A_40, %dma_start3A] : memref<2x2x6144x16xf32, #tpu.memory_space<hbm>> -> memref<1x1x384x16xf32, #tpu.memory_space<hbm>>
      %dma_start3A_44 = tpu.memref_squeeze %dma_start3A_43 : memref<1x1x384x16xf32, #tpu.memory_space<hbm>> -> memref<384x16xf32, #tpu.memory_space<hbm>>
      %dma_start3A_45 = arith.constant 0 : i32
      %dma_start3A_46 = tpu.memref_slice %arg18[%mul3A_38, %dma_start3A_45] : memref<6144x16xf32, #tpu.memory_space<vmem_shared>> -> memref<384x16xf32, #tpu.memory_space<vmem_shared>>
      tpu.enqueue_dma source(%dma_start3A_46 : memref<384x16xf32, #tpu.memory_space<vmem_shared>>) target(%dma_start3A_44 : memref<384x16xf32, #tpu.memory_space<hbm>>) target_semaphore(%run_scoped3A_42 : memref<!tpu.dma_semaphore, #tpu.memory_space<semaphore_mem>>)
      %dma_wait3A = arith.constant 0 : i32
      %dma_wait3A_47 = tpu.memref_slice %arg8[%arg0, %run_scoped3A_41, %mul3A_40, %dma_wait3A] : memref<2x2x6144x16xf32, #tpu.memory_space<hbm>> -> memref<1x1x384x16xf32, #tpu.memory_space<hbm>>
      %dma_wait3A_48 = tpu.memref_squeeze %dma_wait3A_47 : memref<1x1x384x16xf32, #tpu.memory_space<hbm>> -> memref<384x16xf32, #tpu.memory_space<hbm>>
      %dma_wait3A_49 = arith.constant 0 : i32
      %dma_wait3A_50 = tpu.memref_slice %arg18[%mul3A_38, %dma_wait3A_49] : memref<6144x16xf32, #tpu.memory_space<vmem_shared>> -> memref<384x16xf32, #tpu.memory_space<vmem_shared>>
      tpu.wait_dma2 semaphore(%run_scoped3A_42 : memref<!tpu.dma_semaphore, #tpu.memory_space<semaphore_mem>>) src(%dma_wait3A_50 : memref<384x16xf32, #tpu.memory_space<vmem_shared>>) dst(%dma_wait3A_48 : memref<384x16xf32, #tpu.memory_space<hbm>>)
      tpu.yield
    }) : () -> ()
    return
  }
}

#map = affine_map<(d0, d1) -> (0, 0)>
#map1 = affine_map<(d0, d1) -> (0, 0, 0)>
#map2 = affine_map<(d0, d1) -> (0, 0, 0, 0)>
module attributes {stable_mosaic.version = 14 : i64} {
  func.func @_spmm(%arg0: i32, %arg1: i32, %arg2: memref<10240x128xf32, #tpu.memory_space<hbm>>, %arg3: memref<32x125x80xi32, #tpu.memory_space<hbm>>, %arg4: memref<2x32x125x80xi32, #tpu.memory_space<hbm>>, %arg5: memref<96x128xf32, #tpu.memory_space<hbm>>, %arg6: memref<2x2x6144x128xf32, #tpu.memory_space<hbm>>, %arg7: memref<80xi32, #tpu.memory_space<vmem>>, %arg8: memref<80xi32, #tpu.memory_space<vmem>>, %arg9: memref<80xi32, #tpu.memory_space<vmem>>, %arg10: memref<80xi32, #tpu.memory_space<vmem>>, %arg11: memref<80x128xf32, #tpu.memory_space<vmem>>, %arg12: memref<80x128xf32, #tpu.memory_space<vmem>>, %arg13: memref<96x128xf32, #tpu.memory_space<vmem>>, %arg14: memref<6144x128xf32, #tpu.memory_space<vmem_shared>>, %arg15: memref<!tpu.dma_semaphore, #tpu.memory_space<semaphore_mem>>, %arg16: memref<!tpu.dma_semaphore, #tpu.memory_space<semaphore_mem>>, %arg17: memref<!tpu.dma_semaphore, #tpu.memory_space<semaphore_mem>>, %arg18: memref<!tpu.dma_semaphore, #tpu.memory_space<semaphore_mem>>) attributes {dimension_semantics = [#tpu.dimension_semantics<core_parallel>, #tpu.dimension_semantics<subcore_parallel>], iteration_bounds = array<i64: 2, 16>, scalar_prefetch = 0 : i64, scratch_operands = 12 : i64, tpu.core_type = #tpu.core_type<sc_vector_subcore>, window_params = [{transform_indices = #map}, {transform_indices = #map1}, {transform_indices = #map2}, {transform_indices = #map}, {transform_indices = #map2}]} {
    %mul3A = arith.constant 16 : i32
    %mul3A_0 = arith.muli %arg0, %mul3A : i32
    %add3A = arith.addi %mul3A_0, %arg1 : i32
    "tpu.region"() ({
      %run_scoped3A_90 = tpu.sem_alloc : memref<!tpu.dma_semaphore, #tpu.memory_space<semaphore_mem>>
      tpu.enqueue_dma source(%arg5 : memref<96x128xf32, #tpu.memory_space<hbm>>) target(%arg13 : memref<96x128xf32, #tpu.memory_space<vmem>>) target_semaphore(%run_scoped3A_90 : memref<!tpu.dma_semaphore, #tpu.memory_space<semaphore_mem>>)
      tpu.wait_dma2 semaphore(%run_scoped3A_90 : memref<!tpu.dma_semaphore, #tpu.memory_space<semaphore_mem>>) src(%arg5 : memref<96x128xf32, #tpu.memory_space<hbm>>) dst(%arg13 : memref<96x128xf32, #tpu.memory_space<vmem>>)
      tpu.yield
    }) : () -> ()
    %mul3A_1 = arith.constant 384 : i32
    %mul3A_2 = arith.muli %arg1, %mul3A_1 : i32
    %add3A_3 = arith.constant 0 : i32
    %add3A_4 = arith.addi %mul3A_2, %add3A_3 : i32
    "tpu.region"() ({
      %run_scoped3A_90 = tpu.sem_alloc : memref<!tpu.dma_semaphore, #tpu.memory_space<semaphore_mem>>
      %dma_start3A_91 = arith.constant 0 : i32
      %dma_start3A_92 = tpu.memref_slice %arg14[%add3A_4, %dma_start3A_91] : memref<6144x128xf32, #tpu.memory_space<vmem_shared>> -> memref<96x128xf32, #tpu.memory_space<vmem_shared>>
      %dma_start3A_93 = arith.constant 0 : i32
      %dma_start3A_94 = tpu.memref_slice %arg14[%add3A_4, %dma_start3A_93] : memref<6144x128xf32, #tpu.memory_space<vmem_shared>> -> memref<96x128xf32, #tpu.memory_space<vmem_shared>>
      tpu.enqueue_dma source(%arg13 : memref<96x128xf32, #tpu.memory_space<vmem>>) target(%dma_start3A_94 : memref<96x128xf32, #tpu.memory_space<vmem_shared>>) target_semaphore(%run_scoped3A_90 : memref<!tpu.dma_semaphore, #tpu.memory_space<semaphore_mem>>)
      %dma_wait3A_95 = arith.constant 0 : i32
      %dma_wait3A_96 = tpu.memref_slice %arg14[%add3A_4, %dma_wait3A_95] : memref<6144x128xf32, #tpu.memory_space<vmem_shared>> -> memref<96x128xf32, #tpu.memory_space<vmem_shared>>
      %dma_wait3A_97 = arith.constant 0 : i32
      %dma_wait3A_98 = tpu.memref_slice %arg14[%add3A_4, %dma_wait3A_97] : memref<6144x128xf32, #tpu.memory_space<vmem_shared>> -> memref<96x128xf32, #tpu.memory_space<vmem_shared>>
      tpu.wait_dma2 semaphore(%run_scoped3A_90 : memref<!tpu.dma_semaphore, #tpu.memory_space<semaphore_mem>>) src(%arg13 : memref<96x128xf32, #tpu.memory_space<vmem>>) dst(%dma_wait3A_98 : memref<96x128xf32, #tpu.memory_space<vmem_shared>>)
      tpu.yield
    }) : () -> ()
    %mul3A_5 = arith.constant 384 : i32
    %mul3A_6 = arith.muli %arg1, %mul3A_5 : i32
    %add3A_7 = arith.constant 96 : i32
    %add3A_8 = arith.addi %mul3A_6, %add3A_7 : i32
    "tpu.region"() ({
      %run_scoped3A_90 = tpu.sem_alloc : memref<!tpu.dma_semaphore, #tpu.memory_space<semaphore_mem>>
      %dma_start3A_91 = arith.constant 0 : i32
      %dma_start3A_92 = tpu.memref_slice %arg14[%add3A_8, %dma_start3A_91] : memref<6144x128xf32, #tpu.memory_space<vmem_shared>> -> memref<96x128xf32, #tpu.memory_space<vmem_shared>>
      %dma_start3A_93 = arith.constant 0 : i32
      %dma_start3A_94 = tpu.memref_slice %arg14[%add3A_8, %dma_start3A_93] : memref<6144x128xf32, #tpu.memory_space<vmem_shared>> -> memref<96x128xf32, #tpu.memory_space<vmem_shared>>
      tpu.enqueue_dma source(%arg13 : memref<96x128xf32, #tpu.memory_space<vmem>>) target(%dma_start3A_94 : memref<96x128xf32, #tpu.memory_space<vmem_shared>>) target_semaphore(%run_scoped3A_90 : memref<!tpu.dma_semaphore, #tpu.memory_space<semaphore_mem>>)
      %dma_wait3A_95 = arith.constant 0 : i32
      %dma_wait3A_96 = tpu.memref_slice %arg14[%add3A_8, %dma_wait3A_95] : memref<6144x128xf32, #tpu.memory_space<vmem_shared>> -> memref<96x128xf32, #tpu.memory_space<vmem_shared>>
      %dma_wait3A_97 = arith.constant 0 : i32
      %dma_wait3A_98 = tpu.memref_slice %arg14[%add3A_8, %dma_wait3A_97] : memref<6144x128xf32, #tpu.memory_space<vmem_shared>> -> memref<96x128xf32, #tpu.memory_space<vmem_shared>>
      tpu.wait_dma2 semaphore(%run_scoped3A_90 : memref<!tpu.dma_semaphore, #tpu.memory_space<semaphore_mem>>) src(%arg13 : memref<96x128xf32, #tpu.memory_space<vmem>>) dst(%dma_wait3A_98 : memref<96x128xf32, #tpu.memory_space<vmem_shared>>)
      tpu.yield
    }) : () -> ()
    %mul3A_9 = arith.constant 384 : i32
    %mul3A_10 = arith.muli %arg1, %mul3A_9 : i32
    %add3A_11 = arith.constant 192 : i32
    %add3A_12 = arith.addi %mul3A_10, %add3A_11 : i32
    "tpu.region"() ({
      %run_scoped3A_90 = tpu.sem_alloc : memref<!tpu.dma_semaphore, #tpu.memory_space<semaphore_mem>>
      %dma_start3A_91 = arith.constant 0 : i32
      %dma_start3A_92 = tpu.memref_slice %arg14[%add3A_12, %dma_start3A_91] : memref<6144x128xf32, #tpu.memory_space<vmem_shared>> -> memref<96x128xf32, #tpu.memory_space<vmem_shared>>
      %dma_start3A_93 = arith.constant 0 : i32
      %dma_start3A_94 = tpu.memref_slice %arg14[%add3A_12, %dma_start3A_93] : memref<6144x128xf32, #tpu.memory_space<vmem_shared>> -> memref<96x128xf32, #tpu.memory_space<vmem_shared>>
      tpu.enqueue_dma source(%arg13 : memref<96x128xf32, #tpu.memory_space<vmem>>) target(%dma_start3A_94 : memref<96x128xf32, #tpu.memory_space<vmem_shared>>) target_semaphore(%run_scoped3A_90 : memref<!tpu.dma_semaphore, #tpu.memory_space<semaphore_mem>>)
      %dma_wait3A_95 = arith.constant 0 : i32
      %dma_wait3A_96 = tpu.memref_slice %arg14[%add3A_12, %dma_wait3A_95] : memref<6144x128xf32, #tpu.memory_space<vmem_shared>> -> memref<96x128xf32, #tpu.memory_space<vmem_shared>>
      %dma_wait3A_97 = arith.constant 0 : i32
      %dma_wait3A_98 = tpu.memref_slice %arg14[%add3A_12, %dma_wait3A_97] : memref<6144x128xf32, #tpu.memory_space<vmem_shared>> -> memref<96x128xf32, #tpu.memory_space<vmem_shared>>
      tpu.wait_dma2 semaphore(%run_scoped3A_90 : memref<!tpu.dma_semaphore, #tpu.memory_space<semaphore_mem>>) src(%arg13 : memref<96x128xf32, #tpu.memory_space<vmem>>) dst(%dma_wait3A_98 : memref<96x128xf32, #tpu.memory_space<vmem_shared>>)
      tpu.yield
    }) : () -> ()
    %mul3A_13 = arith.constant 384 : i32
    %mul3A_14 = arith.muli %arg1, %mul3A_13 : i32
    %add3A_15 = arith.constant 288 : i32
    %add3A_16 = arith.addi %mul3A_14, %add3A_15 : i32
    "tpu.region"() ({
      %run_scoped3A_90 = tpu.sem_alloc : memref<!tpu.dma_semaphore, #tpu.memory_space<semaphore_mem>>
      %dma_start3A_91 = arith.constant 0 : i32
      %dma_start3A_92 = tpu.memref_slice %arg14[%add3A_16, %dma_start3A_91] : memref<6144x128xf32, #tpu.memory_space<vmem_shared>> -> memref<96x128xf32, #tpu.memory_space<vmem_shared>>
      %dma_start3A_93 = arith.constant 0 : i32
      %dma_start3A_94 = tpu.memref_slice %arg14[%add3A_16, %dma_start3A_93] : memref<6144x128xf32, #tpu.memory_space<vmem_shared>> -> memref<96x128xf32, #tpu.memory_space<vmem_shared>>
      tpu.enqueue_dma source(%arg13 : memref<96x128xf32, #tpu.memory_space<vmem>>) target(%dma_start3A_94 : memref<96x128xf32, #tpu.memory_space<vmem_shared>>) target_semaphore(%run_scoped3A_90 : memref<!tpu.dma_semaphore, #tpu.memory_space<semaphore_mem>>)
      %dma_wait3A_95 = arith.constant 0 : i32
      %dma_wait3A_96 = tpu.memref_slice %arg14[%add3A_16, %dma_wait3A_95] : memref<6144x128xf32, #tpu.memory_space<vmem_shared>> -> memref<96x128xf32, #tpu.memory_space<vmem_shared>>
      %dma_wait3A_97 = arith.constant 0 : i32
      %dma_wait3A_98 = tpu.memref_slice %arg14[%add3A_16, %dma_wait3A_97] : memref<6144x128xf32, #tpu.memory_space<vmem_shared>> -> memref<96x128xf32, #tpu.memory_space<vmem_shared>>
      tpu.wait_dma2 semaphore(%run_scoped3A_90 : memref<!tpu.dma_semaphore, #tpu.memory_space<semaphore_mem>>) src(%arg13 : memref<96x128xf32, #tpu.memory_space<vmem>>) dst(%dma_wait3A_98 : memref<96x128xf32, #tpu.memory_space<vmem_shared>>)
      tpu.yield
    }) : () -> ()
    %barrier3A = arith.constant 0 : index
    tpu.barrier barrier_id(%barrier3A)
    %run_scoped3A = arith.constant 0 : i32
    "tpu.region"() ({
      %run_scoped3A_90 = tpu.sem_alloc : memref<!tpu.dma_semaphore, #tpu.memory_space<semaphore_mem>>
      %dma_start3A_91 = arith.constant 0 : i32
      %dma_start3A_92 = tpu.memref_slice %arg3[%add3A, %run_scoped3A, %dma_start3A_91] : memref<32x125x80xi32, #tpu.memory_space<hbm>> -> memref<1x1x80xi32, #tpu.memory_space<hbm>>
      %dma_start3A_93 = tpu.memref_squeeze %dma_start3A_92 : memref<1x1x80xi32, #tpu.memory_space<hbm>> -> memref<80xi32, #tpu.memory_space<hbm>>
      %dma_start3A_94 = arith.constant 0 : i32
      %dma_start3A_95 = tpu.memref_slice %arg3[%add3A, %run_scoped3A, %dma_start3A_94] : memref<32x125x80xi32, #tpu.memory_space<hbm>> -> memref<1x1x80xi32, #tpu.memory_space<hbm>>
      %dma_start3A_96 = tpu.memref_squeeze %dma_start3A_95 : memref<1x1x80xi32, #tpu.memory_space<hbm>> -> memref<80xi32, #tpu.memory_space<hbm>>
      tpu.enqueue_dma source(%dma_start3A_96 : memref<80xi32, #tpu.memory_space<hbm>>) target(%arg7 : memref<80xi32, #tpu.memory_space<vmem>>) target_semaphore(%run_scoped3A_90 : memref<!tpu.dma_semaphore, #tpu.memory_space<semaphore_mem>>)
      %dma_wait3A_97 = arith.constant 0 : i32
      %dma_wait3A_98 = tpu.memref_slice %arg3[%add3A, %run_scoped3A, %dma_wait3A_97] : memref<32x125x80xi32, #tpu.memory_space<hbm>> -> memref<1x1x80xi32, #tpu.memory_space<hbm>>
      %dma_wait3A_99 = tpu.memref_squeeze %dma_wait3A_98 : memref<1x1x80xi32, #tpu.memory_space<hbm>> -> memref<80xi32, #tpu.memory_space<hbm>>
      %dma_wait3A_100 = arith.constant 0 : i32
      %dma_wait3A_101 = tpu.memref_slice %arg3[%add3A, %run_scoped3A, %dma_wait3A_100] : memref<32x125x80xi32, #tpu.memory_space<hbm>> -> memref<1x1x80xi32, #tpu.memory_space<hbm>>
      %dma_wait3A_102 = tpu.memref_squeeze %dma_wait3A_101 : memref<1x1x80xi32, #tpu.memory_space<hbm>> -> memref<80xi32, #tpu.memory_space<hbm>>
      tpu.wait_dma2 semaphore(%run_scoped3A_90 : memref<!tpu.dma_semaphore, #tpu.memory_space<semaphore_mem>>) src(%dma_wait3A_102 : memref<80xi32, #tpu.memory_space<hbm>>) dst(%arg7 : memref<80xi32, #tpu.memory_space<vmem>>)
      tpu.yield
    }) : () -> ()
    %run_scoped3A_17 = arith.constant 0 : i32
    %run_scoped3A_18 = arith.constant 0 : i32
    "tpu.region"() ({
      %run_scoped3A_90 = tpu.sem_alloc : memref<!tpu.dma_semaphore, #tpu.memory_space<semaphore_mem>>
      %dma_start3A_91 = arith.constant 0 : i32
      %dma_start3A_92 = tpu.memref_slice %arg4[%run_scoped3A_17, %add3A, %run_scoped3A_18, %dma_start3A_91] : memref<2x32x125x80xi32, #tpu.memory_space<hbm>> -> memref<1x1x1x80xi32, #tpu.memory_space<hbm>>
      %dma_start3A_93 = tpu.memref_squeeze %dma_start3A_92 : memref<1x1x1x80xi32, #tpu.memory_space<hbm>> -> memref<80xi32, #tpu.memory_space<hbm>>
      %dma_start3A_94 = arith.constant 0 : i32
      %dma_start3A_95 = tpu.memref_slice %arg4[%run_scoped3A_17, %add3A, %run_scoped3A_18, %dma_start3A_94] : memref<2x32x125x80xi32, #tpu.memory_space<hbm>> -> memref<1x1x1x80xi32, #tpu.memory_space<hbm>>
      %dma_start3A_96 = tpu.memref_squeeze %dma_start3A_95 : memref<1x1x1x80xi32, #tpu.memory_space<hbm>> -> memref<80xi32, #tpu.memory_space<hbm>>
      tpu.enqueue_dma source(%dma_start3A_96 : memref<80xi32, #tpu.memory_space<hbm>>) target(%arg9 : memref<80xi32, #tpu.memory_space<vmem>>) target_semaphore(%run_scoped3A_90 : memref<!tpu.dma_semaphore, #tpu.memory_space<semaphore_mem>>)
      %dma_wait3A_97 = arith.constant 0 : i32
      %dma_wait3A_98 = tpu.memref_slice %arg4[%run_scoped3A_17, %add3A, %run_scoped3A_18, %dma_wait3A_97] : memref<2x32x125x80xi32, #tpu.memory_space<hbm>> -> memref<1x1x1x80xi32, #tpu.memory_space<hbm>>
      %dma_wait3A_99 = tpu.memref_squeeze %dma_wait3A_98 : memref<1x1x1x80xi32, #tpu.memory_space<hbm>> -> memref<80xi32, #tpu.memory_space<hbm>>
      %dma_wait3A_100 = arith.constant 0 : i32
      %dma_wait3A_101 = tpu.memref_slice %arg4[%run_scoped3A_17, %add3A, %run_scoped3A_18, %dma_wait3A_100] : memref<2x32x125x80xi32, #tpu.memory_space<hbm>> -> memref<1x1x1x80xi32, #tpu.memory_space<hbm>>
      %dma_wait3A_102 = tpu.memref_squeeze %dma_wait3A_101 : memref<1x1x1x80xi32, #tpu.memory_space<hbm>> -> memref<80xi32, #tpu.memory_space<hbm>>
      tpu.wait_dma2 semaphore(%run_scoped3A_90 : memref<!tpu.dma_semaphore, #tpu.memory_space<semaphore_mem>>) src(%dma_wait3A_102 : memref<80xi32, #tpu.memory_space<hbm>>) dst(%arg9 : memref<80xi32, #tpu.memory_space<vmem>>)
      tpu.yield
    }) : () -> ()
    %dma_start3A = arith.constant 0 : i32
    %dma_start3A_19 = arith.constant 0 : i32
    %dma_start3A_20 = tpu.memref_slice %arg2[%dma_start3A, %dma_start3A_19] : memref<10240x128xf32, #tpu.memory_space<hbm>> -> memref<10240x128xf32, #tpu.memory_space<hbm>>
    tpu.enqueue_indirect_dma source(%dma_start3A_20 : memref<10240x128xf32, #tpu.memory_space<hbm>>) target(%arg11 : memref<80x128xf32, #tpu.memory_space<vmem>>) offsets(%arg7 : memref<80xi32, #tpu.memory_space<vmem>>) semaphore(%arg15 : memref<!tpu.dma_semaphore, #tpu.memory_space<semaphore_mem>>)
    %run_scoped3A_21 = arith.constant 1 : i32
    "tpu.region"() ({
      %run_scoped3A_90 = tpu.sem_alloc : memref<!tpu.dma_semaphore, #tpu.memory_space<semaphore_mem>>
      %dma_start3A_91 = arith.constant 0 : i32
      %dma_start3A_92 = tpu.memref_slice %arg3[%add3A, %run_scoped3A_21, %dma_start3A_91] : memref<32x125x80xi32, #tpu.memory_space<hbm>> -> memref<1x1x80xi32, #tpu.memory_space<hbm>>
      %dma_start3A_93 = tpu.memref_squeeze %dma_start3A_92 : memref<1x1x80xi32, #tpu.memory_space<hbm>> -> memref<80xi32, #tpu.memory_space<hbm>>
      %dma_start3A_94 = arith.constant 0 : i32
      %dma_start3A_95 = tpu.memref_slice %arg3[%add3A, %run_scoped3A_21, %dma_start3A_94] : memref<32x125x80xi32, #tpu.memory_space<hbm>> -> memref<1x1x80xi32, #tpu.memory_space<hbm>>
      %dma_start3A_96 = tpu.memref_squeeze %dma_start3A_95 : memref<1x1x80xi32, #tpu.memory_space<hbm>> -> memref<80xi32, #tpu.memory_space<hbm>>
      tpu.enqueue_dma source(%dma_start3A_96 : memref<80xi32, #tpu.memory_space<hbm>>) target(%arg8 : memref<80xi32, #tpu.memory_space<vmem>>) target_semaphore(%run_scoped3A_90 : memref<!tpu.dma_semaphore, #tpu.memory_space<semaphore_mem>>)
      %dma_wait3A_97 = arith.constant 0 : i32
      %dma_wait3A_98 = tpu.memref_slice %arg3[%add3A, %run_scoped3A_21, %dma_wait3A_97] : memref<32x125x80xi32, #tpu.memory_space<hbm>> -> memref<1x1x80xi32, #tpu.memory_space<hbm>>
      %dma_wait3A_99 = tpu.memref_squeeze %dma_wait3A_98 : memref<1x1x80xi32, #tpu.memory_space<hbm>> -> memref<80xi32, #tpu.memory_space<hbm>>
      %dma_wait3A_100 = arith.constant 0 : i32
      %dma_wait3A_101 = tpu.memref_slice %arg3[%add3A, %run_scoped3A_21, %dma_wait3A_100] : memref<32x125x80xi32, #tpu.memory_space<hbm>> -> memref<1x1x80xi32, #tpu.memory_space<hbm>>
      %dma_wait3A_102 = tpu.memref_squeeze %dma_wait3A_101 : memref<1x1x80xi32, #tpu.memory_space<hbm>> -> memref<80xi32, #tpu.memory_space<hbm>>
      tpu.wait_dma2 semaphore(%run_scoped3A_90 : memref<!tpu.dma_semaphore, #tpu.memory_space<semaphore_mem>>) src(%dma_wait3A_102 : memref<80xi32, #tpu.memory_space<hbm>>) dst(%arg8 : memref<80xi32, #tpu.memory_space<vmem>>)
      tpu.yield
    }) : () -> ()
    %run_scoped3A_22 = arith.constant 0 : i32
    %run_scoped3A_23 = arith.constant 1 : i32
    "tpu.region"() ({
      %run_scoped3A_90 = tpu.sem_alloc : memref<!tpu.dma_semaphore, #tpu.memory_space<semaphore_mem>>
      %dma_start3A_91 = arith.constant 0 : i32
      %dma_start3A_92 = tpu.memref_slice %arg4[%run_scoped3A_22, %add3A, %run_scoped3A_23, %dma_start3A_91] : memref<2x32x125x80xi32, #tpu.memory_space<hbm>> -> memref<1x1x1x80xi32, #tpu.memory_space<hbm>>
      %dma_start3A_93 = tpu.memref_squeeze %dma_start3A_92 : memref<1x1x1x80xi32, #tpu.memory_space<hbm>> -> memref<80xi32, #tpu.memory_space<hbm>>
      %dma_start3A_94 = arith.constant 0 : i32
      %dma_start3A_95 = tpu.memref_slice %arg4[%run_scoped3A_22, %add3A, %run_scoped3A_23, %dma_start3A_94] : memref<2x32x125x80xi32, #tpu.memory_space<hbm>> -> memref<1x1x1x80xi32, #tpu.memory_space<hbm>>
      %dma_start3A_96 = tpu.memref_squeeze %dma_start3A_95 : memref<1x1x1x80xi32, #tpu.memory_space<hbm>> -> memref<80xi32, #tpu.memory_space<hbm>>
      tpu.enqueue_dma source(%dma_start3A_96 : memref<80xi32, #tpu.memory_space<hbm>>) target(%arg10 : memref<80xi32, #tpu.memory_space<vmem>>) target_semaphore(%run_scoped3A_90 : memref<!tpu.dma_semaphore, #tpu.memory_space<semaphore_mem>>)
      %dma_wait3A_97 = arith.constant 0 : i32
      %dma_wait3A_98 = tpu.memref_slice %arg4[%run_scoped3A_22, %add3A, %run_scoped3A_23, %dma_wait3A_97] : memref<2x32x125x80xi32, #tpu.memory_space<hbm>> -> memref<1x1x1x80xi32, #tpu.memory_space<hbm>>
      %dma_wait3A_99 = tpu.memref_squeeze %dma_wait3A_98 : memref<1x1x1x80xi32, #tpu.memory_space<hbm>> -> memref<80xi32, #tpu.memory_space<hbm>>
      %dma_wait3A_100 = arith.constant 0 : i32
      %dma_wait3A_101 = tpu.memref_slice %arg4[%run_scoped3A_22, %add3A, %run_scoped3A_23, %dma_wait3A_100] : memref<2x32x125x80xi32, #tpu.memory_space<hbm>> -> memref<1x1x1x80xi32, #tpu.memory_space<hbm>>
      %dma_wait3A_102 = tpu.memref_squeeze %dma_wait3A_101 : memref<1x1x1x80xi32, #tpu.memory_space<hbm>> -> memref<80xi32, #tpu.memory_space<hbm>>
      tpu.wait_dma2 semaphore(%run_scoped3A_90 : memref<!tpu.dma_semaphore, #tpu.memory_space<semaphore_mem>>) src(%dma_wait3A_102 : memref<80xi32, #tpu.memory_space<hbm>>) dst(%arg10 : memref<80xi32, #tpu.memory_space<vmem>>)
      tpu.yield
    }) : () -> ()
    %dma_start3A_24 = arith.constant 0 : i32
    %dma_start3A_25 = arith.constant 0 : i32
    %dma_start3A_26 = tpu.memref_slice %arg2[%dma_start3A_24, %dma_start3A_25] : memref<10240x128xf32, #tpu.memory_space<hbm>> -> memref<10240x128xf32, #tpu.memory_space<hbm>>
    tpu.enqueue_indirect_dma source(%dma_start3A_26 : memref<10240x128xf32, #tpu.memory_space<hbm>>) target(%arg12 : memref<80x128xf32, #tpu.memory_space<vmem>>) offsets(%arg8 : memref<80xi32, #tpu.memory_space<vmem>>) semaphore(%arg16 : memref<!tpu.dma_semaphore, #tpu.memory_space<semaphore_mem>>)
    %scan3A = arith.constant 0 : i32
    %scan3A_27 = arith.constant 0 : i32
    %scan3A_28 = arith.constant 63 : i32
    %scan3A_29 = arith.addi %scan3A_27, %scan3A_28 : i32
    %scan3A_30 = arith.constant 1 : i32
    scf.for %scan3A_90 = %scan3A_27 to %scan3A_29 step %scan3A_30  : i32 {
      %mul3A_91 = arith.constant 2 : i32
      %mul3A_92 = arith.muli %mul3A_91, %scan3A_90 : i32
      %dma_wait3A_93 = arith.constant 0 : i32
      %dma_wait3A_94 = arith.constant 0 : i32
      %dma_wait3A_95 = tpu.memref_slice %arg2[%dma_wait3A_93, %dma_wait3A_94] : memref<10240x128xf32, #tpu.memory_space<hbm>> -> memref<10240x128xf32, #tpu.memory_space<hbm>>
      tpu.wait_indirect_dma semaphore(%arg15 : memref<!tpu.dma_semaphore, #tpu.memory_space<semaphore_mem>>) src(%dma_wait3A_95 : memref<10240x128xf32, #tpu.memory_space<hbm>>) dst(%arg11 : memref<80x128xf32, #tpu.memory_space<vmem>>)
      %dma_start3A_96 = arith.constant 0 : i32
      %dma_start3A_97 = arith.constant 0 : i32
      %dma_start3A_98 = tpu.memref_slice %arg14[%dma_start3A_96, %dma_start3A_97] : memref<6144x128xf32, #tpu.memory_space<vmem_shared>> -> memref<6144x128xf32, #tpu.memory_space<vmem_shared>>
      tpu.enqueue_indirect_dma source(%arg11 : memref<80x128xf32, #tpu.memory_space<vmem>>) target(%dma_start3A_98 : memref<6144x128xf32, #tpu.memory_space<vmem_shared>>) offsets(%arg9 : memref<80xi32, #tpu.memory_space<vmem>>) semaphore(%arg17 : memref<!tpu.dma_semaphore, #tpu.memory_space<semaphore_mem>>) {add = true}
      %add3A_99 = arith.constant 2 : i32
      %add3A_100 = arith.addi %mul3A_92, %add3A_99 : i32
      %lt3A = arith.constant 125 : i32
      %lt3A_101 = arith.cmpi slt, %add3A_100, %lt3A : i32
      %convert_element_type3A = arith.extui %lt3A_101 : i1 to i32
      %cond3A = arith.constant 0 : i32
      %cond3A_102 = arith.cmpi ne, %convert_element_type3A, %cond3A : i32
      scf.if %cond3A_102 {
        %dma_wait3A_112 = arith.constant 0 : i32
        %dma_wait3A_113 = arith.constant 0 : i32
        %dma_wait3A_114 = tpu.memref_slice %arg14[%dma_wait3A_112, %dma_wait3A_113] : memref<6144x128xf32, #tpu.memory_space<vmem_shared>> -> memref<6144x128xf32, #tpu.memory_space<vmem_shared>>
        tpu.wait_indirect_dma semaphore(%arg17 : memref<!tpu.dma_semaphore, #tpu.memory_space<semaphore_mem>>) src(%arg11 : memref<80x128xf32, #tpu.memory_space<vmem>>) dst(%dma_wait3A_114 : memref<6144x128xf32, #tpu.memory_space<vmem_shared>>)
        %add3A_115 = arith.constant 2 : i32
        %add3A_116 = arith.addi %mul3A_92, %add3A_115 : i32
        "tpu.region"() ({
          %run_scoped3A_123 = tpu.sem_alloc : memref<!tpu.dma_semaphore, #tpu.memory_space<semaphore_mem>>
          %dma_start3A_124 = arith.constant 0 : i32
          %dma_start3A_125 = tpu.memref_slice %arg3[%add3A, %add3A_116, %dma_start3A_124] : memref<32x125x80xi32, #tpu.memory_space<hbm>> -> memref<1x1x80xi32, #tpu.memory_space<hbm>>
          %dma_start3A_126 = tpu.memref_squeeze %dma_start3A_125 : memref<1x1x80xi32, #tpu.memory_space<hbm>> -> memref<80xi32, #tpu.memory_space<hbm>>
          %dma_start3A_127 = arith.constant 0 : i32
          %dma_start3A_128 = tpu.memref_slice %arg3[%add3A, %add3A_116, %dma_start3A_127] : memref<32x125x80xi32, #tpu.memory_space<hbm>> -> memref<1x1x80xi32, #tpu.memory_space<hbm>>
          %dma_start3A_129 = tpu.memref_squeeze %dma_start3A_128 : memref<1x1x80xi32, #tpu.memory_space<hbm>> -> memref<80xi32, #tpu.memory_space<hbm>>
          tpu.enqueue_dma source(%dma_start3A_129 : memref<80xi32, #tpu.memory_space<hbm>>) target(%arg7 : memref<80xi32, #tpu.memory_space<vmem>>) target_semaphore(%run_scoped3A_123 : memref<!tpu.dma_semaphore, #tpu.memory_space<semaphore_mem>>)
          %dma_wait3A_130 = arith.constant 0 : i32
          %dma_wait3A_131 = tpu.memref_slice %arg3[%add3A, %add3A_116, %dma_wait3A_130] : memref<32x125x80xi32, #tpu.memory_space<hbm>> -> memref<1x1x80xi32, #tpu.memory_space<hbm>>
          %dma_wait3A_132 = tpu.memref_squeeze %dma_wait3A_131 : memref<1x1x80xi32, #tpu.memory_space<hbm>> -> memref<80xi32, #tpu.memory_space<hbm>>
          %dma_wait3A_133 = arith.constant 0 : i32
          %dma_wait3A_134 = tpu.memref_slice %arg3[%add3A, %add3A_116, %dma_wait3A_133] : memref<32x125x80xi32, #tpu.memory_space<hbm>> -> memref<1x1x80xi32, #tpu.memory_space<hbm>>
          %dma_wait3A_135 = tpu.memref_squeeze %dma_wait3A_134 : memref<1x1x80xi32, #tpu.memory_space<hbm>> -> memref<80xi32, #tpu.memory_space<hbm>>
          tpu.wait_dma2 semaphore(%run_scoped3A_123 : memref<!tpu.dma_semaphore, #tpu.memory_space<semaphore_mem>>) src(%dma_wait3A_135 : memref<80xi32, #tpu.memory_space<hbm>>) dst(%arg7 : memref<80xi32, #tpu.memory_space<vmem>>)
          tpu.yield
        }) : () -> ()
        %add3A_117 = arith.constant 2 : i32
        %add3A_118 = arith.addi %mul3A_92, %add3A_117 : i32
        %run_scoped3A_119 = arith.constant 0 : i32
        "tpu.region"() ({
          %run_scoped3A_123 = tpu.sem_alloc : memref<!tpu.dma_semaphore, #tpu.memory_space<semaphore_mem>>
          %dma_start3A_124 = arith.constant 0 : i32
          %dma_start3A_125 = tpu.memref_slice %arg4[%run_scoped3A_119, %add3A, %add3A_118, %dma_start3A_124] : memref<2x32x125x80xi32, #tpu.memory_space<hbm>> -> memref<1x1x1x80xi32, #tpu.memory_space<hbm>>
          %dma_start3A_126 = tpu.memref_squeeze %dma_start3A_125 : memref<1x1x1x80xi32, #tpu.memory_space<hbm>> -> memref<80xi32, #tpu.memory_space<hbm>>
          %dma_start3A_127 = arith.constant 0 : i32
          %dma_start3A_128 = tpu.memref_slice %arg4[%run_scoped3A_119, %add3A, %add3A_118, %dma_start3A_127] : memref<2x32x125x80xi32, #tpu.memory_space<hbm>> -> memref<1x1x1x80xi32, #tpu.memory_space<hbm>>
          %dma_start3A_129 = tpu.memref_squeeze %dma_start3A_128 : memref<1x1x1x80xi32, #tpu.memory_space<hbm>> -> memref<80xi32, #tpu.memory_space<hbm>>
          tpu.enqueue_dma source(%dma_start3A_129 : memref<80xi32, #tpu.memory_space<hbm>>) target(%arg9 : memref<80xi32, #tpu.memory_space<vmem>>) target_semaphore(%run_scoped3A_123 : memref<!tpu.dma_semaphore, #tpu.memory_space<semaphore_mem>>)
          %dma_wait3A_130 = arith.constant 0 : i32
          %dma_wait3A_131 = tpu.memref_slice %arg4[%run_scoped3A_119, %add3A, %add3A_118, %dma_wait3A_130] : memref<2x32x125x80xi32, #tpu.memory_space<hbm>> -> memref<1x1x1x80xi32, #tpu.memory_space<hbm>>
          %dma_wait3A_132 = tpu.memref_squeeze %dma_wait3A_131 : memref<1x1x1x80xi32, #tpu.memory_space<hbm>> -> memref<80xi32, #tpu.memory_space<hbm>>
          %dma_wait3A_133 = arith.constant 0 : i32
          %dma_wait3A_134 = tpu.memref_slice %arg4[%run_scoped3A_119, %add3A, %add3A_118, %dma_wait3A_133] : memref<2x32x125x80xi32, #tpu.memory_space<hbm>> -> memref<1x1x1x80xi32, #tpu.memory_space<hbm>>
          %dma_wait3A_135 = tpu.memref_squeeze %dma_wait3A_134 : memref<1x1x1x80xi32, #tpu.memory_space<hbm>> -> memref<80xi32, #tpu.memory_space<hbm>>
          tpu.wait_dma2 semaphore(%run_scoped3A_123 : memref<!tpu.dma_semaphore, #tpu.memory_space<semaphore_mem>>) src(%dma_wait3A_135 : memref<80xi32, #tpu.memory_space<hbm>>) dst(%arg9 : memref<80xi32, #tpu.memory_space<vmem>>)
          tpu.yield
        }) : () -> ()
        %dma_start3A_120 = arith.constant 0 : i32
        %dma_start3A_121 = arith.constant 0 : i32
        %dma_start3A_122 = tpu.memref_slice %arg2[%dma_start3A_120, %dma_start3A_121] : memref<10240x128xf32, #tpu.memory_space<hbm>> -> memref<10240x128xf32, #tpu.memory_space<hbm>>
        tpu.enqueue_indirect_dma source(%dma_start3A_122 : memref<10240x128xf32, #tpu.memory_space<hbm>>) target(%arg11 : memref<80x128xf32, #tpu.memory_space<vmem>>) offsets(%arg7 : memref<80xi32, #tpu.memory_space<vmem>>) semaphore(%arg15 : memref<!tpu.dma_semaphore, #tpu.memory_space<semaphore_mem>>)
      } else {
      }
      %mul3A_103 = arith.constant 2 : i32
      %mul3A_104 = arith.muli %mul3A_103, %scan3A_90 : i32
      %add3A_105 = arith.constant 1 : i32
      %add3A_106 = arith.addi %mul3A_104, %add3A_105 : i32
      %lt3A_107 = arith.constant 125 : i32
      %lt3A_108 = arith.cmpi slt, %add3A_106, %lt3A_107 : i32
      %convert_element_type3A_109 = arith.extui %lt3A_108 : i1 to i32
      %cond3A_110 = arith.constant 0 : i32
      %cond3A_111 = arith.cmpi ne, %convert_element_type3A_109, %cond3A_110 : i32
      scf.if %cond3A_111 {
        %mul3A_112 = arith.constant 2 : i32
        %mul3A_113 = arith.muli %mul3A_112, %scan3A_90 : i32
        %add3A_114 = arith.constant 1 : i32
        %add3A_115 = arith.addi %mul3A_113, %add3A_114 : i32
        %dma_wait3A_116 = arith.constant 0 : i32
        %dma_wait3A_117 = arith.constant 0 : i32
        %dma_wait3A_118 = tpu.memref_slice %arg2[%dma_wait3A_116, %dma_wait3A_117] : memref<10240x128xf32, #tpu.memory_space<hbm>> -> memref<10240x128xf32, #tpu.memory_space<hbm>>
        tpu.wait_indirect_dma semaphore(%arg16 : memref<!tpu.dma_semaphore, #tpu.memory_space<semaphore_mem>>) src(%dma_wait3A_118 : memref<10240x128xf32, #tpu.memory_space<hbm>>) dst(%arg12 : memref<80x128xf32, #tpu.memory_space<vmem>>)
        %dma_start3A_119 = arith.constant 0 : i32
        %dma_start3A_120 = arith.constant 0 : i32
        %dma_start3A_121 = tpu.memref_slice %arg14[%dma_start3A_119, %dma_start3A_120] : memref<6144x128xf32, #tpu.memory_space<vmem_shared>> -> memref<6144x128xf32, #tpu.memory_space<vmem_shared>>
        tpu.enqueue_indirect_dma source(%arg12 : memref<80x128xf32, #tpu.memory_space<vmem>>) target(%dma_start3A_121 : memref<6144x128xf32, #tpu.memory_space<vmem_shared>>) offsets(%arg10 : memref<80xi32, #tpu.memory_space<vmem>>) semaphore(%arg18 : memref<!tpu.dma_semaphore, #tpu.memory_space<semaphore_mem>>) {add = true}
        %add3A_122 = arith.constant 2 : i32
        %add3A_123 = arith.addi %add3A_115, %add3A_122 : i32
        %lt3A_124 = arith.constant 125 : i32
        %lt3A_125 = arith.cmpi slt, %add3A_123, %lt3A_124 : i32
        %convert_element_type3A_126 = arith.extui %lt3A_125 : i1 to i32
        %cond3A_127 = arith.constant 0 : i32
        %cond3A_128 = arith.cmpi ne, %convert_element_type3A_126, %cond3A_127 : i32
        scf.if %cond3A_128 {
          %dma_wait3A_129 = arith.constant 0 : i32
          %dma_wait3A_130 = arith.constant 0 : i32
          %dma_wait3A_131 = tpu.memref_slice %arg14[%dma_wait3A_129, %dma_wait3A_130] : memref<6144x128xf32, #tpu.memory_space<vmem_shared>> -> memref<6144x128xf32, #tpu.memory_space<vmem_shared>>
          tpu.wait_indirect_dma semaphore(%arg18 : memref<!tpu.dma_semaphore, #tpu.memory_space<semaphore_mem>>) src(%arg12 : memref<80x128xf32, #tpu.memory_space<vmem>>) dst(%dma_wait3A_131 : memref<6144x128xf32, #tpu.memory_space<vmem_shared>>)
          %add3A_132 = arith.constant 2 : i32
          %add3A_133 = arith.addi %add3A_115, %add3A_132 : i32
          "tpu.region"() ({
            %run_scoped3A_140 = tpu.sem_alloc : memref<!tpu.dma_semaphore, #tpu.memory_space<semaphore_mem>>
            %dma_start3A_141 = arith.constant 0 : i32
            %dma_start3A_142 = tpu.memref_slice %arg3[%add3A, %add3A_133, %dma_start3A_141] : memref<32x125x80xi32, #tpu.memory_space<hbm>> -> memref<1x1x80xi32, #tpu.memory_space<hbm>>
            %dma_start3A_143 = tpu.memref_squeeze %dma_start3A_142 : memref<1x1x80xi32, #tpu.memory_space<hbm>> -> memref<80xi32, #tpu.memory_space<hbm>>
            %dma_start3A_144 = arith.constant 0 : i32
            %dma_start3A_145 = tpu.memref_slice %arg3[%add3A, %add3A_133, %dma_start3A_144] : memref<32x125x80xi32, #tpu.memory_space<hbm>> -> memref<1x1x80xi32, #tpu.memory_space<hbm>>
            %dma_start3A_146 = tpu.memref_squeeze %dma_start3A_145 : memref<1x1x80xi32, #tpu.memory_space<hbm>> -> memref<80xi32, #tpu.memory_space<hbm>>
            tpu.enqueue_dma source(%dma_start3A_146 : memref<80xi32, #tpu.memory_space<hbm>>) target(%arg8 : memref<80xi32, #tpu.memory_space<vmem>>) target_semaphore(%run_scoped3A_140 : memref<!tpu.dma_semaphore, #tpu.memory_space<semaphore_mem>>)
            %dma_wait3A_147 = arith.constant 0 : i32
            %dma_wait3A_148 = tpu.memref_slice %arg3[%add3A, %add3A_133, %dma_wait3A_147] : memref<32x125x80xi32, #tpu.memory_space<hbm>> -> memref<1x1x80xi32, #tpu.memory_space<hbm>>
            %dma_wait3A_149 = tpu.memref_squeeze %dma_wait3A_148 : memref<1x1x80xi32, #tpu.memory_space<hbm>> -> memref<80xi32, #tpu.memory_space<hbm>>
            %dma_wait3A_150 = arith.constant 0 : i32
            %dma_wait3A_151 = tpu.memref_slice %arg3[%add3A, %add3A_133, %dma_wait3A_150] : memref<32x125x80xi32, #tpu.memory_space<hbm>> -> memref<1x1x80xi32, #tpu.memory_space<hbm>>
            %dma_wait3A_152 = tpu.memref_squeeze %dma_wait3A_151 : memref<1x1x80xi32, #tpu.memory_space<hbm>> -> memref<80xi32, #tpu.memory_space<hbm>>
            tpu.wait_dma2 semaphore(%run_scoped3A_140 : memref<!tpu.dma_semaphore, #tpu.memory_space<semaphore_mem>>) src(%dma_wait3A_152 : memref<80xi32, #tpu.memory_space<hbm>>) dst(%arg8 : memref<80xi32, #tpu.memory_space<vmem>>)
            tpu.yield
          }) : () -> ()
          %add3A_134 = arith.constant 2 : i32
          %add3A_135 = arith.addi %add3A_115, %add3A_134 : i32
          %run_scoped3A_136 = arith.constant 0 : i32
          "tpu.region"() ({
            %run_scoped3A_140 = tpu.sem_alloc : memref<!tpu.dma_semaphore, #tpu.memory_space<semaphore_mem>>
            %dma_start3A_141 = arith.constant 0 : i32
            %dma_start3A_142 = tpu.memref_slice %arg4[%run_scoped3A_136, %add3A, %add3A_135, %dma_start3A_141] : memref<2x32x125x80xi32, #tpu.memory_space<hbm>> -> memref<1x1x1x80xi32, #tpu.memory_space<hbm>>
            %dma_start3A_143 = tpu.memref_squeeze %dma_start3A_142 : memref<1x1x1x80xi32, #tpu.memory_space<hbm>> -> memref<80xi32, #tpu.memory_space<hbm>>
            %dma_start3A_144 = arith.constant 0 : i32
            %dma_start3A_145 = tpu.memref_slice %arg4[%run_scoped3A_136, %add3A, %add3A_135, %dma_start3A_144] : memref<2x32x125x80xi32, #tpu.memory_space<hbm>> -> memref<1x1x1x80xi32, #tpu.memory_space<hbm>>
            %dma_start3A_146 = tpu.memref_squeeze %dma_start3A_145 : memref<1x1x1x80xi32, #tpu.memory_space<hbm>> -> memref<80xi32, #tpu.memory_space<hbm>>
            tpu.enqueue_dma source(%dma_start3A_146 : memref<80xi32, #tpu.memory_space<hbm>>) target(%arg10 : memref<80xi32, #tpu.memory_space<vmem>>) target_semaphore(%run_scoped3A_140 : memref<!tpu.dma_semaphore, #tpu.memory_space<semaphore_mem>>)
            %dma_wait3A_147 = arith.constant 0 : i32
            %dma_wait3A_148 = tpu.memref_slice %arg4[%run_scoped3A_136, %add3A, %add3A_135, %dma_wait3A_147] : memref<2x32x125x80xi32, #tpu.memory_space<hbm>> -> memref<1x1x1x80xi32, #tpu.memory_space<hbm>>
            %dma_wait3A_149 = tpu.memref_squeeze %dma_wait3A_148 : memref<1x1x1x80xi32, #tpu.memory_space<hbm>> -> memref<80xi32, #tpu.memory_space<hbm>>
            %dma_wait3A_150 = arith.constant 0 : i32
            %dma_wait3A_151 = tpu.memref_slice %arg4[%run_scoped3A_136, %add3A, %add3A_135, %dma_wait3A_150] : memref<2x32x125x80xi32, #tpu.memory_space<hbm>> -> memref<1x1x1x80xi32, #tpu.memory_space<hbm>>
            %dma_wait3A_152 = tpu.memref_squeeze %dma_wait3A_151 : memref<1x1x1x80xi32, #tpu.memory_space<hbm>> -> memref<80xi32, #tpu.memory_space<hbm>>
            tpu.wait_dma2 semaphore(%run_scoped3A_140 : memref<!tpu.dma_semaphore, #tpu.memory_space<semaphore_mem>>) src(%dma_wait3A_152 : memref<80xi32, #tpu.memory_space<hbm>>) dst(%arg10 : memref<80xi32, #tpu.memory_space<vmem>>)
            tpu.yield
          }) : () -> ()
          %dma_start3A_137 = arith.constant 0 : i32
          %dma_start3A_138 = arith.constant 0 : i32
          %dma_start3A_139 = tpu.memref_slice %arg2[%dma_start3A_137, %dma_start3A_138] : memref<10240x128xf32, #tpu.memory_space<hbm>> -> memref<10240x128xf32, #tpu.memory_space<hbm>>
          tpu.enqueue_indirect_dma source(%dma_start3A_139 : memref<10240x128xf32, #tpu.memory_space<hbm>>) target(%arg12 : memref<80x128xf32, #tpu.memory_space<vmem>>) offsets(%arg8 : memref<80xi32, #tpu.memory_space<vmem>>) semaphore(%arg16 : memref<!tpu.dma_semaphore, #tpu.memory_space<semaphore_mem>>)
        } else {
        }
      } else {
      }
    }
    %scan3A_31 = arith.constant 63 : i32
    %dma_wait3A = arith.constant 0 : i32
    %dma_wait3A_32 = arith.constant 0 : i32
    %dma_wait3A_33 = tpu.memref_slice %arg14[%dma_wait3A, %dma_wait3A_32] : memref<6144x128xf32, #tpu.memory_space<vmem_shared>> -> memref<6144x128xf32, #tpu.memory_space<vmem_shared>>
    tpu.wait_indirect_dma semaphore(%arg17 : memref<!tpu.dma_semaphore, #tpu.memory_space<semaphore_mem>>) src(%arg11 : memref<80x128xf32, #tpu.memory_space<vmem>>) dst(%dma_wait3A_33 : memref<6144x128xf32, #tpu.memory_space<vmem_shared>>)
    %dma_wait3A_34 = arith.constant 0 : i32
    %dma_wait3A_35 = arith.constant 0 : i32
    %dma_wait3A_36 = tpu.memref_slice %arg14[%dma_wait3A_34, %dma_wait3A_35] : memref<6144x128xf32, #tpu.memory_space<vmem_shared>> -> memref<6144x128xf32, #tpu.memory_space<vmem_shared>>
    tpu.wait_indirect_dma semaphore(%arg18 : memref<!tpu.dma_semaphore, #tpu.memory_space<semaphore_mem>>) src(%arg12 : memref<80x128xf32, #tpu.memory_space<vmem>>) dst(%dma_wait3A_36 : memref<6144x128xf32, #tpu.memory_space<vmem_shared>>)
    %barrier3A_37 = arith.constant 0 : index
    tpu.barrier barrier_id(%barrier3A_37)
    %mul3A_38 = arith.constant 384 : i32
    %mul3A_39 = arith.muli %arg1, %mul3A_38 : i32
    %mul3A_40 = arith.constant 384 : i32
    %mul3A_41 = arith.muli %arg1, %mul3A_40 : i32
    %run_scoped3A_42 = arith.constant 0 : i32
    "tpu.region"() ({
      %run_scoped3A_90 = tpu.sem_alloc : memref<!tpu.dma_semaphore, #tpu.memory_space<semaphore_mem>>
      %dma_start3A_91 = arith.constant 0 : i32
      %dma_start3A_92 = tpu.memref_slice %arg6[%arg0, %run_scoped3A_42, %mul3A_41, %dma_start3A_91] : memref<2x2x6144x128xf32, #tpu.memory_space<hbm>> -> memref<1x1x384x128xf32, #tpu.memory_space<hbm>>
      %dma_start3A_93 = tpu.memref_squeeze %dma_start3A_92 : memref<1x1x384x128xf32, #tpu.memory_space<hbm>> -> memref<384x128xf32, #tpu.memory_space<hbm>>
      %dma_start3A_94 = arith.constant 0 : i32
      %dma_start3A_95 = tpu.memref_slice %arg14[%mul3A_39, %dma_start3A_94] : memref<6144x128xf32, #tpu.memory_space<vmem_shared>> -> memref<384x128xf32, #tpu.memory_space<vmem_shared>>
      tpu.enqueue_dma source(%dma_start3A_95 : memref<384x128xf32, #tpu.memory_space<vmem_shared>>) target(%dma_start3A_93 : memref<384x128xf32, #tpu.memory_space<hbm>>) target_semaphore(%run_scoped3A_90 : memref<!tpu.dma_semaphore, #tpu.memory_space<semaphore_mem>>)
      %dma_wait3A_96 = arith.constant 0 : i32
      %dma_wait3A_97 = tpu.memref_slice %arg6[%arg0, %run_scoped3A_42, %mul3A_41, %dma_wait3A_96] : memref<2x2x6144x128xf32, #tpu.memory_space<hbm>> -> memref<1x1x384x128xf32, #tpu.memory_space<hbm>>
      %dma_wait3A_98 = tpu.memref_squeeze %dma_wait3A_97 : memref<1x1x384x128xf32, #tpu.memory_space<hbm>> -> memref<384x128xf32, #tpu.memory_space<hbm>>
      %dma_wait3A_99 = arith.constant 0 : i32
      %dma_wait3A_100 = tpu.memref_slice %arg14[%mul3A_39, %dma_wait3A_99] : memref<6144x128xf32, #tpu.memory_space<vmem_shared>> -> memref<384x128xf32, #tpu.memory_space<vmem_shared>>
      tpu.wait_dma2 semaphore(%run_scoped3A_90 : memref<!tpu.dma_semaphore, #tpu.memory_space<semaphore_mem>>) src(%dma_wait3A_100 : memref<384x128xf32, #tpu.memory_space<vmem_shared>>) dst(%dma_wait3A_98 : memref<384x128xf32, #tpu.memory_space<hbm>>)
      tpu.yield
    }) : () -> ()
    %mul3A_43 = arith.constant 384 : i32
    %mul3A_44 = arith.muli %arg1, %mul3A_43 : i32
    %add3A_45 = arith.constant 0 : i32
    %add3A_46 = arith.addi %mul3A_44, %add3A_45 : i32
    "tpu.region"() ({
      %run_scoped3A_90 = tpu.sem_alloc : memref<!tpu.dma_semaphore, #tpu.memory_space<semaphore_mem>>
      %dma_start3A_91 = arith.constant 0 : i32
      %dma_start3A_92 = tpu.memref_slice %arg14[%add3A_46, %dma_start3A_91] : memref<6144x128xf32, #tpu.memory_space<vmem_shared>> -> memref<96x128xf32, #tpu.memory_space<vmem_shared>>
      %dma_start3A_93 = arith.constant 0 : i32
      %dma_start3A_94 = tpu.memref_slice %arg14[%add3A_46, %dma_start3A_93] : memref<6144x128xf32, #tpu.memory_space<vmem_shared>> -> memref<96x128xf32, #tpu.memory_space<vmem_shared>>
      tpu.enqueue_dma source(%arg13 : memref<96x128xf32, #tpu.memory_space<vmem>>) target(%dma_start3A_94 : memref<96x128xf32, #tpu.memory_space<vmem_shared>>) target_semaphore(%run_scoped3A_90 : memref<!tpu.dma_semaphore, #tpu.memory_space<semaphore_mem>>)
      %dma_wait3A_95 = arith.constant 0 : i32
      %dma_wait3A_96 = tpu.memref_slice %arg14[%add3A_46, %dma_wait3A_95] : memref<6144x128xf32, #tpu.memory_space<vmem_shared>> -> memref<96x128xf32, #tpu.memory_space<vmem_shared>>
      %dma_wait3A_97 = arith.constant 0 : i32
      %dma_wait3A_98 = tpu.memref_slice %arg14[%add3A_46, %dma_wait3A_97] : memref<6144x128xf32, #tpu.memory_space<vmem_shared>> -> memref<96x128xf32, #tpu.memory_space<vmem_shared>>
      tpu.wait_dma2 semaphore(%run_scoped3A_90 : memref<!tpu.dma_semaphore, #tpu.memory_space<semaphore_mem>>) src(%arg13 : memref<96x128xf32, #tpu.memory_space<vmem>>) dst(%dma_wait3A_98 : memref<96x128xf32, #tpu.memory_space<vmem_shared>>)
      tpu.yield
    }) : () -> ()
    %mul3A_47 = arith.constant 384 : i32
    %mul3A_48 = arith.muli %arg1, %mul3A_47 : i32
    %add3A_49 = arith.constant 96 : i32
    %add3A_50 = arith.addi %mul3A_48, %add3A_49 : i32
    "tpu.region"() ({
      %run_scoped3A_90 = tpu.sem_alloc : memref<!tpu.dma_semaphore, #tpu.memory_space<semaphore_mem>>
      %dma_start3A_91 = arith.constant 0 : i32
      %dma_start3A_92 = tpu.memref_slice %arg14[%add3A_50, %dma_start3A_91] : memref<6144x128xf32, #tpu.memory_space<vmem_shared>> -> memref<96x128xf32, #tpu.memory_space<vmem_shared>>
      %dma_start3A_93 = arith.constant 0 : i32
      %dma_start3A_94 = tpu.memref_slice %arg14[%add3A_50, %dma_start3A_93] : memref<6144x128xf32, #tpu.memory_space<vmem_shared>> -> memref<96x128xf32, #tpu.memory_space<vmem_shared>>
      tpu.enqueue_dma source(%arg13 : memref<96x128xf32, #tpu.memory_space<vmem>>) target(%dma_start3A_94 : memref<96x128xf32, #tpu.memory_space<vmem_shared>>) target_semaphore(%run_scoped3A_90 : memref<!tpu.dma_semaphore, #tpu.memory_space<semaphore_mem>>)
      %dma_wait3A_95 = arith.constant 0 : i32
      %dma_wait3A_96 = tpu.memref_slice %arg14[%add3A_50, %dma_wait3A_95] : memref<6144x128xf32, #tpu.memory_space<vmem_shared>> -> memref<96x128xf32, #tpu.memory_space<vmem_shared>>
      %dma_wait3A_97 = arith.constant 0 : i32
      %dma_wait3A_98 = tpu.memref_slice %arg14[%add3A_50, %dma_wait3A_97] : memref<6144x128xf32, #tpu.memory_space<vmem_shared>> -> memref<96x128xf32, #tpu.memory_space<vmem_shared>>
      tpu.wait_dma2 semaphore(%run_scoped3A_90 : memref<!tpu.dma_semaphore, #tpu.memory_space<semaphore_mem>>) src(%arg13 : memref<96x128xf32, #tpu.memory_space<vmem>>) dst(%dma_wait3A_98 : memref<96x128xf32, #tpu.memory_space<vmem_shared>>)
      tpu.yield
    }) : () -> ()
    %mul3A_51 = arith.constant 384 : i32
    %mul3A_52 = arith.muli %arg1, %mul3A_51 : i32
    %add3A_53 = arith.constant 192 : i32
    %add3A_54 = arith.addi %mul3A_52, %add3A_53 : i32
    "tpu.region"() ({
      %run_scoped3A_90 = tpu.sem_alloc : memref<!tpu.dma_semaphore, #tpu.memory_space<semaphore_mem>>
      %dma_start3A_91 = arith.constant 0 : i32
      %dma_start3A_92 = tpu.memref_slice %arg14[%add3A_54, %dma_start3A_91] : memref<6144x128xf32, #tpu.memory_space<vmem_shared>> -> memref<96x128xf32, #tpu.memory_space<vmem_shared>>
      %dma_start3A_93 = arith.constant 0 : i32
      %dma_start3A_94 = tpu.memref_slice %arg14[%add3A_54, %dma_start3A_93] : memref<6144x128xf32, #tpu.memory_space<vmem_shared>> -> memref<96x128xf32, #tpu.memory_space<vmem_shared>>
      tpu.enqueue_dma source(%arg13 : memref<96x128xf32, #tpu.memory_space<vmem>>) target(%dma_start3A_94 : memref<96x128xf32, #tpu.memory_space<vmem_shared>>) target_semaphore(%run_scoped3A_90 : memref<!tpu.dma_semaphore, #tpu.memory_space<semaphore_mem>>)
      %dma_wait3A_95 = arith.constant 0 : i32
      %dma_wait3A_96 = tpu.memref_slice %arg14[%add3A_54, %dma_wait3A_95] : memref<6144x128xf32, #tpu.memory_space<vmem_shared>> -> memref<96x128xf32, #tpu.memory_space<vmem_shared>>
      %dma_wait3A_97 = arith.constant 0 : i32
      %dma_wait3A_98 = tpu.memref_slice %arg14[%add3A_54, %dma_wait3A_97] : memref<6144x128xf32, #tpu.memory_space<vmem_shared>> -> memref<96x128xf32, #tpu.memory_space<vmem_shared>>
      tpu.wait_dma2 semaphore(%run_scoped3A_90 : memref<!tpu.dma_semaphore, #tpu.memory_space<semaphore_mem>>) src(%arg13 : memref<96x128xf32, #tpu.memory_space<vmem>>) dst(%dma_wait3A_98 : memref<96x128xf32, #tpu.memory_space<vmem_shared>>)
      tpu.yield
    }) : () -> ()
    %mul3A_55 = arith.constant 384 : i32
    %mul3A_56 = arith.muli %arg1, %mul3A_55 : i32
    %add3A_57 = arith.constant 288 : i32
    %add3A_58 = arith.addi %mul3A_56, %add3A_57 : i32
    "tpu.region"() ({
      %run_scoped3A_90 = tpu.sem_alloc : memref<!tpu.dma_semaphore, #tpu.memory_space<semaphore_mem>>
      %dma_start3A_91 = arith.constant 0 : i32
      %dma_start3A_92 = tpu.memref_slice %arg14[%add3A_58, %dma_start3A_91] : memref<6144x128xf32, #tpu.memory_space<vmem_shared>> -> memref<96x128xf32, #tpu.memory_space<vmem_shared>>
      %dma_start3A_93 = arith.constant 0 : i32
      %dma_start3A_94 = tpu.memref_slice %arg14[%add3A_58, %dma_start3A_93] : memref<6144x128xf32, #tpu.memory_space<vmem_shared>> -> memref<96x128xf32, #tpu.memory_space<vmem_shared>>
      tpu.enqueue_dma source(%arg13 : memref<96x128xf32, #tpu.memory_space<vmem>>) target(%dma_start3A_94 : memref<96x128xf32, #tpu.memory_space<vmem_shared>>) target_semaphore(%run_scoped3A_90 : memref<!tpu.dma_semaphore, #tpu.memory_space<semaphore_mem>>)
      %dma_wait3A_95 = arith.constant 0 : i32
      %dma_wait3A_96 = tpu.memref_slice %arg14[%add3A_58, %dma_wait3A_95] : memref<6144x128xf32, #tpu.memory_space<vmem_shared>> -> memref<96x128xf32, #tpu.memory_space<vmem_shared>>
      %dma_wait3A_97 = arith.constant 0 : i32
      %dma_wait3A_98 = tpu.memref_slice %arg14[%add3A_58, %dma_wait3A_97] : memref<6144x128xf32, #tpu.memory_space<vmem_shared>> -> memref<96x128xf32, #tpu.memory_space<vmem_shared>>
      tpu.wait_dma2 semaphore(%run_scoped3A_90 : memref<!tpu.dma_semaphore, #tpu.memory_space<semaphore_mem>>) src(%arg13 : memref<96x128xf32, #tpu.memory_space<vmem>>) dst(%dma_wait3A_98 : memref<96x128xf32, #tpu.memory_space<vmem_shared>>)
      tpu.yield
    }) : () -> ()
    %barrier3A_59 = arith.constant 0 : index
    tpu.barrier barrier_id(%barrier3A_59)
    %run_scoped3A_60 = arith.constant 0 : i32
    "tpu.region"() ({
      %run_scoped3A_90 = tpu.sem_alloc : memref<!tpu.dma_semaphore, #tpu.memory_space<semaphore_mem>>
      %dma_start3A_91 = arith.constant 0 : i32
      %dma_start3A_92 = tpu.memref_slice %arg3[%add3A, %run_scoped3A_60, %dma_start3A_91] : memref<32x125x80xi32, #tpu.memory_space<hbm>> -> memref<1x1x80xi32, #tpu.memory_space<hbm>>
      %dma_start3A_93 = tpu.memref_squeeze %dma_start3A_92 : memref<1x1x80xi32, #tpu.memory_space<hbm>> -> memref<80xi32, #tpu.memory_space<hbm>>
      %dma_start3A_94 = arith.constant 0 : i32
      %dma_start3A_95 = tpu.memref_slice %arg3[%add3A, %run_scoped3A_60, %dma_start3A_94] : memref<32x125x80xi32, #tpu.memory_space<hbm>> -> memref<1x1x80xi32, #tpu.memory_space<hbm>>
      %dma_start3A_96 = tpu.memref_squeeze %dma_start3A_95 : memref<1x1x80xi32, #tpu.memory_space<hbm>> -> memref<80xi32, #tpu.memory_space<hbm>>
      tpu.enqueue_dma source(%dma_start3A_96 : memref<80xi32, #tpu.memory_space<hbm>>) target(%arg7 : memref<80xi32, #tpu.memory_space<vmem>>) target_semaphore(%run_scoped3A_90 : memref<!tpu.dma_semaphore, #tpu.memory_space<semaphore_mem>>)
      %dma_wait3A_97 = arith.constant 0 : i32
      %dma_wait3A_98 = tpu.memref_slice %arg3[%add3A, %run_scoped3A_60, %dma_wait3A_97] : memref<32x125x80xi32, #tpu.memory_space<hbm>> -> memref<1x1x80xi32, #tpu.memory_space<hbm>>
      %dma_wait3A_99 = tpu.memref_squeeze %dma_wait3A_98 : memref<1x1x80xi32, #tpu.memory_space<hbm>> -> memref<80xi32, #tpu.memory_space<hbm>>
      %dma_wait3A_100 = arith.constant 0 : i32
      %dma_wait3A_101 = tpu.memref_slice %arg3[%add3A, %run_scoped3A_60, %dma_wait3A_100] : memref<32x125x80xi32, #tpu.memory_space<hbm>> -> memref<1x1x80xi32, #tpu.memory_space<hbm>>
      %dma_wait3A_102 = tpu.memref_squeeze %dma_wait3A_101 : memref<1x1x80xi32, #tpu.memory_space<hbm>> -> memref<80xi32, #tpu.memory_space<hbm>>
      tpu.wait_dma2 semaphore(%run_scoped3A_90 : memref<!tpu.dma_semaphore, #tpu.memory_space<semaphore_mem>>) src(%dma_wait3A_102 : memref<80xi32, #tpu.memory_space<hbm>>) dst(%arg7 : memref<80xi32, #tpu.memory_space<vmem>>)
      tpu.yield
    }) : () -> ()
    %run_scoped3A_61 = arith.constant 1 : i32
    %run_scoped3A_62 = arith.constant 0 : i32
    "tpu.region"() ({
      %run_scoped3A_90 = tpu.sem_alloc : memref<!tpu.dma_semaphore, #tpu.memory_space<semaphore_mem>>
      %dma_start3A_91 = arith.constant 0 : i32
      %dma_start3A_92 = tpu.memref_slice %arg4[%run_scoped3A_61, %add3A, %run_scoped3A_62, %dma_start3A_91] : memref<2x32x125x80xi32, #tpu.memory_space<hbm>> -> memref<1x1x1x80xi32, #tpu.memory_space<hbm>>
      %dma_start3A_93 = tpu.memref_squeeze %dma_start3A_92 : memref<1x1x1x80xi32, #tpu.memory_space<hbm>> -> memref<80xi32, #tpu.memory_space<hbm>>
      %dma_start3A_94 = arith.constant 0 : i32
      %dma_start3A_95 = tpu.memref_slice %arg4[%run_scoped3A_61, %add3A, %run_scoped3A_62, %dma_start3A_94] : memref<2x32x125x80xi32, #tpu.memory_space<hbm>> -> memref<1x1x1x80xi32, #tpu.memory_space<hbm>>
      %dma_start3A_96 = tpu.memref_squeeze %dma_start3A_95 : memref<1x1x1x80xi32, #tpu.memory_space<hbm>> -> memref<80xi32, #tpu.memory_space<hbm>>
      tpu.enqueue_dma source(%dma_start3A_96 : memref<80xi32, #tpu.memory_space<hbm>>) target(%arg9 : memref<80xi32, #tpu.memory_space<vmem>>) target_semaphore(%run_scoped3A_90 : memref<!tpu.dma_semaphore, #tpu.memory_space<semaphore_mem>>)
      %dma_wait3A_97 = arith.constant 0 : i32
      %dma_wait3A_98 = tpu.memref_slice %arg4[%run_scoped3A_61, %add3A, %run_scoped3A_62, %dma_wait3A_97] : memref<2x32x125x80xi32, #tpu.memory_space<hbm>> -> memref<1x1x1x80xi32, #tpu.memory_space<hbm>>
      %dma_wait3A_99 = tpu.memref_squeeze %dma_wait3A_98 : memref<1x1x1x80xi32, #tpu.memory_space<hbm>> -> memref<80xi32, #tpu.memory_space<hbm>>
      %dma_wait3A_100 = arith.constant 0 : i32
      %dma_wait3A_101 = tpu.memref_slice %arg4[%run_scoped3A_61, %add3A, %run_scoped3A_62, %dma_wait3A_100] : memref<2x32x125x80xi32, #tpu.memory_space<hbm>> -> memref<1x1x1x80xi32, #tpu.memory_space<hbm>>
      %dma_wait3A_102 = tpu.memref_squeeze %dma_wait3A_101 : memref<1x1x1x80xi32, #tpu.memory_space<hbm>> -> memref<80xi32, #tpu.memory_space<hbm>>
      tpu.wait_dma2 semaphore(%run_scoped3A_90 : memref<!tpu.dma_semaphore, #tpu.memory_space<semaphore_mem>>) src(%dma_wait3A_102 : memref<80xi32, #tpu.memory_space<hbm>>) dst(%arg9 : memref<80xi32, #tpu.memory_space<vmem>>)
      tpu.yield
    }) : () -> ()
    %dma_start3A_63 = arith.constant 0 : i32
    %dma_start3A_64 = arith.constant 0 : i32
    %dma_start3A_65 = tpu.memref_slice %arg2[%dma_start3A_63, %dma_start3A_64] : memref<10240x128xf32, #tpu.memory_space<hbm>> -> memref<10240x128xf32, #tpu.memory_space<hbm>>
    tpu.enqueue_indirect_dma source(%dma_start3A_65 : memref<10240x128xf32, #tpu.memory_space<hbm>>) target(%arg11 : memref<80x128xf32, #tpu.memory_space<vmem>>) offsets(%arg7 : memref<80xi32, #tpu.memory_space<vmem>>) semaphore(%arg15 : memref<!tpu.dma_semaphore, #tpu.memory_space<semaphore_mem>>)
    %run_scoped3A_66 = arith.constant 1 : i32
    "tpu.region"() ({
      %run_scoped3A_90 = tpu.sem_alloc : memref<!tpu.dma_semaphore, #tpu.memory_space<semaphore_mem>>
      %dma_start3A_91 = arith.constant 0 : i32
      %dma_start3A_92 = tpu.memref_slice %arg3[%add3A, %run_scoped3A_66, %dma_start3A_91] : memref<32x125x80xi32, #tpu.memory_space<hbm>> -> memref<1x1x80xi32, #tpu.memory_space<hbm>>
      %dma_start3A_93 = tpu.memref_squeeze %dma_start3A_92 : memref<1x1x80xi32, #tpu.memory_space<hbm>> -> memref<80xi32, #tpu.memory_space<hbm>>
      %dma_start3A_94 = arith.constant 0 : i32
      %dma_start3A_95 = tpu.memref_slice %arg3[%add3A, %run_scoped3A_66, %dma_start3A_94] : memref<32x125x80xi32, #tpu.memory_space<hbm>> -> memref<1x1x80xi32, #tpu.memory_space<hbm>>
      %dma_start3A_96 = tpu.memref_squeeze %dma_start3A_95 : memref<1x1x80xi32, #tpu.memory_space<hbm>> -> memref<80xi32, #tpu.memory_space<hbm>>
      tpu.enqueue_dma source(%dma_start3A_96 : memref<80xi32, #tpu.memory_space<hbm>>) target(%arg8 : memref<80xi32, #tpu.memory_space<vmem>>) target_semaphore(%run_scoped3A_90 : memref<!tpu.dma_semaphore, #tpu.memory_space<semaphore_mem>>)
      %dma_wait3A_97 = arith.constant 0 : i32
      %dma_wait3A_98 = tpu.memref_slice %arg3[%add3A, %run_scoped3A_66, %dma_wait3A_97] : memref<32x125x80xi32, #tpu.memory_space<hbm>> -> memref<1x1x80xi32, #tpu.memory_space<hbm>>
      %dma_wait3A_99 = tpu.memref_squeeze %dma_wait3A_98 : memref<1x1x80xi32, #tpu.memory_space<hbm>> -> memref<80xi32, #tpu.memory_space<hbm>>
      %dma_wait3A_100 = arith.constant 0 : i32
      %dma_wait3A_101 = tpu.memref_slice %arg3[%add3A, %run_scoped3A_66, %dma_wait3A_100] : memref<32x125x80xi32, #tpu.memory_space<hbm>> -> memref<1x1x80xi32, #tpu.memory_space<hbm>>
      %dma_wait3A_102 = tpu.memref_squeeze %dma_wait3A_101 : memref<1x1x80xi32, #tpu.memory_space<hbm>> -> memref<80xi32, #tpu.memory_space<hbm>>
      tpu.wait_dma2 semaphore(%run_scoped3A_90 : memref<!tpu.dma_semaphore, #tpu.memory_space<semaphore_mem>>) src(%dma_wait3A_102 : memref<80xi32, #tpu.memory_space<hbm>>) dst(%arg8 : memref<80xi32, #tpu.memory_space<vmem>>)
      tpu.yield
    }) : () -> ()
    %run_scoped3A_67 = arith.constant 1 : i32
    %run_scoped3A_68 = arith.constant 1 : i32
    "tpu.region"() ({
      %run_scoped3A_90 = tpu.sem_alloc : memref<!tpu.dma_semaphore, #tpu.memory_space<semaphore_mem>>
      %dma_start3A_91 = arith.constant 0 : i32
      %dma_start3A_92 = tpu.memref_slice %arg4[%run_scoped3A_67, %add3A, %run_scoped3A_68, %dma_start3A_91] : memref<2x32x125x80xi32, #tpu.memory_space<hbm>> -> memref<1x1x1x80xi32, #tpu.memory_space<hbm>>
      %dma_start3A_93 = tpu.memref_squeeze %dma_start3A_92 : memref<1x1x1x80xi32, #tpu.memory_space<hbm>> -> memref<80xi32, #tpu.memory_space<hbm>>
      %dma_start3A_94 = arith.constant 0 : i32
      %dma_start3A_95 = tpu.memref_slice %arg4[%run_scoped3A_67, %add3A, %run_scoped3A_68, %dma_start3A_94] : memref<2x32x125x80xi32, #tpu.memory_space<hbm>> -> memref<1x1x1x80xi32, #tpu.memory_space<hbm>>
      %dma_start3A_96 = tpu.memref_squeeze %dma_start3A_95 : memref<1x1x1x80xi32, #tpu.memory_space<hbm>> -> memref<80xi32, #tpu.memory_space<hbm>>
      tpu.enqueue_dma source(%dma_start3A_96 : memref<80xi32, #tpu.memory_space<hbm>>) target(%arg10 : memref<80xi32, #tpu.memory_space<vmem>>) target_semaphore(%run_scoped3A_90 : memref<!tpu.dma_semaphore, #tpu.memory_space<semaphore_mem>>)
      %dma_wait3A_97 = arith.constant 0 : i32
      %dma_wait3A_98 = tpu.memref_slice %arg4[%run_scoped3A_67, %add3A, %run_scoped3A_68, %dma_wait3A_97] : memref<2x32x125x80xi32, #tpu.memory_space<hbm>> -> memref<1x1x1x80xi32, #tpu.memory_space<hbm>>
      %dma_wait3A_99 = tpu.memref_squeeze %dma_wait3A_98 : memref<1x1x1x80xi32, #tpu.memory_space<hbm>> -> memref<80xi32, #tpu.memory_space<hbm>>
      %dma_wait3A_100 = arith.constant 0 : i32
      %dma_wait3A_101 = tpu.memref_slice %arg4[%run_scoped3A_67, %add3A, %run_scoped3A_68, %dma_wait3A_100] : memref<2x32x125x80xi32, #tpu.memory_space<hbm>> -> memref<1x1x1x80xi32, #tpu.memory_space<hbm>>
      %dma_wait3A_102 = tpu.memref_squeeze %dma_wait3A_101 : memref<1x1x1x80xi32, #tpu.memory_space<hbm>> -> memref<80xi32, #tpu.memory_space<hbm>>
      tpu.wait_dma2 semaphore(%run_scoped3A_90 : memref<!tpu.dma_semaphore, #tpu.memory_space<semaphore_mem>>) src(%dma_wait3A_102 : memref<80xi32, #tpu.memory_space<hbm>>) dst(%arg10 : memref<80xi32, #tpu.memory_space<vmem>>)
      tpu.yield
    }) : () -> ()
    %dma_start3A_69 = arith.constant 0 : i32
    %dma_start3A_70 = arith.constant 0 : i32
    %dma_start3A_71 = tpu.memref_slice %arg2[%dma_start3A_69, %dma_start3A_70] : memref<10240x128xf32, #tpu.memory_space<hbm>> -> memref<10240x128xf32, #tpu.memory_space<hbm>>
    tpu.enqueue_indirect_dma source(%dma_start3A_71 : memref<10240x128xf32, #tpu.memory_space<hbm>>) target(%arg12 : memref<80x128xf32, #tpu.memory_space<vmem>>) offsets(%arg8 : memref<80xi32, #tpu.memory_space<vmem>>) semaphore(%arg16 : memref<!tpu.dma_semaphore, #tpu.memory_space<semaphore_mem>>)
    %scan3A_72 = arith.constant 0 : i32
    %scan3A_73 = arith.constant 0 : i32
    %scan3A_74 = arith.constant 63 : i32
    %scan3A_75 = arith.addi %scan3A_73, %scan3A_74 : i32
    %scan3A_76 = arith.constant 1 : i32
    scf.for %scan3A_90 = %scan3A_73 to %scan3A_75 step %scan3A_76  : i32 {
      %mul3A_91 = arith.constant 2 : i32
      %mul3A_92 = arith.muli %mul3A_91, %scan3A_90 : i32
      %dma_wait3A_93 = arith.constant 0 : i32
      %dma_wait3A_94 = arith.constant 0 : i32
      %dma_wait3A_95 = tpu.memref_slice %arg2[%dma_wait3A_93, %dma_wait3A_94] : memref<10240x128xf32, #tpu.memory_space<hbm>> -> memref<10240x128xf32, #tpu.memory_space<hbm>>
      tpu.wait_indirect_dma semaphore(%arg15 : memref<!tpu.dma_semaphore, #tpu.memory_space<semaphore_mem>>) src(%dma_wait3A_95 : memref<10240x128xf32, #tpu.memory_space<hbm>>) dst(%arg11 : memref<80x128xf32, #tpu.memory_space<vmem>>)
      %dma_start3A_96 = arith.constant 0 : i32
      %dma_start3A_97 = arith.constant 0 : i32
      %dma_start3A_98 = tpu.memref_slice %arg14[%dma_start3A_96, %dma_start3A_97] : memref<6144x128xf32, #tpu.memory_space<vmem_shared>> -> memref<6144x128xf32, #tpu.memory_space<vmem_shared>>
      tpu.enqueue_indirect_dma source(%arg11 : memref<80x128xf32, #tpu.memory_space<vmem>>) target(%dma_start3A_98 : memref<6144x128xf32, #tpu.memory_space<vmem_shared>>) offsets(%arg9 : memref<80xi32, #tpu.memory_space<vmem>>) semaphore(%arg17 : memref<!tpu.dma_semaphore, #tpu.memory_space<semaphore_mem>>) {add = true}
      %add3A_99 = arith.constant 2 : i32
      %add3A_100 = arith.addi %mul3A_92, %add3A_99 : i32
      %lt3A = arith.constant 125 : i32
      %lt3A_101 = arith.cmpi slt, %add3A_100, %lt3A : i32
      %convert_element_type3A = arith.extui %lt3A_101 : i1 to i32
      %cond3A = arith.constant 0 : i32
      %cond3A_102 = arith.cmpi ne, %convert_element_type3A, %cond3A : i32
      scf.if %cond3A_102 {
        %dma_wait3A_112 = arith.constant 0 : i32
        %dma_wait3A_113 = arith.constant 0 : i32
        %dma_wait3A_114 = tpu.memref_slice %arg14[%dma_wait3A_112, %dma_wait3A_113] : memref<6144x128xf32, #tpu.memory_space<vmem_shared>> -> memref<6144x128xf32, #tpu.memory_space<vmem_shared>>
        tpu.wait_indirect_dma semaphore(%arg17 : memref<!tpu.dma_semaphore, #tpu.memory_space<semaphore_mem>>) src(%arg11 : memref<80x128xf32, #tpu.memory_space<vmem>>) dst(%dma_wait3A_114 : memref<6144x128xf32, #tpu.memory_space<vmem_shared>>)
        %add3A_115 = arith.constant 2 : i32
        %add3A_116 = arith.addi %mul3A_92, %add3A_115 : i32
        "tpu.region"() ({
          %run_scoped3A_123 = tpu.sem_alloc : memref<!tpu.dma_semaphore, #tpu.memory_space<semaphore_mem>>
          %dma_start3A_124 = arith.constant 0 : i32
          %dma_start3A_125 = tpu.memref_slice %arg3[%add3A, %add3A_116, %dma_start3A_124] : memref<32x125x80xi32, #tpu.memory_space<hbm>> -> memref<1x1x80xi32, #tpu.memory_space<hbm>>
          %dma_start3A_126 = tpu.memref_squeeze %dma_start3A_125 : memref<1x1x80xi32, #tpu.memory_space<hbm>> -> memref<80xi32, #tpu.memory_space<hbm>>
          %dma_start3A_127 = arith.constant 0 : i32
          %dma_start3A_128 = tpu.memref_slice %arg3[%add3A, %add3A_116, %dma_start3A_127] : memref<32x125x80xi32, #tpu.memory_space<hbm>> -> memref<1x1x80xi32, #tpu.memory_space<hbm>>
          %dma_start3A_129 = tpu.memref_squeeze %dma_start3A_128 : memref<1x1x80xi32, #tpu.memory_space<hbm>> -> memref<80xi32, #tpu.memory_space<hbm>>
          tpu.enqueue_dma source(%dma_start3A_129 : memref<80xi32, #tpu.memory_space<hbm>>) target(%arg7 : memref<80xi32, #tpu.memory_space<vmem>>) target_semaphore(%run_scoped3A_123 : memref<!tpu.dma_semaphore, #tpu.memory_space<semaphore_mem>>)
          %dma_wait3A_130 = arith.constant 0 : i32
          %dma_wait3A_131 = tpu.memref_slice %arg3[%add3A, %add3A_116, %dma_wait3A_130] : memref<32x125x80xi32, #tpu.memory_space<hbm>> -> memref<1x1x80xi32, #tpu.memory_space<hbm>>
          %dma_wait3A_132 = tpu.memref_squeeze %dma_wait3A_131 : memref<1x1x80xi32, #tpu.memory_space<hbm>> -> memref<80xi32, #tpu.memory_space<hbm>>
          %dma_wait3A_133 = arith.constant 0 : i32
          %dma_wait3A_134 = tpu.memref_slice %arg3[%add3A, %add3A_116, %dma_wait3A_133] : memref<32x125x80xi32, #tpu.memory_space<hbm>> -> memref<1x1x80xi32, #tpu.memory_space<hbm>>
          %dma_wait3A_135 = tpu.memref_squeeze %dma_wait3A_134 : memref<1x1x80xi32, #tpu.memory_space<hbm>> -> memref<80xi32, #tpu.memory_space<hbm>>
          tpu.wait_dma2 semaphore(%run_scoped3A_123 : memref<!tpu.dma_semaphore, #tpu.memory_space<semaphore_mem>>) src(%dma_wait3A_135 : memref<80xi32, #tpu.memory_space<hbm>>) dst(%arg7 : memref<80xi32, #tpu.memory_space<vmem>>)
          tpu.yield
        }) : () -> ()
        %add3A_117 = arith.constant 2 : i32
        %add3A_118 = arith.addi %mul3A_92, %add3A_117 : i32
        %run_scoped3A_119 = arith.constant 1 : i32
        "tpu.region"() ({
          %run_scoped3A_123 = tpu.sem_alloc : memref<!tpu.dma_semaphore, #tpu.memory_space<semaphore_mem>>
          %dma_start3A_124 = arith.constant 0 : i32
          %dma_start3A_125 = tpu.memref_slice %arg4[%run_scoped3A_119, %add3A, %add3A_118, %dma_start3A_124] : memref<2x32x125x80xi32, #tpu.memory_space<hbm>> -> memref<1x1x1x80xi32, #tpu.memory_space<hbm>>
          %dma_start3A_126 = tpu.memref_squeeze %dma_start3A_125 : memref<1x1x1x80xi32, #tpu.memory_space<hbm>> -> memref<80xi32, #tpu.memory_space<hbm>>
          %dma_start3A_127 = arith.constant 0 : i32
          %dma_start3A_128 = tpu.memref_slice %arg4[%run_scoped3A_119, %add3A, %add3A_118, %dma_start3A_127] : memref<2x32x125x80xi32, #tpu.memory_space<hbm>> -> memref<1x1x1x80xi32, #tpu.memory_space<hbm>>
          %dma_start3A_129 = tpu.memref_squeeze %dma_start3A_128 : memref<1x1x1x80xi32, #tpu.memory_space<hbm>> -> memref<80xi32, #tpu.memory_space<hbm>>
          tpu.enqueue_dma source(%dma_start3A_129 : memref<80xi32, #tpu.memory_space<hbm>>) target(%arg9 : memref<80xi32, #tpu.memory_space<vmem>>) target_semaphore(%run_scoped3A_123 : memref<!tpu.dma_semaphore, #tpu.memory_space<semaphore_mem>>)
          %dma_wait3A_130 = arith.constant 0 : i32
          %dma_wait3A_131 = tpu.memref_slice %arg4[%run_scoped3A_119, %add3A, %add3A_118, %dma_wait3A_130] : memref<2x32x125x80xi32, #tpu.memory_space<hbm>> -> memref<1x1x1x80xi32, #tpu.memory_space<hbm>>
          %dma_wait3A_132 = tpu.memref_squeeze %dma_wait3A_131 : memref<1x1x1x80xi32, #tpu.memory_space<hbm>> -> memref<80xi32, #tpu.memory_space<hbm>>
          %dma_wait3A_133 = arith.constant 0 : i32
          %dma_wait3A_134 = tpu.memref_slice %arg4[%run_scoped3A_119, %add3A, %add3A_118, %dma_wait3A_133] : memref<2x32x125x80xi32, #tpu.memory_space<hbm>> -> memref<1x1x1x80xi32, #tpu.memory_space<hbm>>
          %dma_wait3A_135 = tpu.memref_squeeze %dma_wait3A_134 : memref<1x1x1x80xi32, #tpu.memory_space<hbm>> -> memref<80xi32, #tpu.memory_space<hbm>>
          tpu.wait_dma2 semaphore(%run_scoped3A_123 : memref<!tpu.dma_semaphore, #tpu.memory_space<semaphore_mem>>) src(%dma_wait3A_135 : memref<80xi32, #tpu.memory_space<hbm>>) dst(%arg9 : memref<80xi32, #tpu.memory_space<vmem>>)
          tpu.yield
        }) : () -> ()
        %dma_start3A_120 = arith.constant 0 : i32
        %dma_start3A_121 = arith.constant 0 : i32
        %dma_start3A_122 = tpu.memref_slice %arg2[%dma_start3A_120, %dma_start3A_121] : memref<10240x128xf32, #tpu.memory_space<hbm>> -> memref<10240x128xf32, #tpu.memory_space<hbm>>
        tpu.enqueue_indirect_dma source(%dma_start3A_122 : memref<10240x128xf32, #tpu.memory_space<hbm>>) target(%arg11 : memref<80x128xf32, #tpu.memory_space<vmem>>) offsets(%arg7 : memref<80xi32, #tpu.memory_space<vmem>>) semaphore(%arg15 : memref<!tpu.dma_semaphore, #tpu.memory_space<semaphore_mem>>)
      } else {
      }
      %mul3A_103 = arith.constant 2 : i32
      %mul3A_104 = arith.muli %mul3A_103, %scan3A_90 : i32
      %add3A_105 = arith.constant 1 : i32
      %add3A_106 = arith.addi %mul3A_104, %add3A_105 : i32
      %lt3A_107 = arith.constant 125 : i32
      %lt3A_108 = arith.cmpi slt, %add3A_106, %lt3A_107 : i32
      %convert_element_type3A_109 = arith.extui %lt3A_108 : i1 to i32
      %cond3A_110 = arith.constant 0 : i32
      %cond3A_111 = arith.cmpi ne, %convert_element_type3A_109, %cond3A_110 : i32
      scf.if %cond3A_111 {
        %mul3A_112 = arith.constant 2 : i32
        %mul3A_113 = arith.muli %mul3A_112, %scan3A_90 : i32
        %add3A_114 = arith.constant 1 : i32
        %add3A_115 = arith.addi %mul3A_113, %add3A_114 : i32
        %dma_wait3A_116 = arith.constant 0 : i32
        %dma_wait3A_117 = arith.constant 0 : i32
        %dma_wait3A_118 = tpu.memref_slice %arg2[%dma_wait3A_116, %dma_wait3A_117] : memref<10240x128xf32, #tpu.memory_space<hbm>> -> memref<10240x128xf32, #tpu.memory_space<hbm>>
        tpu.wait_indirect_dma semaphore(%arg16 : memref<!tpu.dma_semaphore, #tpu.memory_space<semaphore_mem>>) src(%dma_wait3A_118 : memref<10240x128xf32, #tpu.memory_space<hbm>>) dst(%arg12 : memref<80x128xf32, #tpu.memory_space<vmem>>)
        %dma_start3A_119 = arith.constant 0 : i32
        %dma_start3A_120 = arith.constant 0 : i32
        %dma_start3A_121 = tpu.memref_slice %arg14[%dma_start3A_119, %dma_start3A_120] : memref<6144x128xf32, #tpu.memory_space<vmem_shared>> -> memref<6144x128xf32, #tpu.memory_space<vmem_shared>>
        tpu.enqueue_indirect_dma source(%arg12 : memref<80x128xf32, #tpu.memory_space<vmem>>) target(%dma_start3A_121 : memref<6144x128xf32, #tpu.memory_space<vmem_shared>>) offsets(%arg10 : memref<80xi32, #tpu.memory_space<vmem>>) semaphore(%arg18 : memref<!tpu.dma_semaphore, #tpu.memory_space<semaphore_mem>>) {add = true}
        %add3A_122 = arith.constant 2 : i32
        %add3A_123 = arith.addi %add3A_115, %add3A_122 : i32
        %lt3A_124 = arith.constant 125 : i32
        %lt3A_125 = arith.cmpi slt, %add3A_123, %lt3A_124 : i32
        %convert_element_type3A_126 = arith.extui %lt3A_125 : i1 to i32
        %cond3A_127 = arith.constant 0 : i32
        %cond3A_128 = arith.cmpi ne, %convert_element_type3A_126, %cond3A_127 : i32
        scf.if %cond3A_128 {
          %dma_wait3A_129 = arith.constant 0 : i32
          %dma_wait3A_130 = arith.constant 0 : i32
          %dma_wait3A_131 = tpu.memref_slice %arg14[%dma_wait3A_129, %dma_wait3A_130] : memref<6144x128xf32, #tpu.memory_space<vmem_shared>> -> memref<6144x128xf32, #tpu.memory_space<vmem_shared>>
          tpu.wait_indirect_dma semaphore(%arg18 : memref<!tpu.dma_semaphore, #tpu.memory_space<semaphore_mem>>) src(%arg12 : memref<80x128xf32, #tpu.memory_space<vmem>>) dst(%dma_wait3A_131 : memref<6144x128xf32, #tpu.memory_space<vmem_shared>>)
          %add3A_132 = arith.constant 2 : i32
          %add3A_133 = arith.addi %add3A_115, %add3A_132 : i32
          "tpu.region"() ({
            %run_scoped3A_140 = tpu.sem_alloc : memref<!tpu.dma_semaphore, #tpu.memory_space<semaphore_mem>>
            %dma_start3A_141 = arith.constant 0 : i32
            %dma_start3A_142 = tpu.memref_slice %arg3[%add3A, %add3A_133, %dma_start3A_141] : memref<32x125x80xi32, #tpu.memory_space<hbm>> -> memref<1x1x80xi32, #tpu.memory_space<hbm>>
            %dma_start3A_143 = tpu.memref_squeeze %dma_start3A_142 : memref<1x1x80xi32, #tpu.memory_space<hbm>> -> memref<80xi32, #tpu.memory_space<hbm>>
            %dma_start3A_144 = arith.constant 0 : i32
            %dma_start3A_145 = tpu.memref_slice %arg3[%add3A, %add3A_133, %dma_start3A_144] : memref<32x125x80xi32, #tpu.memory_space<hbm>> -> memref<1x1x80xi32, #tpu.memory_space<hbm>>
            %dma_start3A_146 = tpu.memref_squeeze %dma_start3A_145 : memref<1x1x80xi32, #tpu.memory_space<hbm>> -> memref<80xi32, #tpu.memory_space<hbm>>
            tpu.enqueue_dma source(%dma_start3A_146 : memref<80xi32, #tpu.memory_space<hbm>>) target(%arg8 : memref<80xi32, #tpu.memory_space<vmem>>) target_semaphore(%run_scoped3A_140 : memref<!tpu.dma_semaphore, #tpu.memory_space<semaphore_mem>>)
            %dma_wait3A_147 = arith.constant 0 : i32
            %dma_wait3A_148 = tpu.memref_slice %arg3[%add3A, %add3A_133, %dma_wait3A_147] : memref<32x125x80xi32, #tpu.memory_space<hbm>> -> memref<1x1x80xi32, #tpu.memory_space<hbm>>
            %dma_wait3A_149 = tpu.memref_squeeze %dma_wait3A_148 : memref<1x1x80xi32, #tpu.memory_space<hbm>> -> memref<80xi32, #tpu.memory_space<hbm>>
            %dma_wait3A_150 = arith.constant 0 : i32
            %dma_wait3A_151 = tpu.memref_slice %arg3[%add3A, %add3A_133, %dma_wait3A_150] : memref<32x125x80xi32, #tpu.memory_space<hbm>> -> memref<1x1x80xi32, #tpu.memory_space<hbm>>
            %dma_wait3A_152 = tpu.memref_squeeze %dma_wait3A_151 : memref<1x1x80xi32, #tpu.memory_space<hbm>> -> memref<80xi32, #tpu.memory_space<hbm>>
            tpu.wait_dma2 semaphore(%run_scoped3A_140 : memref<!tpu.dma_semaphore, #tpu.memory_space<semaphore_mem>>) src(%dma_wait3A_152 : memref<80xi32, #tpu.memory_space<hbm>>) dst(%arg8 : memref<80xi32, #tpu.memory_space<vmem>>)
            tpu.yield
          }) : () -> ()
          %add3A_134 = arith.constant 2 : i32
          %add3A_135 = arith.addi %add3A_115, %add3A_134 : i32
          %run_scoped3A_136 = arith.constant 1 : i32
          "tpu.region"() ({
            %run_scoped3A_140 = tpu.sem_alloc : memref<!tpu.dma_semaphore, #tpu.memory_space<semaphore_mem>>
            %dma_start3A_141 = arith.constant 0 : i32
            %dma_start3A_142 = tpu.memref_slice %arg4[%run_scoped3A_136, %add3A, %add3A_135, %dma_start3A_141] : memref<2x32x125x80xi32, #tpu.memory_space<hbm>> -> memref<1x1x1x80xi32, #tpu.memory_space<hbm>>
            %dma_start3A_143 = tpu.memref_squeeze %dma_start3A_142 : memref<1x1x1x80xi32, #tpu.memory_space<hbm>> -> memref<80xi32, #tpu.memory_space<hbm>>
            %dma_start3A_144 = arith.constant 0 : i32
            %dma_start3A_145 = tpu.memref_slice %arg4[%run_scoped3A_136, %add3A, %add3A_135, %dma_start3A_144] : memref<2x32x125x80xi32, #tpu.memory_space<hbm>> -> memref<1x1x1x80xi32, #tpu.memory_space<hbm>>
            %dma_start3A_146 = tpu.memref_squeeze %dma_start3A_145 : memref<1x1x1x80xi32, #tpu.memory_space<hbm>> -> memref<80xi32, #tpu.memory_space<hbm>>
            tpu.enqueue_dma source(%dma_start3A_146 : memref<80xi32, #tpu.memory_space<hbm>>) target(%arg10 : memref<80xi32, #tpu.memory_space<vmem>>) target_semaphore(%run_scoped3A_140 : memref<!tpu.dma_semaphore, #tpu.memory_space<semaphore_mem>>)
            %dma_wait3A_147 = arith.constant 0 : i32
            %dma_wait3A_148 = tpu.memref_slice %arg4[%run_scoped3A_136, %add3A, %add3A_135, %dma_wait3A_147] : memref<2x32x125x80xi32, #tpu.memory_space<hbm>> -> memref<1x1x1x80xi32, #tpu.memory_space<hbm>>
            %dma_wait3A_149 = tpu.memref_squeeze %dma_wait3A_148 : memref<1x1x1x80xi32, #tpu.memory_space<hbm>> -> memref<80xi32, #tpu.memory_space<hbm>>
            %dma_wait3A_150 = arith.constant 0 : i32
            %dma_wait3A_151 = tpu.memref_slice %arg4[%run_scoped3A_136, %add3A, %add3A_135, %dma_wait3A_150] : memref<2x32x125x80xi32, #tpu.memory_space<hbm>> -> memref<1x1x1x80xi32, #tpu.memory_space<hbm>>
            %dma_wait3A_152 = tpu.memref_squeeze %dma_wait3A_151 : memref<1x1x1x80xi32, #tpu.memory_space<hbm>> -> memref<80xi32, #tpu.memory_space<hbm>>
            tpu.wait_dma2 semaphore(%run_scoped3A_140 : memref<!tpu.dma_semaphore, #tpu.memory_space<semaphore_mem>>) src(%dma_wait3A_152 : memref<80xi32, #tpu.memory_space<hbm>>) dst(%arg10 : memref<80xi32, #tpu.memory_space<vmem>>)
            tpu.yield
          }) : () -> ()
          %dma_start3A_137 = arith.constant 0 : i32
          %dma_start3A_138 = arith.constant 0 : i32
          %dma_start3A_139 = tpu.memref_slice %arg2[%dma_start3A_137, %dma_start3A_138] : memref<10240x128xf32, #tpu.memory_space<hbm>> -> memref<10240x128xf32, #tpu.memory_space<hbm>>
          tpu.enqueue_indirect_dma source(%dma_start3A_139 : memref<10240x128xf32, #tpu.memory_space<hbm>>) target(%arg12 : memref<80x128xf32, #tpu.memory_space<vmem>>) offsets(%arg8 : memref<80xi32, #tpu.memory_space<vmem>>) semaphore(%arg16 : memref<!tpu.dma_semaphore, #tpu.memory_space<semaphore_mem>>)
        } else {
        }
      } else {
      }
    }
    %scan3A_77 = arith.constant 63 : i32
    %dma_wait3A_78 = arith.constant 0 : i32
    %dma_wait3A_79 = arith.constant 0 : i32
    %dma_wait3A_80 = tpu.memref_slice %arg14[%dma_wait3A_78, %dma_wait3A_79] : memref<6144x128xf32, #tpu.memory_space<vmem_shared>> -> memref<6144x128xf32, #tpu.memory_space<vmem_shared>>
    tpu.wait_indirect_dma semaphore(%arg17 : memref<!tpu.dma_semaphore, #tpu.memory_space<semaphore_mem>>) src(%arg11 : memref<80x128xf32, #tpu.memory_space<vmem>>) dst(%dma_wait3A_80 : memref<6144x128xf32, #tpu.memory_space<vmem_shared>>)
    %dma_wait3A_81 = arith.constant 0 : i32
    %dma_wait3A_82 = arith.constant 0 : i32
    %dma_wait3A_83 = tpu.memref_slice %arg14[%dma_wait3A_81, %dma_wait3A_82] : memref<6144x128xf32, #tpu.memory_space<vmem_shared>> -> memref<6144x128xf32, #tpu.memory_space<vmem_shared>>
    tpu.wait_indirect_dma semaphore(%arg18 : memref<!tpu.dma_semaphore, #tpu.memory_space<semaphore_mem>>) src(%arg12 : memref<80x128xf32, #tpu.memory_space<vmem>>) dst(%dma_wait3A_83 : memref<6144x128xf32, #tpu.memory_space<vmem_shared>>)
    %barrier3A_84 = arith.constant 0 : index
    tpu.barrier barrier_id(%barrier3A_84)
    %mul3A_85 = arith.constant 384 : i32
    %mul3A_86 = arith.muli %arg1, %mul3A_85 : i32
    %mul3A_87 = arith.constant 384 : i32
    %mul3A_88 = arith.muli %arg1, %mul3A_87 : i32
    %run_scoped3A_89 = arith.constant 1 : i32
    "tpu.region"() ({
      %run_scoped3A_90 = tpu.sem_alloc : memref<!tpu.dma_semaphore, #tpu.memory_space<semaphore_mem>>
      %dma_start3A_91 = arith.constant 0 : i32
      %dma_start3A_92 = tpu.memref_slice %arg6[%arg0, %run_scoped3A_89, %mul3A_88, %dma_start3A_91] : memref<2x2x6144x128xf32, #tpu.memory_space<hbm>> -> memref<1x1x384x128xf32, #tpu.memory_space<hbm>>
      %dma_start3A_93 = tpu.memref_squeeze %dma_start3A_92 : memref<1x1x384x128xf32, #tpu.memory_space<hbm>> -> memref<384x128xf32, #tpu.memory_space<hbm>>
      %dma_start3A_94 = arith.constant 0 : i32
      %dma_start3A_95 = tpu.memref_slice %arg14[%mul3A_86, %dma_start3A_94] : memref<6144x128xf32, #tpu.memory_space<vmem_shared>> -> memref<384x128xf32, #tpu.memory_space<vmem_shared>>
      tpu.enqueue_dma source(%dma_start3A_95 : memref<384x128xf32, #tpu.memory_space<vmem_shared>>) target(%dma_start3A_93 : memref<384x128xf32, #tpu.memory_space<hbm>>) target_semaphore(%run_scoped3A_90 : memref<!tpu.dma_semaphore, #tpu.memory_space<semaphore_mem>>)
      %dma_wait3A_96 = arith.constant 0 : i32
      %dma_wait3A_97 = tpu.memref_slice %arg6[%arg0, %run_scoped3A_89, %mul3A_88, %dma_wait3A_96] : memref<2x2x6144x128xf32, #tpu.memory_space<hbm>> -> memref<1x1x384x128xf32, #tpu.memory_space<hbm>>
      %dma_wait3A_98 = tpu.memref_squeeze %dma_wait3A_97 : memref<1x1x384x128xf32, #tpu.memory_space<hbm>> -> memref<384x128xf32, #tpu.memory_space<hbm>>
      %dma_wait3A_99 = arith.constant 0 : i32
      %dma_wait3A_100 = tpu.memref_slice %arg14[%mul3A_86, %dma_wait3A_99] : memref<6144x128xf32, #tpu.memory_space<vmem_shared>> -> memref<384x128xf32, #tpu.memory_space<vmem_shared>>
      tpu.wait_dma2 semaphore(%run_scoped3A_90 : memref<!tpu.dma_semaphore, #tpu.memory_space<semaphore_mem>>) src(%dma_wait3A_100 : memref<384x128xf32, #tpu.memory_space<vmem_shared>>) dst(%dma_wait3A_98 : memref<384x128xf32, #tpu.memory_space<hbm>>)
      tpu.yield
    }) : () -> ()
    return
  }
}

#map = affine_map<(d0, d1) -> (0, 0)>
#map1 = affine_map<(d0, d1) -> (0, 0, 0)>
#map2 = affine_map<(d0, d1) -> (0, 0, 0, 0)>
module attributes {stable_mosaic.version = 14 : i64} {
  func.func @_spmm(%arg0: i32, %arg1: i32, %arg2: memref<10240x128xf32, #tpu.memory_space<hbm>>, %arg3: memref<32x125x80xi32, #tpu.memory_space<hbm>>, %arg4: memref<2x32x125x80xi32, #tpu.memory_space<hbm>>, %arg5: memref<96x128xf32, #tpu.memory_space<hbm>>, %arg6: memref<2x2x6144x128xf32, #tpu.memory_space<hbm>>, %arg7: memref<80xi32, #tpu.memory_space<vmem>>, %arg8: memref<80xi32, #tpu.memory_space<vmem>>, %arg9: memref<80xi32, #tpu.memory_space<vmem>>, %arg10: memref<80xi32, #tpu.memory_space<vmem>>, %arg11: memref<80x128xf32, #tpu.memory_space<vmem>>, %arg12: memref<80x128xf32, #tpu.memory_space<vmem>>, %arg13: memref<96x128xf32, #tpu.memory_space<vmem>>, %arg14: memref<6144x128xf32, #tpu.memory_space<vmem_shared>>, %arg15: memref<!tpu.dma_semaphore, #tpu.memory_space<semaphore_mem>>, %arg16: memref<!tpu.dma_semaphore, #tpu.memory_space<semaphore_mem>>, %arg17: memref<!tpu.dma_semaphore, #tpu.memory_space<semaphore_mem>>, %arg18: memref<!tpu.dma_semaphore, #tpu.memory_space<semaphore_mem>>) attributes {dimension_semantics = [#tpu.dimension_semantics<core_parallel>, #tpu.dimension_semantics<subcore_parallel>], iteration_bounds = array<i64: 2, 16>, scalar_prefetch = 0 : i64, scratch_operands = 12 : i64, tpu.core_type = #tpu.core_type<sc_vector_subcore>, window_params = [{transform_indices = #map}, {transform_indices = #map1}, {transform_indices = #map2}, {transform_indices = #map}, {transform_indices = #map2}]} {
    %mul3A = arith.constant 16 : i32
    %mul3A_0 = arith.muli %arg0, %mul3A : i32
    %add3A = arith.addi %mul3A_0, %arg1 : i32
    "tpu.region"() ({
      %run_scoped3A_90 = tpu.sem_alloc : memref<!tpu.dma_semaphore, #tpu.memory_space<semaphore_mem>>
      tpu.enqueue_dma source(%arg5 : memref<96x128xf32, #tpu.memory_space<hbm>>) target(%arg13 : memref<96x128xf32, #tpu.memory_space<vmem>>) target_semaphore(%run_scoped3A_90 : memref<!tpu.dma_semaphore, #tpu.memory_space<semaphore_mem>>)
      tpu.wait_dma2 semaphore(%run_scoped3A_90 : memref<!tpu.dma_semaphore, #tpu.memory_space<semaphore_mem>>) src(%arg5 : memref<96x128xf32, #tpu.memory_space<hbm>>) dst(%arg13 : memref<96x128xf32, #tpu.memory_space<vmem>>)
      tpu.yield
    }) : () -> ()
    %mul3A_1 = arith.constant 384 : i32
    %mul3A_2 = arith.muli %arg1, %mul3A_1 : i32
    %add3A_3 = arith.constant 0 : i32
    %add3A_4 = arith.addi %mul3A_2, %add3A_3 : i32
    "tpu.region"() ({
      %run_scoped3A_90 = tpu.sem_alloc : memref<!tpu.dma_semaphore, #tpu.memory_space<semaphore_mem>>
      %dma_start3A_91 = arith.constant 0 : i32
      %dma_start3A_92 = tpu.memref_slice %arg14[%add3A_4, %dma_start3A_91] : memref<6144x128xf32, #tpu.memory_space<vmem_shared>> -> memref<96x128xf32, #tpu.memory_space<vmem_shared>>
      %dma_start3A_93 = arith.constant 0 : i32
      %dma_start3A_94 = tpu.memref_slice %arg14[%add3A_4, %dma_start3A_93] : memref<6144x128xf32, #tpu.memory_space<vmem_shared>> -> memref<96x128xf32, #tpu.memory_space<vmem_shared>>
      tpu.enqueue_dma source(%arg13 : memref<96x128xf32, #tpu.memory_space<vmem>>) target(%dma_start3A_94 : memref<96x128xf32, #tpu.memory_space<vmem_shared>>) target_semaphore(%run_scoped3A_90 : memref<!tpu.dma_semaphore, #tpu.memory_space<semaphore_mem>>)
      %dma_wait3A_95 = arith.constant 0 : i32
      %dma_wait3A_96 = tpu.memref_slice %arg14[%add3A_4, %dma_wait3A_95] : memref<6144x128xf32, #tpu.memory_space<vmem_shared>> -> memref<96x128xf32, #tpu.memory_space<vmem_shared>>
      %dma_wait3A_97 = arith.constant 0 : i32
      %dma_wait3A_98 = tpu.memref_slice %arg14[%add3A_4, %dma_wait3A_97] : memref<6144x128xf32, #tpu.memory_space<vmem_shared>> -> memref<96x128xf32, #tpu.memory_space<vmem_shared>>
      tpu.wait_dma2 semaphore(%run_scoped3A_90 : memref<!tpu.dma_semaphore, #tpu.memory_space<semaphore_mem>>) src(%arg13 : memref<96x128xf32, #tpu.memory_space<vmem>>) dst(%dma_wait3A_98 : memref<96x128xf32, #tpu.memory_space<vmem_shared>>)
      tpu.yield
    }) : () -> ()
    %mul3A_5 = arith.constant 384 : i32
    %mul3A_6 = arith.muli %arg1, %mul3A_5 : i32
    %add3A_7 = arith.constant 96 : i32
    %add3A_8 = arith.addi %mul3A_6, %add3A_7 : i32
    "tpu.region"() ({
      %run_scoped3A_90 = tpu.sem_alloc : memref<!tpu.dma_semaphore, #tpu.memory_space<semaphore_mem>>
      %dma_start3A_91 = arith.constant 0 : i32
      %dma_start3A_92 = tpu.memref_slice %arg14[%add3A_8, %dma_start3A_91] : memref<6144x128xf32, #tpu.memory_space<vmem_shared>> -> memref<96x128xf32, #tpu.memory_space<vmem_shared>>
      %dma_start3A_93 = arith.constant 0 : i32
      %dma_start3A_94 = tpu.memref_slice %arg14[%add3A_8, %dma_start3A_93] : memref<6144x128xf32, #tpu.memory_space<vmem_shared>> -> memref<96x128xf32, #tpu.memory_space<vmem_shared>>
      tpu.enqueue_dma source(%arg13 : memref<96x128xf32, #tpu.memory_space<vmem>>) target(%dma_start3A_94 : memref<96x128xf32, #tpu.memory_space<vmem_shared>>) target_semaphore(%run_scoped3A_90 : memref<!tpu.dma_semaphore, #tpu.memory_space<semaphore_mem>>)
      %dma_wait3A_95 = arith.constant 0 : i32
      %dma_wait3A_96 = tpu.memref_slice %arg14[%add3A_8, %dma_wait3A_95] : memref<6144x128xf32, #tpu.memory_space<vmem_shared>> -> memref<96x128xf32, #tpu.memory_space<vmem_shared>>
      %dma_wait3A_97 = arith.constant 0 : i32
      %dma_wait3A_98 = tpu.memref_slice %arg14[%add3A_8, %dma_wait3A_97] : memref<6144x128xf32, #tpu.memory_space<vmem_shared>> -> memref<96x128xf32, #tpu.memory_space<vmem_shared>>
      tpu.wait_dma2 semaphore(%run_scoped3A_90 : memref<!tpu.dma_semaphore, #tpu.memory_space<semaphore_mem>>) src(%arg13 : memref<96x128xf32, #tpu.memory_space<vmem>>) dst(%dma_wait3A_98 : memref<96x128xf32, #tpu.memory_space<vmem_shared>>)
      tpu.yield
    }) : () -> ()
    %mul3A_9 = arith.constant 384 : i32
    %mul3A_10 = arith.muli %arg1, %mul3A_9 : i32
    %add3A_11 = arith.constant 192 : i32
    %add3A_12 = arith.addi %mul3A_10, %add3A_11 : i32
    "tpu.region"() ({
      %run_scoped3A_90 = tpu.sem_alloc : memref<!tpu.dma_semaphore, #tpu.memory_space<semaphore_mem>>
      %dma_start3A_91 = arith.constant 0 : i32
      %dma_start3A_92 = tpu.memref_slice %arg14[%add3A_12, %dma_start3A_91] : memref<6144x128xf32, #tpu.memory_space<vmem_shared>> -> memref<96x128xf32, #tpu.memory_space<vmem_shared>>
      %dma_start3A_93 = arith.constant 0 : i32
      %dma_start3A_94 = tpu.memref_slice %arg14[%add3A_12, %dma_start3A_93] : memref<6144x128xf32, #tpu.memory_space<vmem_shared>> -> memref<96x128xf32, #tpu.memory_space<vmem_shared>>
      tpu.enqueue_dma source(%arg13 : memref<96x128xf32, #tpu.memory_space<vmem>>) target(%dma_start3A_94 : memref<96x128xf32, #tpu.memory_space<vmem_shared>>) target_semaphore(%run_scoped3A_90 : memref<!tpu.dma_semaphore, #tpu.memory_space<semaphore_mem>>)
      %dma_wait3A_95 = arith.constant 0 : i32
      %dma_wait3A_96 = tpu.memref_slice %arg14[%add3A_12, %dma_wait3A_95] : memref<6144x128xf32, #tpu.memory_space<vmem_shared>> -> memref<96x128xf32, #tpu.memory_space<vmem_shared>>
      %dma_wait3A_97 = arith.constant 0 : i32
      %dma_wait3A_98 = tpu.memref_slice %arg14[%add3A_12, %dma_wait3A_97] : memref<6144x128xf32, #tpu.memory_space<vmem_shared>> -> memref<96x128xf32, #tpu.memory_space<vmem_shared>>
      tpu.wait_dma2 semaphore(%run_scoped3A_90 : memref<!tpu.dma_semaphore, #tpu.memory_space<semaphore_mem>>) src(%arg13 : memref<96x128xf32, #tpu.memory_space<vmem>>) dst(%dma_wait3A_98 : memref<96x128xf32, #tpu.memory_space<vmem_shared>>)
      tpu.yield
    }) : () -> ()
    %mul3A_13 = arith.constant 384 : i32
    %mul3A_14 = arith.muli %arg1, %mul3A_13 : i32
    %add3A_15 = arith.constant 288 : i32
    %add3A_16 = arith.addi %mul3A_14, %add3A_15 : i32
    "tpu.region"() ({
      %run_scoped3A_90 = tpu.sem_alloc : memref<!tpu.dma_semaphore, #tpu.memory_space<semaphore_mem>>
      %dma_start3A_91 = arith.constant 0 : i32
      %dma_start3A_92 = tpu.memref_slice %arg14[%add3A_16, %dma_start3A_91] : memref<6144x128xf32, #tpu.memory_space<vmem_shared>> -> memref<96x128xf32, #tpu.memory_space<vmem_shared>>
      %dma_start3A_93 = arith.constant 0 : i32
      %dma_start3A_94 = tpu.memref_slice %arg14[%add3A_16, %dma_start3A_93] : memref<6144x128xf32, #tpu.memory_space<vmem_shared>> -> memref<96x128xf32, #tpu.memory_space<vmem_shared>>
      tpu.enqueue_dma source(%arg13 : memref<96x128xf32, #tpu.memory_space<vmem>>) target(%dma_start3A_94 : memref<96x128xf32, #tpu.memory_space<vmem_shared>>) target_semaphore(%run_scoped3A_90 : memref<!tpu.dma_semaphore, #tpu.memory_space<semaphore_mem>>)
      %dma_wait3A_95 = arith.constant 0 : i32
      %dma_wait3A_96 = tpu.memref_slice %arg14[%add3A_16, %dma_wait3A_95] : memref<6144x128xf32, #tpu.memory_space<vmem_shared>> -> memref<96x128xf32, #tpu.memory_space<vmem_shared>>
      %dma_wait3A_97 = arith.constant 0 : i32
      %dma_wait3A_98 = tpu.memref_slice %arg14[%add3A_16, %dma_wait3A_97] : memref<6144x128xf32, #tpu.memory_space<vmem_shared>> -> memref<96x128xf32, #tpu.memory_space<vmem_shared>>
      tpu.wait_dma2 semaphore(%run_scoped3A_90 : memref<!tpu.dma_semaphore, #tpu.memory_space<semaphore_mem>>) src(%arg13 : memref<96x128xf32, #tpu.memory_space<vmem>>) dst(%dma_wait3A_98 : memref<96x128xf32, #tpu.memory_space<vmem_shared>>)
      tpu.yield
    }) : () -> ()
    %barrier3A = arith.constant 0 : index
    tpu.barrier barrier_id(%barrier3A)
    %run_scoped3A = arith.constant 0 : i32
    "tpu.region"() ({
      %run_scoped3A_90 = tpu.sem_alloc : memref<!tpu.dma_semaphore, #tpu.memory_space<semaphore_mem>>
      %dma_start3A_91 = arith.constant 0 : i32
      %dma_start3A_92 = tpu.memref_slice %arg3[%add3A, %run_scoped3A, %dma_start3A_91] : memref<32x125x80xi32, #tpu.memory_space<hbm>> -> memref<1x1x80xi32, #tpu.memory_space<hbm>>
      %dma_start3A_93 = tpu.memref_squeeze %dma_start3A_92 : memref<1x1x80xi32, #tpu.memory_space<hbm>> -> memref<80xi32, #tpu.memory_space<hbm>>
      %dma_start3A_94 = arith.constant 0 : i32
      %dma_start3A_95 = tpu.memref_slice %arg3[%add3A, %run_scoped3A, %dma_start3A_94] : memref<32x125x80xi32, #tpu.memory_space<hbm>> -> memref<1x1x80xi32, #tpu.memory_space<hbm>>
      %dma_start3A_96 = tpu.memref_squeeze %dma_start3A_95 : memref<1x1x80xi32, #tpu.memory_space<hbm>> -> memref<80xi32, #tpu.memory_space<hbm>>
      tpu.enqueue_dma source(%dma_start3A_96 : memref<80xi32, #tpu.memory_space<hbm>>) target(%arg7 : memref<80xi32, #tpu.memory_space<vmem>>) target_semaphore(%run_scoped3A_90 : memref<!tpu.dma_semaphore, #tpu.memory_space<semaphore_mem>>)
      %dma_wait3A_97 = arith.constant 0 : i32
      %dma_wait3A_98 = tpu.memref_slice %arg3[%add3A, %run_scoped3A, %dma_wait3A_97] : memref<32x125x80xi32, #tpu.memory_space<hbm>> -> memref<1x1x80xi32, #tpu.memory_space<hbm>>
      %dma_wait3A_99 = tpu.memref_squeeze %dma_wait3A_98 : memref<1x1x80xi32, #tpu.memory_space<hbm>> -> memref<80xi32, #tpu.memory_space<hbm>>
      %dma_wait3A_100 = arith.constant 0 : i32
      %dma_wait3A_101 = tpu.memref_slice %arg3[%add3A, %run_scoped3A, %dma_wait3A_100] : memref<32x125x80xi32, #tpu.memory_space<hbm>> -> memref<1x1x80xi32, #tpu.memory_space<hbm>>
      %dma_wait3A_102 = tpu.memref_squeeze %dma_wait3A_101 : memref<1x1x80xi32, #tpu.memory_space<hbm>> -> memref<80xi32, #tpu.memory_space<hbm>>
      tpu.wait_dma2 semaphore(%run_scoped3A_90 : memref<!tpu.dma_semaphore, #tpu.memory_space<semaphore_mem>>) src(%dma_wait3A_102 : memref<80xi32, #tpu.memory_space<hbm>>) dst(%arg7 : memref<80xi32, #tpu.memory_space<vmem>>)
      tpu.yield
    }) : () -> ()
    %run_scoped3A_17 = arith.constant 0 : i32
    %run_scoped3A_18 = arith.constant 0 : i32
    "tpu.region"() ({
      %run_scoped3A_90 = tpu.sem_alloc : memref<!tpu.dma_semaphore, #tpu.memory_space<semaphore_mem>>
      %dma_start3A_91 = arith.constant 0 : i32
      %dma_start3A_92 = tpu.memref_slice %arg4[%run_scoped3A_17, %add3A, %run_scoped3A_18, %dma_start3A_91] : memref<2x32x125x80xi32, #tpu.memory_space<hbm>> -> memref<1x1x1x80xi32, #tpu.memory_space<hbm>>
      %dma_start3A_93 = tpu.memref_squeeze %dma_start3A_92 : memref<1x1x1x80xi32, #tpu.memory_space<hbm>> -> memref<80xi32, #tpu.memory_space<hbm>>
      %dma_start3A_94 = arith.constant 0 : i32
      %dma_start3A_95 = tpu.memref_slice %arg4[%run_scoped3A_17, %add3A, %run_scoped3A_18, %dma_start3A_94] : memref<2x32x125x80xi32, #tpu.memory_space<hbm>> -> memref<1x1x1x80xi32, #tpu.memory_space<hbm>>
      %dma_start3A_96 = tpu.memref_squeeze %dma_start3A_95 : memref<1x1x1x80xi32, #tpu.memory_space<hbm>> -> memref<80xi32, #tpu.memory_space<hbm>>
      tpu.enqueue_dma source(%dma_start3A_96 : memref<80xi32, #tpu.memory_space<hbm>>) target(%arg9 : memref<80xi32, #tpu.memory_space<vmem>>) target_semaphore(%run_scoped3A_90 : memref<!tpu.dma_semaphore, #tpu.memory_space<semaphore_mem>>)
      %dma_wait3A_97 = arith.constant 0 : i32
      %dma_wait3A_98 = tpu.memref_slice %arg4[%run_scoped3A_17, %add3A, %run_scoped3A_18, %dma_wait3A_97] : memref<2x32x125x80xi32, #tpu.memory_space<hbm>> -> memref<1x1x1x80xi32, #tpu.memory_space<hbm>>
      %dma_wait3A_99 = tpu.memref_squeeze %dma_wait3A_98 : memref<1x1x1x80xi32, #tpu.memory_space<hbm>> -> memref<80xi32, #tpu.memory_space<hbm>>
      %dma_wait3A_100 = arith.constant 0 : i32
      %dma_wait3A_101 = tpu.memref_slice %arg4[%run_scoped3A_17, %add3A, %run_scoped3A_18, %dma_wait3A_100] : memref<2x32x125x80xi32, #tpu.memory_space<hbm>> -> memref<1x1x1x80xi32, #tpu.memory_space<hbm>>
      %dma_wait3A_102 = tpu.memref_squeeze %dma_wait3A_101 : memref<1x1x1x80xi32, #tpu.memory_space<hbm>> -> memref<80xi32, #tpu.memory_space<hbm>>
      tpu.wait_dma2 semaphore(%run_scoped3A_90 : memref<!tpu.dma_semaphore, #tpu.memory_space<semaphore_mem>>) src(%dma_wait3A_102 : memref<80xi32, #tpu.memory_space<hbm>>) dst(%arg9 : memref<80xi32, #tpu.memory_space<vmem>>)
      tpu.yield
    }) : () -> ()
    %dma_start3A = arith.constant 0 : i32
    %dma_start3A_19 = arith.constant 0 : i32
    %dma_start3A_20 = tpu.memref_slice %arg2[%dma_start3A, %dma_start3A_19] : memref<10240x128xf32, #tpu.memory_space<hbm>> -> memref<10240x128xf32, #tpu.memory_space<hbm>>
    tpu.enqueue_indirect_dma source(%dma_start3A_20 : memref<10240x128xf32, #tpu.memory_space<hbm>>) target(%arg11 : memref<80x128xf32, #tpu.memory_space<vmem>>) offsets(%arg7 : memref<80xi32, #tpu.memory_space<vmem>>) semaphore(%arg15 : memref<!tpu.dma_semaphore, #tpu.memory_space<semaphore_mem>>)
    %run_scoped3A_21 = arith.constant 1 : i32
    "tpu.region"() ({
      %run_scoped3A_90 = tpu.sem_alloc : memref<!tpu.dma_semaphore, #tpu.memory_space<semaphore_mem>>
      %dma_start3A_91 = arith.constant 0 : i32
      %dma_start3A_92 = tpu.memref_slice %arg3[%add3A, %run_scoped3A_21, %dma_start3A_91] : memref<32x125x80xi32, #tpu.memory_space<hbm>> -> memref<1x1x80xi32, #tpu.memory_space<hbm>>
      %dma_start3A_93 = tpu.memref_squeeze %dma_start3A_92 : memref<1x1x80xi32, #tpu.memory_space<hbm>> -> memref<80xi32, #tpu.memory_space<hbm>>
      %dma_start3A_94 = arith.constant 0 : i32
      %dma_start3A_95 = tpu.memref_slice %arg3[%add3A, %run_scoped3A_21, %dma_start3A_94] : memref<32x125x80xi32, #tpu.memory_space<hbm>> -> memref<1x1x80xi32, #tpu.memory_space<hbm>>
      %dma_start3A_96 = tpu.memref_squeeze %dma_start3A_95 : memref<1x1x80xi32, #tpu.memory_space<hbm>> -> memref<80xi32, #tpu.memory_space<hbm>>
      tpu.enqueue_dma source(%dma_start3A_96 : memref<80xi32, #tpu.memory_space<hbm>>) target(%arg8 : memref<80xi32, #tpu.memory_space<vmem>>) target_semaphore(%run_scoped3A_90 : memref<!tpu.dma_semaphore, #tpu.memory_space<semaphore_mem>>)
      %dma_wait3A_97 = arith.constant 0 : i32
      %dma_wait3A_98 = tpu.memref_slice %arg3[%add3A, %run_scoped3A_21, %dma_wait3A_97] : memref<32x125x80xi32, #tpu.memory_space<hbm>> -> memref<1x1x80xi32, #tpu.memory_space<hbm>>
      %dma_wait3A_99 = tpu.memref_squeeze %dma_wait3A_98 : memref<1x1x80xi32, #tpu.memory_space<hbm>> -> memref<80xi32, #tpu.memory_space<hbm>>
      %dma_wait3A_100 = arith.constant 0 : i32
      %dma_wait3A_101 = tpu.memref_slice %arg3[%add3A, %run_scoped3A_21, %dma_wait3A_100] : memref<32x125x80xi32, #tpu.memory_space<hbm>> -> memref<1x1x80xi32, #tpu.memory_space<hbm>>
      %dma_wait3A_102 = tpu.memref_squeeze %dma_wait3A_101 : memref<1x1x80xi32, #tpu.memory_space<hbm>> -> memref<80xi32, #tpu.memory_space<hbm>>
      tpu.wait_dma2 semaphore(%run_scoped3A_90 : memref<!tpu.dma_semaphore, #tpu.memory_space<semaphore_mem>>) src(%dma_wait3A_102 : memref<80xi32, #tpu.memory_space<hbm>>) dst(%arg8 : memref<80xi32, #tpu.memory_space<vmem>>)
      tpu.yield
    }) : () -> ()
    %run_scoped3A_22 = arith.constant 0 : i32
    %run_scoped3A_23 = arith.constant 1 : i32
    "tpu.region"() ({
      %run_scoped3A_90 = tpu.sem_alloc : memref<!tpu.dma_semaphore, #tpu.memory_space<semaphore_mem>>
      %dma_start3A_91 = arith.constant 0 : i32
      %dma_start3A_92 = tpu.memref_slice %arg4[%run_scoped3A_22, %add3A, %run_scoped3A_23, %dma_start3A_91] : memref<2x32x125x80xi32, #tpu.memory_space<hbm>> -> memref<1x1x1x80xi32, #tpu.memory_space<hbm>>
      %dma_start3A_93 = tpu.memref_squeeze %dma_start3A_92 : memref<1x1x1x80xi32, #tpu.memory_space<hbm>> -> memref<80xi32, #tpu.memory_space<hbm>>
      %dma_start3A_94 = arith.constant 0 : i32
      %dma_start3A_95 = tpu.memref_slice %arg4[%run_scoped3A_22, %add3A, %run_scoped3A_23, %dma_start3A_94] : memref<2x32x125x80xi32, #tpu.memory_space<hbm>> -> memref<1x1x1x80xi32, #tpu.memory_space<hbm>>
      %dma_start3A_96 = tpu.memref_squeeze %dma_start3A_95 : memref<1x1x1x80xi32, #tpu.memory_space<hbm>> -> memref<80xi32, #tpu.memory_space<hbm>>
      tpu.enqueue_dma source(%dma_start3A_96 : memref<80xi32, #tpu.memory_space<hbm>>) target(%arg10 : memref<80xi32, #tpu.memory_space<vmem>>) target_semaphore(%run_scoped3A_90 : memref<!tpu.dma_semaphore, #tpu.memory_space<semaphore_mem>>)
      %dma_wait3A_97 = arith.constant 0 : i32
      %dma_wait3A_98 = tpu.memref_slice %arg4[%run_scoped3A_22, %add3A, %run_scoped3A_23, %dma_wait3A_97] : memref<2x32x125x80xi32, #tpu.memory_space<hbm>> -> memref<1x1x1x80xi32, #tpu.memory_space<hbm>>
      %dma_wait3A_99 = tpu.memref_squeeze %dma_wait3A_98 : memref<1x1x1x80xi32, #tpu.memory_space<hbm>> -> memref<80xi32, #tpu.memory_space<hbm>>
      %dma_wait3A_100 = arith.constant 0 : i32
      %dma_wait3A_101 = tpu.memref_slice %arg4[%run_scoped3A_22, %add3A, %run_scoped3A_23, %dma_wait3A_100] : memref<2x32x125x80xi32, #tpu.memory_space<hbm>> -> memref<1x1x1x80xi32, #tpu.memory_space<hbm>>
      %dma_wait3A_102 = tpu.memref_squeeze %dma_wait3A_101 : memref<1x1x1x80xi32, #tpu.memory_space<hbm>> -> memref<80xi32, #tpu.memory_space<hbm>>
      tpu.wait_dma2 semaphore(%run_scoped3A_90 : memref<!tpu.dma_semaphore, #tpu.memory_space<semaphore_mem>>) src(%dma_wait3A_102 : memref<80xi32, #tpu.memory_space<hbm>>) dst(%arg10 : memref<80xi32, #tpu.memory_space<vmem>>)
      tpu.yield
    }) : () -> ()
    %dma_start3A_24 = arith.constant 0 : i32
    %dma_start3A_25 = arith.constant 0 : i32
    %dma_start3A_26 = tpu.memref_slice %arg2[%dma_start3A_24, %dma_start3A_25] : memref<10240x128xf32, #tpu.memory_space<hbm>> -> memref<10240x128xf32, #tpu.memory_space<hbm>>
    tpu.enqueue_indirect_dma source(%dma_start3A_26 : memref<10240x128xf32, #tpu.memory_space<hbm>>) target(%arg12 : memref<80x128xf32, #tpu.memory_space<vmem>>) offsets(%arg8 : memref<80xi32, #tpu.memory_space<vmem>>) semaphore(%arg16 : memref<!tpu.dma_semaphore, #tpu.memory_space<semaphore_mem>>)
    %scan3A = arith.constant 0 : i32
    %scan3A_27 = arith.constant 0 : i32
    %scan3A_28 = arith.constant 63 : i32
    %scan3A_29 = arith.addi %scan3A_27, %scan3A_28 : i32
    %scan3A_30 = arith.constant 1 : i32
    scf.for %scan3A_90 = %scan3A_27 to %scan3A_29 step %scan3A_30  : i32 {
      %mul3A_91 = arith.constant 2 : i32
      %mul3A_92 = arith.muli %mul3A_91, %scan3A_90 : i32
      %dma_wait3A_93 = arith.constant 0 : i32
      %dma_wait3A_94 = arith.constant 0 : i32
      %dma_wait3A_95 = tpu.memref_slice %arg2[%dma_wait3A_93, %dma_wait3A_94] : memref<10240x128xf32, #tpu.memory_space<hbm>> -> memref<10240x128xf32, #tpu.memory_space<hbm>>
      tpu.wait_indirect_dma semaphore(%arg15 : memref<!tpu.dma_semaphore, #tpu.memory_space<semaphore_mem>>) src(%dma_wait3A_95 : memref<10240x128xf32, #tpu.memory_space<hbm>>) dst(%arg11 : memref<80x128xf32, #tpu.memory_space<vmem>>)
      %dma_start3A_96 = arith.constant 0 : i32
      %dma_start3A_97 = arith.constant 0 : i32
      %dma_start3A_98 = tpu.memref_slice %arg14[%dma_start3A_96, %dma_start3A_97] : memref<6144x128xf32, #tpu.memory_space<vmem_shared>> -> memref<6144x128xf32, #tpu.memory_space<vmem_shared>>
      tpu.enqueue_indirect_dma source(%arg11 : memref<80x128xf32, #tpu.memory_space<vmem>>) target(%dma_start3A_98 : memref<6144x128xf32, #tpu.memory_space<vmem_shared>>) offsets(%arg9 : memref<80xi32, #tpu.memory_space<vmem>>) semaphore(%arg17 : memref<!tpu.dma_semaphore, #tpu.memory_space<semaphore_mem>>) {add = true}
      %add3A_99 = arith.constant 2 : i32
      %add3A_100 = arith.addi %mul3A_92, %add3A_99 : i32
      %lt3A = arith.constant 125 : i32
      %lt3A_101 = arith.cmpi slt, %add3A_100, %lt3A : i32
      %convert_element_type3A = arith.extui %lt3A_101 : i1 to i32
      %cond3A = arith.constant 0 : i32
      %cond3A_102 = arith.cmpi ne, %convert_element_type3A, %cond3A : i32
      scf.if %cond3A_102 {
        %dma_wait3A_112 = arith.constant 0 : i32
        %dma_wait3A_113 = arith.constant 0 : i32
        %dma_wait3A_114 = tpu.memref_slice %arg14[%dma_wait3A_112, %dma_wait3A_113] : memref<6144x128xf32, #tpu.memory_space<vmem_shared>> -> memref<6144x128xf32, #tpu.memory_space<vmem_shared>>
        tpu.wait_indirect_dma semaphore(%arg17 : memref<!tpu.dma_semaphore, #tpu.memory_space<semaphore_mem>>) src(%arg11 : memref<80x128xf32, #tpu.memory_space<vmem>>) dst(%dma_wait3A_114 : memref<6144x128xf32, #tpu.memory_space<vmem_shared>>)
        %add3A_115 = arith.constant 2 : i32
        %add3A_116 = arith.addi %mul3A_92, %add3A_115 : i32
        "tpu.region"() ({
          %run_scoped3A_123 = tpu.sem_alloc : memref<!tpu.dma_semaphore, #tpu.memory_space<semaphore_mem>>
          %dma_start3A_124 = arith.constant 0 : i32
          %dma_start3A_125 = tpu.memref_slice %arg3[%add3A, %add3A_116, %dma_start3A_124] : memref<32x125x80xi32, #tpu.memory_space<hbm>> -> memref<1x1x80xi32, #tpu.memory_space<hbm>>
          %dma_start3A_126 = tpu.memref_squeeze %dma_start3A_125 : memref<1x1x80xi32, #tpu.memory_space<hbm>> -> memref<80xi32, #tpu.memory_space<hbm>>
          %dma_start3A_127 = arith.constant 0 : i32
          %dma_start3A_128 = tpu.memref_slice %arg3[%add3A, %add3A_116, %dma_start3A_127] : memref<32x125x80xi32, #tpu.memory_space<hbm>> -> memref<1x1x80xi32, #tpu.memory_space<hbm>>
          %dma_start3A_129 = tpu.memref_squeeze %dma_start3A_128 : memref<1x1x80xi32, #tpu.memory_space<hbm>> -> memref<80xi32, #tpu.memory_space<hbm>>
          tpu.enqueue_dma source(%dma_start3A_129 : memref<80xi32, #tpu.memory_space<hbm>>) target(%arg7 : memref<80xi32, #tpu.memory_space<vmem>>) target_semaphore(%run_scoped3A_123 : memref<!tpu.dma_semaphore, #tpu.memory_space<semaphore_mem>>)
          %dma_wait3A_130 = arith.constant 0 : i32
          %dma_wait3A_131 = tpu.memref_slice %arg3[%add3A, %add3A_116, %dma_wait3A_130] : memref<32x125x80xi32, #tpu.memory_space<hbm>> -> memref<1x1x80xi32, #tpu.memory_space<hbm>>
          %dma_wait3A_132 = tpu.memref_squeeze %dma_wait3A_131 : memref<1x1x80xi32, #tpu.memory_space<hbm>> -> memref<80xi32, #tpu.memory_space<hbm>>
          %dma_wait3A_133 = arith.constant 0 : i32
          %dma_wait3A_134 = tpu.memref_slice %arg3[%add3A, %add3A_116, %dma_wait3A_133] : memref<32x125x80xi32, #tpu.memory_space<hbm>> -> memref<1x1x80xi32, #tpu.memory_space<hbm>>
          %dma_wait3A_135 = tpu.memref_squeeze %dma_wait3A_134 : memref<1x1x80xi32, #tpu.memory_space<hbm>> -> memref<80xi32, #tpu.memory_space<hbm>>
          tpu.wait_dma2 semaphore(%run_scoped3A_123 : memref<!tpu.dma_semaphore, #tpu.memory_space<semaphore_mem>>) src(%dma_wait3A_135 : memref<80xi32, #tpu.memory_space<hbm>>) dst(%arg7 : memref<80xi32, #tpu.memory_space<vmem>>)
          tpu.yield
        }) : () -> ()
        %add3A_117 = arith.constant 2 : i32
        %add3A_118 = arith.addi %mul3A_92, %add3A_117 : i32
        %run_scoped3A_119 = arith.constant 0 : i32
        "tpu.region"() ({
          %run_scoped3A_123 = tpu.sem_alloc : memref<!tpu.dma_semaphore, #tpu.memory_space<semaphore_mem>>
          %dma_start3A_124 = arith.constant 0 : i32
          %dma_start3A_125 = tpu.memref_slice %arg4[%run_scoped3A_119, %add3A, %add3A_118, %dma_start3A_124] : memref<2x32x125x80xi32, #tpu.memory_space<hbm>> -> memref<1x1x1x80xi32, #tpu.memory_space<hbm>>
          %dma_start3A_126 = tpu.memref_squeeze %dma_start3A_125 : memref<1x1x1x80xi32, #tpu.memory_space<hbm>> -> memref<80xi32, #tpu.memory_space<hbm>>
          %dma_start3A_127 = arith.constant 0 : i32
          %dma_start3A_128 = tpu.memref_slice %arg4[%run_scoped3A_119, %add3A, %add3A_118, %dma_start3A_127] : memref<2x32x125x80xi32, #tpu.memory_space<hbm>> -> memref<1x1x1x80xi32, #tpu.memory_space<hbm>>
          %dma_start3A_129 = tpu.memref_squeeze %dma_start3A_128 : memref<1x1x1x80xi32, #tpu.memory_space<hbm>> -> memref<80xi32, #tpu.memory_space<hbm>>
          tpu.enqueue_dma source(%dma_start3A_129 : memref<80xi32, #tpu.memory_space<hbm>>) target(%arg9 : memref<80xi32, #tpu.memory_space<vmem>>) target_semaphore(%run_scoped3A_123 : memref<!tpu.dma_semaphore, #tpu.memory_space<semaphore_mem>>)
          %dma_wait3A_130 = arith.constant 0 : i32
          %dma_wait3A_131 = tpu.memref_slice %arg4[%run_scoped3A_119, %add3A, %add3A_118, %dma_wait3A_130] : memref<2x32x125x80xi32, #tpu.memory_space<hbm>> -> memref<1x1x1x80xi32, #tpu.memory_space<hbm>>
          %dma_wait3A_132 = tpu.memref_squeeze %dma_wait3A_131 : memref<1x1x1x80xi32, #tpu.memory_space<hbm>> -> memref<80xi32, #tpu.memory_space<hbm>>
          %dma_wait3A_133 = arith.constant 0 : i32
          %dma_wait3A_134 = tpu.memref_slice %arg4[%run_scoped3A_119, %add3A, %add3A_118, %dma_wait3A_133] : memref<2x32x125x80xi32, #tpu.memory_space<hbm>> -> memref<1x1x1x80xi32, #tpu.memory_space<hbm>>
          %dma_wait3A_135 = tpu.memref_squeeze %dma_wait3A_134 : memref<1x1x1x80xi32, #tpu.memory_space<hbm>> -> memref<80xi32, #tpu.memory_space<hbm>>
          tpu.wait_dma2 semaphore(%run_scoped3A_123 : memref<!tpu.dma_semaphore, #tpu.memory_space<semaphore_mem>>) src(%dma_wait3A_135 : memref<80xi32, #tpu.memory_space<hbm>>) dst(%arg9 : memref<80xi32, #tpu.memory_space<vmem>>)
          tpu.yield
        }) : () -> ()
        %dma_start3A_120 = arith.constant 0 : i32
        %dma_start3A_121 = arith.constant 0 : i32
        %dma_start3A_122 = tpu.memref_slice %arg2[%dma_start3A_120, %dma_start3A_121] : memref<10240x128xf32, #tpu.memory_space<hbm>> -> memref<10240x128xf32, #tpu.memory_space<hbm>>
        tpu.enqueue_indirect_dma source(%dma_start3A_122 : memref<10240x128xf32, #tpu.memory_space<hbm>>) target(%arg11 : memref<80x128xf32, #tpu.memory_space<vmem>>) offsets(%arg7 : memref<80xi32, #tpu.memory_space<vmem>>) semaphore(%arg15 : memref<!tpu.dma_semaphore, #tpu.memory_space<semaphore_mem>>)
      } else {
      }
      %mul3A_103 = arith.constant 2 : i32
      %mul3A_104 = arith.muli %mul3A_103, %scan3A_90 : i32
      %add3A_105 = arith.constant 1 : i32
      %add3A_106 = arith.addi %mul3A_104, %add3A_105 : i32
      %lt3A_107 = arith.constant 125 : i32
      %lt3A_108 = arith.cmpi slt, %add3A_106, %lt3A_107 : i32
      %convert_element_type3A_109 = arith.extui %lt3A_108 : i1 to i32
      %cond3A_110 = arith.constant 0 : i32
      %cond3A_111 = arith.cmpi ne, %convert_element_type3A_109, %cond3A_110 : i32
      scf.if %cond3A_111 {
        %mul3A_112 = arith.constant 2 : i32
        %mul3A_113 = arith.muli %mul3A_112, %scan3A_90 : i32
        %add3A_114 = arith.constant 1 : i32
        %add3A_115 = arith.addi %mul3A_113, %add3A_114 : i32
        %dma_wait3A_116 = arith.constant 0 : i32
        %dma_wait3A_117 = arith.constant 0 : i32
        %dma_wait3A_118 = tpu.memref_slice %arg2[%dma_wait3A_116, %dma_wait3A_117] : memref<10240x128xf32, #tpu.memory_space<hbm>> -> memref<10240x128xf32, #tpu.memory_space<hbm>>
        tpu.wait_indirect_dma semaphore(%arg16 : memref<!tpu.dma_semaphore, #tpu.memory_space<semaphore_mem>>) src(%dma_wait3A_118 : memref<10240x128xf32, #tpu.memory_space<hbm>>) dst(%arg12 : memref<80x128xf32, #tpu.memory_space<vmem>>)
        %dma_start3A_119 = arith.constant 0 : i32
        %dma_start3A_120 = arith.constant 0 : i32
        %dma_start3A_121 = tpu.memref_slice %arg14[%dma_start3A_119, %dma_start3A_120] : memref<6144x128xf32, #tpu.memory_space<vmem_shared>> -> memref<6144x128xf32, #tpu.memory_space<vmem_shared>>
        tpu.enqueue_indirect_dma source(%arg12 : memref<80x128xf32, #tpu.memory_space<vmem>>) target(%dma_start3A_121 : memref<6144x128xf32, #tpu.memory_space<vmem_shared>>) offsets(%arg10 : memref<80xi32, #tpu.memory_space<vmem>>) semaphore(%arg18 : memref<!tpu.dma_semaphore, #tpu.memory_space<semaphore_mem>>) {add = true}
        %add3A_122 = arith.constant 2 : i32
        %add3A_123 = arith.addi %add3A_115, %add3A_122 : i32
        %lt3A_124 = arith.constant 125 : i32
        %lt3A_125 = arith.cmpi slt, %add3A_123, %lt3A_124 : i32
        %convert_element_type3A_126 = arith.extui %lt3A_125 : i1 to i32
        %cond3A_127 = arith.constant 0 : i32
        %cond3A_128 = arith.cmpi ne, %convert_element_type3A_126, %cond3A_127 : i32
        scf.if %cond3A_128 {
          %dma_wait3A_129 = arith.constant 0 : i32
          %dma_wait3A_130 = arith.constant 0 : i32
          %dma_wait3A_131 = tpu.memref_slice %arg14[%dma_wait3A_129, %dma_wait3A_130] : memref<6144x128xf32, #tpu.memory_space<vmem_shared>> -> memref<6144x128xf32, #tpu.memory_space<vmem_shared>>
          tpu.wait_indirect_dma semaphore(%arg18 : memref<!tpu.dma_semaphore, #tpu.memory_space<semaphore_mem>>) src(%arg12 : memref<80x128xf32, #tpu.memory_space<vmem>>) dst(%dma_wait3A_131 : memref<6144x128xf32, #tpu.memory_space<vmem_shared>>)
          %add3A_132 = arith.constant 2 : i32
          %add3A_133 = arith.addi %add3A_115, %add3A_132 : i32
          "tpu.region"() ({
            %run_scoped3A_140 = tpu.sem_alloc : memref<!tpu.dma_semaphore, #tpu.memory_space<semaphore_mem>>
            %dma_start3A_141 = arith.constant 0 : i32
            %dma_start3A_142 = tpu.memref_slice %arg3[%add3A, %add3A_133, %dma_start3A_141] : memref<32x125x80xi32, #tpu.memory_space<hbm>> -> memref<1x1x80xi32, #tpu.memory_space<hbm>>
            %dma_start3A_143 = tpu.memref_squeeze %dma_start3A_142 : memref<1x1x80xi32, #tpu.memory_space<hbm>> -> memref<80xi32, #tpu.memory_space<hbm>>
            %dma_start3A_144 = arith.constant 0 : i32
            %dma_start3A_145 = tpu.memref_slice %arg3[%add3A, %add3A_133, %dma_start3A_144] : memref<32x125x80xi32, #tpu.memory_space<hbm>> -> memref<1x1x80xi32, #tpu.memory_space<hbm>>
            %dma_start3A_146 = tpu.memref_squeeze %dma_start3A_145 : memref<1x1x80xi32, #tpu.memory_space<hbm>> -> memref<80xi32, #tpu.memory_space<hbm>>
            tpu.enqueue_dma source(%dma_start3A_146 : memref<80xi32, #tpu.memory_space<hbm>>) target(%arg8 : memref<80xi32, #tpu.memory_space<vmem>>) target_semaphore(%run_scoped3A_140 : memref<!tpu.dma_semaphore, #tpu.memory_space<semaphore_mem>>)
            %dma_wait3A_147 = arith.constant 0 : i32
            %dma_wait3A_148 = tpu.memref_slice %arg3[%add3A, %add3A_133, %dma_wait3A_147] : memref<32x125x80xi32, #tpu.memory_space<hbm>> -> memref<1x1x80xi32, #tpu.memory_space<hbm>>
            %dma_wait3A_149 = tpu.memref_squeeze %dma_wait3A_148 : memref<1x1x80xi32, #tpu.memory_space<hbm>> -> memref<80xi32, #tpu.memory_space<hbm>>
            %dma_wait3A_150 = arith.constant 0 : i32
            %dma_wait3A_151 = tpu.memref_slice %arg3[%add3A, %add3A_133, %dma_wait3A_150] : memref<32x125x80xi32, #tpu.memory_space<hbm>> -> memref<1x1x80xi32, #tpu.memory_space<hbm>>
            %dma_wait3A_152 = tpu.memref_squeeze %dma_wait3A_151 : memref<1x1x80xi32, #tpu.memory_space<hbm>> -> memref<80xi32, #tpu.memory_space<hbm>>
            tpu.wait_dma2 semaphore(%run_scoped3A_140 : memref<!tpu.dma_semaphore, #tpu.memory_space<semaphore_mem>>) src(%dma_wait3A_152 : memref<80xi32, #tpu.memory_space<hbm>>) dst(%arg8 : memref<80xi32, #tpu.memory_space<vmem>>)
            tpu.yield
          }) : () -> ()
          %add3A_134 = arith.constant 2 : i32
          %add3A_135 = arith.addi %add3A_115, %add3A_134 : i32
          %run_scoped3A_136 = arith.constant 0 : i32
          "tpu.region"() ({
            %run_scoped3A_140 = tpu.sem_alloc : memref<!tpu.dma_semaphore, #tpu.memory_space<semaphore_mem>>
            %dma_start3A_141 = arith.constant 0 : i32
            %dma_start3A_142 = tpu.memref_slice %arg4[%run_scoped3A_136, %add3A, %add3A_135, %dma_start3A_141] : memref<2x32x125x80xi32, #tpu.memory_space<hbm>> -> memref<1x1x1x80xi32, #tpu.memory_space<hbm>>
            %dma_start3A_143 = tpu.memref_squeeze %dma_start3A_142 : memref<1x1x1x80xi32, #tpu.memory_space<hbm>> -> memref<80xi32, #tpu.memory_space<hbm>>
            %dma_start3A_144 = arith.constant 0 : i32
            %dma_start3A_145 = tpu.memref_slice %arg4[%run_scoped3A_136, %add3A, %add3A_135, %dma_start3A_144] : memref<2x32x125x80xi32, #tpu.memory_space<hbm>> -> memref<1x1x1x80xi32, #tpu.memory_space<hbm>>
            %dma_start3A_146 = tpu.memref_squeeze %dma_start3A_145 : memref<1x1x1x80xi32, #tpu.memory_space<hbm>> -> memref<80xi32, #tpu.memory_space<hbm>>
            tpu.enqueue_dma source(%dma_start3A_146 : memref<80xi32, #tpu.memory_space<hbm>>) target(%arg10 : memref<80xi32, #tpu.memory_space<vmem>>) target_semaphore(%run_scoped3A_140 : memref<!tpu.dma_semaphore, #tpu.memory_space<semaphore_mem>>)
            %dma_wait3A_147 = arith.constant 0 : i32
            %dma_wait3A_148 = tpu.memref_slice %arg4[%run_scoped3A_136, %add3A, %add3A_135, %dma_wait3A_147] : memref<2x32x125x80xi32, #tpu.memory_space<hbm>> -> memref<1x1x1x80xi32, #tpu.memory_space<hbm>>
            %dma_wait3A_149 = tpu.memref_squeeze %dma_wait3A_148 : memref<1x1x1x80xi32, #tpu.memory_space<hbm>> -> memref<80xi32, #tpu.memory_space<hbm>>
            %dma_wait3A_150 = arith.constant 0 : i32
            %dma_wait3A_151 = tpu.memref_slice %arg4[%run_scoped3A_136, %add3A, %add3A_135, %dma_wait3A_150] : memref<2x32x125x80xi32, #tpu.memory_space<hbm>> -> memref<1x1x1x80xi32, #tpu.memory_space<hbm>>
            %dma_wait3A_152 = tpu.memref_squeeze %dma_wait3A_151 : memref<1x1x1x80xi32, #tpu.memory_space<hbm>> -> memref<80xi32, #tpu.memory_space<hbm>>
            tpu.wait_dma2 semaphore(%run_scoped3A_140 : memref<!tpu.dma_semaphore, #tpu.memory_space<semaphore_mem>>) src(%dma_wait3A_152 : memref<80xi32, #tpu.memory_space<hbm>>) dst(%arg10 : memref<80xi32, #tpu.memory_space<vmem>>)
            tpu.yield
          }) : () -> ()
          %dma_start3A_137 = arith.constant 0 : i32
          %dma_start3A_138 = arith.constant 0 : i32
          %dma_start3A_139 = tpu.memref_slice %arg2[%dma_start3A_137, %dma_start3A_138] : memref<10240x128xf32, #tpu.memory_space<hbm>> -> memref<10240x128xf32, #tpu.memory_space<hbm>>
          tpu.enqueue_indirect_dma source(%dma_start3A_139 : memref<10240x128xf32, #tpu.memory_space<hbm>>) target(%arg12 : memref<80x128xf32, #tpu.memory_space<vmem>>) offsets(%arg8 : memref<80xi32, #tpu.memory_space<vmem>>) semaphore(%arg16 : memref<!tpu.dma_semaphore, #tpu.memory_space<semaphore_mem>>)
        } else {
        }
      } else {
      }
    }
    %scan3A_31 = arith.constant 63 : i32
    %dma_wait3A = arith.constant 0 : i32
    %dma_wait3A_32 = arith.constant 0 : i32
    %dma_wait3A_33 = tpu.memref_slice %arg14[%dma_wait3A, %dma_wait3A_32] : memref<6144x128xf32, #tpu.memory_space<vmem_shared>> -> memref<6144x128xf32, #tpu.memory_space<vmem_shared>>
    tpu.wait_indirect_dma semaphore(%arg17 : memref<!tpu.dma_semaphore, #tpu.memory_space<semaphore_mem>>) src(%arg11 : memref<80x128xf32, #tpu.memory_space<vmem>>) dst(%dma_wait3A_33 : memref<6144x128xf32, #tpu.memory_space<vmem_shared>>)
    %dma_wait3A_34 = arith.constant 0 : i32
    %dma_wait3A_35 = arith.constant 0 : i32
    %dma_wait3A_36 = tpu.memref_slice %arg14[%dma_wait3A_34, %dma_wait3A_35] : memref<6144x128xf32, #tpu.memory_space<vmem_shared>> -> memref<6144x128xf32, #tpu.memory_space<vmem_shared>>
    tpu.wait_indirect_dma semaphore(%arg18 : memref<!tpu.dma_semaphore, #tpu.memory_space<semaphore_mem>>) src(%arg12 : memref<80x128xf32, #tpu.memory_space<vmem>>) dst(%dma_wait3A_36 : memref<6144x128xf32, #tpu.memory_space<vmem_shared>>)
    %barrier3A_37 = arith.constant 0 : index
    tpu.barrier barrier_id(%barrier3A_37)
    %mul3A_38 = arith.constant 384 : i32
    %mul3A_39 = arith.muli %arg1, %mul3A_38 : i32
    %mul3A_40 = arith.constant 384 : i32
    %mul3A_41 = arith.muli %arg1, %mul3A_40 : i32
    %run_scoped3A_42 = arith.constant 0 : i32
    "tpu.region"() ({
      %run_scoped3A_90 = tpu.sem_alloc : memref<!tpu.dma_semaphore, #tpu.memory_space<semaphore_mem>>
      %dma_start3A_91 = arith.constant 0 : i32
      %dma_start3A_92 = tpu.memref_slice %arg6[%arg0, %run_scoped3A_42, %mul3A_41, %dma_start3A_91] : memref<2x2x6144x128xf32, #tpu.memory_space<hbm>> -> memref<1x1x384x128xf32, #tpu.memory_space<hbm>>
      %dma_start3A_93 = tpu.memref_squeeze %dma_start3A_92 : memref<1x1x384x128xf32, #tpu.memory_space<hbm>> -> memref<384x128xf32, #tpu.memory_space<hbm>>
      %dma_start3A_94 = arith.constant 0 : i32
      %dma_start3A_95 = tpu.memref_slice %arg14[%mul3A_39, %dma_start3A_94] : memref<6144x128xf32, #tpu.memory_space<vmem_shared>> -> memref<384x128xf32, #tpu.memory_space<vmem_shared>>
      tpu.enqueue_dma source(%dma_start3A_95 : memref<384x128xf32, #tpu.memory_space<vmem_shared>>) target(%dma_start3A_93 : memref<384x128xf32, #tpu.memory_space<hbm>>) target_semaphore(%run_scoped3A_90 : memref<!tpu.dma_semaphore, #tpu.memory_space<semaphore_mem>>)
      %dma_wait3A_96 = arith.constant 0 : i32
      %dma_wait3A_97 = tpu.memref_slice %arg6[%arg0, %run_scoped3A_42, %mul3A_41, %dma_wait3A_96] : memref<2x2x6144x128xf32, #tpu.memory_space<hbm>> -> memref<1x1x384x128xf32, #tpu.memory_space<hbm>>
      %dma_wait3A_98 = tpu.memref_squeeze %dma_wait3A_97 : memref<1x1x384x128xf32, #tpu.memory_space<hbm>> -> memref<384x128xf32, #tpu.memory_space<hbm>>
      %dma_wait3A_99 = arith.constant 0 : i32
      %dma_wait3A_100 = tpu.memref_slice %arg14[%mul3A_39, %dma_wait3A_99] : memref<6144x128xf32, #tpu.memory_space<vmem_shared>> -> memref<384x128xf32, #tpu.memory_space<vmem_shared>>
      tpu.wait_dma2 semaphore(%run_scoped3A_90 : memref<!tpu.dma_semaphore, #tpu.memory_space<semaphore_mem>>) src(%dma_wait3A_100 : memref<384x128xf32, #tpu.memory_space<vmem_shared>>) dst(%dma_wait3A_98 : memref<384x128xf32, #tpu.memory_space<hbm>>)
      tpu.yield
    }) : () -> ()
    %mul3A_43 = arith.constant 384 : i32
    %mul3A_44 = arith.muli %arg1, %mul3A_43 : i32
    %add3A_45 = arith.constant 0 : i32
    %add3A_46 = arith.addi %mul3A_44, %add3A_45 : i32
    "tpu.region"() ({
      %run_scoped3A_90 = tpu.sem_alloc : memref<!tpu.dma_semaphore, #tpu.memory_space<semaphore_mem>>
      %dma_start3A_91 = arith.constant 0 : i32
      %dma_start3A_92 = tpu.memref_slice %arg14[%add3A_46, %dma_start3A_91] : memref<6144x128xf32, #tpu.memory_space<vmem_shared>> -> memref<96x128xf32, #tpu.memory_space<vmem_shared>>
      %dma_start3A_93 = arith.constant 0 : i32
      %dma_start3A_94 = tpu.memref_slice %arg14[%add3A_46, %dma_start3A_93] : memref<6144x128xf32, #tpu.memory_space<vmem_shared>> -> memref<96x128xf32, #tpu.memory_space<vmem_shared>>
      tpu.enqueue_dma source(%arg13 : memref<96x128xf32, #tpu.memory_space<vmem>>) target(%dma_start3A_94 : memref<96x128xf32, #tpu.memory_space<vmem_shared>>) target_semaphore(%run_scoped3A_90 : memref<!tpu.dma_semaphore, #tpu.memory_space<semaphore_mem>>)
      %dma_wait3A_95 = arith.constant 0 : i32
      %dma_wait3A_96 = tpu.memref_slice %arg14[%add3A_46, %dma_wait3A_95] : memref<6144x128xf32, #tpu.memory_space<vmem_shared>> -> memref<96x128xf32, #tpu.memory_space<vmem_shared>>
      %dma_wait3A_97 = arith.constant 0 : i32
      %dma_wait3A_98 = tpu.memref_slice %arg14[%add3A_46, %dma_wait3A_97] : memref<6144x128xf32, #tpu.memory_space<vmem_shared>> -> memref<96x128xf32, #tpu.memory_space<vmem_shared>>
      tpu.wait_dma2 semaphore(%run_scoped3A_90 : memref<!tpu.dma_semaphore, #tpu.memory_space<semaphore_mem>>) src(%arg13 : memref<96x128xf32, #tpu.memory_space<vmem>>) dst(%dma_wait3A_98 : memref<96x128xf32, #tpu.memory_space<vmem_shared>>)
      tpu.yield
    }) : () -> ()
    %mul3A_47 = arith.constant 384 : i32
    %mul3A_48 = arith.muli %arg1, %mul3A_47 : i32
    %add3A_49 = arith.constant 96 : i32
    %add3A_50 = arith.addi %mul3A_48, %add3A_49 : i32
    "tpu.region"() ({
      %run_scoped3A_90 = tpu.sem_alloc : memref<!tpu.dma_semaphore, #tpu.memory_space<semaphore_mem>>
      %dma_start3A_91 = arith.constant 0 : i32
      %dma_start3A_92 = tpu.memref_slice %arg14[%add3A_50, %dma_start3A_91] : memref<6144x128xf32, #tpu.memory_space<vmem_shared>> -> memref<96x128xf32, #tpu.memory_space<vmem_shared>>
      %dma_start3A_93 = arith.constant 0 : i32
      %dma_start3A_94 = tpu.memref_slice %arg14[%add3A_50, %dma_start3A_93] : memref<6144x128xf32, #tpu.memory_space<vmem_shared>> -> memref<96x128xf32, #tpu.memory_space<vmem_shared>>
      tpu.enqueue_dma source(%arg13 : memref<96x128xf32, #tpu.memory_space<vmem>>) target(%dma_start3A_94 : memref<96x128xf32, #tpu.memory_space<vmem_shared>>) target_semaphore(%run_scoped3A_90 : memref<!tpu.dma_semaphore, #tpu.memory_space<semaphore_mem>>)
      %dma_wait3A_95 = arith.constant 0 : i32
      %dma_wait3A_96 = tpu.memref_slice %arg14[%add3A_50, %dma_wait3A_95] : memref<6144x128xf32, #tpu.memory_space<vmem_shared>> -> memref<96x128xf32, #tpu.memory_space<vmem_shared>>
      %dma_wait3A_97 = arith.constant 0 : i32
      %dma_wait3A_98 = tpu.memref_slice %arg14[%add3A_50, %dma_wait3A_97] : memref<6144x128xf32, #tpu.memory_space<vmem_shared>> -> memref<96x128xf32, #tpu.memory_space<vmem_shared>>
      tpu.wait_dma2 semaphore(%run_scoped3A_90 : memref<!tpu.dma_semaphore, #tpu.memory_space<semaphore_mem>>) src(%arg13 : memref<96x128xf32, #tpu.memory_space<vmem>>) dst(%dma_wait3A_98 : memref<96x128xf32, #tpu.memory_space<vmem_shared>>)
      tpu.yield
    }) : () -> ()
    %mul3A_51 = arith.constant 384 : i32
    %mul3A_52 = arith.muli %arg1, %mul3A_51 : i32
    %add3A_53 = arith.constant 192 : i32
    %add3A_54 = arith.addi %mul3A_52, %add3A_53 : i32
    "tpu.region"() ({
      %run_scoped3A_90 = tpu.sem_alloc : memref<!tpu.dma_semaphore, #tpu.memory_space<semaphore_mem>>
      %dma_start3A_91 = arith.constant 0 : i32
      %dma_start3A_92 = tpu.memref_slice %arg14[%add3A_54, %dma_start3A_91] : memref<6144x128xf32, #tpu.memory_space<vmem_shared>> -> memref<96x128xf32, #tpu.memory_space<vmem_shared>>
      %dma_start3A_93 = arith.constant 0 : i32
      %dma_start3A_94 = tpu.memref_slice %arg14[%add3A_54, %dma_start3A_93] : memref<6144x128xf32, #tpu.memory_space<vmem_shared>> -> memref<96x128xf32, #tpu.memory_space<vmem_shared>>
      tpu.enqueue_dma source(%arg13 : memref<96x128xf32, #tpu.memory_space<vmem>>) target(%dma_start3A_94 : memref<96x128xf32, #tpu.memory_space<vmem_shared>>) target_semaphore(%run_scoped3A_90 : memref<!tpu.dma_semaphore, #tpu.memory_space<semaphore_mem>>)
      %dma_wait3A_95 = arith.constant 0 : i32
      %dma_wait3A_96 = tpu.memref_slice %arg14[%add3A_54, %dma_wait3A_95] : memref<6144x128xf32, #tpu.memory_space<vmem_shared>> -> memref<96x128xf32, #tpu.memory_space<vmem_shared>>
      %dma_wait3A_97 = arith.constant 0 : i32
      %dma_wait3A_98 = tpu.memref_slice %arg14[%add3A_54, %dma_wait3A_97] : memref<6144x128xf32, #tpu.memory_space<vmem_shared>> -> memref<96x128xf32, #tpu.memory_space<vmem_shared>>
      tpu.wait_dma2 semaphore(%run_scoped3A_90 : memref<!tpu.dma_semaphore, #tpu.memory_space<semaphore_mem>>) src(%arg13 : memref<96x128xf32, #tpu.memory_space<vmem>>) dst(%dma_wait3A_98 : memref<96x128xf32, #tpu.memory_space<vmem_shared>>)
      tpu.yield
    }) : () -> ()
    %mul3A_55 = arith.constant 384 : i32
    %mul3A_56 = arith.muli %arg1, %mul3A_55 : i32
    %add3A_57 = arith.constant 288 : i32
    %add3A_58 = arith.addi %mul3A_56, %add3A_57 : i32
    "tpu.region"() ({
      %run_scoped3A_90 = tpu.sem_alloc : memref<!tpu.dma_semaphore, #tpu.memory_space<semaphore_mem>>
      %dma_start3A_91 = arith.constant 0 : i32
      %dma_start3A_92 = tpu.memref_slice %arg14[%add3A_58, %dma_start3A_91] : memref<6144x128xf32, #tpu.memory_space<vmem_shared>> -> memref<96x128xf32, #tpu.memory_space<vmem_shared>>
      %dma_start3A_93 = arith.constant 0 : i32
      %dma_start3A_94 = tpu.memref_slice %arg14[%add3A_58, %dma_start3A_93] : memref<6144x128xf32, #tpu.memory_space<vmem_shared>> -> memref<96x128xf32, #tpu.memory_space<vmem_shared>>
      tpu.enqueue_dma source(%arg13 : memref<96x128xf32, #tpu.memory_space<vmem>>) target(%dma_start3A_94 : memref<96x128xf32, #tpu.memory_space<vmem_shared>>) target_semaphore(%run_scoped3A_90 : memref<!tpu.dma_semaphore, #tpu.memory_space<semaphore_mem>>)
      %dma_wait3A_95 = arith.constant 0 : i32
      %dma_wait3A_96 = tpu.memref_slice %arg14[%add3A_58, %dma_wait3A_95] : memref<6144x128xf32, #tpu.memory_space<vmem_shared>> -> memref<96x128xf32, #tpu.memory_space<vmem_shared>>
      %dma_wait3A_97 = arith.constant 0 : i32
      %dma_wait3A_98 = tpu.memref_slice %arg14[%add3A_58, %dma_wait3A_97] : memref<6144x128xf32, #tpu.memory_space<vmem_shared>> -> memref<96x128xf32, #tpu.memory_space<vmem_shared>>
      tpu.wait_dma2 semaphore(%run_scoped3A_90 : memref<!tpu.dma_semaphore, #tpu.memory_space<semaphore_mem>>) src(%arg13 : memref<96x128xf32, #tpu.memory_space<vmem>>) dst(%dma_wait3A_98 : memref<96x128xf32, #tpu.memory_space<vmem_shared>>)
      tpu.yield
    }) : () -> ()
    %barrier3A_59 = arith.constant 0 : index
    tpu.barrier barrier_id(%barrier3A_59)
    %run_scoped3A_60 = arith.constant 0 : i32
    "tpu.region"() ({
      %run_scoped3A_90 = tpu.sem_alloc : memref<!tpu.dma_semaphore, #tpu.memory_space<semaphore_mem>>
      %dma_start3A_91 = arith.constant 0 : i32
      %dma_start3A_92 = tpu.memref_slice %arg3[%add3A, %run_scoped3A_60, %dma_start3A_91] : memref<32x125x80xi32, #tpu.memory_space<hbm>> -> memref<1x1x80xi32, #tpu.memory_space<hbm>>
      %dma_start3A_93 = tpu.memref_squeeze %dma_start3A_92 : memref<1x1x80xi32, #tpu.memory_space<hbm>> -> memref<80xi32, #tpu.memory_space<hbm>>
      %dma_start3A_94 = arith.constant 0 : i32
      %dma_start3A_95 = tpu.memref_slice %arg3[%add3A, %run_scoped3A_60, %dma_start3A_94] : memref<32x125x80xi32, #tpu.memory_space<hbm>> -> memref<1x1x80xi32, #tpu.memory_space<hbm>>
      %dma_start3A_96 = tpu.memref_squeeze %dma_start3A_95 : memref<1x1x80xi32, #tpu.memory_space<hbm>> -> memref<80xi32, #tpu.memory_space<hbm>>
      tpu.enqueue_dma source(%dma_start3A_96 : memref<80xi32, #tpu.memory_space<hbm>>) target(%arg7 : memref<80xi32, #tpu.memory_space<vmem>>) target_semaphore(%run_scoped3A_90 : memref<!tpu.dma_semaphore, #tpu.memory_space<semaphore_mem>>)
      %dma_wait3A_97 = arith.constant 0 : i32
      %dma_wait3A_98 = tpu.memref_slice %arg3[%add3A, %run_scoped3A_60, %dma_wait3A_97] : memref<32x125x80xi32, #tpu.memory_space<hbm>> -> memref<1x1x80xi32, #tpu.memory_space<hbm>>
      %dma_wait3A_99 = tpu.memref_squeeze %dma_wait3A_98 : memref<1x1x80xi32, #tpu.memory_space<hbm>> -> memref<80xi32, #tpu.memory_space<hbm>>
      %dma_wait3A_100 = arith.constant 0 : i32
      %dma_wait3A_101 = tpu.memref_slice %arg3[%add3A, %run_scoped3A_60, %dma_wait3A_100] : memref<32x125x80xi32, #tpu.memory_space<hbm>> -> memref<1x1x80xi32, #tpu.memory_space<hbm>>
      %dma_wait3A_102 = tpu.memref_squeeze %dma_wait3A_101 : memref<1x1x80xi32, #tpu.memory_space<hbm>> -> memref<80xi32, #tpu.memory_space<hbm>>
      tpu.wait_dma2 semaphore(%run_scoped3A_90 : memref<!tpu.dma_semaphore, #tpu.memory_space<semaphore_mem>>) src(%dma_wait3A_102 : memref<80xi32, #tpu.memory_space<hbm>>) dst(%arg7 : memref<80xi32, #tpu.memory_space<vmem>>)
      tpu.yield
    }) : () -> ()
    %run_scoped3A_61 = arith.constant 1 : i32
    %run_scoped3A_62 = arith.constant 0 : i32
    "tpu.region"() ({
      %run_scoped3A_90 = tpu.sem_alloc : memref<!tpu.dma_semaphore, #tpu.memory_space<semaphore_mem>>
      %dma_start3A_91 = arith.constant 0 : i32
      %dma_start3A_92 = tpu.memref_slice %arg4[%run_scoped3A_61, %add3A, %run_scoped3A_62, %dma_start3A_91] : memref<2x32x125x80xi32, #tpu.memory_space<hbm>> -> memref<1x1x1x80xi32, #tpu.memory_space<hbm>>
      %dma_start3A_93 = tpu.memref_squeeze %dma_start3A_92 : memref<1x1x1x80xi32, #tpu.memory_space<hbm>> -> memref<80xi32, #tpu.memory_space<hbm>>
      %dma_start3A_94 = arith.constant 0 : i32
      %dma_start3A_95 = tpu.memref_slice %arg4[%run_scoped3A_61, %add3A, %run_scoped3A_62, %dma_start3A_94] : memref<2x32x125x80xi32, #tpu.memory_space<hbm>> -> memref<1x1x1x80xi32, #tpu.memory_space<hbm>>
      %dma_start3A_96 = tpu.memref_squeeze %dma_start3A_95 : memref<1x1x1x80xi32, #tpu.memory_space<hbm>> -> memref<80xi32, #tpu.memory_space<hbm>>
      tpu.enqueue_dma source(%dma_start3A_96 : memref<80xi32, #tpu.memory_space<hbm>>) target(%arg9 : memref<80xi32, #tpu.memory_space<vmem>>) target_semaphore(%run_scoped3A_90 : memref<!tpu.dma_semaphore, #tpu.memory_space<semaphore_mem>>)
      %dma_wait3A_97 = arith.constant 0 : i32
      %dma_wait3A_98 = tpu.memref_slice %arg4[%run_scoped3A_61, %add3A, %run_scoped3A_62, %dma_wait3A_97] : memref<2x32x125x80xi32, #tpu.memory_space<hbm>> -> memref<1x1x1x80xi32, #tpu.memory_space<hbm>>
      %dma_wait3A_99 = tpu.memref_squeeze %dma_wait3A_98 : memref<1x1x1x80xi32, #tpu.memory_space<hbm>> -> memref<80xi32, #tpu.memory_space<hbm>>
      %dma_wait3A_100 = arith.constant 0 : i32
      %dma_wait3A_101 = tpu.memref_slice %arg4[%run_scoped3A_61, %add3A, %run_scoped3A_62, %dma_wait3A_100] : memref<2x32x125x80xi32, #tpu.memory_space<hbm>> -> memref<1x1x1x80xi32, #tpu.memory_space<hbm>>
      %dma_wait3A_102 = tpu.memref_squeeze %dma_wait3A_101 : memref<1x1x1x80xi32, #tpu.memory_space<hbm>> -> memref<80xi32, #tpu.memory_space<hbm>>
      tpu.wait_dma2 semaphore(%run_scoped3A_90 : memref<!tpu.dma_semaphore, #tpu.memory_space<semaphore_mem>>) src(%dma_wait3A_102 : memref<80xi32, #tpu.memory_space<hbm>>) dst(%arg9 : memref<80xi32, #tpu.memory_space<vmem>>)
      tpu.yield
    }) : () -> ()
    %dma_start3A_63 = arith.constant 0 : i32
    %dma_start3A_64 = arith.constant 0 : i32
    %dma_start3A_65 = tpu.memref_slice %arg2[%dma_start3A_63, %dma_start3A_64] : memref<10240x128xf32, #tpu.memory_space<hbm>> -> memref<10240x128xf32, #tpu.memory_space<hbm>>
    tpu.enqueue_indirect_dma source(%dma_start3A_65 : memref<10240x128xf32, #tpu.memory_space<hbm>>) target(%arg11 : memref<80x128xf32, #tpu.memory_space<vmem>>) offsets(%arg7 : memref<80xi32, #tpu.memory_space<vmem>>) semaphore(%arg15 : memref<!tpu.dma_semaphore, #tpu.memory_space<semaphore_mem>>)
    %run_scoped3A_66 = arith.constant 1 : i32
    "tpu.region"() ({
      %run_scoped3A_90 = tpu.sem_alloc : memref<!tpu.dma_semaphore, #tpu.memory_space<semaphore_mem>>
      %dma_start3A_91 = arith.constant 0 : i32
      %dma_start3A_92 = tpu.memref_slice %arg3[%add3A, %run_scoped3A_66, %dma_start3A_91] : memref<32x125x80xi32, #tpu.memory_space<hbm>> -> memref<1x1x80xi32, #tpu.memory_space<hbm>>
      %dma_start3A_93 = tpu.memref_squeeze %dma_start3A_92 : memref<1x1x80xi32, #tpu.memory_space<hbm>> -> memref<80xi32, #tpu.memory_space<hbm>>
      %dma_start3A_94 = arith.constant 0 : i32
      %dma_start3A_95 = tpu.memref_slice %arg3[%add3A, %run_scoped3A_66, %dma_start3A_94] : memref<32x125x80xi32, #tpu.memory_space<hbm>> -> memref<1x1x80xi32, #tpu.memory_space<hbm>>
      %dma_start3A_96 = tpu.memref_squeeze %dma_start3A_95 : memref<1x1x80xi32, #tpu.memory_space<hbm>> -> memref<80xi32, #tpu.memory_space<hbm>>
      tpu.enqueue_dma source(%dma_start3A_96 : memref<80xi32, #tpu.memory_space<hbm>>) target(%arg8 : memref<80xi32, #tpu.memory_space<vmem>>) target_semaphore(%run_scoped3A_90 : memref<!tpu.dma_semaphore, #tpu.memory_space<semaphore_mem>>)
      %dma_wait3A_97 = arith.constant 0 : i32
      %dma_wait3A_98 = tpu.memref_slice %arg3[%add3A, %run_scoped3A_66, %dma_wait3A_97] : memref<32x125x80xi32, #tpu.memory_space<hbm>> -> memref<1x1x80xi32, #tpu.memory_space<hbm>>
      %dma_wait3A_99 = tpu.memref_squeeze %dma_wait3A_98 : memref<1x1x80xi32, #tpu.memory_space<hbm>> -> memref<80xi32, #tpu.memory_space<hbm>>
      %dma_wait3A_100 = arith.constant 0 : i32
      %dma_wait3A_101 = tpu.memref_slice %arg3[%add3A, %run_scoped3A_66, %dma_wait3A_100] : memref<32x125x80xi32, #tpu.memory_space<hbm>> -> memref<1x1x80xi32, #tpu.memory_space<hbm>>
      %dma_wait3A_102 = tpu.memref_squeeze %dma_wait3A_101 : memref<1x1x80xi32, #tpu.memory_space<hbm>> -> memref<80xi32, #tpu.memory_space<hbm>>
      tpu.wait_dma2 semaphore(%run_scoped3A_90 : memref<!tpu.dma_semaphore, #tpu.memory_space<semaphore_mem>>) src(%dma_wait3A_102 : memref<80xi32, #tpu.memory_space<hbm>>) dst(%arg8 : memref<80xi32, #tpu.memory_space<vmem>>)
      tpu.yield
    }) : () -> ()
    %run_scoped3A_67 = arith.constant 1 : i32
    %run_scoped3A_68 = arith.constant 1 : i32
    "tpu.region"() ({
      %run_scoped3A_90 = tpu.sem_alloc : memref<!tpu.dma_semaphore, #tpu.memory_space<semaphore_mem>>
      %dma_start3A_91 = arith.constant 0 : i32
      %dma_start3A_92 = tpu.memref_slice %arg4[%run_scoped3A_67, %add3A, %run_scoped3A_68, %dma_start3A_91] : memref<2x32x125x80xi32, #tpu.memory_space<hbm>> -> memref<1x1x1x80xi32, #tpu.memory_space<hbm>>
      %dma_start3A_93 = tpu.memref_squeeze %dma_start3A_92 : memref<1x1x1x80xi32, #tpu.memory_space<hbm>> -> memref<80xi32, #tpu.memory_space<hbm>>
      %dma_start3A_94 = arith.constant 0 : i32
      %dma_start3A_95 = tpu.memref_slice %arg4[%run_scoped3A_67, %add3A, %run_scoped3A_68, %dma_start3A_94] : memref<2x32x125x80xi32, #tpu.memory_space<hbm>> -> memref<1x1x1x80xi32, #tpu.memory_space<hbm>>
      %dma_start3A_96 = tpu.memref_squeeze %dma_start3A_95 : memref<1x1x1x80xi32, #tpu.memory_space<hbm>> -> memref<80xi32, #tpu.memory_space<hbm>>
      tpu.enqueue_dma source(%dma_start3A_96 : memref<80xi32, #tpu.memory_space<hbm>>) target(%arg10 : memref<80xi32, #tpu.memory_space<vmem>>) target_semaphore(%run_scoped3A_90 : memref<!tpu.dma_semaphore, #tpu.memory_space<semaphore_mem>>)
      %dma_wait3A_97 = arith.constant 0 : i32
      %dma_wait3A_98 = tpu.memref_slice %arg4[%run_scoped3A_67, %add3A, %run_scoped3A_68, %dma_wait3A_97] : memref<2x32x125x80xi32, #tpu.memory_space<hbm>> -> memref<1x1x1x80xi32, #tpu.memory_space<hbm>>
      %dma_wait3A_99 = tpu.memref_squeeze %dma_wait3A_98 : memref<1x1x1x80xi32, #tpu.memory_space<hbm>> -> memref<80xi32, #tpu.memory_space<hbm>>
      %dma_wait3A_100 = arith.constant 0 : i32
      %dma_wait3A_101 = tpu.memref_slice %arg4[%run_scoped3A_67, %add3A, %run_scoped3A_68, %dma_wait3A_100] : memref<2x32x125x80xi32, #tpu.memory_space<hbm>> -> memref<1x1x1x80xi32, #tpu.memory_space<hbm>>
      %dma_wait3A_102 = tpu.memref_squeeze %dma_wait3A_101 : memref<1x1x1x80xi32, #tpu.memory_space<hbm>> -> memref<80xi32, #tpu.memory_space<hbm>>
      tpu.wait_dma2 semaphore(%run_scoped3A_90 : memref<!tpu.dma_semaphore, #tpu.memory_space<semaphore_mem>>) src(%dma_wait3A_102 : memref<80xi32, #tpu.memory_space<hbm>>) dst(%arg10 : memref<80xi32, #tpu.memory_space<vmem>>)
      tpu.yield
    }) : () -> ()
    %dma_start3A_69 = arith.constant 0 : i32
    %dma_start3A_70 = arith.constant 0 : i32
    %dma_start3A_71 = tpu.memref_slice %arg2[%dma_start3A_69, %dma_start3A_70] : memref<10240x128xf32, #tpu.memory_space<hbm>> -> memref<10240x128xf32, #tpu.memory_space<hbm>>
    tpu.enqueue_indirect_dma source(%dma_start3A_71 : memref<10240x128xf32, #tpu.memory_space<hbm>>) target(%arg12 : memref<80x128xf32, #tpu.memory_space<vmem>>) offsets(%arg8 : memref<80xi32, #tpu.memory_space<vmem>>) semaphore(%arg16 : memref<!tpu.dma_semaphore, #tpu.memory_space<semaphore_mem>>)
    %scan3A_72 = arith.constant 0 : i32
    %scan3A_73 = arith.constant 0 : i32
    %scan3A_74 = arith.constant 63 : i32
    %scan3A_75 = arith.addi %scan3A_73, %scan3A_74 : i32
    %scan3A_76 = arith.constant 1 : i32
    scf.for %scan3A_90 = %scan3A_73 to %scan3A_75 step %scan3A_76  : i32 {
      %mul3A_91 = arith.constant 2 : i32
      %mul3A_92 = arith.muli %mul3A_91, %scan3A_90 : i32
      %dma_wait3A_93 = arith.constant 0 : i32
      %dma_wait3A_94 = arith.constant 0 : i32
      %dma_wait3A_95 = tpu.memref_slice %arg2[%dma_wait3A_93, %dma_wait3A_94] : memref<10240x128xf32, #tpu.memory_space<hbm>> -> memref<10240x128xf32, #tpu.memory_space<hbm>>
      tpu.wait_indirect_dma semaphore(%arg15 : memref<!tpu.dma_semaphore, #tpu.memory_space<semaphore_mem>>) src(%dma_wait3A_95 : memref<10240x128xf32, #tpu.memory_space<hbm>>) dst(%arg11 : memref<80x128xf32, #tpu.memory_space<vmem>>)
      %dma_start3A_96 = arith.constant 0 : i32
      %dma_start3A_97 = arith.constant 0 : i32
      %dma_start3A_98 = tpu.memref_slice %arg14[%dma_start3A_96, %dma_start3A_97] : memref<6144x128xf32, #tpu.memory_space<vmem_shared>> -> memref<6144x128xf32, #tpu.memory_space<vmem_shared>>
      tpu.enqueue_indirect_dma source(%arg11 : memref<80x128xf32, #tpu.memory_space<vmem>>) target(%dma_start3A_98 : memref<6144x128xf32, #tpu.memory_space<vmem_shared>>) offsets(%arg9 : memref<80xi32, #tpu.memory_space<vmem>>) semaphore(%arg17 : memref<!tpu.dma_semaphore, #tpu.memory_space<semaphore_mem>>) {add = true}
      %add3A_99 = arith.constant 2 : i32
      %add3A_100 = arith.addi %mul3A_92, %add3A_99 : i32
      %lt3A = arith.constant 125 : i32
      %lt3A_101 = arith.cmpi slt, %add3A_100, %lt3A : i32
      %convert_element_type3A = arith.extui %lt3A_101 : i1 to i32
      %cond3A = arith.constant 0 : i32
      %cond3A_102 = arith.cmpi ne, %convert_element_type3A, %cond3A : i32
      scf.if %cond3A_102 {
        %dma_wait3A_112 = arith.constant 0 : i32
        %dma_wait3A_113 = arith.constant 0 : i32
        %dma_wait3A_114 = tpu.memref_slice %arg14[%dma_wait3A_112, %dma_wait3A_113] : memref<6144x128xf32, #tpu.memory_space<vmem_shared>> -> memref<6144x128xf32, #tpu.memory_space<vmem_shared>>
        tpu.wait_indirect_dma semaphore(%arg17 : memref<!tpu.dma_semaphore, #tpu.memory_space<semaphore_mem>>) src(%arg11 : memref<80x128xf32, #tpu.memory_space<vmem>>) dst(%dma_wait3A_114 : memref<6144x128xf32, #tpu.memory_space<vmem_shared>>)
        %add3A_115 = arith.constant 2 : i32
        %add3A_116 = arith.addi %mul3A_92, %add3A_115 : i32
        "tpu.region"() ({
          %run_scoped3A_123 = tpu.sem_alloc : memref<!tpu.dma_semaphore, #tpu.memory_space<semaphore_mem>>
          %dma_start3A_124 = arith.constant 0 : i32
          %dma_start3A_125 = tpu.memref_slice %arg3[%add3A, %add3A_116, %dma_start3A_124] : memref<32x125x80xi32, #tpu.memory_space<hbm>> -> memref<1x1x80xi32, #tpu.memory_space<hbm>>
          %dma_start3A_126 = tpu.memref_squeeze %dma_start3A_125 : memref<1x1x80xi32, #tpu.memory_space<hbm>> -> memref<80xi32, #tpu.memory_space<hbm>>
          %dma_start3A_127 = arith.constant 0 : i32
          %dma_start3A_128 = tpu.memref_slice %arg3[%add3A, %add3A_116, %dma_start3A_127] : memref<32x125x80xi32, #tpu.memory_space<hbm>> -> memref<1x1x80xi32, #tpu.memory_space<hbm>>
          %dma_start3A_129 = tpu.memref_squeeze %dma_start3A_128 : memref<1x1x80xi32, #tpu.memory_space<hbm>> -> memref<80xi32, #tpu.memory_space<hbm>>
          tpu.enqueue_dma source(%dma_start3A_129 : memref<80xi32, #tpu.memory_space<hbm>>) target(%arg7 : memref<80xi32, #tpu.memory_space<vmem>>) target_semaphore(%run_scoped3A_123 : memref<!tpu.dma_semaphore, #tpu.memory_space<semaphore_mem>>)
          %dma_wait3A_130 = arith.constant 0 : i32
          %dma_wait3A_131 = tpu.memref_slice %arg3[%add3A, %add3A_116, %dma_wait3A_130] : memref<32x125x80xi32, #tpu.memory_space<hbm>> -> memref<1x1x80xi32, #tpu.memory_space<hbm>>
          %dma_wait3A_132 = tpu.memref_squeeze %dma_wait3A_131 : memref<1x1x80xi32, #tpu.memory_space<hbm>> -> memref<80xi32, #tpu.memory_space<hbm>>
          %dma_wait3A_133 = arith.constant 0 : i32
          %dma_wait3A_134 = tpu.memref_slice %arg3[%add3A, %add3A_116, %dma_wait3A_133] : memref<32x125x80xi32, #tpu.memory_space<hbm>> -> memref<1x1x80xi32, #tpu.memory_space<hbm>>
          %dma_wait3A_135 = tpu.memref_squeeze %dma_wait3A_134 : memref<1x1x80xi32, #tpu.memory_space<hbm>> -> memref<80xi32, #tpu.memory_space<hbm>>
          tpu.wait_dma2 semaphore(%run_scoped3A_123 : memref<!tpu.dma_semaphore, #tpu.memory_space<semaphore_mem>>) src(%dma_wait3A_135 : memref<80xi32, #tpu.memory_space<hbm>>) dst(%arg7 : memref<80xi32, #tpu.memory_space<vmem>>)
          tpu.yield
        }) : () -> ()
        %add3A_117 = arith.constant 2 : i32
        %add3A_118 = arith.addi %mul3A_92, %add3A_117 : i32
        %run_scoped3A_119 = arith.constant 1 : i32
        "tpu.region"() ({
          %run_scoped3A_123 = tpu.sem_alloc : memref<!tpu.dma_semaphore, #tpu.memory_space<semaphore_mem>>
          %dma_start3A_124 = arith.constant 0 : i32
          %dma_start3A_125 = tpu.memref_slice %arg4[%run_scoped3A_119, %add3A, %add3A_118, %dma_start3A_124] : memref<2x32x125x80xi32, #tpu.memory_space<hbm>> -> memref<1x1x1x80xi32, #tpu.memory_space<hbm>>
          %dma_start3A_126 = tpu.memref_squeeze %dma_start3A_125 : memref<1x1x1x80xi32, #tpu.memory_space<hbm>> -> memref<80xi32, #tpu.memory_space<hbm>>
          %dma_start3A_127 = arith.constant 0 : i32
          %dma_start3A_128 = tpu.memref_slice %arg4[%run_scoped3A_119, %add3A, %add3A_118, %dma_start3A_127] : memref<2x32x125x80xi32, #tpu.memory_space<hbm>> -> memref<1x1x1x80xi32, #tpu.memory_space<hbm>>
          %dma_start3A_129 = tpu.memref_squeeze %dma_start3A_128 : memref<1x1x1x80xi32, #tpu.memory_space<hbm>> -> memref<80xi32, #tpu.memory_space<hbm>>
          tpu.enqueue_dma source(%dma_start3A_129 : memref<80xi32, #tpu.memory_space<hbm>>) target(%arg9 : memref<80xi32, #tpu.memory_space<vmem>>) target_semaphore(%run_scoped3A_123 : memref<!tpu.dma_semaphore, #tpu.memory_space<semaphore_mem>>)
          %dma_wait3A_130 = arith.constant 0 : i32
          %dma_wait3A_131 = tpu.memref_slice %arg4[%run_scoped3A_119, %add3A, %add3A_118, %dma_wait3A_130] : memref<2x32x125x80xi32, #tpu.memory_space<hbm>> -> memref<1x1x1x80xi32, #tpu.memory_space<hbm>>
          %dma_wait3A_132 = tpu.memref_squeeze %dma_wait3A_131 : memref<1x1x1x80xi32, #tpu.memory_space<hbm>> -> memref<80xi32, #tpu.memory_space<hbm>>
          %dma_wait3A_133 = arith.constant 0 : i32
          %dma_wait3A_134 = tpu.memref_slice %arg4[%run_scoped3A_119, %add3A, %add3A_118, %dma_wait3A_133] : memref<2x32x125x80xi32, #tpu.memory_space<hbm>> -> memref<1x1x1x80xi32, #tpu.memory_space<hbm>>
          %dma_wait3A_135 = tpu.memref_squeeze %dma_wait3A_134 : memref<1x1x1x80xi32, #tpu.memory_space<hbm>> -> memref<80xi32, #tpu.memory_space<hbm>>
          tpu.wait_dma2 semaphore(%run_scoped3A_123 : memref<!tpu.dma_semaphore, #tpu.memory_space<semaphore_mem>>) src(%dma_wait3A_135 : memref<80xi32, #tpu.memory_space<hbm>>) dst(%arg9 : memref<80xi32, #tpu.memory_space<vmem>>)
          tpu.yield
        }) : () -> ()
        %dma_start3A_120 = arith.constant 0 : i32
        %dma_start3A_121 = arith.constant 0 : i32
        %dma_start3A_122 = tpu.memref_slice %arg2[%dma_start3A_120, %dma_start3A_121] : memref<10240x128xf32, #tpu.memory_space<hbm>> -> memref<10240x128xf32, #tpu.memory_space<hbm>>
        tpu.enqueue_indirect_dma source(%dma_start3A_122 : memref<10240x128xf32, #tpu.memory_space<hbm>>) target(%arg11 : memref<80x128xf32, #tpu.memory_space<vmem>>) offsets(%arg7 : memref<80xi32, #tpu.memory_space<vmem>>) semaphore(%arg15 : memref<!tpu.dma_semaphore, #tpu.memory_space<semaphore_mem>>)
      } else {
      }
      %mul3A_103 = arith.constant 2 : i32
      %mul3A_104 = arith.muli %mul3A_103, %scan3A_90 : i32
      %add3A_105 = arith.constant 1 : i32
      %add3A_106 = arith.addi %mul3A_104, %add3A_105 : i32
      %lt3A_107 = arith.constant 125 : i32
      %lt3A_108 = arith.cmpi slt, %add3A_106, %lt3A_107 : i32
      %convert_element_type3A_109 = arith.extui %lt3A_108 : i1 to i32
      %cond3A_110 = arith.constant 0 : i32
      %cond3A_111 = arith.cmpi ne, %convert_element_type3A_109, %cond3A_110 : i32
      scf.if %cond3A_111 {
        %mul3A_112 = arith.constant 2 : i32
        %mul3A_113 = arith.muli %mul3A_112, %scan3A_90 : i32
        %add3A_114 = arith.constant 1 : i32
        %add3A_115 = arith.addi %mul3A_113, %add3A_114 : i32
        %dma_wait3A_116 = arith.constant 0 : i32
        %dma_wait3A_117 = arith.constant 0 : i32
        %dma_wait3A_118 = tpu.memref_slice %arg2[%dma_wait3A_116, %dma_wait3A_117] : memref<10240x128xf32, #tpu.memory_space<hbm>> -> memref<10240x128xf32, #tpu.memory_space<hbm>>
        tpu.wait_indirect_dma semaphore(%arg16 : memref<!tpu.dma_semaphore, #tpu.memory_space<semaphore_mem>>) src(%dma_wait3A_118 : memref<10240x128xf32, #tpu.memory_space<hbm>>) dst(%arg12 : memref<80x128xf32, #tpu.memory_space<vmem>>)
        %dma_start3A_119 = arith.constant 0 : i32
        %dma_start3A_120 = arith.constant 0 : i32
        %dma_start3A_121 = tpu.memref_slice %arg14[%dma_start3A_119, %dma_start3A_120] : memref<6144x128xf32, #tpu.memory_space<vmem_shared>> -> memref<6144x128xf32, #tpu.memory_space<vmem_shared>>
        tpu.enqueue_indirect_dma source(%arg12 : memref<80x128xf32, #tpu.memory_space<vmem>>) target(%dma_start3A_121 : memref<6144x128xf32, #tpu.memory_space<vmem_shared>>) offsets(%arg10 : memref<80xi32, #tpu.memory_space<vmem>>) semaphore(%arg18 : memref<!tpu.dma_semaphore, #tpu.memory_space<semaphore_mem>>) {add = true}
        %add3A_122 = arith.constant 2 : i32
        %add3A_123 = arith.addi %add3A_115, %add3A_122 : i32
        %lt3A_124 = arith.constant 125 : i32
        %lt3A_125 = arith.cmpi slt, %add3A_123, %lt3A_124 : i32
        %convert_element_type3A_126 = arith.extui %lt3A_125 : i1 to i32
        %cond3A_127 = arith.constant 0 : i32
        %cond3A_128 = arith.cmpi ne, %convert_element_type3A_126, %cond3A_127 : i32
        scf.if %cond3A_128 {
          %dma_wait3A_129 = arith.constant 0 : i32
          %dma_wait3A_130 = arith.constant 0 : i32
          %dma_wait3A_131 = tpu.memref_slice %arg14[%dma_wait3A_129, %dma_wait3A_130] : memref<6144x128xf32, #tpu.memory_space<vmem_shared>> -> memref<6144x128xf32, #tpu.memory_space<vmem_shared>>
          tpu.wait_indirect_dma semaphore(%arg18 : memref<!tpu.dma_semaphore, #tpu.memory_space<semaphore_mem>>) src(%arg12 : memref<80x128xf32, #tpu.memory_space<vmem>>) dst(%dma_wait3A_131 : memref<6144x128xf32, #tpu.memory_space<vmem_shared>>)
          %add3A_132 = arith.constant 2 : i32
          %add3A_133 = arith.addi %add3A_115, %add3A_132 : i32
          "tpu.region"() ({
            %run_scoped3A_140 = tpu.sem_alloc : memref<!tpu.dma_semaphore, #tpu.memory_space<semaphore_mem>>
            %dma_start3A_141 = arith.constant 0 : i32
            %dma_start3A_142 = tpu.memref_slice %arg3[%add3A, %add3A_133, %dma_start3A_141] : memref<32x125x80xi32, #tpu.memory_space<hbm>> -> memref<1x1x80xi32, #tpu.memory_space<hbm>>
            %dma_start3A_143 = tpu.memref_squeeze %dma_start3A_142 : memref<1x1x80xi32, #tpu.memory_space<hbm>> -> memref<80xi32, #tpu.memory_space<hbm>>
            %dma_start3A_144 = arith.constant 0 : i32
            %dma_start3A_145 = tpu.memref_slice %arg3[%add3A, %add3A_133, %dma_start3A_144] : memref<32x125x80xi32, #tpu.memory_space<hbm>> -> memref<1x1x80xi32, #tpu.memory_space<hbm>>
            %dma_start3A_146 = tpu.memref_squeeze %dma_start3A_145 : memref<1x1x80xi32, #tpu.memory_space<hbm>> -> memref<80xi32, #tpu.memory_space<hbm>>
            tpu.enqueue_dma source(%dma_start3A_146 : memref<80xi32, #tpu.memory_space<hbm>>) target(%arg8 : memref<80xi32, #tpu.memory_space<vmem>>) target_semaphore(%run_scoped3A_140 : memref<!tpu.dma_semaphore, #tpu.memory_space<semaphore_mem>>)
            %dma_wait3A_147 = arith.constant 0 : i32
            %dma_wait3A_148 = tpu.memref_slice %arg3[%add3A, %add3A_133, %dma_wait3A_147] : memref<32x125x80xi32, #tpu.memory_space<hbm>> -> memref<1x1x80xi32, #tpu.memory_space<hbm>>
            %dma_wait3A_149 = tpu.memref_squeeze %dma_wait3A_148 : memref<1x1x80xi32, #tpu.memory_space<hbm>> -> memref<80xi32, #tpu.memory_space<hbm>>
            %dma_wait3A_150 = arith.constant 0 : i32
            %dma_wait3A_151 = tpu.memref_slice %arg3[%add3A, %add3A_133, %dma_wait3A_150] : memref<32x125x80xi32, #tpu.memory_space<hbm>> -> memref<1x1x80xi32, #tpu.memory_space<hbm>>
            %dma_wait3A_152 = tpu.memref_squeeze %dma_wait3A_151 : memref<1x1x80xi32, #tpu.memory_space<hbm>> -> memref<80xi32, #tpu.memory_space<hbm>>
            tpu.wait_dma2 semaphore(%run_scoped3A_140 : memref<!tpu.dma_semaphore, #tpu.memory_space<semaphore_mem>>) src(%dma_wait3A_152 : memref<80xi32, #tpu.memory_space<hbm>>) dst(%arg8 : memref<80xi32, #tpu.memory_space<vmem>>)
            tpu.yield
          }) : () -> ()
          %add3A_134 = arith.constant 2 : i32
          %add3A_135 = arith.addi %add3A_115, %add3A_134 : i32
          %run_scoped3A_136 = arith.constant 1 : i32
          "tpu.region"() ({
            %run_scoped3A_140 = tpu.sem_alloc : memref<!tpu.dma_semaphore, #tpu.memory_space<semaphore_mem>>
            %dma_start3A_141 = arith.constant 0 : i32
            %dma_start3A_142 = tpu.memref_slice %arg4[%run_scoped3A_136, %add3A, %add3A_135, %dma_start3A_141] : memref<2x32x125x80xi32, #tpu.memory_space<hbm>> -> memref<1x1x1x80xi32, #tpu.memory_space<hbm>>
            %dma_start3A_143 = tpu.memref_squeeze %dma_start3A_142 : memref<1x1x1x80xi32, #tpu.memory_space<hbm>> -> memref<80xi32, #tpu.memory_space<hbm>>
            %dma_start3A_144 = arith.constant 0 : i32
            %dma_start3A_145 = tpu.memref_slice %arg4[%run_scoped3A_136, %add3A, %add3A_135, %dma_start3A_144] : memref<2x32x125x80xi32, #tpu.memory_space<hbm>> -> memref<1x1x1x80xi32, #tpu.memory_space<hbm>>
            %dma_start3A_146 = tpu.memref_squeeze %dma_start3A_145 : memref<1x1x1x80xi32, #tpu.memory_space<hbm>> -> memref<80xi32, #tpu.memory_space<hbm>>
            tpu.enqueue_dma source(%dma_start3A_146 : memref<80xi32, #tpu.memory_space<hbm>>) target(%arg10 : memref<80xi32, #tpu.memory_space<vmem>>) target_semaphore(%run_scoped3A_140 : memref<!tpu.dma_semaphore, #tpu.memory_space<semaphore_mem>>)
            %dma_wait3A_147 = arith.constant 0 : i32
            %dma_wait3A_148 = tpu.memref_slice %arg4[%run_scoped3A_136, %add3A, %add3A_135, %dma_wait3A_147] : memref<2x32x125x80xi32, #tpu.memory_space<hbm>> -> memref<1x1x1x80xi32, #tpu.memory_space<hbm>>
            %dma_wait3A_149 = tpu.memref_squeeze %dma_wait3A_148 : memref<1x1x1x80xi32, #tpu.memory_space<hbm>> -> memref<80xi32, #tpu.memory_space<hbm>>
            %dma_wait3A_150 = arith.constant 0 : i32
            %dma_wait3A_151 = tpu.memref_slice %arg4[%run_scoped3A_136, %add3A, %add3A_135, %dma_wait3A_150] : memref<2x32x125x80xi32, #tpu.memory_space<hbm>> -> memref<1x1x1x80xi32, #tpu.memory_space<hbm>>
            %dma_wait3A_152 = tpu.memref_squeeze %dma_wait3A_151 : memref<1x1x1x80xi32, #tpu.memory_space<hbm>> -> memref<80xi32, #tpu.memory_space<hbm>>
            tpu.wait_dma2 semaphore(%run_scoped3A_140 : memref<!tpu.dma_semaphore, #tpu.memory_space<semaphore_mem>>) src(%dma_wait3A_152 : memref<80xi32, #tpu.memory_space<hbm>>) dst(%arg10 : memref<80xi32, #tpu.memory_space<vmem>>)
            tpu.yield
          }) : () -> ()
          %dma_start3A_137 = arith.constant 0 : i32
          %dma_start3A_138 = arith.constant 0 : i32
          %dma_start3A_139 = tpu.memref_slice %arg2[%dma_start3A_137, %dma_start3A_138] : memref<10240x128xf32, #tpu.memory_space<hbm>> -> memref<10240x128xf32, #tpu.memory_space<hbm>>
          tpu.enqueue_indirect_dma source(%dma_start3A_139 : memref<10240x128xf32, #tpu.memory_space<hbm>>) target(%arg12 : memref<80x128xf32, #tpu.memory_space<vmem>>) offsets(%arg8 : memref<80xi32, #tpu.memory_space<vmem>>) semaphore(%arg16 : memref<!tpu.dma_semaphore, #tpu.memory_space<semaphore_mem>>)
        } else {
        }
      } else {
      }
    }
    %scan3A_77 = arith.constant 63 : i32
    %dma_wait3A_78 = arith.constant 0 : i32
    %dma_wait3A_79 = arith.constant 0 : i32
    %dma_wait3A_80 = tpu.memref_slice %arg14[%dma_wait3A_78, %dma_wait3A_79] : memref<6144x128xf32, #tpu.memory_space<vmem_shared>> -> memref<6144x128xf32, #tpu.memory_space<vmem_shared>>
    tpu.wait_indirect_dma semaphore(%arg17 : memref<!tpu.dma_semaphore, #tpu.memory_space<semaphore_mem>>) src(%arg11 : memref<80x128xf32, #tpu.memory_space<vmem>>) dst(%dma_wait3A_80 : memref<6144x128xf32, #tpu.memory_space<vmem_shared>>)
    %dma_wait3A_81 = arith.constant 0 : i32
    %dma_wait3A_82 = arith.constant 0 : i32
    %dma_wait3A_83 = tpu.memref_slice %arg14[%dma_wait3A_81, %dma_wait3A_82] : memref<6144x128xf32, #tpu.memory_space<vmem_shared>> -> memref<6144x128xf32, #tpu.memory_space<vmem_shared>>
    tpu.wait_indirect_dma semaphore(%arg18 : memref<!tpu.dma_semaphore, #tpu.memory_space<semaphore_mem>>) src(%arg12 : memref<80x128xf32, #tpu.memory_space<vmem>>) dst(%dma_wait3A_83 : memref<6144x128xf32, #tpu.memory_space<vmem_shared>>)
    %barrier3A_84 = arith.constant 0 : index
    tpu.barrier barrier_id(%barrier3A_84)
    %mul3A_85 = arith.constant 384 : i32
    %mul3A_86 = arith.muli %arg1, %mul3A_85 : i32
    %mul3A_87 = arith.constant 384 : i32
    %mul3A_88 = arith.muli %arg1, %mul3A_87 : i32
    %run_scoped3A_89 = arith.constant 1 : i32
    "tpu.region"() ({
      %run_scoped3A_90 = tpu.sem_alloc : memref<!tpu.dma_semaphore, #tpu.memory_space<semaphore_mem>>
      %dma_start3A_91 = arith.constant 0 : i32
      %dma_start3A_92 = tpu.memref_slice %arg6[%arg0, %run_scoped3A_89, %mul3A_88, %dma_start3A_91] : memref<2x2x6144x128xf32, #tpu.memory_space<hbm>> -> memref<1x1x384x128xf32, #tpu.memory_space<hbm>>
      %dma_start3A_93 = tpu.memref_squeeze %dma_start3A_92 : memref<1x1x384x128xf32, #tpu.memory_space<hbm>> -> memref<384x128xf32, #tpu.memory_space<hbm>>
      %dma_start3A_94 = arith.constant 0 : i32
      %dma_start3A_95 = tpu.memref_slice %arg14[%mul3A_86, %dma_start3A_94] : memref<6144x128xf32, #tpu.memory_space<vmem_shared>> -> memref<384x128xf32, #tpu.memory_space<vmem_shared>>
      tpu.enqueue_dma source(%dma_start3A_95 : memref<384x128xf32, #tpu.memory_space<vmem_shared>>) target(%dma_start3A_93 : memref<384x128xf32, #tpu.memory_space<hbm>>) target_semaphore(%run_scoped3A_90 : memref<!tpu.dma_semaphore, #tpu.memory_space<semaphore_mem>>)
      %dma_wait3A_96 = arith.constant 0 : i32
      %dma_wait3A_97 = tpu.memref_slice %arg6[%arg0, %run_scoped3A_89, %mul3A_88, %dma_wait3A_96] : memref<2x2x6144x128xf32, #tpu.memory_space<hbm>> -> memref<1x1x384x128xf32, #tpu.memory_space<hbm>>
      %dma_wait3A_98 = tpu.memref_squeeze %dma_wait3A_97 : memref<1x1x384x128xf32, #tpu.memory_space<hbm>> -> memref<384x128xf32, #tpu.memory_space<hbm>>
      %dma_wait3A_99 = arith.constant 0 : i32
      %dma_wait3A_100 = tpu.memref_slice %arg14[%mul3A_86, %dma_wait3A_99] : memref<6144x128xf32, #tpu.memory_space<vmem_shared>> -> memref<384x128xf32, #tpu.memory_space<vmem_shared>>
      tpu.wait_dma2 semaphore(%run_scoped3A_90 : memref<!tpu.dma_semaphore, #tpu.memory_space<semaphore_mem>>) src(%dma_wait3A_100 : memref<384x128xf32, #tpu.memory_space<vmem_shared>>) dst(%dma_wait3A_98 : memref<384x128xf32, #tpu.memory_space<hbm>>)
      tpu.yield
    }) : () -> ()
    return
  }
}

module attributes {stable_mosaic.version = 14 : i64} {
  func.func @_dense1_body(%arg0: i32, %arg1: memref<1024x128xf32, #tpu.memory_space<vmem>>, %arg2: memref<2x1x1024x16xf32, #tpu.memory_space<vmem>>, %arg3: memref<2x1x1024x16xf32, #tpu.memory_space<vmem>>, %arg4: memref<128x128xf32, #tpu.memory_space<vmem>>, %arg5: memref<16x128xf32, #tpu.memory_space<vmem>>, %arg6: memref<1024x128xf32, #tpu.memory_space<vmem>>, %arg7: memref<1024x1xf32, #tpu.memory_space<vmem>>, %arg8: memref<1024x16xf32, #tpu.memory_space<vmem>>) attributes {dimension_semantics = [#tpu.dimension_semantics<arbitrary>], iteration_bounds = array<i64: 10>, scalar_prefetch = 0 : i64, scratch_operands = 0 : i64, tpu.core_type = #tpu.core_type<tc>, window_params = [{transform_indices = @transform_0, window_bounds = array<i64: 1024, 128>}, {transform_indices = @transform_1, window_bounds = array<i64: 2, 1, 1024, 16>}, {transform_indices = @transform_2, window_bounds = array<i64: 2, 1, 1024, 16>}, {pipeline_mode = #tpu.pipeline_mode<synchronous>, transform_indices = @transform_3, window_bounds = array<i64: 128, 128>}, {pipeline_mode = #tpu.pipeline_mode<synchronous>, transform_indices = @transform_4, window_bounds = array<i64: 16, 128>}, {transform_indices = @transform_5, window_bounds = array<i64: 1024, 128>}, {transform_indices = @transform_6, window_bounds = array<i64: 1024, 1>}, {transform_indices = @transform_7, window_bounds = array<i64: 1024, 16>}]} {
    %get3A = arith.constant 0 : index
    %get3A_0 = arith.constant 0 : index
    %get3A_1 = arith.constant 0 : index
    %get3A_2 = arith.constant 0 : index
    %get3A_3 = vector.load %arg2[%get3A, %get3A_0, %get3A_1, %get3A_2] : memref<2x1x1024x16xf32, #tpu.memory_space<vmem>>, vector<1x1x1024x16xf32>
    %get3A_4 = vector.shape_cast %get3A_3 : vector<1x1x1024x16xf32> to vector<1024x16xf32>
    %get3A_5 = arith.constant 1 : index
    %get3A_6 = arith.constant 0 : index
    %get3A_7 = arith.constant 0 : index
    %get3A_8 = arith.constant 0 : index
    %get3A_9 = vector.load %arg2[%get3A_5, %get3A_6, %get3A_7, %get3A_8] : memref<2x1x1024x16xf32, #tpu.memory_space<vmem>>, vector<1x1x1024x16xf32>
    %get3A_10 = vector.shape_cast %get3A_9 : vector<1x1x1024x16xf32> to vector<1024x16xf32>
    %add3A = arith.addf %get3A_4, %get3A_10 : vector<1024x16xf32>
    %get3A_11 = arith.constant 0 : index
    %get3A_12 = arith.constant 0 : index
    %get3A_13 = arith.constant 0 : index
    %get3A_14 = arith.constant 0 : index
    %get3A_15 = vector.load %arg3[%get3A_11, %get3A_12, %get3A_13, %get3A_14] : memref<2x1x1024x16xf32, #tpu.memory_space<vmem>>, vector<1x1x1024x1xf32>
    %get3A_16 = vector.shape_cast %get3A_15 : vector<1x1x1024x1xf32> to vector<1024x1xf32>
    %get3A_17 = arith.constant 1 : index
    %get3A_18 = arith.constant 0 : index
    %get3A_19 = arith.constant 0 : index
    %get3A_20 = arith.constant 0 : index
    %get3A_21 = vector.load %arg3[%get3A_17, %get3A_18, %get3A_19, %get3A_20] : memref<2x1x1024x16xf32, #tpu.memory_space<vmem>>, vector<1x1x1024x1xf32>
    %get3A_22 = vector.shape_cast %get3A_21 : vector<1x1x1024x1xf32> to vector<1024x1xf32>
    %add3A_23 = arith.addf %get3A_16, %get3A_22 : vector<1024x1xf32>
    %add3A_24 = arith.constant 1.000000e+00 : f32
    %add3A_25 = vector.broadcast %add3A_24 : f32 to vector<1024x1xf32>
    %add3A_26 = arith.addf %add3A_23, %add3A_25 : vector<1024x1xf32>
    %rsqrt3A = math.rsqrt %add3A_26 : vector<1024x1xf32>
    %get3A_27 = arith.constant 0 : index
    %get3A_28 = arith.constant 0 : index
    %get3A_29 = vector.load %arg1[%get3A_27, %get3A_28] : memref<1024x128xf32, #tpu.memory_space<vmem>>, vector<1024x128xf32>
    %get3A_30 = arith.constant 0 : index
    %get3A_31 = arith.constant 0 : index
    %get3A_32 = vector.load %arg4[%get3A_30, %get3A_31] : memref<128x128xf32, #tpu.memory_space<vmem>>, vector<128x128xf32>
    %dot_general3A = arith.constant dense<0.000000e+00> : vector<1024x128xf32>
    %dot_general3A_33 = tpu.matmul %get3A_29, %get3A_32, %dot_general3A {dimension_numbers = #tpu.dot_dimension_numbers<[1], [0], [0], [1], [0, 0, 1, 1], [], []>, transpose_lhs_hint = false} : vector<1024x128xf32>, vector<128x128xf32>, vector<1024x128xf32> -> vector<1024x128xf32>
    %get3A_34 = arith.constant 0 : index
    %get3A_35 = arith.constant 0 : index
    %get3A_36 = vector.load %arg5[%get3A_34, %get3A_35] : memref<16x128xf32, #tpu.memory_space<vmem>>, vector<16x128xf32>
    %dot_general3A_37 = arith.constant dense<0.000000e+00> : vector<1024x128xf32>
    %dot_general3A_38 = tpu.matmul %add3A, %get3A_36, %dot_general3A_37 {dimension_numbers = #tpu.dot_dimension_numbers<[1], [0], [0], [1], [0, 0, 1, 1], [], []>, transpose_lhs_hint = false} : vector<1024x16xf32>, vector<16x128xf32>, vector<1024x128xf32> -> vector<1024x128xf32>
    %add3A_39 = arith.addf %dot_general3A_33, %dot_general3A_38 : vector<1024x128xf32>
    %mul3A = vector.broadcast %rsqrt3A : vector<1024x1xf32> to vector<1024x128xf32>
    %mul3A_40 = arith.mulf %mul3A, %add3A_39 : vector<1024x128xf32>
    %swap3A = arith.constant 0 : index
    %swap3A_41 = arith.constant 0 : index
    %swap3A_42 = vector.load %arg6[%swap3A, %swap3A_41] : memref<1024x128xf32, #tpu.memory_space<vmem>>, vector<1024x128xf32>
    tpu.vector_store %arg6[%swap3A, %swap3A_41], %mul3A_40 {strides = array<i32>} : memref<1024x128xf32, #tpu.memory_space<vmem>>, vector<1024x128xf32>,
    %swap3A_43 = arith.constant 0 : index
    %swap3A_44 = arith.constant 0 : index
    %swap3A_45 = vector.load %arg7[%swap3A_43, %swap3A_44] : memref<1024x1xf32, #tpu.memory_space<vmem>>, vector<1024x1xf32>
    tpu.vector_store %arg7[%swap3A_43, %swap3A_44], %rsqrt3A {strides = array<i32>} : memref<1024x1xf32, #tpu.memory_space<vmem>>, vector<1024x1xf32>,
    %swap3A_46 = arith.constant 0 : index
    %swap3A_47 = arith.constant 0 : index
    %swap3A_48 = vector.load %arg8[%swap3A_46, %swap3A_47] : memref<1024x16xf32, #tpu.memory_space<vmem>>, vector<1024x16xf32>
    tpu.vector_store %arg8[%swap3A_46, %swap3A_47], %add3A {strides = array<i32>} : memref<1024x16xf32, #tpu.memory_space<vmem>>, vector<1024x16xf32>,
    return
  }
  func.func @transform_0(%arg0: i32) -> (i32, i32) {
    %c0_i32 = arith.constant 0 : i32
    %c0_i32_0 = arith.constant 0 : i32
    return %arg0, %c0_i32 : i32, i32
  }
  func.func @transform_1(%arg0: i32) -> (i32, i32, i32, i32) {
    %jit3A = arith.constant 5 : i32
    %div3A = arith.divsi %arg0, %jit3A : i32
    %sign3A = arith.constant 0 : i32
    %sign3A_0 = arith.cmpi sgt, %arg0, %sign3A : i32
    %sign3A_1 = arith.extui %sign3A_0 : i1 to i32
    %sign3A_2 = arith.constant 0 : i32
    %sign3A_3 = arith.cmpi slt, %arg0, %sign3A_2 : i32
    %sign3A_4 = arith.extui %sign3A_3 : i1 to i32
    %sign3A_5 = arith.subi %sign3A_1, %sign3A_4 : i32
    %sign3A_6 = arith.constant 0 : i32
    %sign3A_7 = arith.cmpi sgt, %jit3A, %sign3A_6 : i32
    %sign3A_8 = arith.extui %sign3A_7 : i1 to i32
    %sign3A_9 = arith.constant 0 : i32
    %sign3A_10 = arith.cmpi slt, %jit3A, %sign3A_9 : i32
    %sign3A_11 = arith.extui %sign3A_10 : i1 to i32
    %sign3A_12 = arith.subi %sign3A_8, %sign3A_11 : i32
    %ne3A = arith.cmpi ne, %sign3A_5, %sign3A_12 : i32
    %rem3A = arith.remsi %arg0, %jit3A : i32
    %ne3A_13 = arith.constant 0 : i32
    %ne3A_14 = arith.cmpi ne, %rem3A, %ne3A_13 : i32
    %and3A = arith.andi %ne3A, %ne3A_14 : i1
    %sub3A = arith.constant 1 : i32
    %sub3A_15 = arith.subi %div3A, %sub3A : i32
    %select_n3A = arith.select %and3A, %sub3A_15, %div3A : i32
    %jit3A_16 = arith.constant 5 : i32
    %eq3A = arith.constant 0 : i32
    %eq3A_17 = arith.cmpi eq, %jit3A_16, %eq3A : i32
    %jit3A_18 = arith.constant 1 : i32
    %select_n3A_19 = arith.select %eq3A_17, %jit3A_18, %jit3A_16 : i32
    %rem3A_20 = arith.remsi %arg0, %select_n3A_19 : i32
    %ne3A_21 = arith.constant 0 : i32
    %ne3A_22 = arith.cmpi ne, %rem3A_20, %ne3A_21 : i32
    %lt3A = arith.constant 0 : i32
    %lt3A_23 = arith.cmpi slt, %rem3A_20, %lt3A : i32
    %lt3A_24 = arith.constant 0 : i32
    %lt3A_25 = arith.cmpi slt, %select_n3A_19, %lt3A_24 : i32
    %ne3A_26 = arith.xori %lt3A_23, %lt3A_25 : i1
    %and3A_27 = arith.andi %ne3A_26, %ne3A_22 : i1
    %add3A = arith.addi %rem3A_20, %select_n3A_19 : i32
    %select_n3A_28 = arith.select %and3A_27, %add3A, %rem3A_20 : i32
    %c0_i32 = arith.constant 0 : i32
    %c0_i32_29 = arith.constant 0 : i32
    %c0_i32_30 = arith.constant 0 : i32
    return %c0_i32, %select_n3A, %select_n3A_28, %c0_i32_29 : i32, i32, i32, i32
  }
  func.func @transform_2(%arg0: i32) -> (i32, i32, i32, i32) {
    %jit3A = arith.constant 5 : i32
    %div3A = arith.divsi %arg0, %jit3A : i32
    %sign3A = arith.constant 0 : i32
    %sign3A_0 = arith.cmpi sgt, %arg0, %sign3A : i32
    %sign3A_1 = arith.extui %sign3A_0 : i1 to i32
    %sign3A_2 = arith.constant 0 : i32
    %sign3A_3 = arith.cmpi slt, %arg0, %sign3A_2 : i32
    %sign3A_4 = arith.extui %sign3A_3 : i1 to i32
    %sign3A_5 = arith.subi %sign3A_1, %sign3A_4 : i32
    %sign3A_6 = arith.constant 0 : i32
    %sign3A_7 = arith.cmpi sgt, %jit3A, %sign3A_6 : i32
    %sign3A_8 = arith.extui %sign3A_7 : i1 to i32
    %sign3A_9 = arith.constant 0 : i32
    %sign3A_10 = arith.cmpi slt, %jit3A, %sign3A_9 : i32
    %sign3A_11 = arith.extui %sign3A_10 : i1 to i32
    %sign3A_12 = arith.subi %sign3A_8, %sign3A_11 : i32
    %ne3A = arith.cmpi ne, %sign3A_5, %sign3A_12 : i32
    %rem3A = arith.remsi %arg0, %jit3A : i32
    %ne3A_13 = arith.constant 0 : i32
    %ne3A_14 = arith.cmpi ne, %rem3A, %ne3A_13 : i32
    %and3A = arith.andi %ne3A, %ne3A_14 : i1
    %sub3A = arith.constant 1 : i32
    %sub3A_15 = arith.subi %div3A, %sub3A : i32
    %select_n3A = arith.select %and3A, %sub3A_15, %div3A : i32
    %jit3A_16 = arith.constant 5 : i32
    %eq3A = arith.constant 0 : i32
    %eq3A_17 = arith.cmpi eq, %jit3A_16, %eq3A : i32
    %jit3A_18 = arith.constant 1 : i32
    %select_n3A_19 = arith.select %eq3A_17, %jit3A_18, %jit3A_16 : i32
    %rem3A_20 = arith.remsi %arg0, %select_n3A_19 : i32
    %ne3A_21 = arith.constant 0 : i32
    %ne3A_22 = arith.cmpi ne, %rem3A_20, %ne3A_21 : i32
    %lt3A = arith.constant 0 : i32
    %lt3A_23 = arith.cmpi slt, %rem3A_20, %lt3A : i32
    %lt3A_24 = arith.constant 0 : i32
    %lt3A_25 = arith.cmpi slt, %select_n3A_19, %lt3A_24 : i32
    %ne3A_26 = arith.xori %lt3A_23, %lt3A_25 : i1
    %and3A_27 = arith.andi %ne3A_26, %ne3A_22 : i1
    %add3A = arith.addi %rem3A_20, %select_n3A_19 : i32
    %select_n3A_28 = arith.select %and3A_27, %add3A, %rem3A_20 : i32
    %c0_i32 = arith.constant 0 : i32
    %c0_i32_29 = arith.constant 0 : i32
    %c0_i32_30 = arith.constant 0 : i32
    return %c0_i32, %select_n3A, %select_n3A_28, %c0_i32_29 : i32, i32, i32, i32
  }
  func.func @transform_3(%arg0: i32) -> (i32, i32) {
    %c0_i32 = arith.constant 0 : i32
    %c0_i32_0 = arith.constant 0 : i32
    %c0_i32_1 = arith.constant 0 : i32
    return %c0_i32, %c0_i32_0 : i32, i32
  }
  func.func @transform_4(%arg0: i32) -> (i32, i32) {
    %c0_i32 = arith.constant 0 : i32
    %c0_i32_0 = arith.constant 0 : i32
    %c0_i32_1 = arith.constant 0 : i32
    return %c0_i32, %c0_i32_0 : i32, i32
  }
  func.func @transform_5(%arg0: i32) -> (i32, i32) {
    %c0_i32 = arith.constant 0 : i32
    %c0_i32_0 = arith.constant 0 : i32
    return %arg0, %c0_i32 : i32, i32
  }
  func.func @transform_6(%arg0: i32) -> (i32, i32) {
    %c0_i32 = arith.constant 0 : i32
    %c0_i32_0 = arith.constant 0 : i32
    return %arg0, %c0_i32 : i32, i32
  }
  func.func @transform_7(%arg0: i32) -> (i32, i32) {
    %c0_i32 = arith.constant 0 : i32
    %c0_i32_0 = arith.constant 0 : i32
    return %arg0, %c0_i32 : i32, i32
  }
}

module attributes {stable_mosaic.version = 14 : i64} {
  func.func @_dense2_body(%arg0: i32, %arg1: memref<2x1x1024x128xf32, #tpu.memory_space<vmem>>, %arg2: memref<1024x128xf32, #tpu.memory_space<vmem>>, %arg3: memref<1024x1xf32, #tpu.memory_space<vmem>>, %arg4: memref<1024x16xf32, #tpu.memory_space<vmem>>, %arg5: memref<128x128xf32, #tpu.memory_space<vmem>>, %arg6: memref<16x128xf32, #tpu.memory_space<vmem>>, %arg7: memref<1x128xf32, #tpu.memory_space<vmem>>, %arg8: memref<1024x128xf32, #tpu.memory_space<vmem>>) attributes {dimension_semantics = [#tpu.dimension_semantics<arbitrary>], iteration_bounds = array<i64: 10>, scalar_prefetch = 0 : i64, scratch_operands = 0 : i64, tpu.core_type = #tpu.core_type<tc>, window_params = [{transform_indices = @transform_0, window_bounds = array<i64: 2, 1, 1024, 128>}, {transform_indices = @transform_1, window_bounds = array<i64: 1024, 128>}, {transform_indices = @transform_2, window_bounds = array<i64: 1024, 1>}, {transform_indices = @transform_3, window_bounds = array<i64: 1024, 16>}, {pipeline_mode = #tpu.pipeline_mode<synchronous>, transform_indices = @transform_4, window_bounds = array<i64: 128, 128>}, {pipeline_mode = #tpu.pipeline_mode<synchronous>, transform_indices = @transform_5, window_bounds = array<i64: 16, 128>}, {pipeline_mode = #tpu.pipeline_mode<synchronous>, transform_indices = @transform_6, window_bounds = array<i64: 1, 128>}, {transform_indices = @transform_7, window_bounds = array<i64: 1024, 128>}]} {
    %get3A = arith.constant 0 : index
    %get3A_0 = arith.constant 0 : index
    %get3A_1 = vector.load %arg3[%get3A, %get3A_0] : memref<1024x1xf32, #tpu.memory_space<vmem>>, vector<1024x1xf32>
    %get3A_2 = arith.constant 0 : index
    %get3A_3 = arith.constant 0 : index
    %get3A_4 = arith.constant 0 : index
    %get3A_5 = arith.constant 0 : index
    %get3A_6 = vector.load %arg1[%get3A_2, %get3A_3, %get3A_4, %get3A_5] : memref<2x1x1024x128xf32, #tpu.memory_space<vmem>>, vector<1x1x1024x128xf32>
    %get3A_7 = vector.shape_cast %get3A_6 : vector<1x1x1024x128xf32> to vector<1024x128xf32>
    %get3A_8 = arith.constant 1 : index
    %get3A_9 = arith.constant 0 : index
    %get3A_10 = arith.constant 0 : index
    %get3A_11 = arith.constant 0 : index
    %get3A_12 = vector.load %arg1[%get3A_8, %get3A_9, %get3A_10, %get3A_11] : memref<2x1x1024x128xf32, #tpu.memory_space<vmem>>, vector<1x1x1024x128xf32>
    %get3A_13 = vector.shape_cast %get3A_12 : vector<1x1x1024x128xf32> to vector<1024x128xf32>
    %add3A = arith.addf %get3A_7, %get3A_13 : vector<1024x128xf32>
    %get3A_14 = arith.constant 0 : index
    %get3A_15 = arith.constant 0 : index
    %get3A_16 = vector.load %arg2[%get3A_14, %get3A_15] : memref<1024x128xf32, #tpu.memory_space<vmem>>, vector<1024x128xf32>
    %add3A_17 = arith.addf %add3A, %get3A_16 : vector<1024x128xf32>
    %mul3A = vector.broadcast %get3A_1 : vector<1024x1xf32> to vector<1024x128xf32>
    %mul3A_18 = arith.mulf %mul3A, %add3A_17 : vector<1024x128xf32>
    %get3A_19 = arith.constant 0 : index
    %get3A_20 = arith.constant 0 : index
    %get3A_21 = vector.load %arg7[%get3A_19, %get3A_20] : memref<1x128xf32, #tpu.memory_space<vmem>>, vector<1x128xf32>
    %add3A_22 = vector.broadcast %get3A_21 : vector<1x128xf32> to vector<1024x128xf32>
    %add3A_23 = arith.addf %mul3A_18, %add3A_22 : vector<1024x128xf32>
    %max3A = arith.constant 0.000000e+00 : f32
    %max3A_24 = vector.broadcast %max3A : f32 to vector<1024x128xf32>
    %max3A_25 = arith.maximumf %add3A_23, %max3A_24 : vector<1024x128xf32>
    %get3A_26 = arith.constant 0 : index
    %get3A_27 = arith.constant 0 : index
    %get3A_28 = vector.load %arg5[%get3A_26, %get3A_27] : memref<128x128xf32, #tpu.memory_space<vmem>>, vector<128x128xf32>
    %dot_general3A = arith.constant dense<0.000000e+00> : vector<1024x128xf32>
    %dot_general3A_29 = tpu.matmul %max3A_25, %get3A_28, %dot_general3A {dimension_numbers = #tpu.dot_dimension_numbers<[1], [0], [0], [1], [0, 0, 1, 1], [], []>, transpose_lhs_hint = false} : vector<1024x128xf32>, vector<128x128xf32>, vector<1024x128xf32> -> vector<1024x128xf32>
    %get3A_30 = arith.constant 0 : index
    %get3A_31 = arith.constant 0 : index
    %get3A_32 = vector.load %arg4[%get3A_30, %get3A_31] : memref<1024x16xf32, #tpu.memory_space<vmem>>, vector<1024x16xf32>
    %get3A_33 = arith.constant 0 : index
    %get3A_34 = arith.constant 0 : index
    %get3A_35 = vector.load %arg6[%get3A_33, %get3A_34] : memref<16x128xf32, #tpu.memory_space<vmem>>, vector<16x128xf32>
    %dot_general3A_36 = arith.constant dense<0.000000e+00> : vector<1024x128xf32>
    %dot_general3A_37 = tpu.matmul %get3A_32, %get3A_35, %dot_general3A_36 {dimension_numbers = #tpu.dot_dimension_numbers<[1], [0], [0], [1], [0, 0, 1, 1], [], []>, transpose_lhs_hint = false} : vector<1024x16xf32>, vector<16x128xf32>, vector<1024x128xf32> -> vector<1024x128xf32>
    %add3A_38 = arith.addf %dot_general3A_29, %dot_general3A_37 : vector<1024x128xf32>
    %mul3A_39 = vector.broadcast %get3A_1 : vector<1024x1xf32> to vector<1024x128xf32>
    %mul3A_40 = arith.mulf %mul3A_39, %add3A_38 : vector<1024x128xf32>
    %swap3A = arith.constant 0 : index
    %swap3A_41 = arith.constant 0 : index
    %swap3A_42 = vector.load %arg8[%swap3A, %swap3A_41] : memref<1024x128xf32, #tpu.memory_space<vmem>>, vector<1024x128xf32>
    tpu.vector_store %arg8[%swap3A, %swap3A_41], %mul3A_40 {strides = array<i32>} : memref<1024x128xf32, #tpu.memory_space<vmem>>, vector<1024x128xf32>,
    return
  }
  func.func @transform_0(%arg0: i32) -> (i32, i32, i32, i32) {
    %jit3A = arith.constant 5 : i32
    %div3A = arith.divsi %arg0, %jit3A : i32
    %sign3A = arith.constant 0 : i32
    %sign3A_0 = arith.cmpi sgt, %arg0, %sign3A : i32
    %sign3A_1 = arith.extui %sign3A_0 : i1 to i32
    %sign3A_2 = arith.constant 0 : i32
    %sign3A_3 = arith.cmpi slt, %arg0, %sign3A_2 : i32
    %sign3A_4 = arith.extui %sign3A_3 : i1 to i32
    %sign3A_5 = arith.subi %sign3A_1, %sign3A_4 : i32
    %sign3A_6 = arith.constant 0 : i32
    %sign3A_7 = arith.cmpi sgt, %jit3A, %sign3A_6 : i32
    %sign3A_8 = arith.extui %sign3A_7 : i1 to i32
    %sign3A_9 = arith.constant 0 : i32
    %sign3A_10 = arith.cmpi slt, %jit3A, %sign3A_9 : i32
    %sign3A_11 = arith.extui %sign3A_10 : i1 to i32
    %sign3A_12 = arith.subi %sign3A_8, %sign3A_11 : i32
    %ne3A = arith.cmpi ne, %sign3A_5, %sign3A_12 : i32
    %rem3A = arith.remsi %arg0, %jit3A : i32
    %ne3A_13 = arith.constant 0 : i32
    %ne3A_14 = arith.cmpi ne, %rem3A, %ne3A_13 : i32
    %and3A = arith.andi %ne3A, %ne3A_14 : i1
    %sub3A = arith.constant 1 : i32
    %sub3A_15 = arith.subi %div3A, %sub3A : i32
    %select_n3A = arith.select %and3A, %sub3A_15, %div3A : i32
    %jit3A_16 = arith.constant 5 : i32
    %eq3A = arith.constant 0 : i32
    %eq3A_17 = arith.cmpi eq, %jit3A_16, %eq3A : i32
    %jit3A_18 = arith.constant 1 : i32
    %select_n3A_19 = arith.select %eq3A_17, %jit3A_18, %jit3A_16 : i32
    %rem3A_20 = arith.remsi %arg0, %select_n3A_19 : i32
    %ne3A_21 = arith.constant 0 : i32
    %ne3A_22 = arith.cmpi ne, %rem3A_20, %ne3A_21 : i32
    %lt3A = arith.constant 0 : i32
    %lt3A_23 = arith.cmpi slt, %rem3A_20, %lt3A : i32
    %lt3A_24 = arith.constant 0 : i32
    %lt3A_25 = arith.cmpi slt, %select_n3A_19, %lt3A_24 : i32
    %ne3A_26 = arith.xori %lt3A_23, %lt3A_25 : i1
    %and3A_27 = arith.andi %ne3A_26, %ne3A_22 : i1
    %add3A = arith.addi %rem3A_20, %select_n3A_19 : i32
    %select_n3A_28 = arith.select %and3A_27, %add3A, %rem3A_20 : i32
    %c0_i32 = arith.constant 0 : i32
    %c0_i32_29 = arith.constant 0 : i32
    %c0_i32_30 = arith.constant 0 : i32
    return %c0_i32, %select_n3A, %select_n3A_28, %c0_i32_29 : i32, i32, i32, i32
  }
  func.func @transform_1(%arg0: i32) -> (i32, i32) {
    %c0_i32 = arith.constant 0 : i32
    %c0_i32_0 = arith.constant 0 : i32
    return %arg0, %c0_i32 : i32, i32
  }
  func.func @transform_2(%arg0: i32) -> (i32, i32) {
    %c0_i32 = arith.constant 0 : i32
    %c0_i32_0 = arith.constant 0 : i32
    return %arg0, %c0_i32 : i32, i32
  }
  func.func @transform_3(%arg0: i32) -> (i32, i32) {
    %c0_i32 = arith.constant 0 : i32
    %c0_i32_0 = arith.constant 0 : i32
    return %arg0, %c0_i32 : i32, i32
  }
  func.func @transform_4(%arg0: i32) -> (i32, i32) {
    %c0_i32 = arith.constant 0 : i32
    %c0_i32_0 = arith.constant 0 : i32
    %c0_i32_1 = arith.constant 0 : i32
    return %c0_i32, %c0_i32_0 : i32, i32
  }
  func.func @transform_5(%arg0: i32) -> (i32, i32) {
    %c0_i32 = arith.constant 0 : i32
    %c0_i32_0 = arith.constant 0 : i32
    %c0_i32_1 = arith.constant 0 : i32
    return %c0_i32, %c0_i32_0 : i32, i32
  }
  func.func @transform_6(%arg0: i32) -> (i32, i32) {
    %c0_i32 = arith.constant 0 : i32
    %c0_i32_0 = arith.constant 0 : i32
    %c0_i32_1 = arith.constant 0 : i32
    return %c0_i32, %c0_i32_0 : i32, i32
  }
  func.func @transform_7(%arg0: i32) -> (i32, i32) {
    %c0_i32 = arith.constant 0 : i32
    %c0_i32_0 = arith.constant 0 : i32
    return %arg0, %c0_i32 : i32, i32
  }
}

module attributes {stable_mosaic.version = 14 : i64} {
  func.func @_finish_body(%arg0: i32, %arg1: memref<2x1x1024x128xf32, #tpu.memory_space<vmem>>, %arg2: memref<1024x128xf32, #tpu.memory_space<vmem>>, %arg3: memref<1024x1xf32, #tpu.memory_space<vmem>>, %arg4: memref<1x128xf32, #tpu.memory_space<vmem>>, %arg5: memref<1024x128xf32, #tpu.memory_space<vmem>>) attributes {dimension_semantics = [#tpu.dimension_semantics<arbitrary>], iteration_bounds = array<i64: 10>, scalar_prefetch = 0 : i64, scratch_operands = 0 : i64, tpu.core_type = #tpu.core_type<tc>, window_params = [{transform_indices = @transform_0, window_bounds = array<i64: 2, 1, 1024, 128>}, {transform_indices = @transform_1, window_bounds = array<i64: 1024, 128>}, {transform_indices = @transform_2, window_bounds = array<i64: 1024, 1>}, {pipeline_mode = #tpu.pipeline_mode<synchronous>, transform_indices = @transform_3, window_bounds = array<i64: 1, 128>}, {transform_indices = @transform_4, window_bounds = array<i64: 1024, 128>}]} {
    %get3A = arith.constant 0 : index
    %get3A_0 = arith.constant 0 : index
    %get3A_1 = arith.constant 0 : index
    %get3A_2 = arith.constant 0 : index
    %get3A_3 = vector.load %arg1[%get3A, %get3A_0, %get3A_1, %get3A_2] : memref<2x1x1024x128xf32, #tpu.memory_space<vmem>>, vector<1x1x1024x128xf32>
    %get3A_4 = vector.shape_cast %get3A_3 : vector<1x1x1024x128xf32> to vector<1024x128xf32>
    %get3A_5 = arith.constant 1 : index
    %get3A_6 = arith.constant 0 : index
    %get3A_7 = arith.constant 0 : index
    %get3A_8 = arith.constant 0 : index
    %get3A_9 = vector.load %arg1[%get3A_5, %get3A_6, %get3A_7, %get3A_8] : memref<2x1x1024x128xf32, #tpu.memory_space<vmem>>, vector<1x1x1024x128xf32>
    %get3A_10 = vector.shape_cast %get3A_9 : vector<1x1x1024x128xf32> to vector<1024x128xf32>
    %add3A = arith.addf %get3A_4, %get3A_10 : vector<1024x128xf32>
    %get3A_11 = arith.constant 0 : index
    %get3A_12 = arith.constant 0 : index
    %get3A_13 = vector.load %arg2[%get3A_11, %get3A_12] : memref<1024x128xf32, #tpu.memory_space<vmem>>, vector<1024x128xf32>
    %add3A_14 = arith.addf %add3A, %get3A_13 : vector<1024x128xf32>
    %get3A_15 = arith.constant 0 : index
    %get3A_16 = arith.constant 0 : index
    %get3A_17 = vector.load %arg3[%get3A_15, %get3A_16] : memref<1024x1xf32, #tpu.memory_space<vmem>>, vector<1024x1xf32>
    %mul3A = vector.broadcast %get3A_17 : vector<1024x1xf32> to vector<1024x128xf32>
    %mul3A_18 = arith.mulf %mul3A, %add3A_14 : vector<1024x128xf32>
    %get3A_19 = arith.constant 0 : index
    %get3A_20 = arith.constant 0 : index
    %get3A_21 = vector.load %arg4[%get3A_19, %get3A_20] : memref<1x128xf32, #tpu.memory_space<vmem>>, vector<1x128xf32>
    %add3A_22 = vector.broadcast %get3A_21 : vector<1x128xf32> to vector<1024x128xf32>
    %add3A_23 = arith.addf %mul3A_18, %add3A_22 : vector<1024x128xf32>
    %swap3A = arith.constant 0 : index
    %swap3A_24 = arith.constant 0 : index
    %swap3A_25 = vector.load %arg5[%swap3A, %swap3A_24] : memref<1024x128xf32, #tpu.memory_space<vmem>>, vector<1024x128xf32>
    tpu.vector_store %arg5[%swap3A, %swap3A_24], %add3A_23 {strides = array<i32>} : memref<1024x128xf32, #tpu.memory_space<vmem>>, vector<1024x128xf32>,
    return
  }
  func.func @transform_0(%arg0: i32) -> (i32, i32, i32, i32) {
    %jit3A = arith.constant 5 : i32
    %div3A = arith.divsi %arg0, %jit3A : i32
    %sign3A = arith.constant 0 : i32
    %sign3A_0 = arith.cmpi sgt, %arg0, %sign3A : i32
    %sign3A_1 = arith.extui %sign3A_0 : i1 to i32
    %sign3A_2 = arith.constant 0 : i32
    %sign3A_3 = arith.cmpi slt, %arg0, %sign3A_2 : i32
    %sign3A_4 = arith.extui %sign3A_3 : i1 to i32
    %sign3A_5 = arith.subi %sign3A_1, %sign3A_4 : i32
    %sign3A_6 = arith.constant 0 : i32
    %sign3A_7 = arith.cmpi sgt, %jit3A, %sign3A_6 : i32
    %sign3A_8 = arith.extui %sign3A_7 : i1 to i32
    %sign3A_9 = arith.constant 0 : i32
    %sign3A_10 = arith.cmpi slt, %jit3A, %sign3A_9 : i32
    %sign3A_11 = arith.extui %sign3A_10 : i1 to i32
    %sign3A_12 = arith.subi %sign3A_8, %sign3A_11 : i32
    %ne3A = arith.cmpi ne, %sign3A_5, %sign3A_12 : i32
    %rem3A = arith.remsi %arg0, %jit3A : i32
    %ne3A_13 = arith.constant 0 : i32
    %ne3A_14 = arith.cmpi ne, %rem3A, %ne3A_13 : i32
    %and3A = arith.andi %ne3A, %ne3A_14 : i1
    %sub3A = arith.constant 1 : i32
    %sub3A_15 = arith.subi %div3A, %sub3A : i32
    %select_n3A = arith.select %and3A, %sub3A_15, %div3A : i32
    %jit3A_16 = arith.constant 5 : i32
    %eq3A = arith.constant 0 : i32
    %eq3A_17 = arith.cmpi eq, %jit3A_16, %eq3A : i32
    %jit3A_18 = arith.constant 1 : i32
    %select_n3A_19 = arith.select %eq3A_17, %jit3A_18, %jit3A_16 : i32
    %rem3A_20 = arith.remsi %arg0, %select_n3A_19 : i32
    %ne3A_21 = arith.constant 0 : i32
    %ne3A_22 = arith.cmpi ne, %rem3A_20, %ne3A_21 : i32
    %lt3A = arith.constant 0 : i32
    %lt3A_23 = arith.cmpi slt, %rem3A_20, %lt3A : i32
    %lt3A_24 = arith.constant 0 : i32
    %lt3A_25 = arith.cmpi slt, %select_n3A_19, %lt3A_24 : i32
    %ne3A_26 = arith.xori %lt3A_23, %lt3A_25 : i1
    %and3A_27 = arith.andi %ne3A_26, %ne3A_22 : i1
    %add3A = arith.addi %rem3A_20, %select_n3A_19 : i32
    %select_n3A_28 = arith.select %and3A_27, %add3A, %rem3A_20 : i32
    %c0_i32 = arith.constant 0 : i32
    %c0_i32_29 = arith.constant 0 : i32
    %c0_i32_30 = arith.constant 0 : i32
    return %c0_i32, %select_n3A, %select_n3A_28, %c0_i32_29 : i32, i32, i32, i32
  }
  func.func @transform_1(%arg0: i32) -> (i32, i32) {
    %c0_i32 = arith.constant 0 : i32
    %c0_i32_0 = arith.constant 0 : i32
    return %arg0, %c0_i32 : i32, i32
  }
  func.func @transform_2(%arg0: i32) -> (i32, i32) {
    %c0_i32 = arith.constant 0 : i32
    %c0_i32_0 = arith.constant 0 : i32
    return %arg0, %c0_i32 : i32, i32
  }
  func.func @transform_3(%arg0: i32) -> (i32, i32) {
    %c0_i32 = arith.constant 0 : i32
    %c0_i32_0 = arith.constant 0 : i32
    %c0_i32_1 = arith.constant 0 : i32
    return %c0_i32, %c0_i32_0 : i32, i32
  }
  func.func @transform_4(%arg0: i32) -> (i32, i32) {
    %c0_i32 = arith.constant 0 : i32
    %c0_i32_0 = arith.constant 0 : i32
    return %arg0, %c0_i32 : i32, i32
  }
}

</mosaic_0001>

<sc_bundles>
// kernel: kernel.11.cloned.1.call-start
scs
__scs_entry_jumppad:
0x0: {  	(pc) =	sbr.rel $0x88, $3  }
0x1: {  	(tag) =	ssettag $0x0;
	lr =	simm.s32 $0x1  }
0x2: {  	[smem:$0x3F9A] =	sst lr;
	_ =	strace $0xD0000000  }
0x3: {  	_ = 	snop  }
0x4: {  	_ = 	snop  }
0x5: {  	_ = 	snop  }
0x6: {  	_ = 	snop  }
0x7: {  	_ = 	snop  }
__scs_overlays_trampoline_lowered:
0x8: {  	[smem:$0x3FA9] =	sst s0  }
0x9: {  	[smem:$0x3FAA] =	sst s1  }
0xa: {  	[smem:$0x3FAB] =	sst s2  }
0xb: {  	[smem:$0x3FAC] =	sst s3  }
0xc: {  	[smem:$0x3FAD] =	sst s4  }
0xd: {  	[smem:$0x3FAE] =	sst s5  }
0xe: {  	[smem:$0x3FAF] =	sst s6  }
0xf: {  	[smem:$0x3FB0] =	sst s7  }
0x10: {  	[smem:$0x3FB1] =	sst s8  }
0x11: {  	[smem:$0x3FB2] =	sst s9;
	s0 =	simm.s32 @!p0 $0x0  }
0x12: {  	s1 =	sld [smem:$0x3F98];
	s0 =	simm.s32 @p0 $0x1  }
0x13: {  	[smem:$0x3FB3] =	sst s0;
	s0 =	simm.s32 @!p1 $0x0  }
0x14: {  	s2 =	sld [smem:$0x3F97];
	s0 =	simm.s32 @p1 $0x1  }
0x15: {  	[smem:$0x3FB4] =	sst s0;
	s0 =	simm.s32 @!p2 $0x0  }
0x16: {  	s3 =	sld [smem:$0x3FDB];
	s0 =	simm.s32 @p2 $0x1  }
0x17: {  	s4 =	simm.s32 $0x1BF5;
	[smem:$0x3FB6] =	sst s0  }
0x18: {  	s0 =	sld [smem:$0x3F99];
	_ =	swait.ge [sflag:s4], $0x0  }
0x19: {  	s7 =	sld [smem:$0x3F9A]  }
0x1a: {  	s8 =	sadd.s32 $0xFFFFE003, lr  }
0x1b: {  	s9 =	sadd.s32 $0xFFFFFEF7, lr;
	s5 =	simm.s32 $0xFFFFFFFF;
	p2 =	slt.u32 s8, $0xFFFFF086  }
0x1c: {  	p1 =	slt.u32 s9, $0xF7A;
	s5 =	simm.s32 @!p2 $0x0  }
0x1d: {  	s5 =	simm.s32 @p1 $0x1;
	p0 =	seq.s32 s7, s2  }
0x1e: {  	s7 =	smul.u32 @!p0 $0xF7A, s2;
	p2 =	seq.s32 @!p0 s5, $0x0  }
0x1f: {  	s9 =	smul.u32 $0xF7A, s1;
	s8 =	simm.s32 @!p0 $0x1BF5;
	p2 =	por !p2, p0  }
0x20: {  	[sflag:s8] =	ssyncset.s32 @!p0 $0xFFFFF086;
	s6 =	sadd.s32 @!p0 s3, s7;
	s7 =	simm.s32 @!p0 $0x108  }
0x21: {  	s3 =	sadd.s32 s3, s9;
	s6 =	sadd.s32 @!p0 $0x88, s6;
	s7 =	simm.s32 @p2 $0x1082  }
0x22: {  	[simem:s7], [sflag:s8] =	dma.local @!p0 [hbm:s6], $0xF7A  }
0x23: {  	s9 =	sor.u32 $0xD0000000, s2;
	s6 =	simm.s32 $0x108;
	_ =	swait.ge @!p0 [sflag:s8], $0x0  }
0x24: {  	s3 =	sadd.s32 $0x88, s3;
	s6 =	simm.s32 @!p1 $0x1082;
	[sflag:s4] =	ssyncset.s32 $0xFFFFF086  }
0x25: {  	[simem:s6], [sflag:s4] =	dma.local [hbm:s3], $0xF7A  }
0x26: {  	[smem:$0x3F9A] =	sst s1;
	(tag) =	ssettag s2;
	_ =	strace s9  }
0x27: {  	s1 =	sld [smem:$0x3FAA]  }
0x28: {  	s2 =	sld [smem:$0x3FAB]  }
0x29: {  	s4 =	sld [smem:$0x3FAD]  }
0x2a: {  	p0 =	seq.s32 s5, $0x0;
	s5 =	sld [smem:$0x3FAE]  }
0x2b: {  	s6 =	sld [smem:$0x3FAF]  }
0x2c: {  	s7 =	sld [smem:$0x3FB0]  }
0x2d: {  	s3 =	simm.s32 $0x108;
	s8 =	sld [smem:$0x3FB1]  }
0x2e: {  	s3 =	simm.s32 @!p0 $0x1082;
	s9 =	sld [smem:$0x3FB2]  }
0x2f: {  	lr =	sadd.s32 s0, s3;
	s0 =	sld [smem:$0x3FA9]  }
0x30: {  	s3 =	sld [smem:$0x3FAC]  }
0x31: {  	[smem:$0x3FB5] =	sst s10  }
0x32: {  	s10 =	sld [smem:$0x3FB3];
	_ =	sdelay $0x3  }
0x33: {  	p0 =	seq.s32 s10, $0x1;
	s10 =	sld [smem:$0x3FB5];
	_ =	sdelay $0x3  }
0x34: {  	[smem:$0x3FB5] =	sst s10  }
0x35: {  	s10 =	sld [smem:$0x3FB4];
	_ =	sdelay $0x3  }
0x36: {  	p1 =	seq.s32 s10, $0x1;
	s10 =	sld [smem:$0x3FB5];
	_ =	sdelay $0x3  }
0x37: {  	[smem:$0x3FB5] =	sst s10  }
0x38: {  	s10 =	sld [smem:$0x3FB6]  }
0x39: {  	_ = 	snop;
	(pc) =	sbr.ind lr, $3  }
0x3a: {  	_ = 	snop  }
0x3b: {  	_ = 	snop  }
0x3c: {  	p2 =	seq.s32 s10, $0x1;
	s10 =	sld [smem:$0x3FB5]  }
0x3d: {  	_ =	shalt  }
0x3e: {  	_ =	shalt  }
0x3f: {  	_ =	shalt  }
0x40: {  	_ =	shalt  }
0x41: {  	_ =	shalt  }
0x42: {  	_ =	shalt  }
0x43: {  	_ =	shalt  }
0x44: {  	_ =	shalt  }
0x45: {  	_ =	shalt  }
0x46: {  	_ =	shalt  }
0x47: {  	_ =	shalt  }
0x48: {  	_ =	shalt  }
0x49: {  	_ =	shalt  }
0x4a: {  	_ =	shalt  }
0x4b: {  	_ =	shalt  }
0x4c: {  	_ =	shalt  }
0x4d: {  	_ =	shalt  }
0x4e: {  	_ =	shalt  }
0x4f: {  	_ =	shalt  }
0x50: {  	_ =	shalt  }
0x51: {  	_ =	shalt  }
0x52: {  	_ =	shalt  }
0x53: {  	_ =	shalt  }
0x54: {  	_ =	shalt  }
0x55: {  	_ =	shalt  }
0x56: {  	_ =	shalt  }
0x57: {  	_ =	shalt  }
0x58: {  	_ =	shalt  }
0x59: {  	_ =	shalt  }
0x5a: {  	_ =	shalt  }
0x5b: {  	_ =	shalt  }
0x5c: {  	_ =	shalt  }
0x5d: {  	_ =	shalt  }
0x5e: {  	_ =	shalt  }
0x5f: {  	_ =	shalt  }
0x60: {  	_ =	shalt  }
0x61: {  	_ =	shalt  }
0x62: {  	_ =	shalt  }
0x63: {  	_ =	shalt  }
0x64: {  	_ =	shalt  }
0x65: {  	_ =	shalt  }
0x66: {  	_ =	shalt  }
0x67: {  	_ =	shalt  }
0x68: {  	_ =	shalt  }
0x69: {  	_ =	shalt  }
0x6a: {  	_ =	shalt  }
0x6b: {  	_ =	shalt  }
0x6c: {  	_ =	shalt  }
0x6d: {  	_ =	shalt  }
0x6e: {  	_ =	shalt  }
0x6f: {  	_ =	shalt  }
0x70: {  	_ =	shalt  }
0x71: {  	_ =	shalt  }
0x72: {  	_ =	shalt  }
0x73: {  	_ =	shalt  }
0x74: {  	_ =	shalt  }
0x75: {  	_ =	shalt  }
0x76: {  	_ =	shalt  }
0x77: {  	_ =	shalt  }
0x78: {  	_ =	shalt  }
0x79: {  	_ =	shalt  }
0x7a: {  	_ =	shalt  }
0x7b: {  	_ =	shalt  }
0x7c: {  	_ =	shalt  }
0x7d: {  	_ =	shalt  }
0x7e: {  	_ =	shalt  }
0x7f: {  	_ =	shalt  }
0x80: {  	_ =	shalt  }
0x81: {  	_ =	shalt  }
0x82: {  	_ =	shalt  }
0x83: {  	_ =	shalt  }
0x84: {  	_ =	shalt  }
0x85: {  	_ =	shalt  }
0x86: {  	_ =	shalt  }
0x87: {  	_ =	shalt  }
.Lfunc_end0:
.L_simem_size_0:
called_computation.1_lowered:
.L_overlay_start_0:
0x88: {  	s2 =	sld [smem:$0x3FD9]  }
0x89: {  	s3 =	sld [smem:$0x3FFE];
	_ =	sdelay $0x1  }
0x8a: {  	s1 =	srdreg.scid  }
0x8b: {  	s0 =	sand.u32 $0x1, s1  }
0x8c: {  	s17 =	sshll.u32 s0, $0xA;
	s2 =	sadd.s32 s3, s2  }
0x8d: {  	s2 =	sadd.s32 s2, s17  }
0x8e: {  	[smem:$0x3FC1] =	sst s2  }
0x8f: {  	_ = 	snop  }
0x90: {  	s2 =	sld [smem:$0x3FD0];
	(tm) =	ssettm $0x1  }
0x91: {  	s18 =	sld [smem:$0x3FFB];
	_ =	sdelay $0x3  }
0x92: {  	_ =	strace s18  }
0x93: {  	s3 =	sld [smem:$0x3FFC];
	_ =	sdelay $0x3  }
0x94: {  	_ =	strace s3  }
0x95: {  	s3 =	sld [smem:$0x3FFD];
	_ =	sdelay $0x3  }
0x96: {  	_ =	strace s3  }
0x97: {  	_ =	strace $0x8FFFFFFF  }
0x98: {  	s19 =	sld [smem:$0x3FDB];
	_ =	sdelay $0x1  }
0x99: {  	s4 =	simm.s32 $_scs_section_size  }
0x9a: {  	s5 =	simm.s32 $_size__tile_overlayer_lowered;
	s6 =	simm.s32 $_tile_overlayer_lowered  }
0x9b: {  	s22 =	simm.s32 $0x1BFF;
	s21 =	sshll.u32 s6, $0x1;
	s3 =	sadd.s32 s4, s19  }
0x9c: {  	s7 =	simm.s32 $0x0;
	s20 =	sshll.u32 s5, $0x1;
	s5 =	sadd.s32 s21, s3  }
0x9d: {  	[timem:s7], [sflag:s22] =	dma.local [hbm:s5], s20  }
0x9e: {  	_ =	swait.ge [sflag:s22], s20  }
0x9f: {  	s4 =	ssub.s32 $0x0, s20;
	[sflag:s22] =	ssyncset.done $0x0  }
0xa0: {  	[sflag:s22] =	ssyncadd.s32 s4;
	_ =	sdelay $0x1  }
0xa1: {  	s23 =	simm.s32 $0x1B8B  }
0xa2: {  	_ =	swait.ge [sflag:s23], $0x1  }
0xa3: {  	[sflag:s23] =	ssyncset.done $0x0  }
0xa4: {  	s25 =	simm.s32 $0x1B8E;
	s24 =	sld [smem:$0x3FFE];
	[sflag:s23] =	ssyncadd.s32 $0xFFFFFFFF  }
0xa5: {  	s26 =	simm.s32 $execute0_lowered;
	[smem:$0x3FD2] =	sst s25  }
0xa6: {  	s5 =	sshll.u32 s26, $0x1;
	_ =	strace $0x80000049;
	[dreg:$0x1] =	wrdreg $0xFFFFFFFF  }
0xa7: {  	s28 =	simm.s32 $_size_execute0_lowered;
	s3 =	sadd.s32 s3, s5;
	[dreg:$0x0] =	wrdreg $0x0  }
0xa8: {  	s5 =	sshll.u32 s28, $0x1;
	[dreg:$0x2] =	wrdreg s3  }
0xa9: {  	[dreg:$0x3] =	wrdreg s5  }
0xaa: {  	[dreg:$0x4] =	wrdreg $0xC0  }
0xab: {  	_ =	task [dreg:s7], $0x5FFFF  }
0xac: {  	[dreg:$0x1] =	wrdreg $0xFFFFFFFF  }
0xad: {  	[dreg:$0x0] =	wrdreg $0x60  }
0xae: {  	[dreg:$0x2] =	wrdreg s24  }
0xaf: {  	[dreg:$0x3] =	wrdreg s2  }
0xb0: {  	[dreg:$0x4] =	wrdreg $0x82000  }
0xb1: {  	[dreg:$0x5] =	wrdreg $0x9  }
0xb2: {  	_ =	task.clear_ibuf [dreg:s7], $0x6FFFF;
	_ =	strace $0x90000049  }
0xb3: {  	s29 =	simm.s32 $0x9;
	_ =	strace $0x8000004B  }
0xb4: {  	_ =	swait.ge [sflag:s29], $0x1  }
0xb5: {  	[sflag:s29] =	ssyncadd.s32 $0xFFFFFFFF  }
0xb6: {  	_ =	strace $0x9000004B  }
0xb7: {  	_ =	sfence  }
0xb8: {  	s30 =	sld [smem:$0x0];
	_ =	sdelay $0x2  }
0xb9: {  	s31 =	sshll.u32 s1, $0xD;
	s1 =	sshrl.u32 s1, $0x2  }
0xba: {  	s3 =	sand.u32 $0x4000, s31;
	s1 =	sadd.s32 s1, s30  }
0xbb: {  	s0 =	sor.u32 s3, s0;
	s1 =	sshll.u32 s1, $0x11  }
0xbc: {  	s0 =	sor.u32 s1, s0  }
0xbd: {  	s0 =	sadd.s32 $0x8F2B, s0  }
0xbe: {  	[sflag:s0] =	ssyncadd.remote.s32 $0x1  }
0xbf: {  	_ =	sfence.sel $0xFFFF  }
0xc0: {  	[dreg:$0x0] =	wrdreg $0xFFFFFFFF;
	(pc) =	sbr.abs _section_cstart, $3  }
0xc1: {  	[dreg:$0x1] =	wrdreg $0xFFFFFFFF  }
0xc2: {  	_ =	task.clear_ibuf [dreg:s7], $0x2FFFF;
	_ =	strace $0x9FFFFFFF  }
0xc3: {  	(tm) =	ssettm $0x7FFFFFFF  }
tec
execute0_lowered:
.L_overlay_start_1:
0x0: {  	(tag) =	ssettag $0x1  }
0x1: {  	s0 =	rddreg [dreg:$0x0]  }
0x2: {  	s2 =	rddreg [dreg:$0x2];
	s1 =	srdreg.scid  }
0x3: {  	s4 =	simm.s32 $0x0;
	s10 =	stileid.u32;
	s28 =	simm.s32 $0x100  }
0x4: {  	s29 =	simm.s32 $0x50;
	s30 =	simm.s32 $0x200;
	s31 =	simm.s32 $0x80  }
0x5: {  	s1 =	sand.u32 $0x1, s1;
	s7 =	smul.u32 $0xC000, s10;
	s5 =	sadd.s32 $0x50F400, s0  }
0x6: {  	[smem:$0x7FF] =	sst s4;
	s6 =	sadd.s32 $0x5D1200, s0;
	s8 =	smul.u32 $0x30000, s10  }
0x7: {  	s10 =	sshll.u32 s10, $0xE;
	s3 =	smul.u32 $0x180000, s1;
	s9 =	ssub.s32 $0x2, s1  }
0x8: {  	_ =	strace $0x8000004A;
	s1 =	sshll.u32 s1, $0x12;
	s17 =	sshrl.u32 s9, $0x1  }
0x9: {  	s8 =	sshrl.u32 s8, $0x2;
	s10 =	sor.u32 s10, s1;
	s3 =	sadd.s32 s7, s3  }
0xa: {  	s7 =	sadd.s32 $0x4EF400, s0;
	s8 =	sadd.s32 s8, s2;
	s1 =	sshrl.u32 s10, $0x3  }
0xb: {  	s14 =	sor.u32 $0x80000, s10;
	s3 =	sshrl.u32 s3, $0x3;
	s12 =	sadd.s32 $0x3000, s8  }
0xc: {  	s15 =	sadd.s32 $0x6000, s8;
	s11 =	sadd.s32 s7, s1;
	[dreg:$0x6] =	wrdreg s8  }
0xd: {  	s16 =	sadd.s32 $0x9000, s8;
	s23 =	sadd.s32 s6, s1;
	[dreg:$0x7] =	wrdreg s11  }
0xe: {  	s18 =	sor.u32 $0x10, s1;
	s19 =	sshrl.u32 s14, $0x3;
	[dreg:$0x4] =	wrdreg s12  }
0xf: {  	s0 =	sadd.s32 s3, s0;
	s3 =	ssub.s32 s9, s17;
	[dreg:$0x5] =	wrdreg s15  }
0x10: {  	s24 =	sadd.s32 s6, s18;
	s9 =	sadd.s32 s7, s18;
	[dreg:$0x8] =	wrdreg s16  }
0x11: {  	s1 =	sadd.s32 s7, s19;
	s21 =	sadd.s32 $0x10010, s11;
	[dreg:$0x9] =	wrdreg s9  }
0x12: {  	s25 =	sadd.s32 $0x7C0, s23;
	s26 =	sadd.s32 $0x107C0, s11;
	[dreg:$0xb] =	wrdreg s1  }
0x13: {  	s17 =	simm.s32 $0x2;
	s18 =	simm.s32 $0x180;
	[dreg:$0xc] =	wrdreg s21  }
0x14: {  	s19 =	simm.s32 $0x4;
	s20 =	sadd.s32 $0x537400, s0;
	[dreg:$0xf] =	wrdreg s25  }
0x15: {  	s0 =	sadd.s32 $0x54F400, s0;
	s22 =	smax.u32 s3, $0x1;
	[dreg:$0x10] =	wrdreg s26  }
0x16: {  	s25 =	simm.s32 $0x5200;
	s26 =	simm.s32 $0x5;
	[dreg:$0xa] =	wrdreg s20  }
0x17: {  	s1 =	simm.s32 $0x1;
	s3 =	simm.s32 $0x3;
	[dreg:$0xd] =	wrdreg s0  }
0x18: {  	[dreg:$0xe] =	wrdreg s22;
	s0 =	simm.s32 $0x2A00;
	s20 =	simm.s32 $0x0  }
.LBB2_1:
0x19: {  	s9 =	rddreg [dreg:$0x1]  }
0x1a: {  	[tilespmem:s25], [sflag:$0x5] =	stream.linear.gather [hbm4b:s9+s4], $0x3000, $0x38;
	[tilespmem:$0x14200] =	vst v63  }
0x1b: {  	_ =	swait.ge [sflag:s26], $0x3000  }
0x1c: {  	[sflag:s26] =	ssyncset.done $0x0  }
0x1d: {  	[sflag:s26] =	ssyncadd.s32 $0xFFFFD000  }
0x1e: {  	[spmem:s8] =	stream.linear.scatter [tilespmem:s25], [sflag:$0x5], $0x3000, $0x38;
	[tilespmem:$0x14200] =	vst v63  }
0x1f: {  	_ =	swait.ge [sflag:s26], $0x3000  }
0x20: {  	[sflag:s26] =	ssyncset.done $0x0  }
0x21: {  	[sflag:s26] =	ssyncadd.s32 $0xFFFFD000  }
0x22: {  	[spmem:s12] =	stream.linear.scatter [tilespmem:s25], [sflag:$0x5], $0x3000, $0x38;
	[tilespmem:$0x14200] =	vst v63  }
0x23: {  	_ =	swait.ge [sflag:s26], $0x3000  }
0x24: {  	[sflag:s26] =	ssyncset.done $0x0  }
0x25: {  	[sflag:s26] =	ssyncadd.s32 $0xFFFFD000  }
0x26: {  	[spmem:s15] =	stream.linear.scatter [tilespmem:s25], [sflag:$0x5], $0x3000, $0x38;
	[tilespmem:$0x14200] =	vst v63  }
0x27: {  	_ =	swait.ge [sflag:s26], $0x3000  }
0x28: {  	[sflag:s26] =	ssyncset.done $0x0  }
0x29: {  	[sflag:s26] =	ssyncadd.s32 $0xFFFFD000  }
0x2a: {  	[spmem:s16] =	stream.linear.scatter [tilespmem:s25], [sflag:$0x5], $0x3000, $0x38;
	[tilespmem:$0x14200] =	vst v63  }
0x2b: {  	_ =	swait.ge [sflag:s26], $0x3000  }
0x2c: {  	[sflag:s26] =	ssyncset.done $0x0  }
0x2d: {  	[sflag:s26] =	ssyncadd.s32 $0xFFFFD000  }
0x2e: {  	[bflag:$0x0] =	sbarrier.arrive $0xFFFF  }
0x2f: {  	[tilespmem:s4], [sflag:$0x5] =	stream.linear.gather [hbm4b:s23+s4], $0x80, $0x38;
	[tilespmem:$0x14200] =	vst v63  }
0x30: {  	_ =	swait.ge [sflag:s26], $0x80  }
0x31: {  	[sflag:s26] =	ssyncset.done $0x0  }
0x32: {  	s21 =	rddreg [dreg:$0x7];
	[sflag:s26] =	ssyncadd.s32 $0xFFFFFF80  }
0x33: {  	[tilespmem:s28], [sflag:$0x5] =	stream.linear.gather [hbm4b:s21+s4], $0x80, $0x38;
	[tilespmem:$0x14200] =	vst v63  }
0x34: {  	_ =	swait.ge [sflag:s26], $0x80  }
0x35: {  	[sflag:s26] =	ssyncset.done $0x0  }
0x36: {  	[sflag:s26] =	ssyncadd.s32 $0xFFFFFF80  }
0x37: {  	[tilespmem:s30], [sflag:$0x1] =	stream.indirect.gather [hbm4b:s5+s29], $0x80, s4, s29, $0xb8;
	[tilespmem:$0x14200] =	vst v63  }
0x38: {  	_ = 	snop  }
0x39: {  	[tilespmem:s31], [sflag:$0x5] =	stream.linear.gather [hbm4b:s24+s4], $0x80, $0x38;
	[tilespmem:$0x14200] =	vst v63  }
0x3a: {  	_ =	swait.ge [sflag:s26], $0x80  }
0x3b: {  	[sflag:s26] =	ssyncset.done $0x0  }
0x3c: {  	s22 =	rddreg [dreg:$0x9];
	[sflag:s26] =	ssyncadd.s32 $0xFFFFFF80  }
0x3d: {  	[tilespmem:s18], [sflag:$0x5] =	stream.linear.gather [hbm4b:s22+s4], $0x80, $0x38;
	[tilespmem:$0x14200] =	vst v63  }
0x3e: {  	_ =	swait.ge [sflag:s26], $0x80  }
0x3f: {  	[sflag:s26] =	ssyncset.done $0x0  }
0x40: {  	s21 =	simm.s32 $0x180;
	[sflag:s26] =	ssyncadd.s32 $0xFFFFFF80  }
0x41: {  	[tilespmem:s0], [sflag:$0x2] =	stream.indirect.gather [hbm4b:s5+s29], $0x80, s31, s29, $0xb8;
	[tilespmem:$0x14200] =	vst v63  }
.LBB2_2:
0x42: {  	_ =	swait.ge [sflag:s1], $0x2800;
	s9 =	sadd.s32 $0xFFFFFF80, s21  }
0x43: {  	[sflag:s1] =	ssyncset.done $0x0;
	s11 =	sand.u32 $0x7C00, s9  }
0x44: {  	s9 =	sand.u32 $0x300, s9;
	[sflag:s1] =	ssyncadd.s32 $0xFFFFD800;
	s11 =	sadd.s32 s10, s11  }
0x45: {  	[spmem:s2] =	stream.indirect.scatter.add.f32 [tilespmem:s30], [sflag:$0x3], $0x80, s28, s29, $0xb8;
	[tilespmem:$0x14200] =	vst v63  }
0x46: {  	s9 =	sor.u32 s9, s11;
	_ =	swait.ge [sflag:s3], $0x2800  }
0x47: {  	s9 =	sshrl.u32 s9, $0x3;
	[sflag:s3] =	ssyncset.done $0x0  }
0x48: {  	s22 =	sadd.s32 s6, s9;
	[sflag:s3] =	ssyncadd.s32 $0xFFFFD800  }
0x49: {  	[tilespmem:s4], [sflag:$0x5] =	stream.linear.gather [hbm4b:s22+s4], $0x80, $0x38;
	[tilespmem:$0x14200] =	vst v63  }
0x4a: {  	_ =	swait.ge [sflag:s26], $0x80  }
0x4b: {  	[sflag:s26] =	ssyncset.done $0x0  }
0x4c: {  	s9 =	sadd.s32 s7, s9;
	[sflag:s26] =	ssyncadd.s32 $0xFFFFFF80  }
0x4d: {  	[tilespmem:s28], [sflag:$0x5] =	stream.linear.gather [hbm4b:s9+s4], $0x80, $0x38;
	[tilespmem:$0x14200] =	vst v63  }
0x4e: {  	_ =	swait.ge [sflag:s26], $0x80  }
0x4f: {  	[sflag:s26] =	ssyncset.done $0x0  }
0x50: {  	p0 =	seq.s32 s21, $0x3E80;
	[sflag:s26] =	ssyncadd.s32 $0xFFFFFF80  }
0x51: {  	[tilespmem:s30], [sflag:$0x1] =	stream.indirect.gather [hbm4b:s5+s29], $0x80, s4, s29, $0xb8;
	[tilespmem:$0x14200] =	vst v63  }
.Ltmp0:
0x52: {  	_ = 	snop;
	(pc) =	sbr.rel @p0 .LBB2_4-.Ltmp0, $4  }
0x53: {  	_ =	swait.ge [sflag:s17], $0x2800  }
0x54: {  	[sflag:s17] =	ssyncset.done $0x0  }
0x55: {  	[sflag:s17] =	ssyncadd.s32 $0xFFFFD800  }
0x56: {  	[spmem:s2] =	stream.indirect.scatter.add.f32 [tilespmem:s0], [sflag:$0x4], $0x80, s18, s29, $0xb8;
	[tilespmem:$0x14200] =	vst v63  }
0x57: {  	s9 =	sand.u32 $0x7C00, s21  }
0x58: {  	s11 =	sand.u32 $0x380, s21;
	s9 =	sadd.s32 s10, s9  }
0x59: {  	_ =	swait.ge [sflag:s19], $0x2800;
	s9 =	sor.u32 s11, s9  }
0x5a: {  	[sflag:s19] =	ssyncset.done $0x0;
	s9 =	sshrl.u32 s9, $0x3  }
0x5b: {  	[sflag:s19] =	ssyncadd.s32 $0xFFFFD800;
	s22 =	sadd.s32 s6, s9  }
0x5c: {  	[tilespmem:s31], [sflag:$0x5] =	stream.linear.gather [hbm4b:s22+s4], $0x80, $0x38;
	[tilespmem:$0x14200] =	vst v63  }
0x5d: {  	_ =	swait.ge [sflag:s26], $0x80  }
0x5e: {  	[sflag:s26] =	ssyncset.done $0x0  }
0x5f: {  	s9 =	sadd.s32 s7, s9;
	[sflag:s26] =	ssyncadd.s32 $0xFFFFFF80  }
0x60: {  	[tilespmem:s18], [sflag:$0x5] =	stream.linear.gather [hbm4b:s9+s4], $0x80, $0x38;
	[tilespmem:$0x14200] =	vst v63  }
.Ltmp1:
0x61: {  	_ = 	snop;
	(pc) =	sbr.rel .LBB2_2-.Ltmp1, $4  }
0x62: {  	_ =	swait.ge [sflag:s26], $0x80  }
0x63: {  	[sflag:s26] =	ssyncset.done $0x0  }
0x64: {  	s21 =	sadd.s32 $0x100, s21;
	[sflag:s26] =	ssyncadd.s32 $0xFFFFFF80  }
0x65: {  	[tilespmem:s0], [sflag:$0x2] =	stream.indirect.gather [hbm4b:s5+s29], $0x80, s31, s29, $0xb8;
	[tilespmem:$0x14200] =	vst v63  }
.LBB2_4:
0x66: {  	_ =	swait.ge [sflag:s1], $0x2800  }
0x67: {  	[sflag:s1] =	ssyncset.done $0x0  }
0x68: {  	[sflag:s1] =	ssyncadd.s32 $0xFFFFD800  }
0x69: {  	[spmem:s2] =	stream.indirect.scatter.add.f32 [tilespmem:s30], [sflag:$0x3], $0x80, s28, s29, $0xb8;
	[tilespmem:$0x14200] =	vst v63  }
0x6a: {  	_ =	swait.ge [sflag:s3], $0x2800  }
0x6b: {  	[sflag:s3] =	ssyncset.done $0x0  }
0x6c: {  	[sflag:s3] =	ssyncadd.s32 $0xFFFFD800  }
0x6d: {  	_ =	swait.ge [sflag:s19], $0x2800  }
0x6e: {  	[sflag:s19] =	ssyncset.done $0x0  }
0x6f: {  	s9 =	stileid.u32;
	[sflag:s19] =	ssyncadd.s32 $0xFFFFD800  }
0x70: {  	s9 =	sshll.u32 s9, $0x6;
	[bflag:$0x0] =	sbarrier.arrive $0xFFFF  }
0x71: {  	s22 =	sshrl.u32 s8, $0x3;
	s21 =	sor.u32 $0x1C05, s9;
	s13 =	rddreg [dreg:$0xa]  }
0x72: {  	[hbm:s13], [sflag:s21] =	dma.local [spmem:s22], $0x1800  }
0x73: {  	_ =	swait.ge [sflag:s26], $0x1800  }
0x74: {  	[sflag:s26] =	ssyncset.done $0x0  }
0x75: {  	[sflag:s26] =	ssyncadd.s32 $0xFFFFE800  }
0x76: {  	[spmem:s8] =	stream.linear.scatter [tilespmem:s25], [sflag:$0x5], $0x3000, $0x38;
	[tilespmem:$0x14200] =	vst v63  }
0x77: {  	_ =	swait.ge [sflag:s26], $0x3000  }
0x78: {  	[sflag:s26] =	ssyncset.done $0x0  }
0x79: {  	[sflag:s26] =	ssyncadd.s32 $0xFFFFD000  }
0x7a: {  	[spmem:s12] =	stream.linear.scatter [tilespmem:s25], [sflag:$0x5], $0x3000, $0x38;
	[tilespmem:$0x14200] =	vst v63  }
0x7b: {  	_ =	swait.ge [sflag:s26], $0x3000  }
0x7c: {  	[sflag:s26] =	ssyncset.done $0x0  }
0x7d: {  	[sflag:s26] =	ssyncadd.s32 $0xFFFFD000  }
0x7e: {  	[spmem:s15] =	stream.linear.scatter [tilespmem:s25], [sflag:$0x5], $0x3000, $0x38;
	[tilespmem:$0x14200] =	vst v63  }
0x7f: {  	_ =	swait.ge [sflag:s26], $0x3000  }
0x80: {  	[sflag:s26] =	ssyncset.done $0x0  }
0x81: {  	[sflag:s26] =	ssyncadd.s32 $0xFFFFD000  }
0x82: {  	[spmem:s16] =	stream.linear.scatter [tilespmem:s25], [sflag:$0x5], $0x3000, $0x38;
	[tilespmem:$0x14200] =	vst v63  }
0x83: {  	_ =	swait.ge [sflag:s26], $0x3000  }
0x84: {  	[sflag:s26] =	ssyncset.done $0x0  }
0x85: {  	[sflag:s26] =	ssyncadd.s32 $0xFFFFD000  }
0x86: {  	[bflag:$0x0] =	sbarrier.arrive $0xFFFF  }
0x87: {  	[tilespmem:s4], [sflag:$0x5] =	stream.linear.gather [hbm4b:s23+s4], $0x80, $0x38;
	[tilespmem:$0x14200] =	vst v63  }
0x88: {  	_ =	swait.ge [sflag:s26], $0x80  }
0x89: {  	[sflag:s26] =	ssyncset.done $0x0  }
0x8a: {  	s16 =	rddreg [dreg:$0xb];
	[sflag:s26] =	ssyncadd.s32 $0xFFFFFF80  }
0x8b: {  	[tilespmem:s28], [sflag:$0x5] =	stream.linear.gather [hbm4b:s16+s4], $0x80, $0x38;
	[tilespmem:$0x14200] =	vst v63  }
0x8c: {  	_ =	swait.ge [sflag:s26], $0x80  }
0x8d: {  	[sflag:s26] =	ssyncset.done $0x0  }
0x8e: {  	[sflag:s26] =	ssyncadd.s32 $0xFFFFFF80  }
0x8f: {  	[tilespmem:s30], [sflag:$0x1] =	stream.indirect.gather [hbm4b:s5+s29], $0x80, s4, s29, $0xb8;
	[tilespmem:$0x14200] =	vst v63  }
0x90: {  	_ = 	snop  }
0x91: {  	[tilespmem:s31], [sflag:$0x5] =	stream.linear.gather [hbm4b:s24+s4], $0x80, $0x38;
	[tilespmem:$0x14200] =	vst v63  }
0x92: {  	_ =	swait.ge [sflag:s26], $0x80  }
0x93: {  	[sflag:s26] =	ssyncset.done $0x0  }
0x94: {  	s9 =	simm.s32 $0x180;
	s11 =	rddreg [dreg:$0xc];
	[sflag:s26] =	ssyncadd.s32 $0xFFFFFF80  }
0x95: {  	[tilespmem:s9], [sflag:$0x5] =	stream.linear.gather [hbm4b:s11+s4], $0x80, $0x38;
	[tilespmem:$0x14200] =	vst v63  }
0x96: {  	_ =	swait.ge [sflag:s26], $0x80  }
0x97: {  	[sflag:s26] =	ssyncset.done $0x0  }
0x98: {  	[sflag:s26] =	ssyncadd.s32 $0xFFFFFF80  }
0x99: {  	[tilespmem:s0], [sflag:$0x2] =	stream.indirect.gather [hbm4b:s5+s29], $0x80, s31, s29, $0xb8;
	[tilespmem:$0x14200] =	vst v63  }
0x9a: {  	s8 =	smov.u32 s23;
	s23 =	simm.s32 $0x100;
	_ =	swait.ge [sflag:s1], $0x2800  }
0x9b: {  	s13 =	smov.u32 s24;
	s24 =	sand.u32 $0x7C00, s23;
	[sflag:s1] =	ssyncset.done $0x0  }
0x9c: {  	s16 =	sadd.s32 s10, s24;
	s11 =	sand.u32 $0x300, s23;
	[sflag:s1] =	ssyncadd.s32 $0xFFFFD800  }
0x9d: {  	[spmem:s2] =	stream.indirect.scatter.add.f32 [tilespmem:s30], [sflag:$0x3], $0x80, s28, s29, $0xb8;
	[tilespmem:$0x14200] =	vst v63  }
0x9e: {  	s15 =	sor.u32 s11, s16;
	_ =	swait.ge [sflag:s3], $0x2800  }
0x9f: {  	s15 =	sshrl.u32 s15, $0x3;
	[sflag:s3] =	ssyncset.done $0x0  }
0xa0: {  	s12 =	sadd.s32 s14, s24;
	s15 =	sadd.s32 s6, s15;
	[sflag:s3] =	ssyncadd.s32 $0xFFFFD800  }
0xa1: {  	[tilespmem:s4], [sflag:$0x5] =	stream.linear.gather [hbm4b:s15+s4], $0x80, $0x38;
	[tilespmem:$0x14200] =	vst v63  }
0xa2: {  	s11 =	sor.u32 s11, s12;
	_ =	swait.ge [sflag:s26], $0x80  }
0xa3: {  	s11 =	sshrl.u32 s11, $0x3;
	[sflag:s26] =	ssyncset.done $0x0  }
0xa4: {  	s11 =	sadd.s32 s7, s11;
	[sflag:s26] =	ssyncadd.s32 $0xFFFFFF80  }
0xa5: {  	[tilespmem:s28], [sflag:$0x5] =	stream.linear.gather [hbm4b:s11+s4], $0x80, $0x38;
	[tilespmem:$0x14200] =	vst v63  }
0xa6: {  	_ =	swait.ge [sflag:s26], $0x80  }
0xa7: {  	[sflag:s26] =	ssyncset.done $0x0  }
0xa8: {  	[sflag:s26] =	ssyncadd.s32 $0xFFFFFF80  }
0xa9: {  	[tilespmem:s30], [sflag:$0x1] =	stream.indirect.gather [hbm4b:s5+s29], $0x80, s4, s29, $0xb8;
	[tilespmem:$0x14200] =	vst v63  }
0xaa: {  	_ =	swait.ge [sflag:s17], $0x2800  }
0xab: {  	s23 =	sand.u32 $0x7C00, s9;
	[sflag:s17] =	ssyncset.done $0x0  }
0xac: {  	s9 =	sand.u32 $0x380, s9;
	s24 =	sadd.s32 s10, s23;
	[sflag:s17] =	ssyncadd.s32 $0xFFFFD800  }
0xad: {  	[spmem:s2] =	stream.indirect.scatter.add.f32 [tilespmem:s0], [sflag:$0x4], $0x80, s18, s29, $0xb8;
	[tilespmem:$0x14200] =	vst v63  }
0xae: {  	s12 =	sor.u32 s9, s24;
	_ =	swait.ge [sflag:s19], $0x2800  }
0xaf: {  	s12 =	sshrl.u32 s12, $0x3;
	[sflag:s19] =	ssyncset.done $0x0  }
0xb0: {  	s12 =	sadd.s32 s6, s12;
	s11 =	sadd.s32 s14, s23;
	[sflag:s19] =	ssyncadd.s32 $0xFFFFD800  }
0xb1: {  	[tilespmem:s31], [sflag:$0x5] =	stream.linear.gather [hbm4b:s12+s4], $0x80, $0x38;
	[tilespmem:$0x14200] =	vst v63  }
0xb2: {  	s9 =	sor.u32 s9, s11;
	_ =	swait.ge [sflag:s26], $0x80  }
0xb3: {  	s9 =	sshrl.u32 s9, $0x3;
	[sflag:s26] =	ssyncset.done $0x0  }
0xb4: {  	s9 =	sadd.s32 s7, s9;
	[sflag:s26] =	ssyncadd.s32 $0xFFFFFF80  }
0xb5: {  	[tilespmem:s18], [sflag:$0x5] =	stream.linear.gather [hbm4b:s9+s4], $0x80, $0x38;
	[tilespmem:$0x14200] =	vst v63  }
0xb6: {  	_ =	swait.ge [sflag:s26], $0x80  }
0xb7: {  	s24 =	simm.s32 $0x380;
	s15 =	simm.s32 $0x200;
	[sflag:s26] =	ssyncset.done $0x0  }
0xb8: {  	s23 =	simm.s32 $0x280;
	s11 =	sand.u32 $0x7C00, s15;
	[sflag:s26] =	ssyncadd.s32 $0xFFFFFF80  }
0xb9: {  	[tilespmem:s0], [sflag:$0x2] =	stream.indirect.gather [hbm4b:s5+s29], $0x80, s31, s29, $0xb8;
	[tilespmem:$0x14200] =	vst v63  }
0xba: {  	s15 =	sand.u32 $0x300, s15;
	s16 =	sadd.s32 s10, s11;
	_ =	swait.ge [sflag:s1], $0x2800  }
0xbb: {  	s12 =	sor.u32 s15, s16;
	s9 =	sadd.s32 s14, s11;
	[sflag:s1] =	ssyncset.done $0x0  }
.LBB2_5:
0xbc: {  	s12 =	sshrl.u32 s12, $0x3  }
0xbd: {  	[sflag:s1] =	ssyncadd.s32 $0xFFFFD800;
	s16 =	smov.u32 s24;
	s11 =	sadd.s32 $0x100, s24  }
0xbe: {  	[spmem:s2] =	stream.indirect.scatter.add.f32 [tilespmem:s30], [sflag:$0x3], $0x80, s28, s29, $0xb8;
	[tilespmem:$0x14200] =	vst v63  }
0xbf: {  	p0 =	sne.s32 s24, $0x3D80;
	_ =	swait.ge [sflag:s3], $0x2800  }
0xc0: {  	[sflag:s3] =	ssyncset.done $0x0  }
0xc1: {  	s12 =	sadd.s32 s6, s12;
	[sflag:s3] =	ssyncadd.s32 $0xFFFFD800  }
0xc2: {  	[tilespmem:s4], [sflag:$0x5] =	stream.linear.gather [hbm4b:s12+s4], $0x80, $0x38;
	[tilespmem:$0x14200] =	vst v63  }
0xc3: {  	s9 =	sor.u32 s15, s9;
	_ =	swait.ge [sflag:s26], $0x80  }
0xc4: {  	s9 =	sshrl.u32 s9, $0x3;
	[sflag:s26] =	ssyncset.done $0x0  }
0xc5: {  	s9 =	sadd.s32 s7, s9;
	[sflag:s26] =	ssyncadd.s32 $0xFFFFFF80  }
0xc6: {  	[tilespmem:s28], [sflag:$0x5] =	stream.linear.gather [hbm4b:s9+s4], $0x80, $0x38;
	[tilespmem:$0x14200] =	vst v63  }
0xc7: {  	_ =	swait.ge [sflag:s26], $0x80  }
0xc8: {  	[sflag:s26] =	ssyncset.done $0x0  }
0xc9: {  	[sflag:s26] =	ssyncadd.s32 $0xFFFFFF80  }
0xca: {  	[tilespmem:s30], [sflag:$0x1] =	stream.indirect.gather [hbm4b:s5+s29], $0x80, s4, s29, $0xb8;
	[tilespmem:$0x14200] =	vst v63  }
0xcb: {  	_ =	swait.ge [sflag:s17], $0x2800  }
0xcc: {  	[sflag:s17] =	ssyncset.done $0x0  }
0xcd: {  	s12 =	sand.u32 $0x380, s23;
	s9 =	sand.u32 $0x7C00, s23;
	[sflag:s17] =	ssyncadd.s32 $0xFFFFD800  }
0xce: {  	[spmem:s2] =	stream.indirect.scatter.add.f32 [tilespmem:s0], [sflag:$0x4], $0x80, s18, s29, $0xb8;
	[tilespmem:$0x14200] =	vst v63  }
0xcf: {  	s15 =	sadd.s32 s10, s9;
	s9 =	sadd.s32 s14, s9;
	_ =	swait.ge [sflag:s19], $0x2800  }
0xd0: {  	s15 =	sor.u32 s12, s15;
	s9 =	sor.u32 s12, s9;
	[sflag:s19] =	ssyncset.done $0x0  }
0xd1: {  	s12 =	sshrl.u32 s15, $0x3;
	s9 =	sshrl.u32 s9, $0x3;
	[sflag:s19] =	ssyncadd.s32 $0xFFFFD800  }
0xd2: {  	s23 =	smov.u32 s16;
	s12 =	sadd.s32 s6, s12  }
0xd3: {  	[tilespmem:s31], [sflag:$0x5] =	stream.linear.gather [hbm4b:s12+s4], $0x80, $0x38;
	[tilespmem:$0x14200] =	vst v63  }
0xd4: {  	_ =	swait.ge [sflag:s26], $0x80  }
0xd5: {  	[sflag:s26] =	ssyncset.done $0x0  }
0xd6: {  	s9 =	sadd.s32 s7, s9;
	[sflag:s26] =	ssyncadd.s32 $0xFFFFFF80  }
0xd7: {  	[tilespmem:s18], [sflag:$0x5] =	stream.linear.gather [hbm4b:s9+s4], $0x80, $0x38;
	[tilespmem:$0x14200] =	vst v63  }
0xd8: {  	_ =	swait.ge [sflag:s26], $0x80  }
.Ltmp2:
0xd9: {  	s9 =	sadd.s32 $0xFFFFFF80, s23;
	[sflag:s26] =	ssyncset.done $0x0;
	(pc) =	sbr.rel @p0 .LBB2_5-.Ltmp2, $4  }
0xda: {  	s24 =	smov.u32 s11;
	s16 =	sand.u32 $0x7C00, s9;
	[sflag:s26] =	ssyncadd.s32 $0xFFFFFF80  }
0xdb: {  	[tilespmem:s0], [sflag:$0x2] =	stream.indirect.gather [hbm4b:s5+s29], $0x80, s31, s29, $0xb8;
	[tilespmem:$0x14200] =	vst v63  }
0xdc: {  	s15 =	sand.u32 $0x300, s9;
	s12 =	sadd.s32 s10, s16;
	_ =	swait.ge [sflag:s1], $0x2800  }
0xdd: {  	s9 =	sadd.s32 s14, s16;
	s12 =	sor.u32 s15, s12;
	[sflag:s1] =	ssyncset.done $0x0  }
0xde: {  	[sflag:s1] =	ssyncadd.s32 $0xFFFFD800  }
0xdf: {  	[spmem:s2] =	stream.indirect.scatter.add.f32 [tilespmem:s30], [sflag:$0x3], $0x80, s28, s29, $0xb8;
	[tilespmem:$0x14200] =	vst v63  }
0xe0: {  	_ =	swait.ge [sflag:s3], $0x2800  }
0xe1: {  	s11 =	sshrl.u32 s12, $0x3;
	[sflag:s3] =	ssyncset.done $0x0  }
0xe2: {  	s11 =	sadd.s32 s6, s11;
	[sflag:s3] =	ssyncadd.s32 $0xFFFFD800  }
0xe3: {  	[tilespmem:s4], [sflag:$0x5] =	stream.linear.gather [hbm4b:s11+s4], $0x80, $0x38;
	[tilespmem:$0x14200] =	vst v63  }
0xe4: {  	s9 =	sor.u32 s15, s9;
	_ =	swait.ge [sflag:s26], $0x80  }
0xe5: {  	s9 =	sshrl.u32 s9, $0x3;
	[sflag:s26] =	ssyncset.done $0x0  }
0xe6: {  	s9 =	sadd.s32 s7, s9;
	[sflag:s26] =	ssyncadd.s32 $0xFFFFFF80  }
0xe7: {  	[tilespmem:s28], [sflag:$0x5] =	stream.linear.gather [hbm4b:s9+s4], $0x80, $0x38;
	[tilespmem:$0x14200] =	vst v63  }
0xe8: {  	_ =	swait.ge [sflag:s26], $0x80  }
0xe9: {  	[sflag:s26] =	ssyncset.done $0x0  }
0xea: {  	[sflag:s26] =	ssyncadd.s32 $0xFFFFFF80  }
0xeb: {  	[tilespmem:s30], [sflag:$0x1] =	stream.indirect.gather [hbm4b:s5+s29], $0x80, s4, s29, $0xb8;
	[tilespmem:$0x14200] =	vst v63  }
0xec: {  	_ =	swait.ge [sflag:s17], $0x2800  }
0xed: {  	s16 =	sand.u32 $0x7C00, s23;
	[sflag:s17] =	ssyncset.done $0x0  }
0xee: {  	s23 =	sand.u32 $0x380, s23;
	s24 =	sadd.s32 s10, s16;
	[sflag:s17] =	ssyncadd.s32 $0xFFFFD800  }
0xef: {  	[spmem:s2] =	stream.indirect.scatter.add.f32 [tilespmem:s0], [sflag:$0x4], $0x80, s18, s29, $0xb8;
	[tilespmem:$0x14200] =	vst v63  }
0xf0: {  	s12 =	sor.u32 s23, s24;
	_ =	swait.ge [sflag:s19], $0x2800  }
0xf1: {  	s12 =	sshrl.u32 s12, $0x3;
	[sflag:s19] =	ssyncset.done $0x0  }
0xf2: {  	s12 =	sadd.s32 s6, s12;
	s9 =	sadd.s32 s14, s16;
	[sflag:s19] =	ssyncadd.s32 $0xFFFFD800  }
0xf3: {  	[tilespmem:s31], [sflag:$0x5] =	stream.linear.gather [hbm4b:s12+s4], $0x80, $0x38;
	[tilespmem:$0x14200] =	vst v63  }
0xf4: {  	s9 =	sor.u32 s23, s9;
	_ =	swait.ge [sflag:s26], $0x80  }
0xf5: {  	s9 =	sshrl.u32 s9, $0x3;
	[sflag:s26] =	ssyncset.done $0x0  }
0xf6: {  	s9 =	sadd.s32 s7, s9;
	[sflag:s26] =	ssyncadd.s32 $0xFFFFFF80  }
0xf7: {  	[tilespmem:s18], [sflag:$0x5] =	stream.linear.gather [hbm4b:s9+s4], $0x80, $0x38;
	[tilespmem:$0x14200] =	vst v63  }
0xf8: {  	_ =	swait.ge [sflag:s26], $0x80  }
0xf9: {  	[sflag:s26] =	ssyncset.done $0x0  }
0xfa: {  	[sflag:s26] =	ssyncadd.s32 $0xFFFFFF80  }
0xfb: {  	[tilespmem:s0], [sflag:$0x2] =	stream.indirect.gather [hbm4b:s5+s29], $0x80, s31, s29, $0xb8;
	[tilespmem:$0x14200] =	vst v63  }
0xfc: {  	_ =	swait.ge [sflag:s1], $0x2800  }
0xfd: {  	[sflag:s1] =	ssyncset.done $0x0  }
0xfe: {  	[sflag:s1] =	ssyncadd.s32 $0xFFFFD800  }
0xff: {  	[spmem:s2] =	stream.indirect.scatter.add.f32 [tilespmem:s30], [sflag:$0x3], $0x80, s28, s29, $0xb8;
	[tilespmem:$0x14200] =	vst v63  }
0x100: {  	_ =	swait.ge [sflag:s3], $0x2800  }
0x101: {  	[sflag:s3] =	ssyncset.done $0x0  }
0x102: {  	s15 =	rddreg [dreg:$0xf];
	[sflag:s3] =	ssyncadd.s32 $0xFFFFD800  }
0x103: {  	[tilespmem:s4], [sflag:$0x5] =	stream.linear.gather [hbm4b:s15+s4], $0x80, $0x38;
	[tilespmem:$0x14200] =	vst v63  }
0x104: {  	_ =	swait.ge [sflag:s26], $0x80  }
0x105: {  	[sflag:s26] =	ssyncset.done $0x0  }
0x106: {  	s16 =	rddreg [dreg:$0x10];
	[sflag:s26] =	ssyncadd.s32 $0xFFFFFF80  }
0x107: {  	[tilespmem:s28], [sflag:$0x5] =	stream.linear.gather [hbm4b:s16+s4], $0x80, $0x38;
	[tilespmem:$0x14200] =	vst v63  }
0x108: {  	_ =	swait.ge [sflag:s26], $0x80  }
0x109: {  	[sflag:s26] =	ssyncset.done $0x0  }
0x10a: {  	[sflag:s26] =	ssyncadd.s32 $0xFFFFFF80  }
0x10b: {  	[tilespmem:s30], [sflag:$0x1] =	stream.indirect.gather [hbm4b:s5+s29], $0x80, s4, s29, $0xb8;
	[tilespmem:$0x14200] =	vst v63  }
0x10c: {  	_ =	swait.ge [sflag:s17], $0x2800  }
0x10d: {  	[sflag:s17] =	ssyncset.done $0x0  }
0x10e: {  	[sflag:s17] =	ssyncadd.s32 $0xFFFFD800  }
0x10f: {  	[spmem:s2] =	stream.indirect.scatter.add.f32 [tilespmem:s0], [sflag:$0x4], $0x80, s18, s29, $0xb8;
	[tilespmem:$0x14200] =	vst v63  }
0x110: {  	_ =	swait.ge [sflag:s1], $0x2800  }
0x111: {  	[sflag:s1] =	ssyncset.done $0x0  }
0x112: {  	[sflag:s1] =	ssyncadd.s32 $0xFFFFD800  }
0x113: {  	[spmem:s2] =	stream.indirect.scatter.add.f32 [tilespmem:s30], [sflag:$0x3], $0x80, s28, s29, $0xb8;
	[tilespmem:$0x14200] =	vst v63  }
0x114: {  	_ =	swait.ge [sflag:s3], $0x2800  }
0x115: {  	[sflag:s3] =	ssyncset.done $0x0  }
0x116: {  	[sflag:s3] =	ssyncadd.s32 $0xFFFFD800  }
0x117: {  	_ =	swait.ge [sflag:s19], $0x2800  }
0x118: {  	[sflag:s19] =	ssyncset.done $0x0  }
0x119: {  	[sflag:s19] =	ssyncadd.s32 $0xFFFFD800  }
0x11a: {  	[bflag:$0x0] =	sbarrier.arrive $0xFFFF  }
0x11b: {  	s23 =	rddreg [dreg:$0xd]  }
0x11c: {  	[hbm:s23], [sflag:s21] =	dma.local [spmem:s22], $0x1800  }
0x11d: {  	_ =	swait.ge [sflag:s26], $0x1800  }
0x11e: {  	s20 =	sadd.s32 $0x1, s20;
	s24 =	rddreg [dreg:$0xe]  }
0x11f: {  	p0 =	sne.s32 s20, s24  }
.Ltmp3:
0x120: {  	_ = 	snop;
	(pc) =	sbr.rel @p0 .LBB2_1-.Ltmp3, $4  }
0x121: {  	s12 =	rddreg [dreg:$0x4]  }
0x122: {  	s15 =	rddreg [dreg:$0x5]  }
0x123: {  	s23 =	smov.u32 s8;
	[sflag:s26] =	ssyncset.done $0x0;
	s16 =	rddreg [dreg:$0x8]  }
0x124: {  	s8 =	rddreg [dreg:$0x6];
	[sflag:s26] =	ssyncadd.s32 $0xFFFFE800;
	s24 =	smov.u32 s13  }
0x125: {  	_ =	sfence.sel $0x180000  }
0x126: {  	[bflag:$0x0] =	sbarrier.arrive $0xFFFF  }
0x127: {  	_ =	strace $0x9000004A  }
0x128: {  	s0 =	stileid.u32;
	[bflag:$0x2] =	sbarrier.arrive $0xFFFF  }
0x129: {  	p0 =	sne.s32 s0, $0x0;
	s0 =	rddreg [dreg:$0x3]  }
0x12a: {  	s0 =	sadd.s32 @!p0 $0x100000, s0  }
0x12b: {  	[sflag:s0] =	ssyncadd.tile.s32 @!p0 $0x1;
	_ =	shalt  }
.Lfunc_end2:
_tile_overlayer_lowered:
.L_overlay_start_2:
0x12c: {  	(tag) =	ssettag $0x2  }
0x12d: {  	s0 =	rddreg [dreg:$0x0];
	s2 =	stileid.u32  }
0x12e: {  	s1 =	rddreg [dreg:$0x1];
	p0 =	sne.s32 s2, $0x0  }
0x12f: {  	s3 =	rddreg [dreg:$0x2];
	[bflag:$0x3] =	sbarrier.arrive $0xFFFF;
	s2 =	simm.s32 @!p0 $0x1C05  }
0x130: {  	[timem:s3], [sflag:s2] =	dma.local @!p0 [hbm:s0], s1  }
0x131: {  	s0 =	simm.s32 @!p0 $0x5  }
0x132: {  	_ =	swait.ge @!p0 [sflag:s0], s1  }
0x133: {  	s1 =	ssub.s32 @!p0 $0x0, s1;
	[sflag:s0] =	ssyncset.done @!p0 $0x0  }
0x134: {  	[sflag:s0] =	ssyncadd.s32 @!p0 s1  }
0x135: {  	[bflag:$0x3] =	sbarrier.arrive $0xFFFF  }
0x136: {  	_ =	shalt  }

// kernel: kernel.14.cloned.1.call-start
scs
__scs_entry_jumppad:
0x0: {  	(pc) =	sbr.rel $0x88, $3  }
0x1: {  	(tag) =	ssettag $0x0;
	lr =	simm.s32 $0x1  }
0x2: {  	[smem:$0x3F9A] =	sst lr;
	_ =	strace $0xD0000000  }
0x3: {  	_ = 	snop  }
0x4: {  	_ = 	snop  }
0x5: {  	_ = 	snop  }
0x6: {  	_ = 	snop  }
0x7: {  	_ = 	snop  }
__scs_overlays_trampoline_lowered:
0x8: {  	[smem:$0x3FA9] =	sst s0  }
0x9: {  	[smem:$0x3FAA] =	sst s1  }
0xa: {  	[smem:$0x3FAB] =	sst s2  }
0xb: {  	[smem:$0x3FAC] =	sst s3  }
0xc: {  	[smem:$0x3FAD] =	sst s4  }
0xd: {  	[smem:$0x3FAE] =	sst s5  }
0xe: {  	[smem:$0x3FAF] =	sst s6  }
0xf: {  	[smem:$0x3FB0] =	sst s7  }
0x10: {  	[smem:$0x3FB1] =	sst s8  }
0x11: {  	[smem:$0x3FB2] =	sst s9;
	s0 =	simm.s32 @!p0 $0x0  }
0x12: {  	s1 =	sld [smem:$0x3F98];
	s0 =	simm.s32 @p0 $0x1  }
0x13: {  	[smem:$0x3FB3] =	sst s0;
	s0 =	simm.s32 @!p1 $0x0  }
0x14: {  	s2 =	sld [smem:$0x3F97];
	s0 =	simm.s32 @p1 $0x1  }
0x15: {  	[smem:$0x3FB4] =	sst s0;
	s0 =	simm.s32 @!p2 $0x0  }
0x16: {  	s3 =	sld [smem:$0x3FDB];
	s0 =	simm.s32 @p2 $0x1  }
0x17: {  	s4 =	simm.s32 $0x1BF5;
	[smem:$0x3FB6] =	sst s0  }
0x18: {  	s0 =	sld [smem:$0x3F99];
	_ =	swait.ge [sflag:s4], $0x0  }
0x19: {  	s7 =	sld [smem:$0x3F9A]  }
0x1a: {  	s8 =	sadd.s32 $0xFFFFE003, lr  }
0x1b: {  	s9 =	sadd.s32 $0xFFFFFEF7, lr;
	s5 =	simm.s32 $0xFFFFFFFF;
	p2 =	slt.u32 s8, $0xFFFFF086  }
0x1c: {  	p1 =	slt.u32 s9, $0xF7A;
	s5 =	simm.s32 @!p2 $0x0  }
0x1d: {  	s5 =	simm.s32 @p1 $0x1;
	p0 =	seq.s32 s7, s2  }
0x1e: {  	s7 =	smul.u32 @!p0 $0xF7A, s2;
	p2 =	seq.s32 @!p0 s5, $0x0  }
0x1f: {  	s9 =	smul.u32 $0xF7A, s1;
	s8 =	simm.s32 @!p0 $0x1BF5;
	p2 =	por !p2, p0  }
0x20: {  	[sflag:s8] =	ssyncset.s32 @!p0 $0xFFFFF086;
	s6 =	sadd.s32 @!p0 s3, s7;
	s7 =	simm.s32 @!p0 $0x108  }
0x21: {  	s3 =	sadd.s32 s3, s9;
	s6 =	sadd.s32 @!p0 $0x88, s6;
	s7 =	simm.s32 @p2 $0x1082  }
0x22: {  	[simem:s7], [sflag:s8] =	dma.local @!p0 [hbm:s6], $0xF7A  }
0x23: {  	s9 =	sor.u32 $0xD0000000, s2;
	s6 =	simm.s32 $0x108;
	_ =	swait.ge @!p0 [sflag:s8], $0x0  }
0x24: {  	s3 =	sadd.s32 $0x88, s3;
	s6 =	simm.s32 @!p1 $0x1082;
	[sflag:s4] =	ssyncset.s32 $0xFFFFF086  }
0x25: {  	[simem:s6], [sflag:s4] =	dma.local [hbm:s3], $0xF7A  }
0x26: {  	[smem:$0x3F9A] =	sst s1;
	(tag) =	ssettag s2;
	_ =	strace s9  }
0x27: {  	s1 =	sld [smem:$0x3FAA]  }
0x28: {  	s2 =	sld [smem:$0x3FAB]  }
0x29: {  	s4 =	sld [smem:$0x3FAD]  }
0x2a: {  	p0 =	seq.s32 s5, $0x0;
	s5 =	sld [smem:$0x3FAE]  }
0x2b: {  	s6 =	sld [smem:$0x3FAF]  }
0x2c: {  	s7 =	sld [smem:$0x3FB0]  }
0x2d: {  	s3 =	simm.s32 $0x108;
	s8 =	sld [smem:$0x3FB1]  }
0x2e: {  	s3 =	simm.s32 @!p0 $0x1082;
	s9 =	sld [smem:$0x3FB2]  }
0x2f: {  	lr =	sadd.s32 s0, s3;
	s0 =	sld [smem:$0x3FA9]  }
0x30: {  	s3 =	sld [smem:$0x3FAC]  }
0x31: {  	[smem:$0x3FB5] =	sst s10  }
0x32: {  	s10 =	sld [smem:$0x3FB3];
	_ =	sdelay $0x3  }
0x33: {  	p0 =	seq.s32 s10, $0x1;
	s10 =	sld [smem:$0x3FB5];
	_ =	sdelay $0x3  }
0x34: {  	[smem:$0x3FB5] =	sst s10  }
0x35: {  	s10 =	sld [smem:$0x3FB4];
	_ =	sdelay $0x3  }
0x36: {  	p1 =	seq.s32 s10, $0x1;
	s10 =	sld [smem:$0x3FB5];
	_ =	sdelay $0x3  }
0x37: {  	[smem:$0x3FB5] =	sst s10  }
0x38: {  	s10 =	sld [smem:$0x3FB6]  }
0x39: {  	_ = 	snop;
	(pc) =	sbr.ind lr, $3  }
0x3a: {  	_ = 	snop  }
0x3b: {  	_ = 	snop  }
0x3c: {  	p2 =	seq.s32 s10, $0x1;
	s10 =	sld [smem:$0x3FB5]  }
0x3d: {  	_ =	shalt  }
0x3e: {  	_ =	shalt  }
0x3f: {  	_ =	shalt  }
0x40: {  	_ =	shalt  }
0x41: {  	_ =	shalt  }
0x42: {  	_ =	shalt  }
0x43: {  	_ =	shalt  }
0x44: {  	_ =	shalt  }
0x45: {  	_ =	shalt  }
0x46: {  	_ =	shalt  }
0x47: {  	_ =	shalt  }
0x48: {  	_ =	shalt  }
0x49: {  	_ =	shalt  }
0x4a: {  	_ =	shalt  }
0x4b: {  	_ =	shalt  }
0x4c: {  	_ =	shalt  }
0x4d: {  	_ =	shalt  }
0x4e: {  	_ =	shalt  }
0x4f: {  	_ =	shalt  }
0x50: {  	_ =	shalt  }
0x51: {  	_ =	shalt  }
0x52: {  	_ =	shalt  }
0x53: {  	_ =	shalt  }
0x54: {  	_ =	shalt  }
0x55: {  	_ =	shalt  }
0x56: {  	_ =	shalt  }
0x57: {  	_ =	shalt  }
0x58: {  	_ =	shalt  }
0x59: {  	_ =	shalt  }
0x5a: {  	_ =	shalt  }
0x5b: {  	_ =	shalt  }
0x5c: {  	_ =	shalt  }
0x5d: {  	_ =	shalt  }
0x5e: {  	_ =	shalt  }
0x5f: {  	_ =	shalt  }
0x60: {  	_ =	shalt  }
0x61: {  	_ =	shalt  }
0x62: {  	_ =	shalt  }
0x63: {  	_ =	shalt  }
0x64: {  	_ =	shalt  }
0x65: {  	_ =	shalt  }
0x66: {  	_ =	shalt  }
0x67: {  	_ =	shalt  }
0x68: {  	_ =	shalt  }
0x69: {  	_ =	shalt  }
0x6a: {  	_ =	shalt  }
0x6b: {  	_ =	shalt  }
0x6c: {  	_ =	shalt  }
0x6d: {  	_ =	shalt  }
0x6e: {  	_ =	shalt  }
0x6f: {  	_ =	shalt  }
0x70: {  	_ =	shalt  }
0x71: {  	_ =	shalt  }
0x72: {  	_ =	shalt  }
0x73: {  	_ =	shalt  }
0x74: {  	_ =	shalt  }
0x75: {  	_ =	shalt  }
0x76: {  	_ =	shalt  }
0x77: {  	_ =	shalt  }
0x78: {  	_ =	shalt  }
0x79: {  	_ =	shalt  }
0x7a: {  	_ =	shalt  }
0x7b: {  	_ =	shalt  }
0x7c: {  	_ =	shalt  }
0x7d: {  	_ =	shalt  }
0x7e: {  	_ =	shalt  }
0x7f: {  	_ =	shalt  }
0x80: {  	_ =	shalt  }
0x81: {  	_ =	shalt  }
0x82: {  	_ =	shalt  }
0x83: {  	_ =	shalt  }
0x84: {  	_ =	shalt  }
0x85: {  	_ =	shalt  }
0x86: {  	_ =	shalt  }
0x87: {  	_ =	shalt  }
.Lfunc_end0:
.L_simem_size_0:
called_computation.2_lowered:
.L_overlay_start_0:
0x88: {  	s2 =	sld [smem:$0x3FD9]  }
0x89: {  	s3 =	sld [smem:$0x3FFE];
	_ =	sdelay $0x1  }
0x8a: {  	s1 =	srdreg.scid  }
0x8b: {  	s0 =	sand.u32 $0x1, s1  }
0x8c: {  	s17 =	sshll.u32 s0, $0xA;
	s2 =	sadd.s32 s3, s2  }
0x8d: {  	s2 =	sadd.s32 s2, s17  }
0x8e: {  	[smem:$0x3FC1] =	sst s2  }
0x8f: {  	_ = 	snop  }
0x90: {  	s2 =	sld [smem:$0x3FD0];
	(tm) =	ssettm $0x1  }
0x91: {  	s18 =	sld [smem:$0x3FFB];
	_ =	sdelay $0x3  }
0x92: {  	_ =	strace s18  }
0x93: {  	s3 =	sld [smem:$0x3FFC];
	_ =	sdelay $0x3  }
0x94: {  	_ =	strace s3  }
0x95: {  	s3 =	sld [smem:$0x3FFD];
	_ =	sdelay $0x3  }
0x96: {  	_ =	strace s3  }
0x97: {  	_ =	strace $0x8FFFFFFF  }
0x98: {  	s19 =	sld [smem:$0x3FDB];
	_ =	sdelay $0x1  }
0x99: {  	s4 =	simm.s32 $_scs_section_size  }
0x9a: {  	s5 =	simm.s32 $_size__tile_overlayer_lowered;
	s6 =	simm.s32 $_tile_overlayer_lowered  }
0x9b: {  	s22 =	simm.s32 $0x1BFF;
	s21 =	sshll.u32 s6, $0x1;
	s3 =	sadd.s32 s4, s19  }
0x9c: {  	s7 =	simm.s32 $0x0;
	s20 =	sshll.u32 s5, $0x1;
	s5 =	sadd.s32 s21, s3  }
0x9d: {  	[timem:s7], [sflag:s22] =	dma.local [hbm:s5], s20  }
0x9e: {  	_ =	swait.ge [sflag:s22], s20  }
0x9f: {  	s4 =	ssub.s32 $0x0, s20;
	[sflag:s22] =	ssyncset.done $0x0  }
0xa0: {  	[sflag:s22] =	ssyncadd.s32 s4;
	_ =	sdelay $0x1  }
0xa1: {  	s23 =	simm.s32 $0x1B8B  }
0xa2: {  	_ =	swait.ge [sflag:s23], $0x1  }
0xa3: {  	[sflag:s23] =	ssyncset.done $0x0  }
0xa4: {  	s25 =	simm.s32 $0x1B8E;
	s24 =	sld [smem:$0x3FFE];
	[sflag:s23] =	ssyncadd.s32 $0xFFFFFFFF  }
0xa5: {  	s26 =	simm.s32 $execute0_lowered;
	[smem:$0x3FD2] =	sst s25  }
0xa6: {  	s5 =	sshll.u32 s26, $0x1;
	_ =	strace $0x8000004C;
	[dreg:$0x1] =	wrdreg $0xFFFFFFFF  }
0xa7: {  	s28 =	simm.s32 $_size_execute0_lowered;
	s3 =	sadd.s32 s3, s5;
	[dreg:$0x0] =	wrdreg $0x0  }
0xa8: {  	s5 =	sshll.u32 s28, $0x1;
	[dreg:$0x2] =	wrdreg s3  }
0xa9: {  	[dreg:$0x3] =	wrdreg s5  }
0xaa: {  	[dreg:$0x4] =	wrdreg $0xC0  }
0xab: {  	_ =	task [dreg:s7], $0x5FFFF  }
0xac: {  	[dreg:$0x1] =	wrdreg $0xFFFFFFFF  }
0xad: {  	[dreg:$0x0] =	wrdreg $0x60  }
0xae: {  	[dreg:$0x2] =	wrdreg s24  }
0xaf: {  	[dreg:$0x3] =	wrdreg s2  }
0xb0: {  	[dreg:$0x4] =	wrdreg $0x82000  }
0xb1: {  	[dreg:$0x5] =	wrdreg $0x9  }
0xb2: {  	_ =	task.clear_ibuf [dreg:s7], $0x6FFFF;
	_ =	strace $0x9000004C  }
0xb3: {  	s29 =	simm.s32 $0x9;
	_ =	strace $0x8000004E  }
0xb4: {  	_ =	swait.ge [sflag:s29], $0x1  }
0xb5: {  	[sflag:s29] =	ssyncadd.s32 $0xFFFFFFFF  }
0xb6: {  	_ =	strace $0x9000004E  }
0xb7: {  	_ =	sfence  }
0xb8: {  	s30 =	sld [smem:$0x0];
	_ =	sdelay $0x2  }
0xb9: {  	s31 =	sshll.u32 s1, $0xD;
	s1 =	sshrl.u32 s1, $0x2  }
0xba: {  	s3 =	sand.u32 $0x4000, s31;
	s1 =	sadd.s32 s1, s30  }
0xbb: {  	s0 =	sor.u32 s3, s0;
	s1 =	sshll.u32 s1, $0x11  }
0xbc: {  	s0 =	sor.u32 s1, s0  }
0xbd: {  	s0 =	sadd.s32 $0x8F2B, s0  }
0xbe: {  	[sflag:s0] =	ssyncadd.remote.s32 $0x1  }
0xbf: {  	_ =	sfence.sel $0xFFFF  }
0xc0: {  	[dreg:$0x0] =	wrdreg $0xFFFFFFFF;
	(pc) =	sbr.abs _section_cstart, $3  }
0xc1: {  	[dreg:$0x1] =	wrdreg $0xFFFFFFFF  }
0xc2: {  	_ =	task.clear_ibuf [dreg:s7], $0x2FFFF;
	_ =	strace $0x9FFFFFFF  }
0xc3: {  	(tm) =	ssettm $0x7FFFFFFF  }
tec
execute0_lowered:
.L_overlay_start_1:
0x0: {  	(tag) =	ssettag $0x1  }
0x1: {  	s0 =	rddreg [dreg:$0x0]  }
0x2: {  	s2 =	rddreg [dreg:$0x2];
	s1 =	srdreg.scid  }
0x3: {  	s4 =	simm.s32 $0x0;
	s10 =	stileid.u32;
	s28 =	simm.s32 $0x100  }
0x4: {  	s29 =	simm.s32 $0x50;
	s30 =	simm.s32 $0x200;
	s31 =	simm.s32 $0x80  }
0x5: {  	s1 =	sand.u32 $0x1, s1;
	s7 =	smul.u32 $0xC000, s10;
	s5 =	sadd.s32 $0x50F400, s0  }
0x6: {  	[smem:$0x7FF] =	sst s4;
	s6 =	sadd.s32 $0x5D1200, s0;
	s8 =	smul.u32 $0x30000, s10  }
0x7: {  	s10 =	sshll.u32 s10, $0xE;
	s3 =	smul.u32 $0x180000, s1;
	s9 =	ssub.s32 $0x2, s1  }
0x8: {  	_ =	strace $0x8000004D;
	s1 =	sshll.u32 s1, $0x12;
	s17 =	sshrl.u32 s9, $0x1  }
0x9: {  	s8 =	sshrl.u32 s8, $0x2;
	s10 =	sor.u32 s10, s1;
	s3 =	sadd.s32 s7, s3  }
0xa: {  	s7 =	sadd.s32 $0x4EF400, s0;
	s8 =	sadd.s32 s8, s2;
	s1 =	sshrl.u32 s10, $0x3  }
0xb: {  	s14 =	sor.u32 $0x80000, s10;
	s3 =	sshrl.u32 s3, $0x3;
	s12 =	sadd.s32 $0x3000, s8  }
0xc: {  	s15 =	sadd.s32 $0x6000, s8;
	s11 =	sadd.s32 s7, s1;
	[dreg:$0x6] =	wrdreg s8  }
0xd: {  	s16 =	sadd.s32 $0x9000, s8;
	s23 =	sadd.s32 s6, s1;
	[dreg:$0x7] =	wrdreg s11  }
0xe: {  	s18 =	sor.u32 $0x10, s1;
	s19 =	sshrl.u32 s14, $0x3;
	[dreg:$0x4] =	wrdreg s12  }
0xf: {  	s0 =	sadd.s32 s3, s0;
	s3 =	ssub.s32 s9, s17;
	[dreg:$0x5] =	wrdreg s15  }
0x10: {  	s24 =	sadd.s32 s6, s18;
	s9 =	sadd.s32 s7, s18;
	[dreg:$0x8] =	wrdreg s16  }
0x11: {  	s1 =	sadd.s32 s7, s19;
	s21 =	sadd.s32 $0x10010, s11;
	[dreg:$0x9] =	wrdreg s9  }
0x12: {  	s25 =	sadd.s32 $0x7C0, s23;
	s26 =	sadd.s32 $0x107C0, s11;
	[dreg:$0xb] =	wrdreg s1  }
0x13: {  	s17 =	simm.s32 $0x2;
	s18 =	simm.s32 $0x180;
	[dreg:$0xc] =	wrdreg s21  }
0x14: {  	s19 =	simm.s32 $0x4;
	s20 =	sadd.s32 $0x537400, s0;
	[dreg:$0xf] =	wrdreg s25  }
0x15: {  	s0 =	sadd.s32 $0x54F400, s0;
	s22 =	smax.u32 s3, $0x1;
	[dreg:$0x10] =	wrdreg s26  }
0x16: {  	s25 =	simm.s32 $0x5200;
	s26 =	simm.s32 $0x5;
	[dreg:$0xa] =	wrdreg s20  }
0x17: {  	s1 =	simm.s32 $0x1;
	s3 =	simm.s32 $0x3;
	[dreg:$0xd] =	wrdreg s0  }
0x18: {  	[dreg:$0xe] =	wrdreg s22;
	s0 =	simm.s32 $0x2A00;
	s20 =	simm.s32 $0x0  }
.LBB2_1:
0x19: {  	s9 =	rddreg [dreg:$0x1]  }
0x1a: {  	[tilespmem:s25], [sflag:$0x5] =	stream.linear.gather [hbm4b:s9+s4], $0x3000, $0x38;
	[tilespmem:$0x14200] =	vst v63  }
0x1b: {  	_ =	swait.ge [sflag:s26], $0x3000  }
0x1c: {  	[sflag:s26] =	ssyncset.done $0x0  }
0x1d: {  	[sflag:s26] =	ssyncadd.s32 $0xFFFFD000  }
0x1e: {  	[spmem:s8] =	stream.linear.scatter [tilespmem:s25], [sflag:$0x5], $0x3000, $0x38;
	[tilespmem:$0x14200] =	vst v63  }
0x1f: {  	_ =	swait.ge [sflag:s26], $0x3000  }
0x20: {  	[sflag:s26] =	ssyncset.done $0x0  }
0x21: {  	[sflag:s26] =	ssyncadd.s32 $0xFFFFD000  }
0x22: {  	[spmem:s12] =	stream.linear.scatter [tilespmem:s25], [sflag:$0x5], $0x3000, $0x38;
	[tilespmem:$0x14200] =	vst v63  }
0x23: {  	_ =	swait.ge [sflag:s26], $0x3000  }
0x24: {  	[sflag:s26] =	ssyncset.done $0x0  }
0x25: {  	[sflag:s26] =	ssyncadd.s32 $0xFFFFD000  }
0x26: {  	[spmem:s15] =	stream.linear.scatter [tilespmem:s25], [sflag:$0x5], $0x3000, $0x38;
	[tilespmem:$0x14200] =	vst v63  }
0x27: {  	_ =	swait.ge [sflag:s26], $0x3000  }
0x28: {  	[sflag:s26] =	ssyncset.done $0x0  }
0x29: {  	[sflag:s26] =	ssyncadd.s32 $0xFFFFD000  }
0x2a: {  	[spmem:s16] =	stream.linear.scatter [tilespmem:s25], [sflag:$0x5], $0x3000, $0x38;
	[tilespmem:$0x14200] =	vst v63  }
0x2b: {  	_ =	swait.ge [sflag:s26], $0x3000  }
0x2c: {  	[sflag:s26] =	ssyncset.done $0x0  }
0x2d: {  	[sflag:s26] =	ssyncadd.s32 $0xFFFFD000  }
0x2e: {  	[bflag:$0x0] =	sbarrier.arrive $0xFFFF  }
0x2f: {  	[tilespmem:s4], [sflag:$0x5] =	stream.linear.gather [hbm4b:s23+s4], $0x80, $0x38;
	[tilespmem:$0x14200] =	vst v63  }
0x30: {  	_ =	swait.ge [sflag:s26], $0x80  }
0x31: {  	[sflag:s26] =	ssyncset.done $0x0  }
0x32: {  	s21 =	rddreg [dreg:$0x7];
	[sflag:s26] =	ssyncadd.s32 $0xFFFFFF80  }
0x33: {  	[tilespmem:s28], [sflag:$0x5] =	stream.linear.gather [hbm4b:s21+s4], $0x80, $0x38;
	[tilespmem:$0x14200] =	vst v63  }
0x34: {  	_ =	swait.ge [sflag:s26], $0x80  }
0x35: {  	[sflag:s26] =	ssyncset.done $0x0  }
0x36: {  	[sflag:s26] =	ssyncadd.s32 $0xFFFFFF80  }
0x37: {  	[tilespmem:s30], [sflag:$0x1] =	stream.indirect.gather [hbm4b:s5+s29], $0x80, s4, s29, $0xb8;
	[tilespmem:$0x14200] =	vst v63  }
0x38: {  	_ = 	snop  }
0x39: {  	[tilespmem:s31], [sflag:$0x5] =	stream.linear.gather [hbm4b:s24+s4], $0x80, $0x38;
	[tilespmem:$0x14200] =	vst v63  }
0x3a: {  	_ =	swait.ge [sflag:s26], $0x80  }
0x3b: {  	[sflag:s26] =	ssyncset.done $0x0  }
0x3c: {  	s22 =	rddreg [dreg:$0x9];
	[sflag:s26] =	ssyncadd.s32 $0xFFFFFF80  }
0x3d: {  	[tilespmem:s18], [sflag:$0x5] =	stream.linear.gather [hbm4b:s22+s4], $0x80, $0x38;
	[tilespmem:$0x14200] =	vst v63  }
0x3e: {  	_ =	swait.ge [sflag:s26], $0x80  }
0x3f: {  	[sflag:s26] =	ssyncset.done $0x0  }
0x40: {  	s21 =	simm.s32 $0x180;
	[sflag:s26] =	ssyncadd.s32 $0xFFFFFF80  }
0x41: {  	[tilespmem:s0], [sflag:$0x2] =	stream.indirect.gather [hbm4b:s5+s29], $0x80, s31, s29, $0xb8;
	[tilespmem:$0x14200] =	vst v63  }
.LBB2_2:
0x42: {  	_ =	swait.ge [sflag:s1], $0x2800;
	s9 =	sadd.s32 $0xFFFFFF80, s21  }
0x43: {  	[sflag:s1] =	ssyncset.done $0x0;
	s11 =	sand.u32 $0x7C00, s9  }
0x44: {  	s9 =	sand.u32 $0x300, s9;
	[sflag:s1] =	ssyncadd.s32 $0xFFFFD800;
	s11 =	sadd.s32 s10, s11  }
0x45: {  	[spmem:s2] =	stream.indirect.scatter.add.f32 [tilespmem:s30], [sflag:$0x3], $0x80, s28, s29, $0xb8;
	[tilespmem:$0x14200] =	vst v63  }
0x46: {  	s9 =	sor.u32 s9, s11;
	_ =	swait.ge [sflag:s3], $0x2800  }
0x47: {  	s9 =	sshrl.u32 s9, $0x3;
	[sflag:s3] =	ssyncset.done $0x0  }
0x48: {  	s22 =	sadd.s32 s6, s9;
	[sflag:s3] =	ssyncadd.s32 $0xFFFFD800  }
0x49: {  	[tilespmem:s4], [sflag:$0x5] =	stream.linear.gather [hbm4b:s22+s4], $0x80, $0x38;
	[tilespmem:$0x14200] =	vst v63  }
0x4a: {  	_ =	swait.ge [sflag:s26], $0x80  }
0x4b: {  	[sflag:s26] =	ssyncset.done $0x0  }
0x4c: {  	s9 =	sadd.s32 s7, s9;
	[sflag:s26] =	ssyncadd.s32 $0xFFFFFF80  }
0x4d: {  	[tilespmem:s28], [sflag:$0x5] =	stream.linear.gather [hbm4b:s9+s4], $0x80, $0x38;
	[tilespmem:$0x14200] =	vst v63  }
0x4e: {  	_ =	swait.ge [sflag:s26], $0x80  }
0x4f: {  	[sflag:s26] =	ssyncset.done $0x0  }
0x50: {  	p0 =	seq.s32 s21, $0x3E80;
	[sflag:s26] =	ssyncadd.s32 $0xFFFFFF80  }
0x51: {  	[tilespmem:s30], [sflag:$0x1] =	stream.indirect.gather [hbm4b:s5+s29], $0x80, s4, s29, $0xb8;
	[tilespmem:$0x14200] =	vst v63  }
.Ltmp0:
0x52: {  	_ = 	snop;
	(pc) =	sbr.rel @p0 .LBB2_4-.Ltmp0, $4  }
0x53: {  	_ =	swait.ge [sflag:s17], $0x2800  }
0x54: {  	[sflag:s17] =	ssyncset.done $0x0  }
0x55: {  	[sflag:s17] =	ssyncadd.s32 $0xFFFFD800  }
0x56: {  	[spmem:s2] =	stream.indirect.scatter.add.f32 [tilespmem:s0], [sflag:$0x4], $0x80, s18, s29, $0xb8;
	[tilespmem:$0x14200] =	vst v63  }
0x57: {  	s9 =	sand.u32 $0x7C00, s21  }
0x58: {  	s11 =	sand.u32 $0x380, s21;
	s9 =	sadd.s32 s10, s9  }
0x59: {  	_ =	swait.ge [sflag:s19], $0x2800;
	s9 =	sor.u32 s11, s9  }
0x5a: {  	[sflag:s19] =	ssyncset.done $0x0;
	s9 =	sshrl.u32 s9, $0x3  }
0x5b: {  	[sflag:s19] =	ssyncadd.s32 $0xFFFFD800;
	s22 =	sadd.s32 s6, s9  }
0x5c: {  	[tilespmem:s31], [sflag:$0x5] =	stream.linear.gather [hbm4b:s22+s4], $0x80, $0x38;
	[tilespmem:$0x14200] =	vst v63  }
0x5d: {  	_ =	swait.ge [sflag:s26], $0x80  }
0x5e: {  	[sflag:s26] =	ssyncset.done $0x0  }
0x5f: {  	s9 =	sadd.s32 s7, s9;
	[sflag:s26] =	ssyncadd.s32 $0xFFFFFF80  }
0x60: {  	[tilespmem:s18], [sflag:$0x5] =	stream.linear.gather [hbm4b:s9+s4], $0x80, $0x38;
	[tilespmem:$0x14200] =	vst v63  }
.Ltmp1:
0x61: {  	_ = 	snop;
	(pc) =	sbr.rel .LBB2_2-.Ltmp1, $4  }
0x62: {  	_ =	swait.ge [sflag:s26], $0x80  }
0x63: {  	[sflag:s26] =	ssyncset.done $0x0  }
0x64: {  	s21 =	sadd.s32 $0x100, s21;
	[sflag:s26] =	ssyncadd.s32 $0xFFFFFF80  }
0x65: {  	[tilespmem:s0], [sflag:$0x2] =	stream.indirect.gather [hbm4b:s5+s29], $0x80, s31, s29, $0xb8;
	[tilespmem:$0x14200] =	vst v63  }
.LBB2_4:
0x66: {  	_ =	swait.ge [sflag:s1], $0x2800  }
0x67: {  	[sflag:s1] =	ssyncset.done $0x0  }
0x68: {  	[sflag:s1] =	ssyncadd.s32 $0xFFFFD800  }
0x69: {  	[spmem:s2] =	stream.indirect.scatter.add.f32 [tilespmem:s30], [sflag:$0x3], $0x80, s28, s29, $0xb8;
	[tilespmem:$0x14200] =	vst v63  }
0x6a: {  	_ =	swait.ge [sflag:s3], $0x2800  }
0x6b: {  	[sflag:s3] =	ssyncset.done $0x0  }
0x6c: {  	[sflag:s3] =	ssyncadd.s32 $0xFFFFD800  }
0x6d: {  	_ =	swait.ge [sflag:s19], $0x2800  }
0x6e: {  	[sflag:s19] =	ssyncset.done $0x0  }
0x6f: {  	s9 =	stileid.u32;
	[sflag:s19] =	ssyncadd.s32 $0xFFFFD800  }
0x70: {  	s9 =	sshll.u32 s9, $0x6;
	[bflag:$0x0] =	sbarrier.arrive $0xFFFF  }
0x71: {  	s22 =	sshrl.u32 s8, $0x3;
	s21 =	sor.u32 $0x1C05, s9;
	s13 =	rddreg [dreg:$0xa]  }
0x72: {  	[hbm:s13], [sflag:s21] =	dma.local [spmem:s22], $0x1800  }
0x73: {  	_ =	swait.ge [sflag:s26], $0x1800  }
0x74: {  	[sflag:s26] =	ssyncset.done $0x0  }
0x75: {  	[sflag:s26] =	ssyncadd.s32 $0xFFFFE800  }
0x76: {  	[spmem:s8] =	stream.linear.scatter [tilespmem:s25], [sflag:$0x5], $0x3000, $0x38;
	[tilespmem:$0x14200] =	vst v63  }
0x77: {  	_ =	swait.ge [sflag:s26], $0x3000  }
0x78: {  	[sflag:s26] =	ssyncset.done $0x0  }
0x79: {  	[sflag:s26] =	ssyncadd.s32 $0xFFFFD000  }
0x7a: {  	[spmem:s12] =	stream.linear.scatter [tilespmem:s25], [sflag:$0x5], $0x3000, $0x38;
	[tilespmem:$0x14200] =	vst v63  }
0x7b: {  	_ =	swait.ge [sflag:s26], $0x3000  }
0x7c: {  	[sflag:s26] =	ssyncset.done $0x0  }
0x7d: {  	[sflag:s26] =	ssyncadd.s32 $0xFFFFD000  }
0x7e: {  	[spmem:s15] =	stream.linear.scatter [tilespmem:s25], [sflag:$0x5], $0x3000, $0x38;
	[tilespmem:$0x14200] =	vst v63  }
0x7f: {  	_ =	swait.ge [sflag:s26], $0x3000  }
0x80: {  	[sflag:s26] =	ssyncset.done $0x0  }
0x81: {  	[sflag:s26] =	ssyncadd.s32 $0xFFFFD000  }
0x82: {  	[spmem:s16] =	stream.linear.scatter [tilespmem:s25], [sflag:$0x5], $0x3000, $0x38;
	[tilespmem:$0x14200] =	vst v63  }
0x83: {  	_ =	swait.ge [sflag:s26], $0x3000  }
0x84: {  	[sflag:s26] =	ssyncset.done $0x0  }
0x85: {  	[sflag:s26] =	ssyncadd.s32 $0xFFFFD000  }
0x86: {  	[bflag:$0x0] =	sbarrier.arrive $0xFFFF  }
0x87: {  	[tilespmem:s4], [sflag:$0x5] =	stream.linear.gather [hbm4b:s23+s4], $0x80, $0x38;
	[tilespmem:$0x14200] =	vst v63  }
0x88: {  	_ =	swait.ge [sflag:s26], $0x80  }
0x89: {  	[sflag:s26] =	ssyncset.done $0x0  }
0x8a: {  	s16 =	rddreg [dreg:$0xb];
	[sflag:s26] =	ssyncadd.s32 $0xFFFFFF80  }
0x8b: {  	[tilespmem:s28], [sflag:$0x5] =	stream.linear.gather [hbm4b:s16+s4], $0x80, $0x38;
	[tilespmem:$0x14200] =	vst v63  }
0x8c: {  	_ =	swait.ge [sflag:s26], $0x80  }
0x8d: {  	[sflag:s26] =	ssyncset.done $0x0  }
0x8e: {  	[sflag:s26] =	ssyncadd.s32 $0xFFFFFF80  }
0x8f: {  	[tilespmem:s30], [sflag:$0x1] =	stream.indirect.gather [hbm4b:s5+s29], $0x80, s4, s29, $0xb8;
	[tilespmem:$0x14200] =	vst v63  }
0x90: {  	_ = 	snop  }
0x91: {  	[tilespmem:s31], [sflag:$0x5] =	stream.linear.gather [hbm4b:s24+s4], $0x80, $0x38;
	[tilespmem:$0x14200] =	vst v63  }
0x92: {  	_ =	swait.ge [sflag:s26], $0x80  }
0x93: {  	[sflag:s26] =	ssyncset.done $0x0  }
0x94: {  	s9 =	simm.s32 $0x180;
	s11 =	rddreg [dreg:$0xc];
	[sflag:s26] =	ssyncadd.s32 $0xFFFFFF80  }
0x95: {  	[tilespmem:s9], [sflag:$0x5] =	stream.linear.gather [hbm4b:s11+s4], $0x80, $0x38;
	[tilespmem:$0x14200] =	vst v63  }
0x96: {  	_ =	swait.ge [sflag:s26], $0x80  }
0x97: {  	[sflag:s26] =	ssyncset.done $0x0  }
0x98: {  	[sflag:s26] =	ssyncadd.s32 $0xFFFFFF80  }
0x99: {  	[tilespmem:s0], [sflag:$0x2] =	stream.indirect.gather [hbm4b:s5+s29], $0x80, s31, s29, $0xb8;
	[tilespmem:$0x14200] =	vst v63  }
0x9a: {  	s8 =	smov.u32 s23;
	s23 =	simm.s32 $0x100;
	_ =	swait.ge [sflag:s1], $0x2800  }
0x9b: {  	s13 =	smov.u32 s24;
	s24 =	sand.u32 $0x7C00, s23;
	[sflag:s1] =	ssyncset.done $0x0  }
0x9c: {  	s16 =	sadd.s32 s10, s24;
	s11 =	sand.u32 $0x300, s23;
	[sflag:s1] =	ssyncadd.s32 $0xFFFFD800  }
0x9d: {  	[spmem:s2] =	stream.indirect.scatter.add.f32 [tilespmem:s30], [sflag:$0x3], $0x80, s28, s29, $0xb8;
	[tilespmem:$0x14200] =	vst v63  }
0x9e: {  	s15 =	sor.u32 s11, s16;
	_ =	swait.ge [sflag:s3], $0x2800  }
0x9f: {  	s15 =	sshrl.u32 s15, $0x3;
	[sflag:s3] =	ssyncset.done $0x0  }
0xa0: {  	s12 =	sadd.s32 s14, s24;
	s15 =	sadd.s32 s6, s15;
	[sflag:s3] =	ssyncadd.s32 $0xFFFFD800  }
0xa1: {  	[tilespmem:s4], [sflag:$0x5] =	stream.linear.gather [hbm4b:s15+s4], $0x80, $0x38;
	[tilespmem:$0x14200] =	vst v63  }
0xa2: {  	s11 =	sor.u32 s11, s12;
	_ =	swait.ge [sflag:s26], $0x80  }
0xa3: {  	s11 =	sshrl.u32 s11, $0x3;
	[sflag:s26] =	ssyncset.done $0x0  }
0xa4: {  	s11 =	sadd.s32 s7, s11;
	[sflag:s26] =	ssyncadd.s32 $0xFFFFFF80  }
0xa5: {  	[tilespmem:s28], [sflag:$0x5] =	stream.linear.gather [hbm4b:s11+s4], $0x80, $0x38;
	[tilespmem:$0x14200] =	vst v63  }
0xa6: {  	_ =	swait.ge [sflag:s26], $0x80  }
0xa7: {  	[sflag:s26] =	ssyncset.done $0x0  }
0xa8: {  	[sflag:s26] =	ssyncadd.s32 $0xFFFFFF80  }
0xa9: {  	[tilespmem:s30], [sflag:$0x1] =	stream.indirect.gather [hbm4b:s5+s29], $0x80, s4, s29, $0xb8;
	[tilespmem:$0x14200] =	vst v63  }
0xaa: {  	_ =	swait.ge [sflag:s17], $0x2800  }
0xab: {  	s23 =	sand.u32 $0x7C00, s9;
	[sflag:s17] =	ssyncset.done $0x0  }
0xac: {  	s9 =	sand.u32 $0x380, s9;
	s24 =	sadd.s32 s10, s23;
	[sflag:s17] =	ssyncadd.s32 $0xFFFFD800  }
0xad: {  	[spmem:s2] =	stream.indirect.scatter.add.f32 [tilespmem:s0], [sflag:$0x4], $0x80, s18, s29, $0xb8;
	[tilespmem:$0x14200] =	vst v63  }
0xae: {  	s12 =	sor.u32 s9, s24;
	_ =	swait.ge [sflag:s19], $0x2800  }
0xaf: {  	s12 =	sshrl.u32 s12, $0x3;
	[sflag:s19] =	ssyncset.done $0x0  }
0xb0: {  	s12 =	sadd.s32 s6, s12;
	s11 =	sadd.s32 s14, s23;
	[sflag:s19] =	ssyncadd.s32 $0xFFFFD800  }
0xb1: {  	[tilespmem:s31], [sflag:$0x5] =	stream.linear.gather [hbm4b:s12+s4], $0x80, $0x38;
	[tilespmem:$0x14200] =	vst v63  }
0xb2: {  	s9 =	sor.u32 s9, s11;
	_ =	swait.ge [sflag:s26], $0x80  }
0xb3: {  	s9 =	sshrl.u32 s9, $0x3;
	[sflag:s26] =	ssyncset.done $0x0  }
0xb4: {  	s9 =	sadd.s32 s7, s9;
	[sflag:s26] =	ssyncadd.s32 $0xFFFFFF80  }
0xb5: {  	[tilespmem:s18], [sflag:$0x5] =	stream.linear.gather [hbm4b:s9+s4], $0x80, $0x38;
	[tilespmem:$0x14200] =	vst v63  }
0xb6: {  	_ =	swait.ge [sflag:s26], $0x80  }
0xb7: {  	s24 =	simm.s32 $0x380;
	s15 =	simm.s32 $0x200;
	[sflag:s26] =	ssyncset.done $0x0  }
0xb8: {  	s23 =	simm.s32 $0x280;
	s11 =	sand.u32 $0x7C00, s15;
	[sflag:s26] =	ssyncadd.s32 $0xFFFFFF80  }
0xb9: {  	[tilespmem:s0], [sflag:$0x2] =	stream.indirect.gather [hbm4b:s5+s29], $0x80, s31, s29, $0xb8;
	[tilespmem:$0x14200] =	vst v63  }
0xba: {  	s15 =	sand.u32 $0x300, s15;
	s16 =	sadd.s32 s10, s11;
	_ =	swait.ge [sflag:s1], $0x2800  }
0xbb: {  	s12 =	sor.u32 s15, s16;
	s9 =	sadd.s32 s14, s11;
	[sflag:s1] =	ssyncset.done $0x0  }
.LBB2_5:
0xbc: {  	s12 =	sshrl.u32 s12, $0x3  }
0xbd: {  	[sflag:s1] =	ssyncadd.s32 $0xFFFFD800;
	s16 =	smov.u32 s24;
	s11 =	sadd.s32 $0x100, s24  }
0xbe: {  	[spmem:s2] =	stream.indirect.scatter.add.f32 [tilespmem:s30], [sflag:$0x3], $0x80, s28, s29, $0xb8;
	[tilespmem:$0x14200] =	vst v63  }
0xbf: {  	p0 =	sne.s32 s24, $0x3D80;
	_ =	swait.ge [sflag:s3], $0x2800  }
0xc0: {  	[sflag:s3] =	ssyncset.done $0x0  }
0xc1: {  	s12 =	sadd.s32 s6, s12;
	[sflag:s3] =	ssyncadd.s32 $0xFFFFD800  }
0xc2: {  	[tilespmem:s4], [sflag:$0x5] =	stream.linear.gather [hbm4b:s12+s4], $0x80, $0x38;
	[tilespmem:$0x14200] =	vst v63  }
0xc3: {  	s9 =	sor.u32 s15, s9;
	_ =	swait.ge [sflag:s26], $0x80  }
0xc4: {  	s9 =	sshrl.u32 s9, $0x3;
	[sflag:s26] =	ssyncset.done $0x0  }
0xc5: {  	s9 =	sadd.s32 s7, s9;
	[sflag:s26] =	ssyncadd.s32 $0xFFFFFF80  }
0xc6: {  	[tilespmem:s28], [sflag:$0x5] =	stream.linear.gather [hbm4b:s9+s4], $0x80, $0x38;
	[tilespmem:$0x14200] =	vst v63  }
0xc7: {  	_ =	swait.ge [sflag:s26], $0x80  }
0xc8: {  	[sflag:s26] =	ssyncset.done $0x0  }
0xc9: {  	[sflag:s26] =	ssyncadd.s32 $0xFFFFFF80  }
0xca: {  	[tilespmem:s30], [sflag:$0x1] =	stream.indirect.gather [hbm4b:s5+s29], $0x80, s4, s29, $0xb8;
	[tilespmem:$0x14200] =	vst v63  }
0xcb: {  	_ =	swait.ge [sflag:s17], $0x2800  }
0xcc: {  	[sflag:s17] =	ssyncset.done $0x0  }
0xcd: {  	s12 =	sand.u32 $0x380, s23;
	s9 =	sand.u32 $0x7C00, s23;
	[sflag:s17] =	ssyncadd.s32 $0xFFFFD800  }
0xce: {  	[spmem:s2] =	stream.indirect.scatter.add.f32 [tilespmem:s0], [sflag:$0x4], $0x80, s18, s29, $0xb8;
	[tilespmem:$0x14200] =	vst v63  }
0xcf: {  	s15 =	sadd.s32 s10, s9;
	s9 =	sadd.s32 s14, s9;
	_ =	swait.ge [sflag:s19], $0x2800  }
0xd0: {  	s15 =	sor.u32 s12, s15;
	s9 =	sor.u32 s12, s9;
	[sflag:s19] =	ssyncset.done $0x0  }
0xd1: {  	s12 =	sshrl.u32 s15, $0x3;
	s9 =	sshrl.u32 s9, $0x3;
	[sflag:s19] =	ssyncadd.s32 $0xFFFFD800  }
0xd2: {  	s23 =	smov.u32 s16;
	s12 =	sadd.s32 s6, s12  }
0xd3: {  	[tilespmem:s31], [sflag:$0x5] =	stream.linear.gather [hbm4b:s12+s4], $0x80, $0x38;
	[tilespmem:$0x14200] =	vst v63  }
0xd4: {  	_ =	swait.ge [sflag:s26], $0x80  }
0xd5: {  	[sflag:s26] =	ssyncset.done $0x0  }
0xd6: {  	s9 =	sadd.s32 s7, s9;
	[sflag:s26] =	ssyncadd.s32 $0xFFFFFF80  }
0xd7: {  	[tilespmem:s18], [sflag:$0x5] =	stream.linear.gather [hbm4b:s9+s4], $0x80, $0x38;
	[tilespmem:$0x14200] =	vst v63  }
0xd8: {  	_ =	swait.ge [sflag:s26], $0x80  }
.Ltmp2:
0xd9: {  	s9 =	sadd.s32 $0xFFFFFF80, s23;
	[sflag:s26] =	ssyncset.done $0x0;
	(pc) =	sbr.rel @p0 .LBB2_5-.Ltmp2, $4  }
0xda: {  	s24 =	smov.u32 s11;
	s16 =	sand.u32 $0x7C00, s9;
	[sflag:s26] =	ssyncadd.s32 $0xFFFFFF80  }
0xdb: {  	[tilespmem:s0], [sflag:$0x2] =	stream.indirect.gather [hbm4b:s5+s29], $0x80, s31, s29, $0xb8;
	[tilespmem:$0x14200] =	vst v63  }
0xdc: {  	s15 =	sand.u32 $0x300, s9;
	s12 =	sadd.s32 s10, s16;
	_ =	swait.ge [sflag:s1], $0x2800  }
0xdd: {  	s9 =	sadd.s32 s14, s16;
	s12 =	sor.u32 s15, s12;
	[sflag:s1] =	ssyncset.done $0x0  }
0xde: {  	[sflag:s1] =	ssyncadd.s32 $0xFFFFD800  }
0xdf: {  	[spmem:s2] =	stream.indirect.scatter.add.f32 [tilespmem:s30], [sflag:$0x3], $0x80, s28, s29, $0xb8;
	[tilespmem:$0x14200] =	vst v63  }
0xe0: {  	_ =	swait.ge [sflag:s3], $0x2800  }
0xe1: {  	s11 =	sshrl.u32 s12, $0x3;
	[sflag:s3] =	ssyncset.done $0x0  }
0xe2: {  	s11 =	sadd.s32 s6, s11;
	[sflag:s3] =	ssyncadd.s32 $0xFFFFD800  }
0xe3: {  	[tilespmem:s4], [sflag:$0x5] =	stream.linear.gather [hbm4b:s11+s4], $0x80, $0x38;
	[tilespmem:$0x14200] =	vst v63  }
0xe4: {  	s9 =	sor.u32 s15, s9;
	_ =	swait.ge [sflag:s26], $0x80  }
0xe5: {  	s9 =	sshrl.u32 s9, $0x3;
	[sflag:s26] =	ssyncset.done $0x0  }
0xe6: {  	s9 =	sadd.s32 s7, s9;
	[sflag:s26] =	ssyncadd.s32 $0xFFFFFF80  }
0xe7: {  	[tilespmem:s28], [sflag:$0x5] =	stream.linear.gather [hbm4b:s9+s4], $0x80, $0x38;
	[tilespmem:$0x14200] =	vst v63  }
0xe8: {  	_ =	swait.ge [sflag:s26], $0x80  }
0xe9: {  	[sflag:s26] =	ssyncset.done $0x0  }
0xea: {  	[sflag:s26] =	ssyncadd.s32 $0xFFFFFF80  }
0xeb: {  	[tilespmem:s30], [sflag:$0x1] =	stream.indirect.gather [hbm4b:s5+s29], $0x80, s4, s29, $0xb8;
	[tilespmem:$0x14200] =	vst v63  }
0xec: {  	_ =	swait.ge [sflag:s17], $0x2800  }
0xed: {  	s16 =	sand.u32 $0x7C00, s23;
	[sflag:s17] =	ssyncset.done $0x0  }
0xee: {  	s23 =	sand.u32 $0x380, s23;
	s24 =	sadd.s32 s10, s16;
	[sflag:s17] =	ssyncadd.s32 $0xFFFFD800  }
0xef: {  	[spmem:s2] =	stream.indirect.scatter.add.f32 [tilespmem:s0], [sflag:$0x4], $0x80, s18, s29, $0xb8;
	[tilespmem:$0x14200] =	vst v63  }
0xf0: {  	s12 =	sor.u32 s23, s24;
	_ =	swait.ge [sflag:s19], $0x2800  }
0xf1: {  	s12 =	sshrl.u32 s12, $0x3;
	[sflag:s19] =	ssyncset.done $0x0  }
0xf2: {  	s12 =	sadd.s32 s6, s12;
	s9 =	sadd.s32 s14, s16;
	[sflag:s19] =	ssyncadd.s32 $0xFFFFD800  }
0xf3: {  	[tilespmem:s31], [sflag:$0x5] =	stream.linear.gather [hbm4b:s12+s4], $0x80, $0x38;
	[tilespmem:$0x14200] =	vst v63  }
0xf4: {  	s9 =	sor.u32 s23, s9;
	_ =	swait.ge [sflag:s26], $0x80  }
0xf5: {  	s9 =	sshrl.u32 s9, $0x3;
	[sflag:s26] =	ssyncset.done $0x0  }
0xf6: {  	s9 =	sadd.s32 s7, s9;
	[sflag:s26] =	ssyncadd.s32 $0xFFFFFF80  }
0xf7: {  	[tilespmem:s18], [sflag:$0x5] =	stream.linear.gather [hbm4b:s9+s4], $0x80, $0x38;
	[tilespmem:$0x14200] =	vst v63  }
0xf8: {  	_ =	swait.ge [sflag:s26], $0x80  }
0xf9: {  	[sflag:s26] =	ssyncset.done $0x0  }
0xfa: {  	[sflag:s26] =	ssyncadd.s32 $0xFFFFFF80  }
0xfb: {  	[tilespmem:s0], [sflag:$0x2] =	stream.indirect.gather [hbm4b:s5+s29], $0x80, s31, s29, $0xb8;
	[tilespmem:$0x14200] =	vst v63  }
0xfc: {  	_ =	swait.ge [sflag:s1], $0x2800  }
0xfd: {  	[sflag:s1] =	ssyncset.done $0x0  }
0xfe: {  	[sflag:s1] =	ssyncadd.s32 $0xFFFFD800  }
0xff: {  	[spmem:s2] =	stream.indirect.scatter.add.f32 [tilespmem:s30], [sflag:$0x3], $0x80, s28, s29, $0xb8;
	[tilespmem:$0x14200] =	vst v63  }
0x100: {  	_ =	swait.ge [sflag:s3], $0x2800  }
0x101: {  	[sflag:s3] =	ssyncset.done $0x0  }
0x102: {  	s15 =	rddreg [dreg:$0xf];
	[sflag:s3] =	ssyncadd.s32 $0xFFFFD800  }
0x103: {  	[tilespmem:s4], [sflag:$0x5] =	stream.linear.gather [hbm4b:s15+s4], $0x80, $0x38;
	[tilespmem:$0x14200] =	vst v63  }
0x104: {  	_ =	swait.ge [sflag:s26], $0x80  }
0x105: {  	[sflag:s26] =	ssyncset.done $0x0  }
0x106: {  	s16 =	rddreg [dreg:$0x10];
	[sflag:s26] =	ssyncadd.s32 $0xFFFFFF80  }
0x107: {  	[tilespmem:s28], [sflag:$0x5] =	stream.linear.gather [hbm4b:s16+s4], $0x80, $0x38;
	[tilespmem:$0x14200] =	vst v63  }
0x108: {  	_ =	swait.ge [sflag:s26], $0x80  }
0x109: {  	[sflag:s26] =	ssyncset.done $0x0  }
0x10a: {  	[sflag:s26] =	ssyncadd.s32 $0xFFFFFF80  }
0x10b: {  	[tilespmem:s30], [sflag:$0x1] =	stream.indirect.gather [hbm4b:s5+s29], $0x80, s4, s29, $0xb8;
	[tilespmem:$0x14200] =	vst v63  }
0x10c: {  	_ =	swait.ge [sflag:s17], $0x2800  }
0x10d: {  	[sflag:s17] =	ssyncset.done $0x0  }
0x10e: {  	[sflag:s17] =	ssyncadd.s32 $0xFFFFD800  }
0x10f: {  	[spmem:s2] =	stream.indirect.scatter.add.f32 [tilespmem:s0], [sflag:$0x4], $0x80, s18, s29, $0xb8;
	[tilespmem:$0x14200] =	vst v63  }
0x110: {  	_ =	swait.ge [sflag:s1], $0x2800  }
0x111: {  	[sflag:s1] =	ssyncset.done $0x0  }
0x112: {  	[sflag:s1] =	ssyncadd.s32 $0xFFFFD800  }
0x113: {  	[spmem:s2] =	stream.indirect.scatter.add.f32 [tilespmem:s30], [sflag:$0x3], $0x80, s28, s29, $0xb8;
	[tilespmem:$0x14200] =	vst v63  }
0x114: {  	_ =	swait.ge [sflag:s3], $0x2800  }
0x115: {  	[sflag:s3] =	ssyncset.done $0x0  }
0x116: {  	[sflag:s3] =	ssyncadd.s32 $0xFFFFD800  }
0x117: {  	_ =	swait.ge [sflag:s19], $0x2800  }
0x118: {  	[sflag:s19] =	ssyncset.done $0x0  }
0x119: {  	[sflag:s19] =	ssyncadd.s32 $0xFFFFD800  }
0x11a: {  	[bflag:$0x0] =	sbarrier.arrive $0xFFFF  }
0x11b: {  	s23 =	rddreg [dreg:$0xd]  }
0x11c: {  	[hbm:s23], [sflag:s21] =	dma.local [spmem:s22], $0x1800  }
0x11d: {  	_ =	swait.ge [sflag:s26], $0x1800  }
0x11e: {  	s20 =	sadd.s32 $0x1, s20;
	s24 =	rddreg [dreg:$0xe]  }
0x11f: {  	p0 =	sne.s32 s20, s24  }
.Ltmp3:
0x120: {  	_ = 	snop;
	(pc) =	sbr.rel @p0 .LBB2_1-.Ltmp3, $4  }
0x121: {  	s12 =	rddreg [dreg:$0x4]  }
0x122: {  	s15 =	rddreg [dreg:$0x5]  }
0x123: {  	s23 =	smov.u32 s8;
	[sflag:s26] =	ssyncset.done $0x0;
	s16 =	rddreg [dreg:$0x8]  }
0x124: {  	s8 =	rddreg [dreg:$0x6];
	[sflag:s26] =	ssyncadd.s32 $0xFFFFE800;
	s24 =	smov.u32 s13  }
0x125: {  	_ =	sfence.sel $0x180000  }
0x126: {  	[bflag:$0x0] =	sbarrier.arrive $0xFFFF  }
0x127: {  	_ =	strace $0x9000004D  }
0x128: {  	s0 =	stileid.u32;
	[bflag:$0x2] =	sbarrier.arrive $0xFFFF  }
0x129: {  	p0 =	sne.s32 s0, $0x0;
	s0 =	rddreg [dreg:$0x3]  }
0x12a: {  	s0 =	sadd.s32 @!p0 $0x100000, s0  }
0x12b: {  	[sflag:s0] =	ssyncadd.tile.s32 @!p0 $0x1;
	_ =	shalt  }
.Lfunc_end2:
_tile_overlayer_lowered:
.L_overlay_start_2:
0x12c: {  	(tag) =	ssettag $0x2  }
0x12d: {  	s0 =	rddreg [dreg:$0x0];
	s2 =	stileid.u32  }
0x12e: {  	s1 =	rddreg [dreg:$0x1];
	p0 =	sne.s32 s2, $0x0  }
0x12f: {  	s3 =	rddreg [dreg:$0x2];
	[bflag:$0x3] =	sbarrier.arrive $0xFFFF;
	s2 =	simm.s32 @!p0 $0x1C05  }
0x130: {  	[timem:s3], [sflag:s2] =	dma.local @!p0 [hbm:s0], s1  }
0x131: {  	s0 =	simm.s32 @!p0 $0x5  }
0x132: {  	_ =	swait.ge @!p0 [sflag:s0], s1  }
0x133: {  	s1 =	ssub.s32 @!p0 $0x0, s1;
	[sflag:s0] =	ssyncset.done @!p0 $0x0  }
0x134: {  	[sflag:s0] =	ssyncadd.s32 @!p0 s1  }
0x135: {  	[bflag:$0x3] =	sbarrier.arrive $0xFFFF  }
0x136: {  	_ =	shalt  }

// kernel: kernel.8.cloned.1.call-start
scs
__scs_entry_jumppad:
0x0: {  	(pc) =	sbr.rel $0x88, $3  }
0x1: {  	(tag) =	ssettag $0x0;
	lr =	simm.s32 $0x1  }
0x2: {  	[smem:$0x3F9A] =	sst lr;
	_ =	strace $0xD0000000  }
0x3: {  	_ = 	snop  }
0x4: {  	_ = 	snop  }
0x5: {  	_ = 	snop  }
0x6: {  	_ = 	snop  }
0x7: {  	_ = 	snop  }
__scs_overlays_trampoline_lowered:
0x8: {  	[smem:$0x3FA9] =	sst s0  }
0x9: {  	[smem:$0x3FAA] =	sst s1  }
0xa: {  	[smem:$0x3FAB] =	sst s2  }
0xb: {  	[smem:$0x3FAC] =	sst s3  }
0xc: {  	[smem:$0x3FAD] =	sst s4  }
0xd: {  	[smem:$0x3FAE] =	sst s5  }
0xe: {  	[smem:$0x3FAF] =	sst s6  }
0xf: {  	[smem:$0x3FB0] =	sst s7  }
0x10: {  	[smem:$0x3FB1] =	sst s8  }
0x11: {  	[smem:$0x3FB2] =	sst s9;
	s0 =	simm.s32 @!p0 $0x0  }
0x12: {  	s1 =	sld [smem:$0x3F98];
	s0 =	simm.s32 @p0 $0x1  }
0x13: {  	[smem:$0x3FB3] =	sst s0;
	s0 =	simm.s32 @!p1 $0x0  }
0x14: {  	s2 =	sld [smem:$0x3F97];
	s0 =	simm.s32 @p1 $0x1  }
0x15: {  	[smem:$0x3FB4] =	sst s0;
	s0 =	simm.s32 @!p2 $0x0  }
0x16: {  	s3 =	sld [smem:$0x3FDB];
	s0 =	simm.s32 @p2 $0x1  }
0x17: {  	s4 =	simm.s32 $0x1BF5;
	[smem:$0x3FB6] =	sst s0  }
0x18: {  	s0 =	sld [smem:$0x3F99];
	_ =	swait.ge [sflag:s4], $0x0  }
0x19: {  	s7 =	sld [smem:$0x3F9A]  }
0x1a: {  	s8 =	sadd.s32 $0xFFFFE003, lr  }
0x1b: {  	s9 =	sadd.s32 $0xFFFFFEF7, lr;
	s5 =	simm.s32 $0xFFFFFFFF;
	p2 =	slt.u32 s8, $0xFFFFF086  }
0x1c: {  	p1 =	slt.u32 s9, $0xF7A;
	s5 =	simm.s32 @!p2 $0x0  }
0x1d: {  	s5 =	simm.s32 @p1 $0x1;
	p0 =	seq.s32 s7, s2  }
0x1e: {  	s7 =	smul.u32 @!p0 $0xF7A, s2;
	p2 =	seq.s32 @!p0 s5, $0x0  }
0x1f: {  	s9 =	smul.u32 $0xF7A, s1;
	s8 =	simm.s32 @!p0 $0x1BF5;
	p2 =	por !p2, p0  }
0x20: {  	[sflag:s8] =	ssyncset.s32 @!p0 $0xFFFFF086;
	s6 =	sadd.s32 @!p0 s3, s7;
	s7 =	simm.s32 @!p0 $0x108  }
0x21: {  	s3 =	sadd.s32 s3, s9;
	s6 =	sadd.s32 @!p0 $0x88, s6;
	s7 =	simm.s32 @p2 $0x1082  }
0x22: {  	[simem:s7], [sflag:s8] =	dma.local @!p0 [hbm:s6], $0xF7A  }
0x23: {  	s9 =	sor.u32 $0xD0000000, s2;
	s6 =	simm.s32 $0x108;
	_ =	swait.ge @!p0 [sflag:s8], $0x0  }
0x24: {  	s3 =	sadd.s32 $0x88, s3;
	s6 =	simm.s32 @!p1 $0x1082;
	[sflag:s4] =	ssyncset.s32 $0xFFFFF086  }
0x25: {  	[simem:s6], [sflag:s4] =	dma.local [hbm:s3], $0xF7A  }
0x26: {  	[smem:$0x3F9A] =	sst s1;
	(tag) =	ssettag s2;
	_ =	strace s9  }
0x27: {  	s1 =	sld [smem:$0x3FAA]  }
0x28: {  	s2 =	sld [smem:$0x3FAB]  }
0x29: {  	s4 =	sld [smem:$0x3FAD]  }
0x2a: {  	p0 =	seq.s32 s5, $0x0;
	s5 =	sld [smem:$0x3FAE]  }
0x2b: {  	s6 =	sld [smem:$0x3FAF]  }
0x2c: {  	s7 =	sld [smem:$0x3FB0]  }
0x2d: {  	s3 =	simm.s32 $0x108;
	s8 =	sld [smem:$0x3FB1]  }
0x2e: {  	s3 =	simm.s32 @!p0 $0x1082;
	s9 =	sld [smem:$0x3FB2]  }
0x2f: {  	lr =	sadd.s32 s0, s3;
	s0 =	sld [smem:$0x3FA9]  }
0x30: {  	s3 =	sld [smem:$0x3FAC]  }
0x31: {  	[smem:$0x3FB5] =	sst s10  }
0x32: {  	s10 =	sld [smem:$0x3FB3];
	_ =	sdelay $0x3  }
0x33: {  	p0 =	seq.s32 s10, $0x1;
	s10 =	sld [smem:$0x3FB5];
	_ =	sdelay $0x3  }
0x34: {  	[smem:$0x3FB5] =	sst s10  }
0x35: {  	s10 =	sld [smem:$0x3FB4];
	_ =	sdelay $0x3  }
0x36: {  	p1 =	seq.s32 s10, $0x1;
	s10 =	sld [smem:$0x3FB5];
	_ =	sdelay $0x3  }
0x37: {  	[smem:$0x3FB5] =	sst s10  }
0x38: {  	s10 =	sld [smem:$0x3FB6]  }
0x39: {  	_ = 	snop;
	(pc) =	sbr.ind lr, $3  }
0x3a: {  	_ = 	snop  }
0x3b: {  	_ = 	snop  }
0x3c: {  	p2 =	seq.s32 s10, $0x1;
	s10 =	sld [smem:$0x3FB5]  }
0x3d: {  	_ =	shalt  }
0x3e: {  	_ =	shalt  }
0x3f: {  	_ =	shalt  }
0x40: {  	_ =	shalt  }
0x41: {  	_ =	shalt  }
0x42: {  	_ =	shalt  }
0x43: {  	_ =	shalt  }
0x44: {  	_ =	shalt  }
0x45: {  	_ =	shalt  }
0x46: {  	_ =	shalt  }
0x47: {  	_ =	shalt  }
0x48: {  	_ =	shalt  }
0x49: {  	_ =	shalt  }
0x4a: {  	_ =	shalt  }
0x4b: {  	_ =	shalt  }
0x4c: {  	_ =	shalt  }
0x4d: {  	_ =	shalt  }
0x4e: {  	_ =	shalt  }
0x4f: {  	_ =	shalt  }
0x50: {  	_ =	shalt  }
0x51: {  	_ =	shalt  }
0x52: {  	_ =	shalt  }
0x53: {  	_ =	shalt  }
0x54: {  	_ =	shalt  }
0x55: {  	_ =	shalt  }
0x56: {  	_ =	shalt  }
0x57: {  	_ =	shalt  }
0x58: {  	_ =	shalt  }
0x59: {  	_ =	shalt  }
0x5a: {  	_ =	shalt  }
0x5b: {  	_ =	shalt  }
0x5c: {  	_ =	shalt  }
0x5d: {  	_ =	shalt  }
0x5e: {  	_ =	shalt  }
0x5f: {  	_ =	shalt  }
0x60: {  	_ =	shalt  }
0x61: {  	_ =	shalt  }
0x62: {  	_ =	shalt  }
0x63: {  	_ =	shalt  }
0x64: {  	_ =	shalt  }
0x65: {  	_ =	shalt  }
0x66: {  	_ =	shalt  }
0x67: {  	_ =	shalt  }
0x68: {  	_ =	shalt  }
0x69: {  	_ =	shalt  }
0x6a: {  	_ =	shalt  }
0x6b: {  	_ =	shalt  }
0x6c: {  	_ =	shalt  }
0x6d: {  	_ =	shalt  }
0x6e: {  	_ =	shalt  }
0x6f: {  	_ =	shalt  }
0x70: {  	_ =	shalt  }
0x71: {  	_ =	shalt  }
0x72: {  	_ =	shalt  }
0x73: {  	_ =	shalt  }
0x74: {  	_ =	shalt  }
0x75: {  	_ =	shalt  }
0x76: {  	_ =	shalt  }
0x77: {  	_ =	shalt  }
0x78: {  	_ =	shalt  }
0x79: {  	_ =	shalt  }
0x7a: {  	_ =	shalt  }
0x7b: {  	_ =	shalt  }
0x7c: {  	_ =	shalt  }
0x7d: {  	_ =	shalt  }
0x7e: {  	_ =	shalt  }
0x7f: {  	_ =	shalt  }
0x80: {  	_ =	shalt  }
0x81: {  	_ =	shalt  }
0x82: {  	_ =	shalt  }
0x83: {  	_ =	shalt  }
0x84: {  	_ =	shalt  }
0x85: {  	_ =	shalt  }
0x86: {  	_ =	shalt  }
0x87: {  	_ =	shalt  }
.Lfunc_end0:
.L_simem_size_0:
called_computation_lowered:
.L_overlay_start_0:
0x88: {  	s2 =	sld [smem:$0x3FD9]  }
0x89: {  	s3 =	sld [smem:$0x3FFE];
	_ =	sdelay $0x1  }
0x8a: {  	s1 =	srdreg.scid  }
0x8b: {  	s0 =	sand.u32 $0x1, s1  }
0x8c: {  	s17 =	sshll.u32 s0, $0xA;
	s2 =	sadd.s32 s3, s2  }
0x8d: {  	s2 =	sadd.s32 s2, s17  }
0x8e: {  	[smem:$0x3FC1] =	sst s2  }
0x8f: {  	_ = 	snop  }
0x90: {  	s2 =	sld [smem:$0x3FD0];
	(tm) =	ssettm $0x1  }
0x91: {  	s18 =	sld [smem:$0x3FFB];
	_ =	sdelay $0x3  }
0x92: {  	_ =	strace s18  }
0x93: {  	s3 =	sld [smem:$0x3FFC];
	_ =	sdelay $0x3  }
0x94: {  	_ =	strace s3  }
0x95: {  	s3 =	sld [smem:$0x3FFD];
	_ =	sdelay $0x3  }
0x96: {  	_ =	strace s3  }
0x97: {  	_ =	strace $0x8FFFFFFF  }
0x98: {  	s19 =	sld [smem:$0x3FDB];
	_ =	sdelay $0x1  }
0x99: {  	s4 =	simm.s32 $_scs_section_size  }
0x9a: {  	s5 =	simm.s32 $_size__tile_overlayer_lowered;
	s6 =	simm.s32 $_tile_overlayer_lowered  }
0x9b: {  	s22 =	simm.s32 $0x1BFF;
	s21 =	sshll.u32 s6, $0x1;
	s3 =	sadd.s32 s4, s19  }
0x9c: {  	s7 =	simm.s32 $0x0;
	s20 =	sshll.u32 s5, $0x1;
	s5 =	sadd.s32 s21, s3  }
0x9d: {  	[timem:s7], [sflag:s22] =	dma.local [hbm:s5], s20  }
0x9e: {  	_ =	swait.ge [sflag:s22], s20  }
0x9f: {  	s4 =	ssub.s32 $0x0, s20;
	[sflag:s22] =	ssyncset.done $0x0  }
0xa0: {  	[sflag:s22] =	ssyncadd.s32 s4;
	_ =	sdelay $0x1  }
0xa1: {  	s23 =	simm.s32 $0x1B8B  }
0xa2: {  	_ =	swait.ge [sflag:s23], $0x1  }
0xa3: {  	[sflag:s23] =	ssyncset.done $0x0  }
0xa4: {  	s25 =	simm.s32 $0x1B8E;
	s24 =	sld [smem:$0x3FFE];
	[sflag:s23] =	ssyncadd.s32 $0xFFFFFFFF  }
0xa5: {  	s26 =	simm.s32 $execute0_lowered;
	[smem:$0x3FD2] =	sst s25  }
0xa6: {  	s5 =	sshll.u32 s26, $0x1;
	_ =	strace $0x80000046;
	[dreg:$0x1] =	wrdreg $0xFFFFFFFF  }
0xa7: {  	s28 =	simm.s32 $_size_execute0_lowered;
	s3 =	sadd.s32 s3, s5;
	[dreg:$0x0] =	wrdreg $0x0  }
0xa8: {  	s5 =	sshll.u32 s28, $0x1;
	[dreg:$0x2] =	wrdreg s3  }
0xa9: {  	[dreg:$0x3] =	wrdreg s5  }
0xaa: {  	[dreg:$0x4] =	wrdreg $0xC0  }
0xab: {  	_ =	task [dreg:s7], $0x5FFFF  }
0xac: {  	[dreg:$0x1] =	wrdreg $0xFFFFFFFF  }
0xad: {  	[dreg:$0x0] =	wrdreg $0x60  }
0xae: {  	[dreg:$0x2] =	wrdreg s2  }
0xaf: {  	[dreg:$0x3] =	wrdreg s24  }
0xb0: {  	[dreg:$0x4] =	wrdreg $0x111000  }
0xb1: {  	[dreg:$0x5] =	wrdreg $0x129000  }
0xb2: {  	[dreg:$0x6] =	wrdreg $0x9  }
0xb3: {  	_ =	task.clear_ibuf [dreg:s7], $0x7FFFF;
	_ =	strace $0x90000046  }
0xb4: {  	s29 =	simm.s32 $0x9;
	_ =	strace $0x80000048  }
0xb5: {  	_ =	swait.ge [sflag:s29], $0x1  }
0xb6: {  	[sflag:s29] =	ssyncadd.s32 $0xFFFFFFFF  }
0xb7: {  	_ =	strace $0x90000048  }
0xb8: {  	_ =	sfence  }
0xb9: {  	s30 =	sld [smem:$0x0];
	_ =	sdelay $0x2  }
0xba: {  	s31 =	sshll.u32 s1, $0xD;
	s1 =	sshrl.u32 s1, $0x2  }
0xbb: {  	s3 =	sand.u32 $0x4000, s31;
	s1 =	sadd.s32 s1, s30  }
0xbc: {  	s0 =	sor.u32 s3, s0;
	s1 =	sshll.u32 s1, $0x11  }
0xbd: {  	s0 =	sor.u32 s1, s0  }
0xbe: {  	s0 =	sadd.s32 $0x8F2B, s0  }
0xbf: {  	[sflag:s0] =	ssyncadd.remote.s32 $0x1  }
0xc0: {  	_ =	sfence.sel $0xFFFF  }
0xc1: {  	[dreg:$0x0] =	wrdreg $0xFFFFFFFF;
	(pc) =	sbr.abs _section_cstart, $3  }
0xc2: {  	[dreg:$0x1] =	wrdreg $0xFFFFFFFF  }
0xc3: {  	_ =	task.clear_ibuf [dreg:s7], $0x2FFFF;
	_ =	strace $0x9FFFFFFF  }
0xc4: {  	(tm) =	ssettm $0x7FFFFFFF  }
0xc5: {  	_ =	shalt  }
tec
execute0_lowered:
.L_overlay_start_1:
0x0: {  	(tag) =	ssettag $0x1  }
0x1: {  	s0 =	rddreg [dreg:$0x0]  }
0x2: {  	s7 =	rddreg [dreg:$0x1]  }
0x3: {  	s1 =	rddreg [dreg:$0x2]  }
0x4: {  	s2 =	rddreg [dreg:$0x3]  }
0x5: {  	s3 =	simm.s32 $0x0;
	s4 =	srdreg.scid;
	s26 =	stileid.u32  }
0x6: {  	s20 =	simm.s32 $0x1;
	s21 =	simm.s32 $0x5100;
	s22 =	simm.s32 $0x80  }
0x7: {  	s23 =	simm.s32 $0x100;
	s24 =	simm.s32 $0x50;
	s25 =	simm.s32 $0x0  }
0x8: {  	[smem:$0x7FF] =	sst s3;
	s9 =	smul.u32 $0xC000, s26;
	s28 =	sadd.s32 $0x50F400, s7  }
0x9: {  	s8 =	sand.u32 $0x1, s4;
	s29 =	sadd.s32 $0x50FA00, s7;
	s11 =	sadd.s32 $0x511200, s7  }
0xa: {  	s12 =	sadd.s32 $0x571200, s7;
	s18 =	smul.u32 $0x27100, s26;
	s31 =	sshll.u32 s26, $0xB  }
0xb: {  	s14 =	sshll.u32 s8, $0xF;
	s5 =	smul.u32 $0x271000, s8;
	_ =	strace $0x80000047  }
0xc: {  	[dreg:$0x5] =	wrdreg s28;
	s10 =	smul.u32 $0x180000, s8;
	s8 =	ssub.s32 $0x2, s8  }
0xd: {  	[dreg:$0x6] =	wrdreg s29;
	s15 =	sadd.s32 s14, s7;
	s30 =	sshrl.u32 s8, $0x1  }
0xe: {  	s0 =	sadd.s32 s14, s0;
	s16 =	sadd.s32 s5, s7;
	s10 =	sadd.s32 s9, s10  }
0xf: {  	s13 =	ssub.s32 s8, s30;
	s7 =	sadd.s32 s9, s1;
	s8 =	sadd.s32 s9, s2  }
0x10: {  	s19 =	sadd.s32 s31, s15;
	s14 =	sadd.s32 s31, s0;
	s10 =	sshrl.u32 s10, $0x3  }
0x11: {  	s13 =	smax.u32 s13, $0x1;
	s16 =	sadd.s32 s18, s16;
	s15 =	sadd.s32 $0x4EF400, s19  }
0x12: {  	s18 =	sadd.s32 $0x4FF400, s19;
	s19 =	simm.s32 $0x2900;
	s9 =	sadd.s32 s11, s10  }
0x13: {  	s17 =	sadd.s32 $0x18000, s10;
	s10 =	sadd.s32 s12, s10;
	s16 =	sadd.s32 $0xD400, s16  }
0x14: {  	s11 =	sadd.s32 s11, s17;
	s12 =	sadd.s32 s12, s17;
	s17 =	sadd.s32 $0x10000, s14  }
.LBB2_1:
0x15: {  	s0 =	rddreg [dreg:$0x5]  }
0x16: {  	[tilespmem:s19], [sflag:$0x1] =	stream.linear.gather [hbm4b:s0+s3], $0x2800, $0x38;
	[tilespmem:$0x14100] =	vst v63  }
0x17: {  	_ =	swait.ge [sflag:s20], $0x2800  }
0x18: {  	[sflag:s20] =	ssyncset.done $0x0  }
0x19: {  	s26 =	rddreg [dreg:$0x6];
	[sflag:s20] =	ssyncadd.s32 $0xFFFFD800  }
0x1a: {  	[tilespmem:s21], [sflag:$0x1] =	stream.linear.gather [hbm4b:s26+s3], $0xC000, $0x38;
	[tilespmem:$0x14100] =	vst v63  }
0x1b: {  	_ =	swait.ge [sflag:s20], $0xC000  }
0x1c: {  	[sflag:s20] =	ssyncset.done $0x0  }
0x1d: {  	[sflag:s20] =	ssyncadd.s32 $0xFFFF4000  }
0x1e: {  	[spmem:s7] =	stream.linear.scatter [tilespmem:s21], [sflag:$0x1], $0xC000, $0x38;
	[tilespmem:$0x14100] =	vst v63  }
0x1f: {  	_ =	swait.ge [sflag:s20], $0xC000  }
0x20: {  	[sflag:s20] =	ssyncset.done $0x0  }
0x21: {  	[sflag:s20] =	ssyncadd.s32 $0xFFFF4000  }
0x22: {  	[spmem:s8] =	stream.linear.scatter [tilespmem:s21], [sflag:$0x1], $0xC000, $0x38;
	[tilespmem:$0x14100] =	vst v63  }
0x23: {  	_ =	swait.ge [sflag:s20], $0xC000  }
0x24: {  	[sflag:s20] =	ssyncset.done $0x0  }
0x25: {  	[sflag:s20] =	ssyncadd.s32 $0xFFFF4000  }
0x26: {  	s30 =	sadd.s32 $0x0, s14;
	[bflag:$0x0] =	sbarrier.arrive $0xFFFF  }
0x27: {  	[tilespmem:s3], [sflag:$0x1] =	stream.linear.gather [hbm4b:s30+s3], $0x80, $0x38;
	[tilespmem:$0x14100] =	vst v63  }
0x28: {  	_ =	swait.ge [sflag:s20], $0x80  }
0x29: {  	[sflag:s20] =	ssyncset.done $0x0  }
0x2a: {  	s31 =	sadd.s32 $0x0, s15;
	[sflag:s20] =	ssyncadd.s32 $0xFFFFFF80  }
0x2b: {  	[tilespmem:s22], [sflag:$0x1] =	stream.linear.gather [hbm4b:s31+s3], $0x80, $0x38;
	[tilespmem:$0x14100] =	vst v63  }
0x2c: {  	_ =	swait.ge [sflag:s20], $0x80  }
0x2d: {  	[sflag:s20] =	ssyncset.done $0x0  }
0x2e: {  	[sflag:s20] =	ssyncadd.s32 $0xFFFFFF80  }
0x2f: {  	[tilespmem:s23], [sflag:$0x1] =	stream.linear.gather [hbm4b:s16+s3], $0x2800, $0x38;
	[tilespmem:$0x14100] =	vst v63  }
0x30: {  	_ =	swait.ge [sflag:s20], $0x2800  }
0x31: {  	[sflag:s20] =	ssyncset.done $0x0  }
0x32: {  	[sflag:s20] =	ssyncadd.s32 $0xFFFFD800  }
0x33: {  	[spmem:s1] =	stream.indirect.scatter.add.f32 [tilespmem:s23], [sflag:$0x1], $0x10, s3, s24, $0xb8;
	[tilespmem:$0x14100] =	vst v63  }
0x34: {  	_ =	swait.ge [sflag:s20], $0x500  }
0x35: {  	[sflag:s20] =	ssyncset.done $0x0  }
0x36: {  	[sflag:s20] =	ssyncadd.s32 $0xFFFFFB00  }
0x37: {  	[spmem:s2] =	stream.indirect.scatter.add.f32 [tilespmem:s19], [sflag:$0x1], $0x10, s22, s24, $0xb8;
	[tilespmem:$0x14100] =	vst v63  }
0x38: {  	s28 =	simm.s32 $0x10;
	_ =	swait.ge [sflag:s20], $0x500  }
0x39: {  	s29 =	simm.s32 $0x20;
	s26 =	sadd.s32 $0x500, s16;
	[sflag:s20] =	ssyncset.done $0x0  }
.LBB2_2:
0x3a: {  	s0 =	sadd.s32 s28, s14  }
0x3b: {  	[sflag:s20] =	ssyncadd.s32 $0xFFFFFB00;
	s30 =	smov.u32 s29;
	s31 =	sadd.s32 $0x10, s29  }
0x3c: {  	[tilespmem:s3], [sflag:$0x1] =	stream.linear.gather [hbm4b:s0+s3], $0x80, $0x38;
	[tilespmem:$0x14100] =	vst v63  }
0x3d: {  	p0 =	sne.s32 s29, $0x7C0;
	_ =	swait.ge [sflag:s20], $0x80  }
0x3e: {  	[sflag:s20] =	ssyncset.done $0x0  }
0x3f: {  	s0 =	sadd.s32 s28, s15;
	s28 =	smov.u32 s30;
	[sflag:s20] =	ssyncadd.s32 $0xFFFFFF80  }
0x40: {  	[tilespmem:s22], [sflag:$0x1] =	stream.linear.gather [hbm4b:s0+s3], $0x80, $0x38;
	[tilespmem:$0x14100] =	vst v63  }
0x41: {  	_ =	swait.ge [sflag:s20], $0x80  }
0x42: {  	[sflag:s20] =	ssyncset.done $0x0  }
0x43: {  	[sflag:s20] =	ssyncadd.s32 $0xFFFFFF80  }
0x44: {  	[tilespmem:s23], [sflag:$0x1] =	stream.linear.gather [hbm4b:s26+s3], $0x2800, $0x38;
	[tilespmem:$0x14100] =	vst v63  }
0x45: {  	_ =	swait.ge [sflag:s20], $0x2800  }
0x46: {  	[sflag:s20] =	ssyncset.done $0x0  }
0x47: {  	[sflag:s20] =	ssyncadd.s32 $0xFFFFD800  }
0x48: {  	[spmem:s1] =	stream.indirect.scatter.add.f32 [tilespmem:s23], [sflag:$0x1], $0x10, s3, s24, $0xb8;
	[tilespmem:$0x14100] =	vst v63  }
0x49: {  	_ =	swait.ge [sflag:s20], $0x500  }
.Ltmp0:
0x4a: {  	[sflag:s20] =	ssyncset.done $0x0;
	(pc) =	sbr.rel @p0 .LBB2_2-.Ltmp0, $4  }
0x4b: {  	[sflag:s20] =	ssyncadd.s32 $0xFFFFFB00  }
0x4c: {  	[spmem:s2] =	stream.indirect.scatter.add.f32 [tilespmem:s19], [sflag:$0x1], $0x10, s22, s24, $0xb8;
	[tilespmem:$0x14100] =	vst v63  }
0x4d: {  	_ =	swait.ge [sflag:s20], $0x500  }
0x4e: {  	s29 =	smov.u32 s31;
	s26 =	sadd.s32 $0x500, s26;
	[sflag:s20] =	ssyncset.done $0x0  }
0x4f: {  	s0 =	sadd.s32 s28, s14;
	[sflag:s20] =	ssyncadd.s32 $0xFFFFFB00  }
0x50: {  	[tilespmem:s3], [sflag:$0x1] =	stream.linear.gather [hbm4b:s0+s3], $0x80, $0x38;
	[tilespmem:$0x14100] =	vst v63  }
0x51: {  	_ =	swait.ge [sflag:s20], $0x80  }
0x52: {  	[sflag:s20] =	ssyncset.done $0x0  }
0x53: {  	s6 =	sadd.s32 s28, s15;
	[sflag:s20] =	ssyncadd.s32 $0xFFFFFF80  }
0x54: {  	[tilespmem:s22], [sflag:$0x1] =	stream.linear.gather [hbm4b:s6+s3], $0x80, $0x38;
	[tilespmem:$0x14100] =	vst v63  }
0x55: {  	_ =	swait.ge [sflag:s20], $0x80  }
0x56: {  	[sflag:s20] =	ssyncset.done $0x0  }
0x57: {  	[sflag:s20] =	ssyncadd.s32 $0xFFFFFF80  }
0x58: {  	[tilespmem:s23], [sflag:$0x1] =	stream.linear.gather [hbm4b:s26+s3], $0x2800, $0x38;
	[tilespmem:$0x14100] =	vst v63  }
0x59: {  	_ =	swait.ge [sflag:s20], $0x2800  }
0x5a: {  	[sflag:s20] =	ssyncset.done $0x0  }
0x5b: {  	[sflag:s20] =	ssyncadd.s32 $0xFFFFD800  }
0x5c: {  	[spmem:s1] =	stream.indirect.scatter.add.f32 [tilespmem:s23], [sflag:$0x1], $0x10, s3, s24, $0xb8;
	[tilespmem:$0x14100] =	vst v63  }
0x5d: {  	_ =	swait.ge [sflag:s20], $0x500  }
0x5e: {  	[sflag:s20] =	ssyncset.done $0x0  }
0x5f: {  	[sflag:s20] =	ssyncadd.s32 $0xFFFFFB00  }
0x60: {  	[spmem:s2] =	stream.indirect.scatter.add.f32 [tilespmem:s19], [sflag:$0x1], $0x10, s22, s24, $0xb8;
	[tilespmem:$0x14100] =	vst v63  }
0x61: {  	_ =	swait.ge [sflag:s20], $0x500  }
0x62: {  	s4 =	stileid.u32;
	[sflag:s20] =	ssyncset.done $0x0  }
0x63: {  	s0 =	sshll.u32 s4, $0x6;
	[sflag:s20] =	ssyncadd.s32 $0xFFFFFB00  }
0x64: {  	s28 =	sshrl.u32 s7, $0x3;
	s26 =	sor.u32 $0x1C01, s0;
	[bflag:$0x0] =	sbarrier.arrive $0xFFFF  }
0x65: {  	[hbm:s9], [sflag:s26] =	dma.local [spmem:s28], $0x1800  }
0x66: {  	_ =	swait.ge [sflag:s20], $0x1800  }
0x67: {  	[sflag:s20] =	ssyncset.done $0x0  }
0x68: {  	s29 =	sshrl.u32 s8, $0x3;
	[sflag:s20] =	ssyncadd.s32 $0xFFFFE800  }
0x69: {  	[hbm:s10], [sflag:s26] =	dma.local [spmem:s29], $0x1800  }
0x6a: {  	_ =	swait.ge [sflag:s20], $0x1800  }
0x6b: {  	[sflag:s20] =	ssyncset.done $0x0  }
0x6c: {  	[sflag:s20] =	ssyncadd.s32 $0xFFFFE800  }
0x6d: {  	[spmem:s7] =	stream.linear.scatter [tilespmem:s21], [sflag:$0x1], $0xC000, $0x38;
	[tilespmem:$0x14100] =	vst v63  }
0x6e: {  	_ =	swait.ge [sflag:s20], $0xC000  }
0x6f: {  	[sflag:s20] =	ssyncset.done $0x0  }
0x70: {  	[sflag:s20] =	ssyncadd.s32 $0xFFFF4000  }
0x71: {  	[spmem:s8] =	stream.linear.scatter [tilespmem:s21], [sflag:$0x1], $0xC000, $0x38;
	[tilespmem:$0x14100] =	vst v63  }
0x72: {  	_ =	swait.ge [sflag:s20], $0xC000  }
0x73: {  	[sflag:s20] =	ssyncset.done $0x0  }
0x74: {  	[sflag:s20] =	ssyncadd.s32 $0xFFFF4000  }
0x75: {  	s5 =	sadd.s32 $0x0, s17;
	[bflag:$0x0] =	sbarrier.arrive $0xFFFF  }
0x76: {  	[tilespmem:s3], [sflag:$0x1] =	stream.linear.gather [hbm4b:s5+s3], $0x80, $0x38;
	[tilespmem:$0x14100] =	vst v63  }
0x77: {  	_ =	swait.ge [sflag:s20], $0x80  }
0x78: {  	[sflag:s20] =	ssyncset.done $0x0  }
0x79: {  	s6 =	sadd.s32 $0x0, s18;
	[sflag:s20] =	ssyncadd.s32 $0xFFFFFF80  }
0x7a: {  	[tilespmem:s22], [sflag:$0x1] =	stream.linear.gather [hbm4b:s6+s3], $0x80, $0x38;
	[tilespmem:$0x14100] =	vst v63  }
0x7b: {  	_ =	swait.ge [sflag:s20], $0x80  }
0x7c: {  	[sflag:s20] =	ssyncset.done $0x0  }
0x7d: {  	[sflag:s20] =	ssyncadd.s32 $0xFFFFFF80  }
0x7e: {  	[tilespmem:s23], [sflag:$0x1] =	stream.linear.gather [hbm4b:s16+s3], $0x2800, $0x38;
	[tilespmem:$0x14100] =	vst v63  }
0x7f: {  	_ =	swait.ge [sflag:s20], $0x2800  }
0x80: {  	[sflag:s20] =	ssyncset.done $0x0  }
0x81: {  	[sflag:s20] =	ssyncadd.s32 $0xFFFFD800  }
0x82: {  	[spmem:s1] =	stream.indirect.scatter.add.f32 [tilespmem:s23], [sflag:$0x1], $0x10, s3, s24, $0xb8;
	[tilespmem:$0x14100] =	vst v63  }
0x83: {  	_ =	swait.ge [sflag:s20], $0x500  }
0x84: {  	[sflag:s20] =	ssyncset.done $0x0  }
0x85: {  	[sflag:s20] =	ssyncadd.s32 $0xFFFFFB00  }
0x86: {  	[spmem:s2] =	stream.indirect.scatter.add.f32 [tilespmem:s19], [sflag:$0x1], $0x10, s22, s24, $0xb8;
	[tilespmem:$0x14100] =	vst v63  }
0x87: {  	s31 =	simm.s32 $0x10;
	_ =	swait.ge [sflag:s20], $0x500  }
0x88: {  	s30 =	sadd.s32 $0x500, s16;
	s0 =	simm.s32 $0x20;
	[sflag:s20] =	ssyncset.done $0x0  }
.LBB2_4:
0x89: {  	s4 =	sadd.s32 s31, s17  }
0x8a: {  	[sflag:s20] =	ssyncadd.s32 $0xFFFFFB00;
	s5 =	smov.u32 s0;
	s6 =	sadd.s32 $0x10, s0  }
0x8b: {  	[tilespmem:s3], [sflag:$0x1] =	stream.linear.gather [hbm4b:s4+s3], $0x80, $0x38;
	[tilespmem:$0x14100] =	vst v63  }
0x8c: {  	p0 =	sne.s32 s0, $0x7C0;
	_ =	swait.ge [sflag:s20], $0x80  }
0x8d: {  	[sflag:s20] =	ssyncset.done $0x0  }
0x8e: {  	s0 =	sadd.s32 s31, s18;
	s31 =	smov.u32 s5;
	[sflag:s20] =	ssyncadd.s32 $0xFFFFFF80  }
0x8f: {  	[tilespmem:s22], [sflag:$0x1] =	stream.linear.gather [hbm4b:s0+s3], $0x80, $0x38;
	[tilespmem:$0x14100] =	vst v63  }
0x90: {  	_ =	swait.ge [sflag:s20], $0x80  }
0x91: {  	[sflag:s20] =	ssyncset.done $0x0  }
0x92: {  	[sflag:s20] =	ssyncadd.s32 $0xFFFFFF80  }
0x93: {  	[tilespmem:s23], [sflag:$0x1] =	stream.linear.gather [hbm4b:s30+s3], $0x2800, $0x38;
	[tilespmem:$0x14100] =	vst v63  }
0x94: {  	_ =	swait.ge [sflag:s20], $0x2800  }
0x95: {  	[sflag:s20] =	ssyncset.done $0x0  }
0x96: {  	[sflag:s20] =	ssyncadd.s32 $0xFFFFD800  }
0x97: {  	[spmem:s1] =	stream.indirect.scatter.add.f32 [tilespmem:s23], [sflag:$0x1], $0x10, s3, s24, $0xb8;
	[tilespmem:$0x14100] =	vst v63  }
0x98: {  	_ =	swait.ge [sflag:s20], $0x500  }
.Ltmp1:
0x99: {  	[sflag:s20] =	ssyncset.done $0x0;
	(pc) =	sbr.rel @p0 .LBB2_4-.Ltmp1, $4  }
0x9a: {  	[sflag:s20] =	ssyncadd.s32 $0xFFFFFB00  }
0x9b: {  	[spmem:s2] =	stream.indirect.scatter.add.f32 [tilespmem:s19], [sflag:$0x1], $0x10, s22, s24, $0xb8;
	[tilespmem:$0x14100] =	vst v63  }
0x9c: {  	_ =	swait.ge [sflag:s20], $0x500  }
0x9d: {  	s0 =	smov.u32 s6;
	s30 =	sadd.s32 $0x500, s30;
	[sflag:s20] =	ssyncset.done $0x0  }
0x9e: {  	s0 =	sadd.s32 s31, s17;
	[sflag:s20] =	ssyncadd.s32 $0xFFFFFB00  }
0x9f: {  	[tilespmem:s3], [sflag:$0x1] =	stream.linear.gather [hbm4b:s0+s3], $0x80, $0x38;
	[tilespmem:$0x14100] =	vst v63  }
0xa0: {  	_ =	swait.ge [sflag:s20], $0x80  }
0xa1: {  	[sflag:s20] =	ssyncset.done $0x0  }
0xa2: {  	s31 =	sadd.s32 s31, s18;
	[sflag:s20] =	ssyncadd.s32 $0xFFFFFF80  }
0xa3: {  	[tilespmem:s22], [sflag:$0x1] =	stream.linear.gather [hbm4b:s31+s3], $0x80, $0x38;
	[tilespmem:$0x14100] =	vst v63  }
0xa4: {  	_ =	swait.ge [sflag:s20], $0x80  }
0xa5: {  	[sflag:s20] =	ssyncset.done $0x0  }
0xa6: {  	[sflag:s20] =	ssyncadd.s32 $0xFFFFFF80  }
0xa7: {  	[tilespmem:s23], [sflag:$0x1] =	stream.linear.gather [hbm4b:s30+s3], $0x2800, $0x38;
	[tilespmem:$0x14100] =	vst v63  }
0xa8: {  	_ =	swait.ge [sflag:s20], $0x2800  }
0xa9: {  	[sflag:s20] =	ssyncset.done $0x0  }
0xaa: {  	[sflag:s20] =	ssyncadd.s32 $0xFFFFD800  }
0xab: {  	[spmem:s1] =	stream.indirect.scatter.add.f32 [tilespmem:s23], [sflag:$0x1], $0x10, s3, s24, $0xb8;
	[tilespmem:$0x14100] =	vst v63  }
0xac: {  	_ =	swait.ge [sflag:s20], $0x500  }
0xad: {  	[sflag:s20] =	ssyncset.done $0x0  }
0xae: {  	[sflag:s20] =	ssyncadd.s32 $0xFFFFFB00  }
0xaf: {  	[spmem:s2] =	stream.indirect.scatter.add.f32 [tilespmem:s19], [sflag:$0x1], $0x10, s22, s24, $0xb8;
	[tilespmem:$0x14100] =	vst v63  }
0xb0: {  	_ =	swait.ge [sflag:s20], $0x500  }
0xb1: {  	[sflag:s20] =	ssyncset.done $0x0  }
0xb2: {  	[sflag:s20] =	ssyncadd.s32 $0xFFFFFB00  }
0xb3: {  	[bflag:$0x0] =	sbarrier.arrive $0xFFFF  }
0xb4: {  	[hbm:s11], [sflag:s26] =	dma.local [spmem:s28], $0x1800  }
0xb5: {  	s25 =	sadd.s32 $0x1, s25;
	_ =	swait.ge [sflag:s20], $0x1800  }
0xb6: {  	p0 =	sne.s32 s25, s13;
	[sflag:s20] =	ssyncset.done $0x0  }
.Ltmp2:
0xb7: {  	[sflag:s20] =	ssyncadd.s32 $0xFFFFE800;
	(pc) =	sbr.rel @p0 .LBB2_1-.Ltmp2, $4  }
0xb8: {  	[hbm:s12], [sflag:s26] =	dma.local [spmem:s29], $0x1800  }
0xb9: {  	_ =	swait.ge [sflag:s20], $0x1800  }
0xba: {  	[sflag:s20] =	ssyncset.done $0x0  }
0xbb: {  	[sflag:s20] =	ssyncadd.s32 $0xFFFFE800  }
0xbc: {  	_ =	sfence.sel $0x180000  }
0xbd: {  	[bflag:$0x0] =	sbarrier.arrive $0xFFFF  }
0xbe: {  	_ =	strace $0x90000047  }
0xbf: {  	s0 =	stileid.u32;
	[bflag:$0x2] =	sbarrier.arrive $0xFFFF  }
0xc0: {  	p0 =	sne.s32 s0, $0x0;
	s0 =	rddreg [dreg:$0x4]  }
0xc1: {  	s0 =	sadd.s32 @!p0 $0x100000, s0  }
0xc2: {  	[sflag:s0] =	ssyncadd.tile.s32 @!p0 $0x1;
	_ =	shalt  }
.Lfunc_end2:
_tile_overlayer_lowered:
.L_overlay_start_2:
0xc3: {  	(tag) =	ssettag $0x2  }
0xc4: {  	s0 =	rddreg [dreg:$0x0];
	s2 =	stileid.u32  }
0xc5: {  	s1 =	rddreg [dreg:$0x1];
	p0 =	sne.s32 s2, $0x0  }
0xc6: {  	s3 =	rddreg [dreg:$0x2];
	[bflag:$0x3] =	sbarrier.arrive $0xFFFF;
	s2 =	simm.s32 @!p0 $0x1C01  }
0xc7: {  	[timem:s3], [sflag:s2] =	dma.local @!p0 [hbm:s0], s1  }
0xc8: {  	s0 =	simm.s32 @!p0 $0x1  }
0xc9: {  	_ =	swait.ge @!p0 [sflag:s0], s1  }
0xca: {  	s1 =	ssub.s32 @!p0 $0x0, s1;
	[sflag:s0] =	ssyncset.done @!p0 $0x0  }
0xcb: {  	[sflag:s0] =	ssyncadd.s32 @!p0 s1  }
0xcc: {  	[bflag:$0x3] =	sbarrier.arrive $0xFFFF  }
0xcd: {  	_ =	shalt  }

</sc_bundles>
